<compile_context>
chip_gen: v7x
topology: tpu7x:2x2x1
jax: 0.10.2.dev20260603
libtpu: 0.0.44.dev20260713+nightly
codegen_flags: <defaults>
</compile_context>

<pallas_src>
import functools

import jax
import jax.numpy as jnp
from jax import lax
from jax.experimental import pallas as pl
from jax.experimental.pallas import tpu as pltpu
from jax.experimental.pallas import tpu_sc as plsc

N_NODES = 10000
N_EDGES = 320000
D = 128
HD = D // 2

NC, NS = 2, 16
NW = NC * NS
K = 80
NCH_DEG = N_EDGES // NW // K
NCH = N_EDGES // NS // K
NBUF = 7
QPF = 5
ROWS_W = N_NODES // NS
ZROWS = 125


def _deg_body(dst_hbm, out_hbm, dst_v, ones_v, zb_v, deg_sh, ssem):
    c = lax.axis_index("c")
    s = lax.axis_index("s")
    wid = c * NS + s
    pltpu.sync_copy(dst_hbm.at[wid], dst_v)

    o16 = jnp.full((16,), 1.0, jnp.float32)
    z16 = jnp.zeros((16,), jnp.float32)

    def fill_ones(i, carry):
        ones_v[i, :] = o16
        return carry

    lax.fori_loop(0, K, fill_ones, 0)

    def fill_zero(i, carry):
        zb_v[i, :] = z16
        return carry

    lax.fori_loop(0, ROWS_W, fill_zero, 0)
    pltpu.sync_copy(zb_v, deg_sh.at[pl.ds(s * ROWS_W, ROWS_W)])
    plsc.subcore_barrier()

    def chunk(j, carry):
        pltpu.async_copy(ones_v, deg_sh.at[dst_v.at[j]], ssem, add=True)
        return carry

    lax.fori_loop(0, NCH_DEG, chunk, 0)

    def drain(j, carry):
        pltpu.make_async_copy(ones_v, deg_sh.at[pl.ds(0, K)], ssem).wait()
        return carry

    lax.fori_loop(0, NCH_DEG, drain, 0)
    plsc.subcore_barrier()
    pltpu.sync_copy(deg_sh.at[pl.ds(s * ROWS_W, ROWS_W)],
                    out_hbm.at[c, pl.ds(s * ROWS_W, ROWS_W)])


@functools.cache
def _deg_call():
    return pl.kernel(
        _deg_body,
        out_type=jax.ShapeDtypeStruct((NC, N_NODES, 16), jnp.float32),
        mesh=plsc.VectorSubcoreMesh(core_axis_name="c", subcore_axis_name="s"),
        scratch_types=[
            pltpu.VMEM((NCH_DEG, K), jnp.int32),
            pltpu.VMEM((K, 16), jnp.float32),
            pltpu.VMEM((ROWS_W, 16), jnp.float32),
            pltpu.VMEM_SHARED((N_NODES, 16), jnp.float32),
            pltpu.SemaphoreType.DMA,
        ],
        compiler_params=pltpu.CompilerParams(use_tc_tiling_on_sc=False),
    )


def _agg_body(hlo_hbm, hhi_hbm, src_hbm, dst_hbm, olo_hbm, ohi_hbm,
              src_v, dst_v, r0, r1, r2, r3, r4, r5, r6, zb_v, acc_sh,
              g0, g1, g2, g3, g4, g5, g6, s0, s1, s2, s3, s4, s5, s6):
    c = lax.axis_index("c")
    s = lax.axis_index("s")
    rows = [r0, r1, r2, r3, r4, r5, r6]
    gsem = [g0, g1, g2, g3, g4, g5, g6]
    ssem = [s0, s1, s2, s3, s4, s5, s6]
    pltpu.sync_copy(src_hbm.at[s], src_v)
    pltpu.sync_copy(dst_hbm.at[s], dst_v)

    z16 = jnp.zeros((16,), jnp.float32)

    def fill_zero(i, carry):
        for j16 in range(HD // 16):
            zb_v[i, pl.ds(j16 * 16, 16)] = z16
        return carry

    lax.fori_loop(0, ZROWS, fill_zero, 0)
    for r in range(ROWS_W // ZROWS):
        pltpu.sync_copy(zb_v, acc_sh.at[pl.ds(s * ROWS_W + r * ZROWS, ZROWS)])
    plsc.subcore_barrier()

    def run_chunks(h_ref):
        def start_gather(j, b):
            pltpu.async_copy(h_ref.at[src_v.at[j]], rows[b], gsem[b])

        def wait_gather(b):
            pltpu.make_async_copy(h_ref.at[pl.ds(0, K)], rows[b],
                                  gsem[b]).wait()

        def start_scatter(j, b):
            pltpu.async_copy(rows[b], acc_sh.at[dst_v.at[j]], ssem[b],
                             add=True)

        def wait_scatter(b):
            pltpu.make_async_copy(rows[b], acc_sh.at[pl.ds(0, K)],
                                  ssem[b]).wait()

        for q in range(QPF):
            start_gather(q, q)
        for p in range(NBUF):
            bq = (p + QPF) % NBUF
            if p >= NBUF - QPF:
                wait_scatter(bq)
            start_gather(p + QPF, bq)
            wait_gather(p)
            start_scatter(p, p)

        def super_chunk(jj, carry):
            j0 = jj * NBUF
            for p in range(NBUF):
                bq = (p + QPF) % NBUF
                wait_scatter(bq)
                start_gather(j0 + p + QPF, bq)
                wait_gather(p)
                start_scatter(j0 + p, p)
            return carry

        lax.fori_loop(1, NCH // NBUF, super_chunk, 0)
        for t in range(QPF):
            j = NCH - QPF + t
            b = j % NBUF
            wait_gather(b)
            start_scatter(j, b)
        for b in range(NBUF):
            wait_scatter(b)

    pl.when(c == 0)(lambda: run_chunks(hlo_hbm))
    pl.when(c == 1)(lambda: run_chunks(hhi_hbm))
    plsc.subcore_barrier()
    pl.when(c == 0)(lambda: pltpu.sync_copy(
        acc_sh.at[pl.ds(s * ROWS_W, ROWS_W)],
        olo_hbm.at[pl.ds(s * ROWS_W, ROWS_W)]))
    pl.when(c == 1)(lambda: pltpu.sync_copy(
        acc_sh.at[pl.ds(s * ROWS_W, ROWS_W)],
        ohi_hbm.at[pl.ds(s * ROWS_W, ROWS_W)]))


@functools.cache
def _agg_call():
    return pl.kernel(
        _agg_body,
        out_type=[jax.ShapeDtypeStruct((N_NODES, HD), jnp.float32)] * 2,
        mesh=plsc.VectorSubcoreMesh(core_axis_name="c", subcore_axis_name="s"),
        scratch_types=[
            pltpu.VMEM((NCH, K), jnp.int32),
            pltpu.VMEM((NCH, K), jnp.int32),
        ] + [pltpu.VMEM((K, HD), jnp.float32)] * NBUF + [
            pltpu.VMEM((ZROWS, HD), jnp.float32),
            pltpu.VMEM_SHARED((N_NODES, HD), jnp.float32),
        ] + [pltpu.SemaphoreType.DMA] * (2 * NBUF),
        compiler_params=pltpu.CompilerParams(use_tc_tiling_on_sc=False),
    )



_RB = 2000
_FB = _RB // 2
_GRID = N_NODES // _RB
_HF = N_NODES // 2


def _dinv_of(degp):
    deg = degp[0, :, 0:1] + degp[1, :, 0:1] + 1.0
    return lax.rsqrt(deg)


def _dflat_of(dinv):
    d3 = dinv.reshape(_FB, 2, 1)
    return jnp.concatenate(
        [jnp.broadcast_to(d3[:, 0, :], (_FB, HD)),
         jnp.broadcast_to(d3[:, 1, :], (_FB, HD))], axis=1)


def _to_flat_halves(h):
    h3 = h.reshape(_FB, 2, D)
    lo = jnp.concatenate([h3[:, 0, :HD], h3[:, 1, :HD]], axis=1)
    hi = jnp.concatenate([h3[:, 0, HD:], h3[:, 1, HD:]], axis=1)
    return lo, hi


def _from_flat_halves(lo, hi):
    even = jnp.concatenate([lo[:, :HD], hi[:, :HD]], axis=1)
    odd = jnp.concatenate([lo[:, HD:], hi[:, HD:]], axis=1)
    return jnp.concatenate([even[:, None, :], odd[:, None, :]],
                           axis=1).reshape(_RB, D)


def _mm_scale_body(degp_ref, x_ref, p1_ref, p2_ref, p3_ref, p4_ref,
                   lo_ref, hi_ref):
    dflat = _dflat_of(_dinv_of(degp_ref[...]))
    x3 = x_ref[...].reshape(_FB, 2, D)
    xe = x3[:, 0, :]
    xo = x3[:, 1, :]
    dot = functools.partial(jnp.dot, preferred_element_type=jnp.float32)
    lo_ref[...] = (dot(xe, p1_ref[...]) + dot(xo, p2_ref[...])) * dflat
    hi_ref[...] = (dot(xe, p3_ref[...]) + dot(xo, p4_ref[...])) * dflat


def _layer2_body(degp_ref, alo_ref, ahi_ref, hlo_ref, hhi_ref,
                 blo_ref, bhi_ref, mll_ref, mhl_ref, mlh_ref, mhh_ref,
                 lo_ref, hi_ref):
    dflat = _dflat_of(_dinv_of(degp_ref[...]))
    zlo = jnp.maximum((alo_ref[...] + hlo_ref[...]) * dflat + blo_ref[...],
                      0.0)
    zhi = jnp.maximum((ahi_ref[...] + hhi_ref[...]) * dflat + bhi_ref[...],
                      0.0)
    dot = functools.partial(jnp.dot, preferred_element_type=jnp.float32)
    lo_ref[...] = (dot(zlo, mll_ref[...]) + dot(zhi, mhl_ref[...])) * dflat
    hi_ref[...] = (dot(zlo, mlh_ref[...]) + dot(zhi, mhh_ref[...])) * dflat


def _final_body(degp_ref, alo_ref, ahi_ref, hlo_ref, hhi_ref,
                blo_ref, bhi_ref, out_ref):
    dinv = _dinv_of(degp_ref[...])
    dflat = _dflat_of(dinv)
    zlo = (alo_ref[...] + hlo_ref[...]) * dflat + blo_ref[...]
    zhi = (ahi_ref[...] + hhi_ref[...]) * dflat + bhi_ref[...]
    z = _from_flat_halves(zlo, zhi)
    m = jnp.max(z, axis=1, keepdims=True)
    lse = jnp.log(jnp.sum(jnp.exp(z - m), axis=1, keepdims=True))
    out_ref[...] = z - m - lse


_flat_spec = pl.BlockSpec((_FB, D), lambda i: (i, 0))
_deg_spec = pl.BlockSpec((NC, _RB, 16), lambda i: (0, i, 0))


def _whole(shape):
    return pl.BlockSpec(shape, lambda i: tuple(0 for _ in shape))


_flat_pair = [jax.ShapeDtypeStruct((_HF, D), jnp.float32)] * 2

_mm_scale = pl.pallas_call(
    _mm_scale_body,
    grid=(_GRID,),
    in_specs=[_deg_spec, pl.BlockSpec((_RB, D), lambda i: (i, 0))]
    + [_whole((D, D))] * 4,
    out_specs=[_flat_spec, _flat_spec],
    out_shape=_flat_pair,
)

_layer2 = pl.pallas_call(
    _layer2_body,
    grid=(_GRID,),
    in_specs=[_deg_spec, _flat_spec, _flat_spec, _flat_spec, _flat_spec,
              _whole((1, D)), _whole((1, D))] + [_whole((D, D))] * 4,
    out_specs=[_flat_spec, _flat_spec],
    out_shape=_flat_pair,
)

_final = pl.pallas_call(
    _final_body,
    grid=(_GRID,),
    in_specs=[_deg_spec, _flat_spec, _flat_spec, _flat_spec, _flat_spec,
              _whole((1, D)), _whole((1, D))],
    out_specs=pl.BlockSpec((_RB, D), lambda i: (i, 0)),
    out_shape=jax.ShapeDtypeStruct((N_NODES, D), jnp.float32),
)



@jax.jit
def kernel(train_x, train_edge_index, W1, b1, W2, b2):
    ei = jnp.asarray(train_edge_index, jnp.int32)
    dst_deg = ei[1].reshape(NW, NCH_DEG, K)
    src_agg = ei[0].reshape(NS, NCH, K)
    dst_agg = ei[1].reshape(NS, NCH, K)

    b1lo = jnp.concatenate([b1[:HD], b1[:HD]]).reshape(1, D)
    b1hi = jnp.concatenate([b1[HD:], b1[HD:]]).reshape(1, D)
    b2lo = jnp.concatenate([b2[:HD], b2[:HD]]).reshape(1, D)
    b2hi = jnp.concatenate([b2[HD:], b2[HD:]]).reshape(1, D)

    zpad = jnp.zeros((D, HD), jnp.float32)
    p1 = jnp.concatenate([W1[:, :HD], zpad], axis=1)
    p2 = jnp.concatenate([zpad, W1[:, :HD]], axis=1)
    p3 = jnp.concatenate([W1[:, HD:], zpad], axis=1)
    p4 = jnp.concatenate([zpad, W1[:, HD:]], axis=1)

    def _bd(m):
        z = jnp.zeros((HD, HD), jnp.float32)
        return jnp.concatenate([jnp.concatenate([m, z], axis=1),
                                jnp.concatenate([z, m], axis=1)], axis=0)

    mll = _bd(W2[:HD, :HD])
    mhl = _bd(W2[HD:, :HD])
    mlh = _bd(W2[:HD, HD:])
    mhh = _bd(W2[HD:, HD:])

    degp = _deg_call()(dst_deg)

    h1lo_f, h1hi_f = _mm_scale(degp, train_x, p1, p2, p3, p4)
    a1lo, a1hi = _agg_call()(h1lo_f.reshape(N_NODES, HD),
                             h1hi_f.reshape(N_NODES, HD), src_agg, dst_agg)
    h2lo_f, h2hi_f = _layer2(degp, a1lo.reshape(_HF, D), a1hi.reshape(_HF, D),
                             h1lo_f, h1hi_f, b1lo, b1hi, mll, mhl, mlh, mhh)
    a2lo, a2hi = _agg_call()(h2lo_f.reshape(N_NODES, HD),
                             h2hi_f.reshape(N_NODES, HD), src_agg, dst_agg)
    return _final(degp, a2lo.reshape(_HF, D), a2hi.reshape(_HF, D),
                  h2lo_f, h2hi_f, b2lo, b2hi)

# --- scband reference (transcript-rebuilt; emitter-appended) ---
"""Pipeline reference for scband-gcn-58007828300297 (READ-ONLY COPY).

The authoritative reference and input builder live on the scoring server;
editing this copy changes nothing except your own understanding.
"""

import jax, jax.numpy as jnp
import numpy as np

N_NODES = 10000
N_EDGES = 320000
IN_CH = 128
HID_CH = 128
OUT_CH = 128


def setup_inputs(seed: int = 0) -> dict:
    key = jax.random.key(seed)
    k1, k2, k3, k4, k5, k6 = jax.random.split(key, 6)
    train_x = jax.random.normal(k1, (N_NODES, IN_CH), dtype=jnp.float32)
    train_edge_index = jax.random.randint(k2, (2, N_EDGES), 0, N_NODES, dtype=jnp.int64)
    # GCNConv parameters (glorot-style init)
    s1 = 1.0 / np.sqrt(IN_CH)
    s2 = 1.0 / np.sqrt(HID_CH)
    W1 = jax.random.uniform(k3, (IN_CH, HID_CH), dtype=jnp.float32, minval=-s1, maxval=s1)
    b1 = jnp.zeros((HID_CH,), dtype=jnp.float32)
    W2 = jax.random.uniform(k4, (HID_CH, OUT_CH), dtype=jnp.float32, minval=-s2, maxval=s2)
    b2 = jnp.zeros((OUT_CH,), dtype=jnp.float32)
    return {"train_x": train_x, "train_edge_index": train_edge_index, "W1": W1, "b1": b1, "W2": W2, "b2": b2}


def _gcn_conv(x, edge_index, W, b):
    # Faithful PyG GCNConv: add self-loops, symmetric deg^-1/2 normalization,
    # linear transform, scatter-add aggregation, bias.
    num_nodes = x.shape[0]
    src = edge_index[0]
    dst = edge_index[1]
    loop = jnp.arange(num_nodes, dtype=src.dtype)
    src = jnp.concatenate([src, loop])
    dst = jnp.concatenate([dst, loop])
    deg = jnp.zeros((num_nodes,), dtype=x.dtype).at[dst].add(1.0)
    deg_inv_sqrt = jnp.where(deg > 0, jax.lax.rsqrt(deg), 0.0)
    norm = deg_inv_sqrt[src] * deg_inv_sqrt[dst]
    h = x @ W
    msgs = jnp.take(h, src, axis=0) * norm[:, None]
    out = jnp.zeros((num_nodes, W.shape[1]), dtype=x.dtype).at[dst].add(msgs)
    return out + b


def reference(train_x, train_edge_index, W1, b1, W2, b2):
    x = _gcn_conv(train_x, train_edge_index, W1, b1)
    x = jax.nn.relu(x)
    x = _gcn_conv(x, train_edge_index, W2, b2)
    return jax.nn.log_softmax(x, axis=1)

if __name__ == "__main__":
    import jax
    _d = setup_inputs()
    print(jax.jit(kernel)(*tuple(_d.values())))

</pallas_src>

<mosaic_0001>
#map = affine_map<(d0, d1) -> (0, 0)>
#map1 = affine_map<(d0, d1) -> (0, 0, 0)>
module attributes {stable_mosaic.version = 14 : i64} {
  func.func @_agg_body(%arg0: i32, %arg1: i32, %arg2: memref<10000x64xf32, #tpu.memory_space<hbm>>, %arg3: memref<10000x64xf32, #tpu.memory_space<hbm>>, %arg4: memref<16x250x80xi32, #tpu.memory_space<hbm>>, %arg5: memref<16x250x80xi32, #tpu.memory_space<hbm>>, %arg6: memref<10000x64xf32, #tpu.memory_space<hbm>>, %arg7: memref<10000x64xf32, #tpu.memory_space<hbm>>, %arg8: memref<250x80xi32, #tpu.memory_space<vmem>>, %arg9: memref<250x80xi32, #tpu.memory_space<vmem>>, %arg10: memref<80x64xf32, #tpu.memory_space<vmem>>, %arg11: memref<80x64xf32, #tpu.memory_space<vmem>>, %arg12: memref<80x64xf32, #tpu.memory_space<vmem>>, %arg13: memref<80x64xf32, #tpu.memory_space<vmem>>, %arg14: memref<80x64xf32, #tpu.memory_space<vmem>>, %arg15: memref<80x64xf32, #tpu.memory_space<vmem>>, %arg16: memref<80x64xf32, #tpu.memory_space<vmem>>, %arg17: memref<125x64xf32, #tpu.memory_space<vmem>>, %arg18: memref<10000x64xf32, #tpu.memory_space<vmem_shared>>, %arg19: memref<!tpu.dma_semaphore, #tpu.memory_space<semaphore_mem>>, %arg20: memref<!tpu.dma_semaphore, #tpu.memory_space<semaphore_mem>>, %arg21: memref<!tpu.dma_semaphore, #tpu.memory_space<semaphore_mem>>, %arg22: memref<!tpu.dma_semaphore, #tpu.memory_space<semaphore_mem>>, %arg23: memref<!tpu.dma_semaphore, #tpu.memory_space<semaphore_mem>>, %arg24: memref<!tpu.dma_semaphore, #tpu.memory_space<semaphore_mem>>, %arg25: memref<!tpu.dma_semaphore, #tpu.memory_space<semaphore_mem>>, %arg26: memref<!tpu.dma_semaphore, #tpu.memory_space<semaphore_mem>>, %arg27: memref<!tpu.dma_semaphore, #tpu.memory_space<semaphore_mem>>, %arg28: memref<!tpu.dma_semaphore, #tpu.memory_space<semaphore_mem>>, %arg29: memref<!tpu.dma_semaphore, #tpu.memory_space<semaphore_mem>>, %arg30: memref<!tpu.dma_semaphore, #tpu.memory_space<semaphore_mem>>, %arg31: memref<!tpu.dma_semaphore, #tpu.memory_space<semaphore_mem>>, %arg32: memref<!tpu.dma_semaphore, #tpu.memory_space<semaphore_mem>>) attributes {dimension_semantics = [#tpu.dimension_semantics<core_parallel>, #tpu.dimension_semantics<subcore_parallel>], iteration_bounds = array<i64: 2, 16>, scalar_prefetch = 0 : i64, scratch_operands = 25 : i64, tpu.core_type = #tpu.core_type<sc_vector_subcore>, window_params = [{transform_indices = #map}, {transform_indices = #map}, {transform_indices = #map1}, {transform_indices = #map1}, {transform_indices = #map}, {transform_indices = #map}]} {
    "tpu.region"() ({
      %run_scoped3A = tpu.sem_alloc : memref<!tpu.dma_semaphore, #tpu.memory_space<semaphore_mem>>
      %dma_start3A = arith.constant 0 : i32
      %dma_start3A_42 = arith.constant 0 : i32
      %dma_start3A_43 = tpu.memref_slice %arg4[%arg1, %dma_start3A, %dma_start3A_42] : memref<16x250x80xi32, #tpu.memory_space<hbm>> -> memref<1x250x80xi32, #tpu.memory_space<hbm>>
      %dma_start3A_44 = tpu.memref_squeeze %dma_start3A_43 : memref<1x250x80xi32, #tpu.memory_space<hbm>> -> memref<250x80xi32, #tpu.memory_space<hbm>>
      %dma_start3A_45 = arith.constant 0 : i32
      %dma_start3A_46 = arith.constant 0 : i32
      %dma_start3A_47 = tpu.memref_slice %arg4[%arg1, %dma_start3A_45, %dma_start3A_46] : memref<16x250x80xi32, #tpu.memory_space<hbm>> -> memref<1x250x80xi32, #tpu.memory_space<hbm>>
      %dma_start3A_48 = tpu.memref_squeeze %dma_start3A_47 : memref<1x250x80xi32, #tpu.memory_space<hbm>> -> memref<250x80xi32, #tpu.memory_space<hbm>>
      tpu.enqueue_dma source(%dma_start3A_48 : memref<250x80xi32, #tpu.memory_space<hbm>>) target(%arg8 : memref<250x80xi32, #tpu.memory_space<vmem>>) target_semaphore(%run_scoped3A : memref<!tpu.dma_semaphore, #tpu.memory_space<semaphore_mem>>)
      %dma_wait3A = arith.constant 0 : i32
      %dma_wait3A_49 = arith.constant 0 : i32
      %dma_wait3A_50 = tpu.memref_slice %arg4[%arg1, %dma_wait3A, %dma_wait3A_49] : memref<16x250x80xi32, #tpu.memory_space<hbm>> -> memref<1x250x80xi32, #tpu.memory_space<hbm>>
      %dma_wait3A_51 = tpu.memref_squeeze %dma_wait3A_50 : memref<1x250x80xi32, #tpu.memory_space<hbm>> -> memref<250x80xi32, #tpu.memory_space<hbm>>
      %dma_wait3A_52 = arith.constant 0 : i32
      %dma_wait3A_53 = arith.constant 0 : i32
      %dma_wait3A_54 = tpu.memref_slice %arg4[%arg1, %dma_wait3A_52, %dma_wait3A_53] : memref<16x250x80xi32, #tpu.memory_space<hbm>> -> memref<1x250x80xi32, #tpu.memory_space<hbm>>
      %dma_wait3A_55 = tpu.memref_squeeze %dma_wait3A_54 : memref<1x250x80xi32, #tpu.memory_space<hbm>> -> memref<250x80xi32, #tpu.memory_space<hbm>>
      tpu.wait_dma2 semaphore(%run_scoped3A : memref<!tpu.dma_semaphore, #tpu.memory_space<semaphore_mem>>) src(%dma_wait3A_55 : memref<250x80xi32, #tpu.memory_space<hbm>>) dst(%arg8 : memref<250x80xi32, #tpu.memory_space<vmem>>)
      tpu.yield
    }) : () -> ()
    "tpu.region"() ({
      %run_scoped3A = tpu.sem_alloc : memref<!tpu.dma_semaphore, #tpu.memory_space<semaphore_mem>>
      %dma_start3A = arith.constant 0 : i32
      %dma_start3A_42 = arith.constant 0 : i32
      %dma_start3A_43 = tpu.memref_slice %arg5[%arg1, %dma_start3A, %dma_start3A_42] : memref<16x250x80xi32, #tpu.memory_space<hbm>> -> memref<1x250x80xi32, #tpu.memory_space<hbm>>
      %dma_start3A_44 = tpu.memref_squeeze %dma_start3A_43 : memref<1x250x80xi32, #tpu.memory_space<hbm>> -> memref<250x80xi32, #tpu.memory_space<hbm>>
      %dma_start3A_45 = arith.constant 0 : i32
      %dma_start3A_46 = arith.constant 0 : i32
      %dma_start3A_47 = tpu.memref_slice %arg5[%arg1, %dma_start3A_45, %dma_start3A_46] : memref<16x250x80xi32, #tpu.memory_space<hbm>> -> memref<1x250x80xi32, #tpu.memory_space<hbm>>
      %dma_start3A_48 = tpu.memref_squeeze %dma_start3A_47 : memref<1x250x80xi32, #tpu.memory_space<hbm>> -> memref<250x80xi32, #tpu.memory_space<hbm>>
      tpu.enqueue_dma source(%dma_start3A_48 : memref<250x80xi32, #tpu.memory_space<hbm>>) target(%arg9 : memref<250x80xi32, #tpu.memory_space<vmem>>) target_semaphore(%run_scoped3A : memref<!tpu.dma_semaphore, #tpu.memory_space<semaphore_mem>>)
      %dma_wait3A = arith.constant 0 : i32
      %dma_wait3A_49 = arith.constant 0 : i32
      %dma_wait3A_50 = tpu.memref_slice %arg5[%arg1, %dma_wait3A, %dma_wait3A_49] : memref<16x250x80xi32, #tpu.memory_space<hbm>> -> memref<1x250x80xi32, #tpu.memory_space<hbm>>
      %dma_wait3A_51 = tpu.memref_squeeze %dma_wait3A_50 : memref<1x250x80xi32, #tpu.memory_space<hbm>> -> memref<250x80xi32, #tpu.memory_space<hbm>>
      %dma_wait3A_52 = arith.constant 0 : i32
      %dma_wait3A_53 = arith.constant 0 : i32
      %dma_wait3A_54 = tpu.memref_slice %arg5[%arg1, %dma_wait3A_52, %dma_wait3A_53] : memref<16x250x80xi32, #tpu.memory_space<hbm>> -> memref<1x250x80xi32, #tpu.memory_space<hbm>>
      %dma_wait3A_55 = tpu.memref_squeeze %dma_wait3A_54 : memref<1x250x80xi32, #tpu.memory_space<hbm>> -> memref<250x80xi32, #tpu.memory_space<hbm>>
      tpu.wait_dma2 semaphore(%run_scoped3A : memref<!tpu.dma_semaphore, #tpu.memory_space<semaphore_mem>>) src(%dma_wait3A_55 : memref<250x80xi32, #tpu.memory_space<hbm>>) dst(%arg9 : memref<250x80xi32, #tpu.memory_space<vmem>>)
      tpu.yield
    }) : () -> ()
    %broadcast_in_dim3A = arith.constant 0.000000e+00 : f32
    %broadcast_in_dim3A_0 = vector.broadcast %broadcast_in_dim3A : f32 to vector<16xf32>
    %scan3A = arith.constant 0 : i32
    %scan3A_1 = arith.constant 0 : i32
    %scan3A_2 = arith.constant 125 : i32
    %scan3A_3 = arith.addi %scan3A_1, %scan3A_2 : i32
    %scan3A_4 = arith.constant 1 : i32
    scf.for %scan3A_42 = %scan3A_1 to %scan3A_3 step %scan3A_4  : i32 {
      %swap3A = arith.index_cast %scan3A_42 : i32 to index
      %swap3A_43 = arith.constant 0 : index
      %swap3A_44 = tpu.vector_load %arg17[%swap3A, %swap3A_43] {strides = array<i32>} : memref<125x64xf32, #tpu.memory_space<vmem>>, vector<1x16xf32>,
      %swap3A_45 = vector.shape_cast %swap3A_44 : vector<1x16xf32> to vector<16xf32>
      %swap3A_46 = vector.shape_cast %broadcast_in_dim3A_0 : vector<16xf32> to vector<1x16xf32>
      tpu.vector_store %arg17[%swap3A, %swap3A_43], %swap3A_46 {strides = array<i32>} : memref<125x64xf32, #tpu.memory_space<vmem>>, vector<1x16xf32>,
      %swap3A_47 = arith.index_cast %scan3A_42 : i32 to index
      %swap3A_48 = arith.constant 16 : index
      %swap3A_49 = tpu.vector_load %arg17[%swap3A_47, %swap3A_48] {strides = array<i32>} : memref<125x64xf32, #tpu.memory_space<vmem>>, vector<1x16xf32>,
      %swap3A_50 = vector.shape_cast %swap3A_49 : vector<1x16xf32> to vector<16xf32>
      %swap3A_51 = vector.shape_cast %broadcast_in_dim3A_0 : vector<16xf32> to vector<1x16xf32>
      tpu.vector_store %arg17[%swap3A_47, %swap3A_48], %swap3A_51 {strides = array<i32>} : memref<125x64xf32, #tpu.memory_space<vmem>>, vector<1x16xf32>,
      %swap3A_52 = arith.index_cast %scan3A_42 : i32 to index
      %swap3A_53 = arith.constant 32 : index
      %swap3A_54 = tpu.vector_load %arg17[%swap3A_52, %swap3A_53] {strides = array<i32>} : memref<125x64xf32, #tpu.memory_space<vmem>>, vector<1x16xf32>,
      %swap3A_55 = vector.shape_cast %swap3A_54 : vector<1x16xf32> to vector<16xf32>
      %swap3A_56 = vector.shape_cast %broadcast_in_dim3A_0 : vector<16xf32> to vector<1x16xf32>
      tpu.vector_store %arg17[%swap3A_52, %swap3A_53], %swap3A_56 {strides = array<i32>} : memref<125x64xf32, #tpu.memory_space<vmem>>, vector<1x16xf32>,
      %swap3A_57 = arith.index_cast %scan3A_42 : i32 to index
      %swap3A_58 = arith.constant 48 : index
      %swap3A_59 = tpu.vector_load %arg17[%swap3A_57, %swap3A_58] {strides = array<i32>} : memref<125x64xf32, #tpu.memory_space<vmem>>, vector<1x16xf32>,
      %swap3A_60 = vector.shape_cast %swap3A_59 : vector<1x16xf32> to vector<16xf32>
      %swap3A_61 = vector.shape_cast %broadcast_in_dim3A_0 : vector<16xf32> to vector<1x16xf32>
      tpu.vector_store %arg17[%swap3A_57, %swap3A_58], %swap3A_61 {strides = array<i32>} : memref<125x64xf32, #tpu.memory_space<vmem>>, vector<1x16xf32>,
    }
    %scan3A_5 = arith.constant 125 : i32
    %mul3A = arith.constant 625 : i32
    %mul3A_6 = arith.muli %arg1, %mul3A : i32
    %add3A = arith.constant 0 : i32
    %add3A_7 = arith.addi %mul3A_6, %add3A : i32
    "tpu.region"() ({
      %run_scoped3A = tpu.sem_alloc : memref<!tpu.dma_semaphore, #tpu.memory_space<semaphore_mem>>
      %dma_start3A = arith.constant 0 : i32
      %dma_start3A_42 = tpu.memref_slice %arg18[%add3A_7, %dma_start3A] : memref<10000x64xf32, #tpu.memory_space<vmem_shared>> -> memref<125x64xf32, #tpu.memory_space<vmem_shared>>
      %dma_start3A_43 = arith.constant 0 : i32
      %dma_start3A_44 = tpu.memref_slice %arg18[%add3A_7, %dma_start3A_43] : memref<10000x64xf32, #tpu.memory_space<vmem_shared>> -> memref<125x64xf32, #tpu.memory_space<vmem_shared>>
      tpu.enqueue_dma source(%arg17 : memref<125x64xf32, #tpu.memory_space<vmem>>) target(%dma_start3A_44 : memref<125x64xf32, #tpu.memory_space<vmem_shared>>) target_semaphore(%run_scoped3A : memref<!tpu.dma_semaphore, #tpu.memory_space<semaphore_mem>>)
      %dma_wait3A = arith.constant 0 : i32
      %dma_wait3A_45 = tpu.memref_slice %arg18[%add3A_7, %dma_wait3A] : memref<10000x64xf32, #tpu.memory_space<vmem_shared>> -> memref<125x64xf32, #tpu.memory_space<vmem_shared>>
      %dma_wait3A_46 = arith.constant 0 : i32
      %dma_wait3A_47 = tpu.memref_slice %arg18[%add3A_7, %dma_wait3A_46] : memref<10000x64xf32, #tpu.memory_space<vmem_shared>> -> memref<125x64xf32, #tpu.memory_space<vmem_shared>>
      tpu.wait_dma2 semaphore(%run_scoped3A : memref<!tpu.dma_semaphore, #tpu.memory_space<semaphore_mem>>) src(%arg17 : memref<125x64xf32, #tpu.memory_space<vmem>>) dst(%dma_wait3A_47 : memref<125x64xf32, #tpu.memory_space<vmem_shared>>)
      tpu.yield
    }) : () -> ()
    %mul3A_8 = arith.constant 625 : i32
    %mul3A_9 = arith.muli %arg1, %mul3A_8 : i32
    %add3A_10 = arith.constant 125 : i32
    %add3A_11 = arith.addi %mul3A_9, %add3A_10 : i32
    "tpu.region"() ({
      %run_scoped3A = tpu.sem_alloc : memref<!tpu.dma_semaphore, #tpu.memory_space<semaphore_mem>>
      %dma_start3A = arith.constant 0 : i32
      %dma_start3A_42 = tpu.memref_slice %arg18[%add3A_11, %dma_start3A] : memref<10000x64xf32, #tpu.memory_space<vmem_shared>> -> memref<125x64xf32, #tpu.memory_space<vmem_shared>>
      %dma_start3A_43 = arith.constant 0 : i32
      %dma_start3A_44 = tpu.memref_slice %arg18[%add3A_11, %dma_start3A_43] : memref<10000x64xf32, #tpu.memory_space<vmem_shared>> -> memref<125x64xf32, #tpu.memory_space<vmem_shared>>
      tpu.enqueue_dma source(%arg17 : memref<125x64xf32, #tpu.memory_space<vmem>>) target(%dma_start3A_44 : memref<125x64xf32, #tpu.memory_space<vmem_shared>>) target_semaphore(%run_scoped3A : memref<!tpu.dma_semaphore, #tpu.memory_space<semaphore_mem>>)
      %dma_wait3A = arith.constant 0 : i32
      %dma_wait3A_45 = tpu.memref_slice %arg18[%add3A_11, %dma_wait3A] : memref<10000x64xf32, #tpu.memory_space<vmem_shared>> -> memref<125x64xf32, #tpu.memory_space<vmem_shared>>
      %dma_wait3A_46 = arith.constant 0 : i32
      %dma_wait3A_47 = tpu.memref_slice %arg18[%add3A_11, %dma_wait3A_46] : memref<10000x64xf32, #tpu.memory_space<vmem_shared>> -> memref<125x64xf32, #tpu.memory_space<vmem_shared>>
      tpu.wait_dma2 semaphore(%run_scoped3A : memref<!tpu.dma_semaphore, #tpu.memory_space<semaphore_mem>>) src(%arg17 : memref<125x64xf32, #tpu.memory_space<vmem>>) dst(%dma_wait3A_47 : memref<125x64xf32, #tpu.memory_space<vmem_shared>>)
      tpu.yield
    }) : () -> ()
    %mul3A_12 = arith.constant 625 : i32
    %mul3A_13 = arith.muli %arg1, %mul3A_12 : i32
    %add3A_14 = arith.constant 250 : i32
    %add3A_15 = arith.addi %mul3A_13, %add3A_14 : i32
    "tpu.region"() ({
      %run_scoped3A = tpu.sem_alloc : memref<!tpu.dma_semaphore, #tpu.memory_space<semaphore_mem>>
      %dma_start3A = arith.constant 0 : i32
      %dma_start3A_42 = tpu.memref_slice %arg18[%add3A_15, %dma_start3A] : memref<10000x64xf32, #tpu.memory_space<vmem_shared>> -> memref<125x64xf32, #tpu.memory_space<vmem_shared>>
      %dma_start3A_43 = arith.constant 0 : i32
      %dma_start3A_44 = tpu.memref_slice %arg18[%add3A_15, %dma_start3A_43] : memref<10000x64xf32, #tpu.memory_space<vmem_shared>> -> memref<125x64xf32, #tpu.memory_space<vmem_shared>>
      tpu.enqueue_dma source(%arg17 : memref<125x64xf32, #tpu.memory_space<vmem>>) target(%dma_start3A_44 : memref<125x64xf32, #tpu.memory_space<vmem_shared>>) target_semaphore(%run_scoped3A : memref<!tpu.dma_semaphore, #tpu.memory_space<semaphore_mem>>)
      %dma_wait3A = arith.constant 0 : i32
      %dma_wait3A_45 = tpu.memref_slice %arg18[%add3A_15, %dma_wait3A] : memref<10000x64xf32, #tpu.memory_space<vmem_shared>> -> memref<125x64xf32, #tpu.memory_space<vmem_shared>>
      %dma_wait3A_46 = arith.constant 0 : i32
      %dma_wait3A_47 = tpu.memref_slice %arg18[%add3A_15, %dma_wait3A_46] : memref<10000x64xf32, #tpu.memory_space<vmem_shared>> -> memref<125x64xf32, #tpu.memory_space<vmem_shared>>
      tpu.wait_dma2 semaphore(%run_scoped3A : memref<!tpu.dma_semaphore, #tpu.memory_space<semaphore_mem>>) src(%arg17 : memref<125x64xf32, #tpu.memory_space<vmem>>) dst(%dma_wait3A_47 : memref<125x64xf32, #tpu.memory_space<vmem_shared>>)
      tpu.yield
    }) : () -> ()
    %mul3A_16 = arith.constant 625 : i32
    %mul3A_17 = arith.muli %arg1, %mul3A_16 : i32
    %add3A_18 = arith.constant 375 : i32
    %add3A_19 = arith.addi %mul3A_17, %add3A_18 : i32
    "tpu.region"() ({
      %run_scoped3A = tpu.sem_alloc : memref<!tpu.dma_semaphore, #tpu.memory_space<semaphore_mem>>
      %dma_start3A = arith.constant 0 : i32
      %dma_start3A_42 = tpu.memref_slice %arg18[%add3A_19, %dma_start3A] : memref<10000x64xf32, #tpu.memory_space<vmem_shared>> -> memref<125x64xf32, #tpu.memory_space<vmem_shared>>
      %dma_start3A_43 = arith.constant 0 : i32
      %dma_start3A_44 = tpu.memref_slice %arg18[%add3A_19, %dma_start3A_43] : memref<10000x64xf32, #tpu.memory_space<vmem_shared>> -> memref<125x64xf32, #tpu.memory_space<vmem_shared>>
      tpu.enqueue_dma source(%arg17 : memref<125x64xf32, #tpu.memory_space<vmem>>) target(%dma_start3A_44 : memref<125x64xf32, #tpu.memory_space<vmem_shared>>) target_semaphore(%run_scoped3A : memref<!tpu.dma_semaphore, #tpu.memory_space<semaphore_mem>>)
      %dma_wait3A = arith.constant 0 : i32
      %dma_wait3A_45 = tpu.memref_slice %arg18[%add3A_19, %dma_wait3A] : memref<10000x64xf32, #tpu.memory_space<vmem_shared>> -> memref<125x64xf32, #tpu.memory_space<vmem_shared>>
      %dma_wait3A_46 = arith.constant 0 : i32
      %dma_wait3A_47 = tpu.memref_slice %arg18[%add3A_19, %dma_wait3A_46] : memref<10000x64xf32, #tpu.memory_space<vmem_shared>> -> memref<125x64xf32, #tpu.memory_space<vmem_shared>>
      tpu.wait_dma2 semaphore(%run_scoped3A : memref<!tpu.dma_semaphore, #tpu.memory_space<semaphore_mem>>) src(%arg17 : memref<125x64xf32, #tpu.memory_space<vmem>>) dst(%dma_wait3A_47 : memref<125x64xf32, #tpu.memory_space<vmem_shared>>)
      tpu.yield
    }) : () -> ()
    %mul3A_20 = arith.constant 625 : i32
    %mul3A_21 = arith.muli %arg1, %mul3A_20 : i32
    %add3A_22 = arith.constant 500 : i32
    %add3A_23 = arith.addi %mul3A_21, %add3A_22 : i32
    "tpu.region"() ({
      %run_scoped3A = tpu.sem_alloc : memref<!tpu.dma_semaphore, #tpu.memory_space<semaphore_mem>>
      %dma_start3A = arith.constant 0 : i32
      %dma_start3A_42 = tpu.memref_slice %arg18[%add3A_23, %dma_start3A] : memref<10000x64xf32, #tpu.memory_space<vmem_shared>> -> memref<125x64xf32, #tpu.memory_space<vmem_shared>>
      %dma_start3A_43 = arith.constant 0 : i32
      %dma_start3A_44 = tpu.memref_slice %arg18[%add3A_23, %dma_start3A_43] : memref<10000x64xf32, #tpu.memory_space<vmem_shared>> -> memref<125x64xf32, #tpu.memory_space<vmem_shared>>
      tpu.enqueue_dma source(%arg17 : memref<125x64xf32, #tpu.memory_space<vmem>>) target(%dma_start3A_44 : memref<125x64xf32, #tpu.memory_space<vmem_shared>>) target_semaphore(%run_scoped3A : memref<!tpu.dma_semaphore, #tpu.memory_space<semaphore_mem>>)
      %dma_wait3A = arith.constant 0 : i32
      %dma_wait3A_45 = tpu.memref_slice %arg18[%add3A_23, %dma_wait3A] : memref<10000x64xf32, #tpu.memory_space<vmem_shared>> -> memref<125x64xf32, #tpu.memory_space<vmem_shared>>
      %dma_wait3A_46 = arith.constant 0 : i32
      %dma_wait3A_47 = tpu.memref_slice %arg18[%add3A_23, %dma_wait3A_46] : memref<10000x64xf32, #tpu.memory_space<vmem_shared>> -> memref<125x64xf32, #tpu.memory_space<vmem_shared>>
      tpu.wait_dma2 semaphore(%run_scoped3A : memref<!tpu.dma_semaphore, #tpu.memory_space<semaphore_mem>>) src(%arg17 : memref<125x64xf32, #tpu.memory_space<vmem>>) dst(%dma_wait3A_47 : memref<125x64xf32, #tpu.memory_space<vmem_shared>>)
      tpu.yield
    }) : () -> ()
    %barrier3A = arith.constant 0 : index
    tpu.barrier barrier_id(%barrier3A)
    %eq3A = arith.constant 0 : i32
    %eq3A_24 = arith.cmpi eq, %arg0, %eq3A : i32
    %convert_element_type3A = arith.extui %eq3A_24 : i1 to i32
    %cond3A = arith.constant 0 : i32
    %cond3A_25 = arith.cmpi ne, %convert_element_type3A, %cond3A : i32
    scf.if %cond3A_25 {
      %dma_start3A = arith.constant 0 : i32
      %dma_start3A_42 = arith.constant 0 : i32
      %dma_start3A_43 = tpu.memref_slice %arg8[%dma_start3A, %dma_start3A_42] : memref<250x80xi32, #tpu.memory_space<vmem>> -> memref<1x80xi32, #tpu.memory_space<vmem>>
      %dma_start3A_44 = tpu.memref_squeeze %dma_start3A_43 : memref<1x80xi32, #tpu.memory_space<vmem>> -> memref<80xi32, #tpu.memory_space<vmem>>
      %dma_start3A_45 = arith.constant 0 : i32
      %dma_start3A_46 = arith.constant 0 : i32
      %dma_start3A_47 = tpu.memref_slice %arg2[%dma_start3A_45, %dma_start3A_46] : memref<10000x64xf32, #tpu.memory_space<hbm>> -> memref<10000x64xf32, #tpu.memory_space<hbm>>
      tpu.enqueue_indirect_dma source(%dma_start3A_47 : memref<10000x64xf32, #tpu.memory_space<hbm>>) target(%arg10 : memref<80x64xf32, #tpu.memory_space<vmem>>) offsets(%dma_start3A_44 : memref<80xi32, #tpu.memory_space<vmem>>) semaphore(%arg19 : memref<!tpu.dma_semaphore, #tpu.memory_space<semaphore_mem>>)
      %dma_start3A_48 = arith.constant 1 : i32
      %dma_start3A_49 = arith.constant 0 : i32
      %dma_start3A_50 = tpu.memref_slice %arg8[%dma_start3A_48, %dma_start3A_49] : memref<250x80xi32, #tpu.memory_space<vmem>> -> memref<1x80xi32, #tpu.memory_space<vmem>>
      %dma_start3A_51 = tpu.memref_squeeze %dma_start3A_50 : memref<1x80xi32, #tpu.memory_space<vmem>> -> memref<80xi32, #tpu.memory_space<vmem>>
      %dma_start3A_52 = arith.constant 0 : i32
      %dma_start3A_53 = arith.constant 0 : i32
      %dma_start3A_54 = tpu.memref_slice %arg2[%dma_start3A_52, %dma_start3A_53] : memref<10000x64xf32, #tpu.memory_space<hbm>> -> memref<10000x64xf32, #tpu.memory_space<hbm>>
      tpu.enqueue_indirect_dma source(%dma_start3A_54 : memref<10000x64xf32, #tpu.memory_space<hbm>>) target(%arg11 : memref<80x64xf32, #tpu.memory_space<vmem>>) offsets(%dma_start3A_51 : memref<80xi32, #tpu.memory_space<vmem>>) semaphore(%arg20 : memref<!tpu.dma_semaphore, #tpu.memory_space<semaphore_mem>>)
      %dma_start3A_55 = arith.constant 2 : i32
      %dma_start3A_56 = arith.constant 0 : i32
      %dma_start3A_57 = tpu.memref_slice %arg8[%dma_start3A_55, %dma_start3A_56] : memref<250x80xi32, #tpu.memory_space<vmem>> -> memref<1x80xi32, #tpu.memory_space<vmem>>
      %dma_start3A_58 = tpu.memref_squeeze %dma_start3A_57 : memref<1x80xi32, #tpu.memory_space<vmem>> -> memref<80xi32, #tpu.memory_space<vmem>>
      %dma_start3A_59 = arith.constant 0 : i32
      %dma_start3A_60 = arith.constant 0 : i32
      %dma_start3A_61 = tpu.memref_slice %arg2[%dma_start3A_59, %dma_start3A_60] : memref<10000x64xf32, #tpu.memory_space<hbm>> -> memref<10000x64xf32, #tpu.memory_space<hbm>>
      tpu.enqueue_indirect_dma source(%dma_start3A_61 : memref<10000x64xf32, #tpu.memory_space<hbm>>) target(%arg12 : memref<80x64xf32, #tpu.memory_space<vmem>>) offsets(%dma_start3A_58 : memref<80xi32, #tpu.memory_space<vmem>>) semaphore(%arg21 : memref<!tpu.dma_semaphore, #tpu.memory_space<semaphore_mem>>)
      %dma_start3A_62 = arith.constant 3 : i32
      %dma_start3A_63 = arith.constant 0 : i32
      %dma_start3A_64 = tpu.memref_slice %arg8[%dma_start3A_62, %dma_start3A_63] : memref<250x80xi32, #tpu.memory_space<vmem>> -> memref<1x80xi32, #tpu.memory_space<vmem>>
      %dma_start3A_65 = tpu.memref_squeeze %dma_start3A_64 : memref<1x80xi32, #tpu.memory_space<vmem>> -> memref<80xi32, #tpu.memory_space<vmem>>
      %dma_start3A_66 = arith.constant 0 : i32
      %dma_start3A_67 = arith.constant 0 : i32
      %dma_start3A_68 = tpu.memref_slice %arg2[%dma_start3A_66, %dma_start3A_67] : memref<10000x64xf32, #tpu.memory_space<hbm>> -> memref<10000x64xf32, #tpu.memory_space<hbm>>
      tpu.enqueue_indirect_dma source(%dma_start3A_68 : memref<10000x64xf32, #tpu.memory_space<hbm>>) target(%arg13 : memref<80x64xf32, #tpu.memory_space<vmem>>) offsets(%dma_start3A_65 : memref<80xi32, #tpu.memory_space<vmem>>) semaphore(%arg22 : memref<!tpu.dma_semaphore, #tpu.memory_space<semaphore_mem>>)
      %dma_start3A_69 = arith.constant 4 : i32
      %dma_start3A_70 = arith.constant 0 : i32
      %dma_start3A_71 = tpu.memref_slice %arg8[%dma_start3A_69, %dma_start3A_70] : memref<250x80xi32, #tpu.memory_space<vmem>> -> memref<1x80xi32, #tpu.memory_space<vmem>>
      %dma_start3A_72 = tpu.memref_squeeze %dma_start3A_71 : memref<1x80xi32, #tpu.memory_space<vmem>> -> memref<80xi32, #tpu.memory_space<vmem>>
      %dma_start3A_73 = arith.constant 0 : i32
      %dma_start3A_74 = arith.constant 0 : i32
      %dma_start3A_75 = tpu.memref_slice %arg2[%dma_start3A_73, %dma_start3A_74] : memref<10000x64xf32, #tpu.memory_space<hbm>> -> memref<10000x64xf32, #tpu.memory_space<hbm>>
      tpu.enqueue_indirect_dma source(%dma_start3A_75 : memref<10000x64xf32, #tpu.memory_space<hbm>>) target(%arg14 : memref<80x64xf32, #tpu.memory_space<vmem>>) offsets(%dma_start3A_72 : memref<80xi32, #tpu.memory_space<vmem>>) semaphore(%arg23 : memref<!tpu.dma_semaphore, #tpu.memory_space<semaphore_mem>>)
      %dma_start3A_76 = arith.constant 5 : i32
      %dma_start3A_77 = arith.constant 0 : i32
      %dma_start3A_78 = tpu.memref_slice %arg8[%dma_start3A_76, %dma_start3A_77] : memref<250x80xi32, #tpu.memory_space<vmem>> -> memref<1x80xi32, #tpu.memory_space<vmem>>
      %dma_start3A_79 = tpu.memref_squeeze %dma_start3A_78 : memref<1x80xi32, #tpu.memory_space<vmem>> -> memref<80xi32, #tpu.memory_space<vmem>>
      %dma_start3A_80 = arith.constant 0 : i32
      %dma_start3A_81 = arith.constant 0 : i32
      %dma_start3A_82 = tpu.memref_slice %arg2[%dma_start3A_80, %dma_start3A_81] : memref<10000x64xf32, #tpu.memory_space<hbm>> -> memref<10000x64xf32, #tpu.memory_space<hbm>>
      tpu.enqueue_indirect_dma source(%dma_start3A_82 : memref<10000x64xf32, #tpu.memory_space<hbm>>) target(%arg15 : memref<80x64xf32, #tpu.memory_space<vmem>>) offsets(%dma_start3A_79 : memref<80xi32, #tpu.memory_space<vmem>>) semaphore(%arg24 : memref<!tpu.dma_semaphore, #tpu.memory_space<semaphore_mem>>)
      %dma_wait3A = arith.constant 0 : i32
      %dma_wait3A_83 = arith.constant 0 : i32
      %dma_wait3A_84 = tpu.memref_slice %arg2[%dma_wait3A, %dma_wait3A_83] : memref<10000x64xf32, #tpu.memory_space<hbm>> -> memref<80x64xf32, #tpu.memory_space<hbm>>
      %dma_wait3A_85 = arith.constant 0 : i32
      %dma_wait3A_86 = arith.constant 0 : i32
      %dma_wait3A_87 = tpu.memref_slice %arg2[%dma_wait3A_85, %dma_wait3A_86] : memref<10000x64xf32, #tpu.memory_space<hbm>> -> memref<80x64xf32, #tpu.memory_space<hbm>>
      tpu.wait_dma2 semaphore(%arg19 : memref<!tpu.dma_semaphore, #tpu.memory_space<semaphore_mem>>) src(%dma_wait3A_87 : memref<80x64xf32, #tpu.memory_space<hbm>>) dst(%arg10 : memref<80x64xf32, #tpu.memory_space<vmem>>)
      %dma_start3A_88 = arith.constant 0 : i32
      %dma_start3A_89 = arith.constant 0 : i32
      %dma_start3A_90 = tpu.memref_slice %arg9[%dma_start3A_88, %dma_start3A_89] : memref<250x80xi32, #tpu.memory_space<vmem>> -> memref<1x80xi32, #tpu.memory_space<vmem>>
      %dma_start3A_91 = tpu.memref_squeeze %dma_start3A_90 : memref<1x80xi32, #tpu.memory_space<vmem>> -> memref<80xi32, #tpu.memory_space<vmem>>
      %dma_start3A_92 = arith.constant 0 : i32
      %dma_start3A_93 = arith.constant 0 : i32
      %dma_start3A_94 = tpu.memref_slice %arg18[%dma_start3A_92, %dma_start3A_93] : memref<10000x64xf32, #tpu.memory_space<vmem_shared>> -> memref<10000x64xf32, #tpu.memory_space<vmem_shared>>
      tpu.enqueue_indirect_dma source(%arg10 : memref<80x64xf32, #tpu.memory_space<vmem>>) target(%dma_start3A_94 : memref<10000x64xf32, #tpu.memory_space<vmem_shared>>) offsets(%dma_start3A_91 : memref<80xi32, #tpu.memory_space<vmem>>) semaphore(%arg26 : memref<!tpu.dma_semaphore, #tpu.memory_space<semaphore_mem>>) {add = true}
      %dma_start3A_95 = arith.constant 6 : i32
      %dma_start3A_96 = arith.constant 0 : i32
      %dma_start3A_97 = tpu.memref_slice %arg8[%dma_start3A_95, %dma_start3A_96] : memref<250x80xi32, #tpu.memory_space<vmem>> -> memref<1x80xi32, #tpu.memory_space<vmem>>
      %dma_start3A_98 = tpu.memref_squeeze %dma_start3A_97 : memref<1x80xi32, #tpu.memory_space<vmem>> -> memref<80xi32, #tpu.memory_space<vmem>>
      %dma_start3A_99 = arith.constant 0 : i32
      %dma_start3A_100 = arith.constant 0 : i32
      %dma_start3A_101 = tpu.memref_slice %arg2[%dma_start3A_99, %dma_start3A_100] : memref<10000x64xf32, #tpu.memory_space<hbm>> -> memref<10000x64xf32, #tpu.memory_space<hbm>>
      tpu.enqueue_indirect_dma source(%dma_start3A_101 : memref<10000x64xf32, #tpu.memory_space<hbm>>) target(%arg16 : memref<80x64xf32, #tpu.memory_space<vmem>>) offsets(%dma_start3A_98 : memref<80xi32, #tpu.memory_space<vmem>>) semaphore(%arg25 : memref<!tpu.dma_semaphore, #tpu.memory_space<semaphore_mem>>)
      %dma_wait3A_102 = arith.constant 0 : i32
      %dma_wait3A_103 = arith.constant 0 : i32
      %dma_wait3A_104 = tpu.memref_slice %arg2[%dma_wait3A_102, %dma_wait3A_103] : memref<10000x64xf32, #tpu.memory_space<hbm>> -> memref<80x64xf32, #tpu.memory_space<hbm>>
      %dma_wait3A_105 = arith.constant 0 : i32
      %dma_wait3A_106 = arith.constant 0 : i32
      %dma_wait3A_107 = tpu.memref_slice %arg2[%dma_wait3A_105, %dma_wait3A_106] : memref<10000x64xf32, #tpu.memory_space<hbm>> -> memref<80x64xf32, #tpu.memory_space<hbm>>
      tpu.wait_dma2 semaphore(%arg20 : memref<!tpu.dma_semaphore, #tpu.memory_space<semaphore_mem>>) src(%dma_wait3A_107 : memref<80x64xf32, #tpu.memory_space<hbm>>) dst(%arg11 : memref<80x64xf32, #tpu.memory_space<vmem>>)
      %dma_start3A_108 = arith.constant 1 : i32
      %dma_start3A_109 = arith.constant 0 : i32
      %dma_start3A_110 = tpu.memref_slice %arg9[%dma_start3A_108, %dma_start3A_109] : memref<250x80xi32, #tpu.memory_space<vmem>> -> memref<1x80xi32, #tpu.memory_space<vmem>>
      %dma_start3A_111 = tpu.memref_squeeze %dma_start3A_110 : memref<1x80xi32, #tpu.memory_space<vmem>> -> memref<80xi32, #tpu.memory_space<vmem>>
      %dma_start3A_112 = arith.constant 0 : i32
      %dma_start3A_113 = arith.constant 0 : i32
      %dma_start3A_114 = tpu.memref_slice %arg18[%dma_start3A_112, %dma_start3A_113] : memref<10000x64xf32, #tpu.memory_space<vmem_shared>> -> memref<10000x64xf32, #tpu.memory_space<vmem_shared>>
      tpu.enqueue_indirect_dma source(%arg11 : memref<80x64xf32, #tpu.memory_space<vmem>>) target(%dma_start3A_114 : memref<10000x64xf32, #tpu.memory_space<vmem_shared>>) offsets(%dma_start3A_111 : memref<80xi32, #tpu.memory_space<vmem>>) semaphore(%arg27 : memref<!tpu.dma_semaphore, #tpu.memory_space<semaphore_mem>>) {add = true}
      %dma_wait3A_115 = arith.constant 0 : i32
      %dma_wait3A_116 = arith.constant 0 : i32
      %dma_wait3A_117 = tpu.memref_slice %arg18[%dma_wait3A_115, %dma_wait3A_116] : memref<10000x64xf32, #tpu.memory_space<vmem_shared>> -> memref<80x64xf32, #tpu.memory_space<vmem_shared>>
      %dma_wait3A_118 = arith.constant 0 : i32
      %dma_wait3A_119 = arith.constant 0 : i32
      %dma_wait3A_120 = tpu.memref_slice %arg18[%dma_wait3A_118, %dma_wait3A_119] : memref<10000x64xf32, #tpu.memory_space<vmem_shared>> -> memref<80x64xf32, #tpu.memory_space<vmem_shared>>
      tpu.wait_dma2 semaphore(%arg26 : memref<!tpu.dma_semaphore, #tpu.memory_space<semaphore_mem>>) src(%arg10 : memref<80x64xf32, #tpu.memory_space<vmem>>) dst(%dma_wait3A_120 : memref<80x64xf32, #tpu.memory_space<vmem_shared>>)
      %dma_start3A_121 = arith.constant 7 : i32
      %dma_start3A_122 = arith.constant 0 : i32
      %dma_start3A_123 = tpu.memref_slice %arg8[%dma_start3A_121, %dma_start3A_122] : memref<250x80xi32, #tpu.memory_space<vmem>> -> memref<1x80xi32, #tpu.memory_space<vmem>>
      %dma_start3A_124 = tpu.memref_squeeze %dma_start3A_123 : memref<1x80xi32, #tpu.memory_space<vmem>> -> memref<80xi32, #tpu.memory_space<vmem>>
      %dma_start3A_125 = arith.constant 0 : i32
      %dma_start3A_126 = arith.constant 0 : i32
      %dma_start3A_127 = tpu.memref_slice %arg2[%dma_start3A_125, %dma_start3A_126] : memref<10000x64xf32, #tpu.memory_space<hbm>> -> memref<10000x64xf32, #tpu.memory_space<hbm>>
      tpu.enqueue_indirect_dma source(%dma_start3A_127 : memref<10000x64xf32, #tpu.memory_space<hbm>>) target(%arg10 : memref<80x64xf32, #tpu.memory_space<vmem>>) offsets(%dma_start3A_124 : memref<80xi32, #tpu.memory_space<vmem>>) semaphore(%arg19 : memref<!tpu.dma_semaphore, #tpu.memory_space<semaphore_mem>>)
      %dma_wait3A_128 = arith.constant 0 : i32
      %dma_wait3A_129 = arith.constant 0 : i32
      %dma_wait3A_130 = tpu.memref_slice %arg2[%dma_wait3A_128, %dma_wait3A_129] : memref<10000x64xf32, #tpu.memory_space<hbm>> -> memref<80x64xf32, #tpu.memory_space<hbm>>
      %dma_wait3A_131 = arith.constant 0 : i32
      %dma_wait3A_132 = arith.constant 0 : i32
      %dma_wait3A_133 = tpu.memref_slice %arg2[%dma_wait3A_131, %dma_wait3A_132] : memref<10000x64xf32, #tpu.memory_space<hbm>> -> memref<80x64xf32, #tpu.memory_space<hbm>>
      tpu.wait_dma2 semaphore(%arg21 : memref<!tpu.dma_semaphore, #tpu.memory_space<semaphore_mem>>) src(%dma_wait3A_133 : memref<80x64xf32, #tpu.memory_space<hbm>>) dst(%arg12 : memref<80x64xf32, #tpu.memory_space<vmem>>)
      %dma_start3A_134 = arith.constant 2 : i32
      %dma_start3A_135 = arith.constant 0 : i32
      %dma_start3A_136 = tpu.memref_slice %arg9[%dma_start3A_134, %dma_start3A_135] : memref<250x80xi32, #tpu.memory_space<vmem>> -> memref<1x80xi32, #tpu.memory_space<vmem>>
      %dma_start3A_137 = tpu.memref_squeeze %dma_start3A_136 : memref<1x80xi32, #tpu.memory_space<vmem>> -> memref<80xi32, #tpu.memory_space<vmem>>
      %dma_start3A_138 = arith.constant 0 : i32
      %dma_start3A_139 = arith.constant 0 : i32
      %dma_start3A_140 = tpu.memref_slice %arg18[%dma_start3A_138, %dma_start3A_139] : memref<10000x64xf32, #tpu.memory_space<vmem_shared>> -> memref<10000x64xf32, #tpu.memory_space<vmem_shared>>
      tpu.enqueue_indirect_dma source(%arg12 : memref<80x64xf32, #tpu.memory_space<vmem>>) target(%dma_start3A_140 : memref<10000x64xf32, #tpu.memory_space<vmem_shared>>) offsets(%dma_start3A_137 : memref<80xi32, #tpu.memory_space<vmem>>) semaphore(%arg28 : memref<!tpu.dma_semaphore, #tpu.memory_space<semaphore_mem>>) {add = true}
      %dma_wait3A_141 = arith.constant 0 : i32
      %dma_wait3A_142 = arith.constant 0 : i32
      %dma_wait3A_143 = tpu.memref_slice %arg18[%dma_wait3A_141, %dma_wait3A_142] : memref<10000x64xf32, #tpu.memory_space<vmem_shared>> -> memref<80x64xf32, #tpu.memory_space<vmem_shared>>
      %dma_wait3A_144 = arith.constant 0 : i32
      %dma_wait3A_145 = arith.constant 0 : i32
      %dma_wait3A_146 = tpu.memref_slice %arg18[%dma_wait3A_144, %dma_wait3A_145] : memref<10000x64xf32, #tpu.memory_space<vmem_shared>> -> memref<80x64xf32, #tpu.memory_space<vmem_shared>>
      tpu.wait_dma2 semaphore(%arg27 : memref<!tpu.dma_semaphore, #tpu.memory_space<semaphore_mem>>) src(%arg11 : memref<80x64xf32, #tpu.memory_space<vmem>>) dst(%dma_wait3A_146 : memref<80x64xf32, #tpu.memory_space<vmem_shared>>)
      %dma_start3A_147 = arith.constant 8 : i32
      %dma_start3A_148 = arith.constant 0 : i32
      %dma_start3A_149 = tpu.memref_slice %arg8[%dma_start3A_147, %dma_start3A_148] : memref<250x80xi32, #tpu.memory_space<vmem>> -> memref<1x80xi32, #tpu.memory_space<vmem>>
      %dma_start3A_150 = tpu.memref_squeeze %dma_start3A_149 : memref<1x80xi32, #tpu.memory_space<vmem>> -> memref<80xi32, #tpu.memory_space<vmem>>
      %dma_start3A_151 = arith.constant 0 : i32
      %dma_start3A_152 = arith.constant 0 : i32
      %dma_start3A_153 = tpu.memref_slice %arg2[%dma_start3A_151, %dma_start3A_152] : memref<10000x64xf32, #tpu.memory_space<hbm>> -> memref<10000x64xf32, #tpu.memory_space<hbm>>
      tpu.enqueue_indirect_dma source(%dma_start3A_153 : memref<10000x64xf32, #tpu.memory_space<hbm>>) target(%arg11 : memref<80x64xf32, #tpu.memory_space<vmem>>) offsets(%dma_start3A_150 : memref<80xi32, #tpu.memory_space<vmem>>) semaphore(%arg20 : memref<!tpu.dma_semaphore, #tpu.memory_space<semaphore_mem>>)
      %dma_wait3A_154 = arith.constant 0 : i32
      %dma_wait3A_155 = arith.constant 0 : i32
      %dma_wait3A_156 = tpu.memref_slice %arg2[%dma_wait3A_154, %dma_wait3A_155] : memref<10000x64xf32, #tpu.memory_space<hbm>> -> memref<80x64xf32, #tpu.memory_space<hbm>>
      %dma_wait3A_157 = arith.constant 0 : i32
      %dma_wait3A_158 = arith.constant 0 : i32
      %dma_wait3A_159 = tpu.memref_slice %arg2[%dma_wait3A_157, %dma_wait3A_158] : memref<10000x64xf32, #tpu.memory_space<hbm>> -> memref<80x64xf32, #tpu.memory_space<hbm>>
      tpu.wait_dma2 semaphore(%arg22 : memref<!tpu.dma_semaphore, #tpu.memory_space<semaphore_mem>>) src(%dma_wait3A_159 : memref<80x64xf32, #tpu.memory_space<hbm>>) dst(%arg13 : memref<80x64xf32, #tpu.memory_space<vmem>>)
      %dma_start3A_160 = arith.constant 3 : i32
      %dma_start3A_161 = arith.constant 0 : i32
      %dma_start3A_162 = tpu.memref_slice %arg9[%dma_start3A_160, %dma_start3A_161] : memref<250x80xi32, #tpu.memory_space<vmem>> -> memref<1x80xi32, #tpu.memory_space<vmem>>
      %dma_start3A_163 = tpu.memref_squeeze %dma_start3A_162 : memref<1x80xi32, #tpu.memory_space<vmem>> -> memref<80xi32, #tpu.memory_space<vmem>>
      %dma_start3A_164 = arith.constant 0 : i32
      %dma_start3A_165 = arith.constant 0 : i32
      %dma_start3A_166 = tpu.memref_slice %arg18[%dma_start3A_164, %dma_start3A_165] : memref<10000x64xf32, #tpu.memory_space<vmem_shared>> -> memref<10000x64xf32, #tpu.memory_space<vmem_shared>>
      tpu.enqueue_indirect_dma source(%arg13 : memref<80x64xf32, #tpu.memory_space<vmem>>) target(%dma_start3A_166 : memref<10000x64xf32, #tpu.memory_space<vmem_shared>>) offsets(%dma_start3A_163 : memref<80xi32, #tpu.memory_space<vmem>>) semaphore(%arg29 : memref<!tpu.dma_semaphore, #tpu.memory_space<semaphore_mem>>) {add = true}
      %dma_wait3A_167 = arith.constant 0 : i32
      %dma_wait3A_168 = arith.constant 0 : i32
      %dma_wait3A_169 = tpu.memref_slice %arg18[%dma_wait3A_167, %dma_wait3A_168] : memref<10000x64xf32, #tpu.memory_space<vmem_shared>> -> memref<80x64xf32, #tpu.memory_space<vmem_shared>>
      %dma_wait3A_170 = arith.constant 0 : i32
      %dma_wait3A_171 = arith.constant 0 : i32
      %dma_wait3A_172 = tpu.memref_slice %arg18[%dma_wait3A_170, %dma_wait3A_171] : memref<10000x64xf32, #tpu.memory_space<vmem_shared>> -> memref<80x64xf32, #tpu.memory_space<vmem_shared>>
      tpu.wait_dma2 semaphore(%arg28 : memref<!tpu.dma_semaphore, #tpu.memory_space<semaphore_mem>>) src(%arg12 : memref<80x64xf32, #tpu.memory_space<vmem>>) dst(%dma_wait3A_172 : memref<80x64xf32, #tpu.memory_space<vmem_shared>>)
      %dma_start3A_173 = arith.constant 9 : i32
      %dma_start3A_174 = arith.constant 0 : i32
      %dma_start3A_175 = tpu.memref_slice %arg8[%dma_start3A_173, %dma_start3A_174] : memref<250x80xi32, #tpu.memory_space<vmem>> -> memref<1x80xi32, #tpu.memory_space<vmem>>
      %dma_start3A_176 = tpu.memref_squeeze %dma_start3A_175 : memref<1x80xi32, #tpu.memory_space<vmem>> -> memref<80xi32, #tpu.memory_space<vmem>>
      %dma_start3A_177 = arith.constant 0 : i32
      %dma_start3A_178 = arith.constant 0 : i32
      %dma_start3A_179 = tpu.memref_slice %arg2[%dma_start3A_177, %dma_start3A_178] : memref<10000x64xf32, #tpu.memory_space<hbm>> -> memref<10000x64xf32, #tpu.memory_space<hbm>>
      tpu.enqueue_indirect_dma source(%dma_start3A_179 : memref<10000x64xf32, #tpu.memory_space<hbm>>) target(%arg12 : memref<80x64xf32, #tpu.memory_space<vmem>>) offsets(%dma_start3A_176 : memref<80xi32, #tpu.memory_space<vmem>>) semaphore(%arg21 : memref<!tpu.dma_semaphore, #tpu.memory_space<semaphore_mem>>)
      %dma_wait3A_180 = arith.constant 0 : i32
      %dma_wait3A_181 = arith.constant 0 : i32
      %dma_wait3A_182 = tpu.memref_slice %arg2[%dma_wait3A_180, %dma_wait3A_181] : memref<10000x64xf32, #tpu.memory_space<hbm>> -> memref<80x64xf32, #tpu.memory_space<hbm>>
      %dma_wait3A_183 = arith.constant 0 : i32
      %dma_wait3A_184 = arith.constant 0 : i32
      %dma_wait3A_185 = tpu.memref_slice %arg2[%dma_wait3A_183, %dma_wait3A_184] : memref<10000x64xf32, #tpu.memory_space<hbm>> -> memref<80x64xf32, #tpu.memory_space<hbm>>
      tpu.wait_dma2 semaphore(%arg23 : memref<!tpu.dma_semaphore, #tpu.memory_space<semaphore_mem>>) src(%dma_wait3A_185 : memref<80x64xf32, #tpu.memory_space<hbm>>) dst(%arg14 : memref<80x64xf32, #tpu.memory_space<vmem>>)
      %dma_start3A_186 = arith.constant 4 : i32
      %dma_start3A_187 = arith.constant 0 : i32
      %dma_start3A_188 = tpu.memref_slice %arg9[%dma_start3A_186, %dma_start3A_187] : memref<250x80xi32, #tpu.memory_space<vmem>> -> memref<1x80xi32, #tpu.memory_space<vmem>>
      %dma_start3A_189 = tpu.memref_squeeze %dma_start3A_188 : memref<1x80xi32, #tpu.memory_space<vmem>> -> memref<80xi32, #tpu.memory_space<vmem>>
      %dma_start3A_190 = arith.constant 0 : i32
      %dma_start3A_191 = arith.constant 0 : i32
      %dma_start3A_192 = tpu.memref_slice %arg18[%dma_start3A_190, %dma_start3A_191] : memref<10000x64xf32, #tpu.memory_space<vmem_shared>> -> memref<10000x64xf32, #tpu.memory_space<vmem_shared>>
      tpu.enqueue_indirect_dma source(%arg14 : memref<80x64xf32, #tpu.memory_space<vmem>>) target(%dma_start3A_192 : memref<10000x64xf32, #tpu.memory_space<vmem_shared>>) offsets(%dma_start3A_189 : memref<80xi32, #tpu.memory_space<vmem>>) semaphore(%arg30 : memref<!tpu.dma_semaphore, #tpu.memory_space<semaphore_mem>>) {add = true}
      %dma_wait3A_193 = arith.constant 0 : i32
      %dma_wait3A_194 = arith.constant 0 : i32
      %dma_wait3A_195 = tpu.memref_slice %arg18[%dma_wait3A_193, %dma_wait3A_194] : memref<10000x64xf32, #tpu.memory_space<vmem_shared>> -> memref<80x64xf32, #tpu.memory_space<vmem_shared>>
      %dma_wait3A_196 = arith.constant 0 : i32
      %dma_wait3A_197 = arith.constant 0 : i32
      %dma_wait3A_198 = tpu.memref_slice %arg18[%dma_wait3A_196, %dma_wait3A_197] : memref<10000x64xf32, #tpu.memory_space<vmem_shared>> -> memref<80x64xf32, #tpu.memory_space<vmem_shared>>
      tpu.wait_dma2 semaphore(%arg29 : memref<!tpu.dma_semaphore, #tpu.memory_space<semaphore_mem>>) src(%arg13 : memref<80x64xf32, #tpu.memory_space<vmem>>) dst(%dma_wait3A_198 : memref<80x64xf32, #tpu.memory_space<vmem_shared>>)
      %dma_start3A_199 = arith.constant 10 : i32
      %dma_start3A_200 = arith.constant 0 : i32
      %dma_start3A_201 = tpu.memref_slice %arg8[%dma_start3A_199, %dma_start3A_200] : memref<250x80xi32, #tpu.memory_space<vmem>> -> memref<1x80xi32, #tpu.memory_space<vmem>>
      %dma_start3A_202 = tpu.memref_squeeze %dma_start3A_201 : memref<1x80xi32, #tpu.memory_space<vmem>> -> memref<80xi32, #tpu.memory_space<vmem>>
      %dma_start3A_203 = arith.constant 0 : i32
      %dma_start3A_204 = arith.constant 0 : i32
      %dma_start3A_205 = tpu.memref_slice %arg2[%dma_start3A_203, %dma_start3A_204] : memref<10000x64xf32, #tpu.memory_space<hbm>> -> memref<10000x64xf32, #tpu.memory_space<hbm>>
      tpu.enqueue_indirect_dma source(%dma_start3A_205 : memref<10000x64xf32, #tpu.memory_space<hbm>>) target(%arg13 : memref<80x64xf32, #tpu.memory_space<vmem>>) offsets(%dma_start3A_202 : memref<80xi32, #tpu.memory_space<vmem>>) semaphore(%arg22 : memref<!tpu.dma_semaphore, #tpu.memory_space<semaphore_mem>>)
      %dma_wait3A_206 = arith.constant 0 : i32
      %dma_wait3A_207 = arith.constant 0 : i32
      %dma_wait3A_208 = tpu.memref_slice %arg2[%dma_wait3A_206, %dma_wait3A_207] : memref<10000x64xf32, #tpu.memory_space<hbm>> -> memref<80x64xf32, #tpu.memory_space<hbm>>
      %dma_wait3A_209 = arith.constant 0 : i32
      %dma_wait3A_210 = arith.constant 0 : i32
      %dma_wait3A_211 = tpu.memref_slice %arg2[%dma_wait3A_209, %dma_wait3A_210] : memref<10000x64xf32, #tpu.memory_space<hbm>> -> memref<80x64xf32, #tpu.memory_space<hbm>>
      tpu.wait_dma2 semaphore(%arg24 : memref<!tpu.dma_semaphore, #tpu.memory_space<semaphore_mem>>) src(%dma_wait3A_211 : memref<80x64xf32, #tpu.memory_space<hbm>>) dst(%arg15 : memref<80x64xf32, #tpu.memory_space<vmem>>)
      %dma_start3A_212 = arith.constant 5 : i32
      %dma_start3A_213 = arith.constant 0 : i32
      %dma_start3A_214 = tpu.memref_slice %arg9[%dma_start3A_212, %dma_start3A_213] : memref<250x80xi32, #tpu.memory_space<vmem>> -> memref<1x80xi32, #tpu.memory_space<vmem>>
      %dma_start3A_215 = tpu.memref_squeeze %dma_start3A_214 : memref<1x80xi32, #tpu.memory_space<vmem>> -> memref<80xi32, #tpu.memory_space<vmem>>
      %dma_start3A_216 = arith.constant 0 : i32
      %dma_start3A_217 = arith.constant 0 : i32
      %dma_start3A_218 = tpu.memref_slice %arg18[%dma_start3A_216, %dma_start3A_217] : memref<10000x64xf32, #tpu.memory_space<vmem_shared>> -> memref<10000x64xf32, #tpu.memory_space<vmem_shared>>
      tpu.enqueue_indirect_dma source(%arg15 : memref<80x64xf32, #tpu.memory_space<vmem>>) target(%dma_start3A_218 : memref<10000x64xf32, #tpu.memory_space<vmem_shared>>) offsets(%dma_start3A_215 : memref<80xi32, #tpu.memory_space<vmem>>) semaphore(%arg31 : memref<!tpu.dma_semaphore, #tpu.memory_space<semaphore_mem>>) {add = true}
      %dma_wait3A_219 = arith.constant 0 : i32
      %dma_wait3A_220 = arith.constant 0 : i32
      %dma_wait3A_221 = tpu.memref_slice %arg18[%dma_wait3A_219, %dma_wait3A_220] : memref<10000x64xf32, #tpu.memory_space<vmem_shared>> -> memref<80x64xf32, #tpu.memory_space<vmem_shared>>
      %dma_wait3A_222 = arith.constant 0 : i32
      %dma_wait3A_223 = arith.constant 0 : i32
      %dma_wait3A_224 = tpu.memref_slice %arg18[%dma_wait3A_222, %dma_wait3A_223] : memref<10000x64xf32, #tpu.memory_space<vmem_shared>> -> memref<80x64xf32, #tpu.memory_space<vmem_shared>>
      tpu.wait_dma2 semaphore(%arg30 : memref<!tpu.dma_semaphore, #tpu.memory_space<semaphore_mem>>) src(%arg14 : memref<80x64xf32, #tpu.memory_space<vmem>>) dst(%dma_wait3A_224 : memref<80x64xf32, #tpu.memory_space<vmem_shared>>)
      %dma_start3A_225 = arith.constant 11 : i32
      %dma_start3A_226 = arith.constant 0 : i32
      %dma_start3A_227 = tpu.memref_slice %arg8[%dma_start3A_225, %dma_start3A_226] : memref<250x80xi32, #tpu.memory_space<vmem>> -> memref<1x80xi32, #tpu.memory_space<vmem>>
      %dma_start3A_228 = tpu.memref_squeeze %dma_start3A_227 : memref<1x80xi32, #tpu.memory_space<vmem>> -> memref<80xi32, #tpu.memory_space<vmem>>
      %dma_start3A_229 = arith.constant 0 : i32
      %dma_start3A_230 = arith.constant 0 : i32
      %dma_start3A_231 = tpu.memref_slice %arg2[%dma_start3A_229, %dma_start3A_230] : memref<10000x64xf32, #tpu.memory_space<hbm>> -> memref<10000x64xf32, #tpu.memory_space<hbm>>
      tpu.enqueue_indirect_dma source(%dma_start3A_231 : memref<10000x64xf32, #tpu.memory_space<hbm>>) target(%arg14 : memref<80x64xf32, #tpu.memory_space<vmem>>) offsets(%dma_start3A_228 : memref<80xi32, #tpu.memory_space<vmem>>) semaphore(%arg23 : memref<!tpu.dma_semaphore, #tpu.memory_space<semaphore_mem>>)
      %dma_wait3A_232 = arith.constant 0 : i32
      %dma_wait3A_233 = arith.constant 0 : i32
      %dma_wait3A_234 = tpu.memref_slice %arg2[%dma_wait3A_232, %dma_wait3A_233] : memref<10000x64xf32, #tpu.memory_space<hbm>> -> memref<80x64xf32, #tpu.memory_space<hbm>>
      %dma_wait3A_235 = arith.constant 0 : i32
      %dma_wait3A_236 = arith.constant 0 : i32
      %dma_wait3A_237 = tpu.memref_slice %arg2[%dma_wait3A_235, %dma_wait3A_236] : memref<10000x64xf32, #tpu.memory_space<hbm>> -> memref<80x64xf32, #tpu.memory_space<hbm>>
      tpu.wait_dma2 semaphore(%arg25 : memref<!tpu.dma_semaphore, #tpu.memory_space<semaphore_mem>>) src(%dma_wait3A_237 : memref<80x64xf32, #tpu.memory_space<hbm>>) dst(%arg16 : memref<80x64xf32, #tpu.memory_space<vmem>>)
      %dma_start3A_238 = arith.constant 6 : i32
      %dma_start3A_239 = arith.constant 0 : i32
      %dma_start3A_240 = tpu.memref_slice %arg9[%dma_start3A_238, %dma_start3A_239] : memref<250x80xi32, #tpu.memory_space<vmem>> -> memref<1x80xi32, #tpu.memory_space<vmem>>
      %dma_start3A_241 = tpu.memref_squeeze %dma_start3A_240 : memref<1x80xi32, #tpu.memory_space<vmem>> -> memref<80xi32, #tpu.memory_space<vmem>>
      %dma_start3A_242 = arith.constant 0 : i32
      %dma_start3A_243 = arith.constant 0 : i32
      %dma_start3A_244 = tpu.memref_slice %arg18[%dma_start3A_242, %dma_start3A_243] : memref<10000x64xf32, #tpu.memory_space<vmem_shared>> -> memref<10000x64xf32, #tpu.memory_space<vmem_shared>>
      tpu.enqueue_indirect_dma source(%arg16 : memref<80x64xf32, #tpu.memory_space<vmem>>) target(%dma_start3A_244 : memref<10000x64xf32, #tpu.memory_space<vmem_shared>>) offsets(%dma_start3A_241 : memref<80xi32, #tpu.memory_space<vmem>>) semaphore(%arg32 : memref<!tpu.dma_semaphore, #tpu.memory_space<semaphore_mem>>) {add = true}
      %scan3A_245 = arith.constant 0 : i32
      %scan3A_246 = arith.constant 1 : i32
      %scan3A_247 = arith.constant 34 : i32
      %scan3A_248 = arith.addi %scan3A_246, %scan3A_247 : i32
      %scan3A_249 = arith.constant 1 : i32
      scf.for %scan3A_358 = %scan3A_246 to %scan3A_248 step %scan3A_249  : i32 {
        %mul3A_359 = arith.constant 7 : i32
        %mul3A_360 = arith.muli %scan3A_358, %mul3A_359 : i32
        %dma_wait3A_361 = arith.constant 0 : i32
        %dma_wait3A_362 = arith.constant 0 : i32
        %dma_wait3A_363 = tpu.memref_slice %arg18[%dma_wait3A_361, %dma_wait3A_362] : memref<10000x64xf32, #tpu.memory_space<vmem_shared>> -> memref<80x64xf32, #tpu.memory_space<vmem_shared>>
        %dma_wait3A_364 = arith.constant 0 : i32
        %dma_wait3A_365 = arith.constant 0 : i32
        %dma_wait3A_366 = tpu.memref_slice %arg18[%dma_wait3A_364, %dma_wait3A_365] : memref<10000x64xf32, #tpu.memory_space<vmem_shared>> -> memref<80x64xf32, #tpu.memory_space<vmem_shared>>
        tpu.wait_dma2 semaphore(%arg31 : memref<!tpu.dma_semaphore, #tpu.memory_space<semaphore_mem>>) src(%arg15 : memref<80x64xf32, #tpu.memory_space<vmem>>) dst(%dma_wait3A_366 : memref<80x64xf32, #tpu.memory_space<vmem_shared>>)
        %add3A_367 = arith.constant 0 : i32
        %add3A_368 = arith.addi %mul3A_360, %add3A_367 : i32
        %add3A_369 = arith.constant 5 : i32
        %add3A_370 = arith.addi %add3A_368, %add3A_369 : i32
        %dma_start3A_371 = arith.constant 0 : i32
        %dma_start3A_372 = tpu.memref_slice %arg8[%add3A_370, %dma_start3A_371] : memref<250x80xi32, #tpu.memory_space<vmem>> -> memref<1x80xi32, #tpu.memory_space<vmem>>
        %dma_start3A_373 = tpu.memref_squeeze %dma_start3A_372 : memref<1x80xi32, #tpu.memory_space<vmem>> -> memref<80xi32, #tpu.memory_space<vmem>>
        %dma_start3A_374 = arith.constant 0 : i32
        %dma_start3A_375 = arith.constant 0 : i32
        %dma_start3A_376 = tpu.memref_slice %arg2[%dma_start3A_374, %dma_start3A_375] : memref<10000x64xf32, #tpu.memory_space<hbm>> -> memref<10000x64xf32, #tpu.memory_space<hbm>>
        tpu.enqueue_indirect_dma source(%dma_start3A_376 : memref<10000x64xf32, #tpu.memory_space<hbm>>) target(%arg15 : memref<80x64xf32, #tpu.memory_space<vmem>>) offsets(%dma_start3A_373 : memref<80xi32, #tpu.memory_space<vmem>>) semaphore(%arg24 : memref<!tpu.dma_semaphore, #tpu.memory_space<semaphore_mem>>)
        %dma_wait3A_377 = arith.constant 0 : i32
        %dma_wait3A_378 = arith.constant 0 : i32
        %dma_wait3A_379 = tpu.memref_slice %arg2[%dma_wait3A_377, %dma_wait3A_378] : memref<10000x64xf32, #tpu.memory_space<hbm>> -> memref<80x64xf32, #tpu.memory_space<hbm>>
        %dma_wait3A_380 = arith.constant 0 : i32
        %dma_wait3A_381 = arith.constant 0 : i32
        %dma_wait3A_382 = tpu.memref_slice %arg2[%dma_wait3A_380, %dma_wait3A_381] : memref<10000x64xf32, #tpu.memory_space<hbm>> -> memref<80x64xf32, #tpu.memory_space<hbm>>
        tpu.wait_dma2 semaphore(%arg19 : memref<!tpu.dma_semaphore, #tpu.memory_space<semaphore_mem>>) src(%dma_wait3A_382 : memref<80x64xf32, #tpu.memory_space<hbm>>) dst(%arg10 : memref<80x64xf32, #tpu.memory_space<vmem>>)
        %add3A_383 = arith.constant 0 : i32
        %add3A_384 = arith.addi %mul3A_360, %add3A_383 : i32
        %dma_start3A_385 = arith.constant 0 : i32
        %dma_start3A_386 = tpu.memref_slice %arg9[%add3A_384, %dma_start3A_385] : memref<250x80xi32, #tpu.memory_space<vmem>> -> memref<1x80xi32, #tpu.memory_space<vmem>>
        %dma_start3A_387 = tpu.memref_squeeze %dma_start3A_386 : memref<1x80xi32, #tpu.memory_space<vmem>> -> memref<80xi32, #tpu.memory_space<vmem>>
        %dma_start3A_388 = arith.constant 0 : i32
        %dma_start3A_389 = arith.constant 0 : i32
        %dma_start3A_390 = tpu.memref_slice %arg18[%dma_start3A_388, %dma_start3A_389] : memref<10000x64xf32, #tpu.memory_space<vmem_shared>> -> memref<10000x64xf32, #tpu.memory_space<vmem_shared>>
        tpu.enqueue_indirect_dma source(%arg10 : memref<80x64xf32, #tpu.memory_space<vmem>>) target(%dma_start3A_390 : memref<10000x64xf32, #tpu.memory_space<vmem_shared>>) offsets(%dma_start3A_387 : memref<80xi32, #tpu.memory_space<vmem>>) semaphore(%arg26 : memref<!tpu.dma_semaphore, #tpu.memory_space<semaphore_mem>>) {add = true}
        %dma_wait3A_391 = arith.constant 0 : i32
        %dma_wait3A_392 = arith.constant 0 : i32
        %dma_wait3A_393 = tpu.memref_slice %arg18[%dma_wait3A_391, %dma_wait3A_392] : memref<10000x64xf32, #tpu.memory_space<vmem_shared>> -> memref<80x64xf32, #tpu.memory_space<vmem_shared>>
        %dma_wait3A_394 = arith.constant 0 : i32
        %dma_wait3A_395 = arith.constant 0 : i32
        %dma_wait3A_396 = tpu.memref_slice %arg18[%dma_wait3A_394, %dma_wait3A_395] : memref<10000x64xf32, #tpu.memory_space<vmem_shared>> -> memref<80x64xf32, #tpu.memory_space<vmem_shared>>
        tpu.wait_dma2 semaphore(%arg32 : memref<!tpu.dma_semaphore, #tpu.memory_space<semaphore_mem>>) src(%arg16 : memref<80x64xf32, #tpu.memory_space<vmem>>) dst(%dma_wait3A_396 : memref<80x64xf32, #tpu.memory_space<vmem_shared>>)
        %add3A_397 = arith.constant 1 : i32
        %add3A_398 = arith.addi %mul3A_360, %add3A_397 : i32
        %add3A_399 = arith.constant 5 : i32
        %add3A_400 = arith.addi %add3A_398, %add3A_399 : i32
        %dma_start3A_401 = arith.constant 0 : i32
        %dma_start3A_402 = tpu.memref_slice %arg8[%add3A_400, %dma_start3A_401] : memref<250x80xi32, #tpu.memory_space<vmem>> -> memref<1x80xi32, #tpu.memory_space<vmem>>
        %dma_start3A_403 = tpu.memref_squeeze %dma_start3A_402 : memref<1x80xi32, #tpu.memory_space<vmem>> -> memref<80xi32, #tpu.memory_space<vmem>>
        %dma_start3A_404 = arith.constant 0 : i32
        %dma_start3A_405 = arith.constant 0 : i32
        %dma_start3A_406 = tpu.memref_slice %arg2[%dma_start3A_404, %dma_start3A_405] : memref<10000x64xf32, #tpu.memory_space<hbm>> -> memref<10000x64xf32, #tpu.memory_space<hbm>>
        tpu.enqueue_indirect_dma source(%dma_start3A_406 : memref<10000x64xf32, #tpu.memory_space<hbm>>) target(%arg16 : memref<80x64xf32, #tpu.memory_space<vmem>>) offsets(%dma_start3A_403 : memref<80xi32, #tpu.memory_space<vmem>>) semaphore(%arg25 : memref<!tpu.dma_semaphore, #tpu.memory_space<semaphore_mem>>)
        %dma_wait3A_407 = arith.constant 0 : i32
        %dma_wait3A_408 = arith.constant 0 : i32
        %dma_wait3A_409 = tpu.memref_slice %arg2[%dma_wait3A_407, %dma_wait3A_408] : memref<10000x64xf32, #tpu.memory_space<hbm>> -> memref<80x64xf32, #tpu.memory_space<hbm>>
        %dma_wait3A_410 = arith.constant 0 : i32
        %dma_wait3A_411 = arith.constant 0 : i32
        %dma_wait3A_412 = tpu.memref_slice %arg2[%dma_wait3A_410, %dma_wait3A_411] : memref<10000x64xf32, #tpu.memory_space<hbm>> -> memref<80x64xf32, #tpu.memory_space<hbm>>
        tpu.wait_dma2 semaphore(%arg20 : memref<!tpu.dma_semaphore, #tpu.memory_space<semaphore_mem>>) src(%dma_wait3A_412 : memref<80x64xf32, #tpu.memory_space<hbm>>) dst(%arg11 : memref<80x64xf32, #tpu.memory_space<vmem>>)
        %add3A_413 = arith.constant 1 : i32
        %add3A_414 = arith.addi %mul3A_360, %add3A_413 : i32
        %dma_start3A_415 = arith.constant 0 : i32
        %dma_start3A_416 = tpu.memref_slice %arg9[%add3A_414, %dma_start3A_415] : memref<250x80xi32, #tpu.memory_space<vmem>> -> memref<1x80xi32, #tpu.memory_space<vmem>>
        %dma_start3A_417 = tpu.memref_squeeze %dma_start3A_416 : memref<1x80xi32, #tpu.memory_space<vmem>> -> memref<80xi32, #tpu.memory_space<vmem>>
        %dma_start3A_418 = arith.constant 0 : i32
        %dma_start3A_419 = arith.constant 0 : i32
        %dma_start3A_420 = tpu.memref_slice %arg18[%dma_start3A_418, %dma_start3A_419] : memref<10000x64xf32, #tpu.memory_space<vmem_shared>> -> memref<10000x64xf32, #tpu.memory_space<vmem_shared>>
        tpu.enqueue_indirect_dma source(%arg11 : memref<80x64xf32, #tpu.memory_space<vmem>>) target(%dma_start3A_420 : memref<10000x64xf32, #tpu.memory_space<vmem_shared>>) offsets(%dma_start3A_417 : memref<80xi32, #tpu.memory_space<vmem>>) semaphore(%arg27 : memref<!tpu.dma_semaphore, #tpu.memory_space<semaphore_mem>>) {add = true}
        %dma_wait3A_421 = arith.constant 0 : i32
        %dma_wait3A_422 = arith.constant 0 : i32
        %dma_wait3A_423 = tpu.memref_slice %arg18[%dma_wait3A_421, %dma_wait3A_422] : memref<10000x64xf32, #tpu.memory_space<vmem_shared>> -> memref<80x64xf32, #tpu.memory_space<vmem_shared>>
        %dma_wait3A_424 = arith.constant 0 : i32
        %dma_wait3A_425 = arith.constant 0 : i32
        %dma_wait3A_426 = tpu.memref_slice %arg18[%dma_wait3A_424, %dma_wait3A_425] : memref<10000x64xf32, #tpu.memory_space<vmem_shared>> -> memref<80x64xf32, #tpu.memory_space<vmem_shared>>
        tpu.wait_dma2 semaphore(%arg26 : memref<!tpu.dma_semaphore, #tpu.memory_space<semaphore_mem>>) src(%arg10 : memref<80x64xf32, #tpu.memory_space<vmem>>) dst(%dma_wait3A_426 : memref<80x64xf32, #tpu.memory_space<vmem_shared>>)
        %add3A_427 = arith.constant 2 : i32
        %add3A_428 = arith.addi %mul3A_360, %add3A_427 : i32
        %add3A_429 = arith.constant 5 : i32
        %add3A_430 = arith.addi %add3A_428, %add3A_429 : i32
        %dma_start3A_431 = arith.constant 0 : i32
        %dma_start3A_432 = tpu.memref_slice %arg8[%add3A_430, %dma_start3A_431] : memref<250x80xi32, #tpu.memory_space<vmem>> -> memref<1x80xi32, #tpu.memory_space<vmem>>
        %dma_start3A_433 = tpu.memref_squeeze %dma_start3A_432 : memref<1x80xi32, #tpu.memory_space<vmem>> -> memref<80xi32, #tpu.memory_space<vmem>>
        %dma_start3A_434 = arith.constant 0 : i32
        %dma_start3A_435 = arith.constant 0 : i32
        %dma_start3A_436 = tpu.memref_slice %arg2[%dma_start3A_434, %dma_start3A_435] : memref<10000x64xf32, #tpu.memory_space<hbm>> -> memref<10000x64xf32, #tpu.memory_space<hbm>>
        tpu.enqueue_indirect_dma source(%dma_start3A_436 : memref<10000x64xf32, #tpu.memory_space<hbm>>) target(%arg10 : memref<80x64xf32, #tpu.memory_space<vmem>>) offsets(%dma_start3A_433 : memref<80xi32, #tpu.memory_space<vmem>>) semaphore(%arg19 : memref<!tpu.dma_semaphore, #tpu.memory_space<semaphore_mem>>)
        %dma_wait3A_437 = arith.constant 0 : i32
        %dma_wait3A_438 = arith.constant 0 : i32
        %dma_wait3A_439 = tpu.memref_slice %arg2[%dma_wait3A_437, %dma_wait3A_438] : memref<10000x64xf32, #tpu.memory_space<hbm>> -> memref<80x64xf32, #tpu.memory_space<hbm>>
        %dma_wait3A_440 = arith.constant 0 : i32
        %dma_wait3A_441 = arith.constant 0 : i32
        %dma_wait3A_442 = tpu.memref_slice %arg2[%dma_wait3A_440, %dma_wait3A_441] : memref<10000x64xf32, #tpu.memory_space<hbm>> -> memref<80x64xf32, #tpu.memory_space<hbm>>
        tpu.wait_dma2 semaphore(%arg21 : memref<!tpu.dma_semaphore, #tpu.memory_space<semaphore_mem>>) src(%dma_wait3A_442 : memref<80x64xf32, #tpu.memory_space<hbm>>) dst(%arg12 : memref<80x64xf32, #tpu.memory_space<vmem>>)
        %add3A_443 = arith.constant 2 : i32
        %add3A_444 = arith.addi %mul3A_360, %add3A_443 : i32
        %dma_start3A_445 = arith.constant 0 : i32
        %dma_start3A_446 = tpu.memref_slice %arg9[%add3A_444, %dma_start3A_445] : memref<250x80xi32, #tpu.memory_space<vmem>> -> memref<1x80xi32, #tpu.memory_space<vmem>>
        %dma_start3A_447 = tpu.memref_squeeze %dma_start3A_446 : memref<1x80xi32, #tpu.memory_space<vmem>> -> memref<80xi32, #tpu.memory_space<vmem>>
        %dma_start3A_448 = arith.constant 0 : i32
        %dma_start3A_449 = arith.constant 0 : i32
        %dma_start3A_450 = tpu.memref_slice %arg18[%dma_start3A_448, %dma_start3A_449] : memref<10000x64xf32, #tpu.memory_space<vmem_shared>> -> memref<10000x64xf32, #tpu.memory_space<vmem_shared>>
        tpu.enqueue_indirect_dma source(%arg12 : memref<80x64xf32, #tpu.memory_space<vmem>>) target(%dma_start3A_450 : memref<10000x64xf32, #tpu.memory_space<vmem_shared>>) offsets(%dma_start3A_447 : memref<80xi32, #tpu.memory_space<vmem>>) semaphore(%arg28 : memref<!tpu.dma_semaphore, #tpu.memory_space<semaphore_mem>>) {add = true}
        %dma_wait3A_451 = arith.constant 0 : i32
        %dma_wait3A_452 = arith.constant 0 : i32
        %dma_wait3A_453 = tpu.memref_slice %arg18[%dma_wait3A_451, %dma_wait3A_452] : memref<10000x64xf32, #tpu.memory_space<vmem_shared>> -> memref<80x64xf32, #tpu.memory_space<vmem_shared>>
        %dma_wait3A_454 = arith.constant 0 : i32
        %dma_wait3A_455 = arith.constant 0 : i32
        %dma_wait3A_456 = tpu.memref_slice %arg18[%dma_wait3A_454, %dma_wait3A_455] : memref<10000x64xf32, #tpu.memory_space<vmem_shared>> -> memref<80x64xf32, #tpu.memory_space<vmem_shared>>
        tpu.wait_dma2 semaphore(%arg27 : memref<!tpu.dma_semaphore, #tpu.memory_space<semaphore_mem>>) src(%arg11 : memref<80x64xf32, #tpu.memory_space<vmem>>) dst(%dma_wait3A_456 : memref<80x64xf32, #tpu.memory_space<vmem_shared>>)
        %add3A_457 = arith.constant 3 : i32
        %add3A_458 = arith.addi %mul3A_360, %add3A_457 : i32
        %add3A_459 = arith.constant 5 : i32
        %add3A_460 = arith.addi %add3A_458, %add3A_459 : i32
        %dma_start3A_461 = arith.constant 0 : i32
        %dma_start3A_462 = tpu.memref_slice %arg8[%add3A_460, %dma_start3A_461] : memref<250x80xi32, #tpu.memory_space<vmem>> -> memref<1x80xi32, #tpu.memory_space<vmem>>
        %dma_start3A_463 = tpu.memref_squeeze %dma_start3A_462 : memref<1x80xi32, #tpu.memory_space<vmem>> -> memref<80xi32, #tpu.memory_space<vmem>>
        %dma_start3A_464 = arith.constant 0 : i32
        %dma_start3A_465 = arith.constant 0 : i32
        %dma_start3A_466 = tpu.memref_slice %arg2[%dma_start3A_464, %dma_start3A_465] : memref<10000x64xf32, #tpu.memory_space<hbm>> -> memref<10000x64xf32, #tpu.memory_space<hbm>>
        tpu.enqueue_indirect_dma source(%dma_start3A_466 : memref<10000x64xf32, #tpu.memory_space<hbm>>) target(%arg11 : memref<80x64xf32, #tpu.memory_space<vmem>>) offsets(%dma_start3A_463 : memref<80xi32, #tpu.memory_space<vmem>>) semaphore(%arg20 : memref<!tpu.dma_semaphore, #tpu.memory_space<semaphore_mem>>)
        %dma_wait3A_467 = arith.constant 0 : i32
        %dma_wait3A_468 = arith.constant 0 : i32
        %dma_wait3A_469 = tpu.memref_slice %arg2[%dma_wait3A_467, %dma_wait3A_468] : memref<10000x64xf32, #tpu.memory_space<hbm>> -> memref<80x64xf32, #tpu.memory_space<hbm>>
        %dma_wait3A_470 = arith.constant 0 : i32
        %dma_wait3A_471 = arith.constant 0 : i32
        %dma_wait3A_472 = tpu.memref_slice %arg2[%dma_wait3A_470, %dma_wait3A_471] : memref<10000x64xf32, #tpu.memory_space<hbm>> -> memref<80x64xf32, #tpu.memory_space<hbm>>
        tpu.wait_dma2 semaphore(%arg22 : memref<!tpu.dma_semaphore, #tpu.memory_space<semaphore_mem>>) src(%dma_wait3A_472 : memref<80x64xf32, #tpu.memory_space<hbm>>) dst(%arg13 : memref<80x64xf32, #tpu.memory_space<vmem>>)
        %add3A_473 = arith.constant 3 : i32
        %add3A_474 = arith.addi %mul3A_360, %add3A_473 : i32
        %dma_start3A_475 = arith.constant 0 : i32
        %dma_start3A_476 = tpu.memref_slice %arg9[%add3A_474, %dma_start3A_475] : memref<250x80xi32, #tpu.memory_space<vmem>> -> memref<1x80xi32, #tpu.memory_space<vmem>>
        %dma_start3A_477 = tpu.memref_squeeze %dma_start3A_476 : memref<1x80xi32, #tpu.memory_space<vmem>> -> memref<80xi32, #tpu.memory_space<vmem>>
        %dma_start3A_478 = arith.constant 0 : i32
        %dma_start3A_479 = arith.constant 0 : i32
        %dma_start3A_480 = tpu.memref_slice %arg18[%dma_start3A_478, %dma_start3A_479] : memref<10000x64xf32, #tpu.memory_space<vmem_shared>> -> memref<10000x64xf32, #tpu.memory_space<vmem_shared>>
        tpu.enqueue_indirect_dma source(%arg13 : memref<80x64xf32, #tpu.memory_space<vmem>>) target(%dma_start3A_480 : memref<10000x64xf32, #tpu.memory_space<vmem_shared>>) offsets(%dma_start3A_477 : memref<80xi32, #tpu.memory_space<vmem>>) semaphore(%arg29 : memref<!tpu.dma_semaphore, #tpu.memory_space<semaphore_mem>>) {add = true}
        %dma_wait3A_481 = arith.constant 0 : i32
        %dma_wait3A_482 = arith.constant 0 : i32
        %dma_wait3A_483 = tpu.memref_slice %arg18[%dma_wait3A_481, %dma_wait3A_482] : memref<10000x64xf32, #tpu.memory_space<vmem_shared>> -> memref<80x64xf32, #tpu.memory_space<vmem_shared>>
        %dma_wait3A_484 = arith.constant 0 : i32
        %dma_wait3A_485 = arith.constant 0 : i32
        %dma_wait3A_486 = tpu.memref_slice %arg18[%dma_wait3A_484, %dma_wait3A_485] : memref<10000x64xf32, #tpu.memory_space<vmem_shared>> -> memref<80x64xf32, #tpu.memory_space<vmem_shared>>
        tpu.wait_dma2 semaphore(%arg28 : memref<!tpu.dma_semaphore, #tpu.memory_space<semaphore_mem>>) src(%arg12 : memref<80x64xf32, #tpu.memory_space<vmem>>) dst(%dma_wait3A_486 : memref<80x64xf32, #tpu.memory_space<vmem_shared>>)
        %add3A_487 = arith.constant 4 : i32
        %add3A_488 = arith.addi %mul3A_360, %add3A_487 : i32
        %add3A_489 = arith.constant 5 : i32
        %add3A_490 = arith.addi %add3A_488, %add3A_489 : i32
        %dma_start3A_491 = arith.constant 0 : i32
        %dma_start3A_492 = tpu.memref_slice %arg8[%add3A_490, %dma_start3A_491] : memref<250x80xi32, #tpu.memory_space<vmem>> -> memref<1x80xi32, #tpu.memory_space<vmem>>
        %dma_start3A_493 = tpu.memref_squeeze %dma_start3A_492 : memref<1x80xi32, #tpu.memory_space<vmem>> -> memref<80xi32, #tpu.memory_space<vmem>>
        %dma_start3A_494 = arith.constant 0 : i32
        %dma_start3A_495 = arith.constant 0 : i32
        %dma_start3A_496 = tpu.memref_slice %arg2[%dma_start3A_494, %dma_start3A_495] : memref<10000x64xf32, #tpu.memory_space<hbm>> -> memref<10000x64xf32, #tpu.memory_space<hbm>>
        tpu.enqueue_indirect_dma source(%dma_start3A_496 : memref<10000x64xf32, #tpu.memory_space<hbm>>) target(%arg12 : memref<80x64xf32, #tpu.memory_space<vmem>>) offsets(%dma_start3A_493 : memref<80xi32, #tpu.memory_space<vmem>>) semaphore(%arg21 : memref<!tpu.dma_semaphore, #tpu.memory_space<semaphore_mem>>)
        %dma_wait3A_497 = arith.constant 0 : i32
        %dma_wait3A_498 = arith.constant 0 : i32
        %dma_wait3A_499 = tpu.memref_slice %arg2[%dma_wait3A_497, %dma_wait3A_498] : memref<10000x64xf32, #tpu.memory_space<hbm>> -> memref<80x64xf32, #tpu.memory_space<hbm>>
        %dma_wait3A_500 = arith.constant 0 : i32
        %dma_wait3A_501 = arith.constant 0 : i32
        %dma_wait3A_502 = tpu.memref_slice %arg2[%dma_wait3A_500, %dma_wait3A_501] : memref<10000x64xf32, #tpu.memory_space<hbm>> -> memref<80x64xf32, #tpu.memory_space<hbm>>
        tpu.wait_dma2 semaphore(%arg23 : memref<!tpu.dma_semaphore, #tpu.memory_space<semaphore_mem>>) src(%dma_wait3A_502 : memref<80x64xf32, #tpu.memory_space<hbm>>) dst(%arg14 : memref<80x64xf32, #tpu.memory_space<vmem>>)
        %add3A_503 = arith.constant 4 : i32
        %add3A_504 = arith.addi %mul3A_360, %add3A_503 : i32
        %dma_start3A_505 = arith.constant 0 : i32
        %dma_start3A_506 = tpu.memref_slice %arg9[%add3A_504, %dma_start3A_505] : memref<250x80xi32, #tpu.memory_space<vmem>> -> memref<1x80xi32, #tpu.memory_space<vmem>>
        %dma_start3A_507 = tpu.memref_squeeze %dma_start3A_506 : memref<1x80xi32, #tpu.memory_space<vmem>> -> memref<80xi32, #tpu.memory_space<vmem>>
        %dma_start3A_508 = arith.constant 0 : i32
        %dma_start3A_509 = arith.constant 0 : i32
        %dma_start3A_510 = tpu.memref_slice %arg18[%dma_start3A_508, %dma_start3A_509] : memref<10000x64xf32, #tpu.memory_space<vmem_shared>> -> memref<10000x64xf32, #tpu.memory_space<vmem_shared>>
        tpu.enqueue_indirect_dma source(%arg14 : memref<80x64xf32, #tpu.memory_space<vmem>>) target(%dma_start3A_510 : memref<10000x64xf32, #tpu.memory_space<vmem_shared>>) offsets(%dma_start3A_507 : memref<80xi32, #tpu.memory_space<vmem>>) semaphore(%arg30 : memref<!tpu.dma_semaphore, #tpu.memory_space<semaphore_mem>>) {add = true}
        %dma_wait3A_511 = arith.constant 0 : i32
        %dma_wait3A_512 = arith.constant 0 : i32
        %dma_wait3A_513 = tpu.memref_slice %arg18[%dma_wait3A_511, %dma_wait3A_512] : memref<10000x64xf32, #tpu.memory_space<vmem_shared>> -> memref<80x64xf32, #tpu.memory_space<vmem_shared>>
        %dma_wait3A_514 = arith.constant 0 : i32
        %dma_wait3A_515 = arith.constant 0 : i32
        %dma_wait3A_516 = tpu.memref_slice %arg18[%dma_wait3A_514, %dma_wait3A_515] : memref<10000x64xf32, #tpu.memory_space<vmem_shared>> -> memref<80x64xf32, #tpu.memory_space<vmem_shared>>
        tpu.wait_dma2 semaphore(%arg29 : memref<!tpu.dma_semaphore, #tpu.memory_space<semaphore_mem>>) src(%arg13 : memref<80x64xf32, #tpu.memory_space<vmem>>) dst(%dma_wait3A_516 : memref<80x64xf32, #tpu.memory_space<vmem_shared>>)
        %add3A_517 = arith.constant 5 : i32
        %add3A_518 = arith.addi %mul3A_360, %add3A_517 : i32
        %add3A_519 = arith.constant 5 : i32
        %add3A_520 = arith.addi %add3A_518, %add3A_519 : i32
        %dma_start3A_521 = arith.constant 0 : i32
        %dma_start3A_522 = tpu.memref_slice %arg8[%add3A_520, %dma_start3A_521] : memref<250x80xi32, #tpu.memory_space<vmem>> -> memref<1x80xi32, #tpu.memory_space<vmem>>
        %dma_start3A_523 = tpu.memref_squeeze %dma_start3A_522 : memref<1x80xi32, #tpu.memory_space<vmem>> -> memref<80xi32, #tpu.memory_space<vmem>>
        %dma_start3A_524 = arith.constant 0 : i32
        %dma_start3A_525 = arith.constant 0 : i32
        %dma_start3A_526 = tpu.memref_slice %arg2[%dma_start3A_524, %dma_start3A_525] : memref<10000x64xf32, #tpu.memory_space<hbm>> -> memref<10000x64xf32, #tpu.memory_space<hbm>>
        tpu.enqueue_indirect_dma source(%dma_start3A_526 : memref<10000x64xf32, #tpu.memory_space<hbm>>) target(%arg13 : memref<80x64xf32, #tpu.memory_space<vmem>>) offsets(%dma_start3A_523 : memref<80xi32, #tpu.memory_space<vmem>>) semaphore(%arg22 : memref<!tpu.dma_semaphore, #tpu.memory_space<semaphore_mem>>)
        %dma_wait3A_527 = arith.constant 0 : i32
        %dma_wait3A_528 = arith.constant 0 : i32
        %dma_wait3A_529 = tpu.memref_slice %arg2[%dma_wait3A_527, %dma_wait3A_528] : memref<10000x64xf32, #tpu.memory_space<hbm>> -> memref<80x64xf32, #tpu.memory_space<hbm>>
        %dma_wait3A_530 = arith.constant 0 : i32
        %dma_wait3A_531 = arith.constant 0 : i32
        %dma_wait3A_532 = tpu.memref_slice %arg2[%dma_wait3A_530, %dma_wait3A_531] : memref<10000x64xf32, #tpu.memory_space<hbm>> -> memref<80x64xf32, #tpu.memory_space<hbm>>
        tpu.wait_dma2 semaphore(%arg24 : memref<!tpu.dma_semaphore, #tpu.memory_space<semaphore_mem>>) src(%dma_wait3A_532 : memref<80x64xf32, #tpu.memory_space<hbm>>) dst(%arg15 : memref<80x64xf32, #tpu.memory_space<vmem>>)
        %add3A_533 = arith.constant 5 : i32
        %add3A_534 = arith.addi %mul3A_360, %add3A_533 : i32
        %dma_start3A_535 = arith.constant 0 : i32
        %dma_start3A_536 = tpu.memref_slice %arg9[%add3A_534, %dma_start3A_535] : memref<250x80xi32, #tpu.memory_space<vmem>> -> memref<1x80xi32, #tpu.memory_space<vmem>>
        %dma_start3A_537 = tpu.memref_squeeze %dma_start3A_536 : memref<1x80xi32, #tpu.memory_space<vmem>> -> memref<80xi32, #tpu.memory_space<vmem>>
        %dma_start3A_538 = arith.constant 0 : i32
        %dma_start3A_539 = arith.constant 0 : i32
        %dma_start3A_540 = tpu.memref_slice %arg18[%dma_start3A_538, %dma_start3A_539] : memref<10000x64xf32, #tpu.memory_space<vmem_shared>> -> memref<10000x64xf32, #tpu.memory_space<vmem_shared>>
        tpu.enqueue_indirect_dma source(%arg15 : memref<80x64xf32, #tpu.memory_space<vmem>>) target(%dma_start3A_540 : memref<10000x64xf32, #tpu.memory_space<vmem_shared>>) offsets(%dma_start3A_537 : memref<80xi32, #tpu.memory_space<vmem>>) semaphore(%arg31 : memref<!tpu.dma_semaphore, #tpu.memory_space<semaphore_mem>>) {add = true}
        %dma_wait3A_541 = arith.constant 0 : i32
        %dma_wait3A_542 = arith.constant 0 : i32
        %dma_wait3A_543 = tpu.memref_slice %arg18[%dma_wait3A_541, %dma_wait3A_542] : memref<10000x64xf32, #tpu.memory_space<vmem_shared>> -> memref<80x64xf32, #tpu.memory_space<vmem_shared>>
        %dma_wait3A_544 = arith.constant 0 : i32
        %dma_wait3A_545 = arith.constant 0 : i32
        %dma_wait3A_546 = tpu.memref_slice %arg18[%dma_wait3A_544, %dma_wait3A_545] : memref<10000x64xf32, #tpu.memory_space<vmem_shared>> -> memref<80x64xf32, #tpu.memory_space<vmem_shared>>
        tpu.wait_dma2 semaphore(%arg30 : memref<!tpu.dma_semaphore, #tpu.memory_space<semaphore_mem>>) src(%arg14 : memref<80x64xf32, #tpu.memory_space<vmem>>) dst(%dma_wait3A_546 : memref<80x64xf32, #tpu.memory_space<vmem_shared>>)
        %add3A_547 = arith.constant 6 : i32
        %add3A_548 = arith.addi %mul3A_360, %add3A_547 : i32
        %add3A_549 = arith.constant 5 : i32
        %add3A_550 = arith.addi %add3A_548, %add3A_549 : i32
        %dma_start3A_551 = arith.constant 0 : i32
        %dma_start3A_552 = tpu.memref_slice %arg8[%add3A_550, %dma_start3A_551] : memref<250x80xi32, #tpu.memory_space<vmem>> -> memref<1x80xi32, #tpu.memory_space<vmem>>
        %dma_start3A_553 = tpu.memref_squeeze %dma_start3A_552 : memref<1x80xi32, #tpu.memory_space<vmem>> -> memref<80xi32, #tpu.memory_space<vmem>>
        %dma_start3A_554 = arith.constant 0 : i32
        %dma_start3A_555 = arith.constant 0 : i32
        %dma_start3A_556 = tpu.memref_slice %arg2[%dma_start3A_554, %dma_start3A_555] : memref<10000x64xf32, #tpu.memory_space<hbm>> -> memref<10000x64xf32, #tpu.memory_space<hbm>>
        tpu.enqueue_indirect_dma source(%dma_start3A_556 : memref<10000x64xf32, #tpu.memory_space<hbm>>) target(%arg14 : memref<80x64xf32, #tpu.memory_space<vmem>>) offsets(%dma_start3A_553 : memref<80xi32, #tpu.memory_space<vmem>>) semaphore(%arg23 : memref<!tpu.dma_semaphore, #tpu.memory_space<semaphore_mem>>)
        %dma_wait3A_557 = arith.constant 0 : i32
        %dma_wait3A_558 = arith.constant 0 : i32
        %dma_wait3A_559 = tpu.memref_slice %arg2[%dma_wait3A_557, %dma_wait3A_558] : memref<10000x64xf32, #tpu.memory_space<hbm>> -> memref<80x64xf32, #tpu.memory_space<hbm>>
        %dma_wait3A_560 = arith.constant 0 : i32
        %dma_wait3A_561 = arith.constant 0 : i32
        %dma_wait3A_562 = tpu.memref_slice %arg2[%dma_wait3A_560, %dma_wait3A_561] : memref<10000x64xf32, #tpu.memory_space<hbm>> -> memref<80x64xf32, #tpu.memory_space<hbm>>
        tpu.wait_dma2 semaphore(%arg25 : memref<!tpu.dma_semaphore, #tpu.memory_space<semaphore_mem>>) src(%dma_wait3A_562 : memref<80x64xf32, #tpu.memory_space<hbm>>) dst(%arg16 : memref<80x64xf32, #tpu.memory_space<vmem>>)
        %add3A_563 = arith.constant 6 : i32
        %add3A_564 = arith.addi %mul3A_360, %add3A_563 : i32
        %dma_start3A_565 = arith.constant 0 : i32
        %dma_start3A_566 = tpu.memref_slice %arg9[%add3A_564, %dma_start3A_565] : memref<250x80xi32, #tpu.memory_space<vmem>> -> memref<1x80xi32, #tpu.memory_space<vmem>>
        %dma_start3A_567 = tpu.memref_squeeze %dma_start3A_566 : memref<1x80xi32, #tpu.memory_space<vmem>> -> memref<80xi32, #tpu.memory_space<vmem>>
        %dma_start3A_568 = arith.constant 0 : i32
        %dma_start3A_569 = arith.constant 0 : i32
        %dma_start3A_570 = tpu.memref_slice %arg18[%dma_start3A_568, %dma_start3A_569] : memref<10000x64xf32, #tpu.memory_space<vmem_shared>> -> memref<10000x64xf32, #tpu.memory_space<vmem_shared>>
        tpu.enqueue_indirect_dma source(%arg16 : memref<80x64xf32, #tpu.memory_space<vmem>>) target(%dma_start3A_570 : memref<10000x64xf32, #tpu.memory_space<vmem_shared>>) offsets(%dma_start3A_567 : memref<80xi32, #tpu.memory_space<vmem>>) semaphore(%arg32 : memref<!tpu.dma_semaphore, #tpu.memory_space<semaphore_mem>>) {add = true}
      }
      %scan3A_250 = arith.constant 34 : i32
      %dma_wait3A_251 = arith.constant 0 : i32
      %dma_wait3A_252 = arith.constant 0 : i32
      %dma_wait3A_253 = tpu.memref_slice %arg2[%dma_wait3A_251, %dma_wait3A_252] : memref<10000x64xf32, #tpu.memory_space<hbm>> -> memref<80x64xf32, #tpu.memory_space<hbm>>
      %dma_wait3A_254 = arith.constant 0 : i32
      %dma_wait3A_255 = arith.constant 0 : i32
      %dma_wait3A_256 = tpu.memref_slice %arg2[%dma_wait3A_254, %dma_wait3A_255] : memref<10000x64xf32, #tpu.memory_space<hbm>> -> memref<80x64xf32, #tpu.memory_space<hbm>>
      tpu.wait_dma2 semaphore(%arg19 : memref<!tpu.dma_semaphore, #tpu.memory_space<semaphore_mem>>) src(%dma_wait3A_256 : memref<80x64xf32, #tpu.memory_space<hbm>>) dst(%arg10 : memref<80x64xf32, #tpu.memory_space<vmem>>)
      %dma_start3A_257 = arith.constant 245 : i32
      %dma_start3A_258 = arith.constant 0 : i32
      %dma_start3A_259 = tpu.memref_slice %arg9[%dma_start3A_257, %dma_start3A_258] : memref<250x80xi32, #tpu.memory_space<vmem>> -> memref<1x80xi32, #tpu.memory_space<vmem>>
      %dma_start3A_260 = tpu.memref_squeeze %dma_start3A_259 : memref<1x80xi32, #tpu.memory_space<vmem>> -> memref<80xi32, #tpu.memory_space<vmem>>
      %dma_start3A_261 = arith.constant 0 : i32
      %dma_start3A_262 = arith.constant 0 : i32
      %dma_start3A_263 = tpu.memref_slice %arg18[%dma_start3A_261, %dma_start3A_262] : memref<10000x64xf32, #tpu.memory_space<vmem_shared>> -> memref<10000x64xf32, #tpu.memory_space<vmem_shared>>
      tpu.enqueue_indirect_dma source(%arg10 : memref<80x64xf32, #tpu.memory_space<vmem>>) target(%dma_start3A_263 : memref<10000x64xf32, #tpu.memory_space<vmem_shared>>) offsets(%dma_start3A_260 : memref<80xi32, #tpu.memory_space<vmem>>) semaphore(%arg26 : memref<!tpu.dma_semaphore, #tpu.memory_space<semaphore_mem>>) {add = true}
      %dma_wait3A_264 = arith.constant 0 : i32
      %dma_wait3A_265 = arith.constant 0 : i32
      %dma_wait3A_266 = tpu.memref_slice %arg2[%dma_wait3A_264, %dma_wait3A_265] : memref<10000x64xf32, #tpu.memory_space<hbm>> -> memref<80x64xf32, #tpu.memory_space<hbm>>
      %dma_wait3A_267 = arith.constant 0 : i32
      %dma_wait3A_268 = arith.constant 0 : i32
      %dma_wait3A_269 = tpu.memref_slice %arg2[%dma_wait3A_267, %dma_wait3A_268] : memref<10000x64xf32, #tpu.memory_space<hbm>> -> memref<80x64xf32, #tpu.memory_space<hbm>>
      tpu.wait_dma2 semaphore(%arg20 : memref<!tpu.dma_semaphore, #tpu.memory_space<semaphore_mem>>) src(%dma_wait3A_269 : memref<80x64xf32, #tpu.memory_space<hbm>>) dst(%arg11 : memref<80x64xf32, #tpu.memory_space<vmem>>)
      %dma_start3A_270 = arith.constant 246 : i32
      %dma_start3A_271 = arith.constant 0 : i32
      %dma_start3A_272 = tpu.memref_slice %arg9[%dma_start3A_270, %dma_start3A_271] : memref<250x80xi32, #tpu.memory_space<vmem>> -> memref<1x80xi32, #tpu.memory_space<vmem>>
      %dma_start3A_273 = tpu.memref_squeeze %dma_start3A_272 : memref<1x80xi32, #tpu.memory_space<vmem>> -> memref<80xi32, #tpu.memory_space<vmem>>
      %dma_start3A_274 = arith.constant 0 : i32
      %dma_start3A_275 = arith.constant 0 : i32
      %dma_start3A_276 = tpu.memref_slice %arg18[%dma_start3A_274, %dma_start3A_275] : memref<10000x64xf32, #tpu.memory_space<vmem_shared>> -> memref<10000x64xf32, #tpu.memory_space<vmem_shared>>
      tpu.enqueue_indirect_dma source(%arg11 : memref<80x64xf32, #tpu.memory_space<vmem>>) target(%dma_start3A_276 : memref<10000x64xf32, #tpu.memory_space<vmem_shared>>) offsets(%dma_start3A_273 : memref<80xi32, #tpu.memory_space<vmem>>) semaphore(%arg27 : memref<!tpu.dma_semaphore, #tpu.memory_space<semaphore_mem>>) {add = true}
      %dma_wait3A_277 = arith.constant 0 : i32
      %dma_wait3A_278 = arith.constant 0 : i32
      %dma_wait3A_279 = tpu.memref_slice %arg2[%dma_wait3A_277, %dma_wait3A_278] : memref<10000x64xf32, #tpu.memory_space<hbm>> -> memref<80x64xf32, #tpu.memory_space<hbm>>
      %dma_wait3A_280 = arith.constant 0 : i32
      %dma_wait3A_281 = arith.constant 0 : i32
      %dma_wait3A_282 = tpu.memref_slice %arg2[%dma_wait3A_280, %dma_wait3A_281] : memref<10000x64xf32, #tpu.memory_space<hbm>> -> memref<80x64xf32, #tpu.memory_space<hbm>>
      tpu.wait_dma2 semaphore(%arg21 : memref<!tpu.dma_semaphore, #tpu.memory_space<semaphore_mem>>) src(%dma_wait3A_282 : memref<80x64xf32, #tpu.memory_space<hbm>>) dst(%arg12 : memref<80x64xf32, #tpu.memory_space<vmem>>)
      %dma_start3A_283 = arith.constant 247 : i32
      %dma_start3A_284 = arith.constant 0 : i32
      %dma_start3A_285 = tpu.memref_slice %arg9[%dma_start3A_283, %dma_start3A_284] : memref<250x80xi32, #tpu.memory_space<vmem>> -> memref<1x80xi32, #tpu.memory_space<vmem>>
      %dma_start3A_286 = tpu.memref_squeeze %dma_start3A_285 : memref<1x80xi32, #tpu.memory_space<vmem>> -> memref<80xi32, #tpu.memory_space<vmem>>
      %dma_start3A_287 = arith.constant 0 : i32
      %dma_start3A_288 = arith.constant 0 : i32
      %dma_start3A_289 = tpu.memref_slice %arg18[%dma_start3A_287, %dma_start3A_288] : memref<10000x64xf32, #tpu.memory_space<vmem_shared>> -> memref<10000x64xf32, #tpu.memory_space<vmem_shared>>
      tpu.enqueue_indirect_dma source(%arg12 : memref<80x64xf32, #tpu.memory_space<vmem>>) target(%dma_start3A_289 : memref<10000x64xf32, #tpu.memory_space<vmem_shared>>) offsets(%dma_start3A_286 : memref<80xi32, #tpu.memory_space<vmem>>) semaphore(%arg28 : memref<!tpu.dma_semaphore, #tpu.memory_space<semaphore_mem>>) {add = true}
      %dma_wait3A_290 = arith.constant 0 : i32
      %dma_wait3A_291 = arith.constant 0 : i32
      %dma_wait3A_292 = tpu.memref_slice %arg2[%dma_wait3A_290, %dma_wait3A_291] : memref<10000x64xf32, #tpu.memory_space<hbm>> -> memref<80x64xf32, #tpu.memory_space<hbm>>
      %dma_wait3A_293 = arith.constant 0 : i32
      %dma_wait3A_294 = arith.constant 0 : i32
      %dma_wait3A_295 = tpu.memref_slice %arg2[%dma_wait3A_293, %dma_wait3A_294] : memref<10000x64xf32, #tpu.memory_space<hbm>> -> memref<80x64xf32, #tpu.memory_space<hbm>>
      tpu.wait_dma2 semaphore(%arg22 : memref<!tpu.dma_semaphore, #tpu.memory_space<semaphore_mem>>) src(%dma_wait3A_295 : memref<80x64xf32, #tpu.memory_space<hbm>>) dst(%arg13 : memref<80x64xf32, #tpu.memory_space<vmem>>)
      %dma_start3A_296 = arith.constant 248 : i32
      %dma_start3A_297 = arith.constant 0 : i32
      %dma_start3A_298 = tpu.memref_slice %arg9[%dma_start3A_296, %dma_start3A_297] : memref<250x80xi32, #tpu.memory_space<vmem>> -> memref<1x80xi32, #tpu.memory_space<vmem>>
      %dma_start3A_299 = tpu.memref_squeeze %dma_start3A_298 : memref<1x80xi32, #tpu.memory_space<vmem>> -> memref<80xi32, #tpu.memory_space<vmem>>
      %dma_start3A_300 = arith.constant 0 : i32
      %dma_start3A_301 = arith.constant 0 : i32
      %dma_start3A_302 = tpu.memref_slice %arg18[%dma_start3A_300, %dma_start3A_301] : memref<10000x64xf32, #tpu.memory_space<vmem_shared>> -> memref<10000x64xf32, #tpu.memory_space<vmem_shared>>
      tpu.enqueue_indirect_dma source(%arg13 : memref<80x64xf32, #tpu.memory_space<vmem>>) target(%dma_start3A_302 : memref<10000x64xf32, #tpu.memory_space<vmem_shared>>) offsets(%dma_start3A_299 : memref<80xi32, #tpu.memory_space<vmem>>) semaphore(%arg29 : memref<!tpu.dma_semaphore, #tpu.memory_space<semaphore_mem>>) {add = true}
      %dma_wait3A_303 = arith.constant 0 : i32
      %dma_wait3A_304 = arith.constant 0 : i32
      %dma_wait3A_305 = tpu.memref_slice %arg2[%dma_wait3A_303, %dma_wait3A_304] : memref<10000x64xf32, #tpu.memory_space<hbm>> -> memref<80x64xf32, #tpu.memory_space<hbm>>
      %dma_wait3A_306 = arith.constant 0 : i32
      %dma_wait3A_307 = arith.constant 0 : i32
      %dma_wait3A_308 = tpu.memref_slice %arg2[%dma_wait3A_306, %dma_wait3A_307] : memref<10000x64xf32, #tpu.memory_space<hbm>> -> memref<80x64xf32, #tpu.memory_space<hbm>>
      tpu.wait_dma2 semaphore(%arg23 : memref<!tpu.dma_semaphore, #tpu.memory_space<semaphore_mem>>) src(%dma_wait3A_308 : memref<80x64xf32, #tpu.memory_space<hbm>>) dst(%arg14 : memref<80x64xf32, #tpu.memory_space<vmem>>)
      %dma_start3A_309 = arith.constant 249 : i32
      %dma_start3A_310 = arith.constant 0 : i32
      %dma_start3A_311 = tpu.memref_slice %arg9[%dma_start3A_309, %dma_start3A_310] : memref<250x80xi32, #tpu.memory_space<vmem>> -> memref<1x80xi32, #tpu.memory_space<vmem>>
      %dma_start3A_312 = tpu.memref_squeeze %dma_start3A_311 : memref<1x80xi32, #tpu.memory_space<vmem>> -> memref<80xi32, #tpu.memory_space<vmem>>
      %dma_start3A_313 = arith.constant 0 : i32
      %dma_start3A_314 = arith.constant 0 : i32
      %dma_start3A_315 = tpu.memref_slice %arg18[%dma_start3A_313, %dma_start3A_314] : memref<10000x64xf32, #tpu.memory_space<vmem_shared>> -> memref<10000x64xf32, #tpu.memory_space<vmem_shared>>
      tpu.enqueue_indirect_dma source(%arg14 : memref<80x64xf32, #tpu.memory_space<vmem>>) target(%dma_start3A_315 : memref<10000x64xf32, #tpu.memory_space<vmem_shared>>) offsets(%dma_start3A_312 : memref<80xi32, #tpu.memory_space<vmem>>) semaphore(%arg30 : memref<!tpu.dma_semaphore, #tpu.memory_space<semaphore_mem>>) {add = true}
      %dma_wait3A_316 = arith.constant 0 : i32
      %dma_wait3A_317 = arith.constant 0 : i32
      %dma_wait3A_318 = tpu.memref_slice %arg18[%dma_wait3A_316, %dma_wait3A_317] : memref<10000x64xf32, #tpu.memory_space<vmem_shared>> -> memref<80x64xf32, #tpu.memory_space<vmem_shared>>
      %dma_wait3A_319 = arith.constant 0 : i32
      %dma_wait3A_320 = arith.constant 0 : i32
      %dma_wait3A_321 = tpu.memref_slice %arg18[%dma_wait3A_319, %dma_wait3A_320] : memref<10000x64xf32, #tpu.memory_space<vmem_shared>> -> memref<80x64xf32, #tpu.memory_space<vmem_shared>>
      tpu.wait_dma2 semaphore(%arg26 : memref<!tpu.dma_semaphore, #tpu.memory_space<semaphore_mem>>) src(%arg10 : memref<80x64xf32, #tpu.memory_space<vmem>>) dst(%dma_wait3A_321 : memref<80x64xf32, #tpu.memory_space<vmem_shared>>)
      %dma_wait3A_322 = arith.constant 0 : i32
      %dma_wait3A_323 = arith.constant 0 : i32
      %dma_wait3A_324 = tpu.memref_slice %arg18[%dma_wait3A_322, %dma_wait3A_323] : memref<10000x64xf32, #tpu.memory_space<vmem_shared>> -> memref<80x64xf32, #tpu.memory_space<vmem_shared>>
      %dma_wait3A_325 = arith.constant 0 : i32
      %dma_wait3A_326 = arith.constant 0 : i32
      %dma_wait3A_327 = tpu.memref_slice %arg18[%dma_wait3A_325, %dma_wait3A_326] : memref<10000x64xf32, #tpu.memory_space<vmem_shared>> -> memref<80x64xf32, #tpu.memory_space<vmem_shared>>
      tpu.wait_dma2 semaphore(%arg27 : memref<!tpu.dma_semaphore, #tpu.memory_space<semaphore_mem>>) src(%arg11 : memref<80x64xf32, #tpu.memory_space<vmem>>) dst(%dma_wait3A_327 : memref<80x64xf32, #tpu.memory_space<vmem_shared>>)
      %dma_wait3A_328 = arith.constant 0 : i32
      %dma_wait3A_329 = arith.constant 0 : i32
      %dma_wait3A_330 = tpu.memref_slice %arg18[%dma_wait3A_328, %dma_wait3A_329] : memref<10000x64xf32, #tpu.memory_space<vmem_shared>> -> memref<80x64xf32, #tpu.memory_space<vmem_shared>>
      %dma_wait3A_331 = arith.constant 0 : i32
      %dma_wait3A_332 = arith.constant 0 : i32
      %dma_wait3A_333 = tpu.memref_slice %arg18[%dma_wait3A_331, %dma_wait3A_332] : memref<10000x64xf32, #tpu.memory_space<vmem_shared>> -> memref<80x64xf32, #tpu.memory_space<vmem_shared>>
      tpu.wait_dma2 semaphore(%arg28 : memref<!tpu.dma_semaphore, #tpu.memory_space<semaphore_mem>>) src(%arg12 : memref<80x64xf32, #tpu.memory_space<vmem>>) dst(%dma_wait3A_333 : memref<80x64xf32, #tpu.memory_space<vmem_shared>>)
      %dma_wait3A_334 = arith.constant 0 : i32
      %dma_wait3A_335 = arith.constant 0 : i32
      %dma_wait3A_336 = tpu.memref_slice %arg18[%dma_wait3A_334, %dma_wait3A_335] : memref<10000x64xf32, #tpu.memory_space<vmem_shared>> -> memref<80x64xf32, #tpu.memory_space<vmem_shared>>
      %dma_wait3A_337 = arith.constant 0 : i32
      %dma_wait3A_338 = arith.constant 0 : i32
      %dma_wait3A_339 = tpu.memref_slice %arg18[%dma_wait3A_337, %dma_wait3A_338] : memref<10000x64xf32, #tpu.memory_space<vmem_shared>> -> memref<80x64xf32, #tpu.memory_space<vmem_shared>>
      tpu.wait_dma2 semaphore(%arg29 : memref<!tpu.dma_semaphore, #tpu.memory_space<semaphore_mem>>) src(%arg13 : memref<80x64xf32, #tpu.memory_space<vmem>>) dst(%dma_wait3A_339 : memref<80x64xf32, #tpu.memory_space<vmem_shared>>)
      %dma_wait3A_340 = arith.constant 0 : i32
      %dma_wait3A_341 = arith.constant 0 : i32
      %dma_wait3A_342 = tpu.memref_slice %arg18[%dma_wait3A_340, %dma_wait3A_341] : memref<10000x64xf32, #tpu.memory_space<vmem_shared>> -> memref<80x64xf32, #tpu.memory_space<vmem_shared>>
      %dma_wait3A_343 = arith.constant 0 : i32
      %dma_wait3A_344 = arith.constant 0 : i32
      %dma_wait3A_345 = tpu.memref_slice %arg18[%dma_wait3A_343, %dma_wait3A_344] : memref<10000x64xf32, #tpu.memory_space<vmem_shared>> -> memref<80x64xf32, #tpu.memory_space<vmem_shared>>
      tpu.wait_dma2 semaphore(%arg30 : memref<!tpu.dma_semaphore, #tpu.memory_space<semaphore_mem>>) src(%arg14 : memref<80x64xf32, #tpu.memory_space<vmem>>) dst(%dma_wait3A_345 : memref<80x64xf32, #tpu.memory_space<vmem_shared>>)
      %dma_wait3A_346 = arith.constant 0 : i32
      %dma_wait3A_347 = arith.constant 0 : i32
      %dma_wait3A_348 = tpu.memref_slice %arg18[%dma_wait3A_346, %dma_wait3A_347] : memref<10000x64xf32, #tpu.memory_space<vmem_shared>> -> memref<80x64xf32, #tpu.memory_space<vmem_shared>>
      %dma_wait3A_349 = arith.constant 0 : i32
      %dma_wait3A_350 = arith.constant 0 : i32
      %dma_wait3A_351 = tpu.memref_slice %arg18[%dma_wait3A_349, %dma_wait3A_350] : memref<10000x64xf32, #tpu.memory_space<vmem_shared>> -> memref<80x64xf32, #tpu.memory_space<vmem_shared>>
      tpu.wait_dma2 semaphore(%arg31 : memref<!tpu.dma_semaphore, #tpu.memory_space<semaphore_mem>>) src(%arg15 : memref<80x64xf32, #tpu.memory_space<vmem>>) dst(%dma_wait3A_351 : memref<80x64xf32, #tpu.memory_space<vmem_shared>>)
      %dma_wait3A_352 = arith.constant 0 : i32
      %dma_wait3A_353 = arith.constant 0 : i32
      %dma_wait3A_354 = tpu.memref_slice %arg18[%dma_wait3A_352, %dma_wait3A_353] : memref<10000x64xf32, #tpu.memory_space<vmem_shared>> -> memref<80x64xf32, #tpu.memory_space<vmem_shared>>
      %dma_wait3A_355 = arith.constant 0 : i32
      %dma_wait3A_356 = arith.constant 0 : i32
      %dma_wait3A_357 = tpu.memref_slice %arg18[%dma_wait3A_355, %dma_wait3A_356] : memref<10000x64xf32, #tpu.memory_space<vmem_shared>> -> memref<80x64xf32, #tpu.memory_space<vmem_shared>>
      tpu.wait_dma2 semaphore(%arg32 : memref<!tpu.dma_semaphore, #tpu.memory_space<semaphore_mem>>) src(%arg16 : memref<80x64xf32, #tpu.memory_space<vmem>>) dst(%dma_wait3A_357 : memref<80x64xf32, #tpu.memory_space<vmem_shared>>)
    } else {
    }
    %eq3A_26 = arith.constant 1 : i32
    %eq3A_27 = arith.cmpi eq, %arg0, %eq3A_26 : i32
    %convert_element_type3A_28 = arith.extui %eq3A_27 : i1 to i32
    %cond3A_29 = arith.constant 0 : i32
    %cond3A_30 = arith.cmpi ne, %convert_element_type3A_28, %cond3A_29 : i32
    scf.if %cond3A_30 {
      %dma_start3A = arith.constant 0 : i32
      %dma_start3A_42 = arith.constant 0 : i32
      %dma_start3A_43 = tpu.memref_slice %arg8[%dma_start3A, %dma_start3A_42] : memref<250x80xi32, #tpu.memory_space<vmem>> -> memref<1x80xi32, #tpu.memory_space<vmem>>
      %dma_start3A_44 = tpu.memref_squeeze %dma_start3A_43 : memref<1x80xi32, #tpu.memory_space<vmem>> -> memref<80xi32, #tpu.memory_space<vmem>>
      %dma_start3A_45 = arith.constant 0 : i32
      %dma_start3A_46 = arith.constant 0 : i32
      %dma_start3A_47 = tpu.memref_slice %arg3[%dma_start3A_45, %dma_start3A_46] : memref<10000x64xf32, #tpu.memory_space<hbm>> -> memref<10000x64xf32, #tpu.memory_space<hbm>>
      tpu.enqueue_indirect_dma source(%dma_start3A_47 : memref<10000x64xf32, #tpu.memory_space<hbm>>) target(%arg10 : memref<80x64xf32, #tpu.memory_space<vmem>>) offsets(%dma_start3A_44 : memref<80xi32, #tpu.memory_space<vmem>>) semaphore(%arg19 : memref<!tpu.dma_semaphore, #tpu.memory_space<semaphore_mem>>)
      %dma_start3A_48 = arith.constant 1 : i32
      %dma_start3A_49 = arith.constant 0 : i32
      %dma_start3A_50 = tpu.memref_slice %arg8[%dma_start3A_48, %dma_start3A_49] : memref<250x80xi32, #tpu.memory_space<vmem>> -> memref<1x80xi32, #tpu.memory_space<vmem>>
      %dma_start3A_51 = tpu.memref_squeeze %dma_start3A_50 : memref<1x80xi32, #tpu.memory_space<vmem>> -> memref<80xi32, #tpu.memory_space<vmem>>
      %dma_start3A_52 = arith.constant 0 : i32
      %dma_start3A_53 = arith.constant 0 : i32
      %dma_start3A_54 = tpu.memref_slice %arg3[%dma_start3A_52, %dma_start3A_53] : memref<10000x64xf32, #tpu.memory_space<hbm>> -> memref<10000x64xf32, #tpu.memory_space<hbm>>
      tpu.enqueue_indirect_dma source(%dma_start3A_54 : memref<10000x64xf32, #tpu.memory_space<hbm>>) target(%arg11 : memref<80x64xf32, #tpu.memory_space<vmem>>) offsets(%dma_start3A_51 : memref<80xi32, #tpu.memory_space<vmem>>) semaphore(%arg20 : memref<!tpu.dma_semaphore, #tpu.memory_space<semaphore_mem>>)
      %dma_start3A_55 = arith.constant 2 : i32
      %dma_start3A_56 = arith.constant 0 : i32
      %dma_start3A_57 = tpu.memref_slice %arg8[%dma_start3A_55, %dma_start3A_56] : memref<250x80xi32, #tpu.memory_space<vmem>> -> memref<1x80xi32, #tpu.memory_space<vmem>>
      %dma_start3A_58 = tpu.memref_squeeze %dma_start3A_57 : memref<1x80xi32, #tpu.memory_space<vmem>> -> memref<80xi32, #tpu.memory_space<vmem>>
      %dma_start3A_59 = arith.constant 0 : i32
      %dma_start3A_60 = arith.constant 0 : i32
      %dma_start3A_61 = tpu.memref_slice %arg3[%dma_start3A_59, %dma_start3A_60] : memref<10000x64xf32, #tpu.memory_space<hbm>> -> memref<10000x64xf32, #tpu.memory_space<hbm>>
      tpu.enqueue_indirect_dma source(%dma_start3A_61 : memref<10000x64xf32, #tpu.memory_space<hbm>>) target(%arg12 : memref<80x64xf32, #tpu.memory_space<vmem>>) offsets(%dma_start3A_58 : memref<80xi32, #tpu.memory_space<vmem>>) semaphore(%arg21 : memref<!tpu.dma_semaphore, #tpu.memory_space<semaphore_mem>>)
      %dma_start3A_62 = arith.constant 3 : i32
      %dma_start3A_63 = arith.constant 0 : i32
      %dma_start3A_64 = tpu.memref_slice %arg8[%dma_start3A_62, %dma_start3A_63] : memref<250x80xi32, #tpu.memory_space<vmem>> -> memref<1x80xi32, #tpu.memory_space<vmem>>
      %dma_start3A_65 = tpu.memref_squeeze %dma_start3A_64 : memref<1x80xi32, #tpu.memory_space<vmem>> -> memref<80xi32, #tpu.memory_space<vmem>>
      %dma_start3A_66 = arith.constant 0 : i32
      %dma_start3A_67 = arith.constant 0 : i32
      %dma_start3A_68 = tpu.memref_slice %arg3[%dma_start3A_66, %dma_start3A_67] : memref<10000x64xf32, #tpu.memory_space<hbm>> -> memref<10000x64xf32, #tpu.memory_space<hbm>>
      tpu.enqueue_indirect_dma source(%dma_start3A_68 : memref<10000x64xf32, #tpu.memory_space<hbm>>) target(%arg13 : memref<80x64xf32, #tpu.memory_space<vmem>>) offsets(%dma_start3A_65 : memref<80xi32, #tpu.memory_space<vmem>>) semaphore(%arg22 : memref<!tpu.dma_semaphore, #tpu.memory_space<semaphore_mem>>)
      %dma_start3A_69 = arith.constant 4 : i32
      %dma_start3A_70 = arith.constant 0 : i32
      %dma_start3A_71 = tpu.memref_slice %arg8[%dma_start3A_69, %dma_start3A_70] : memref<250x80xi32, #tpu.memory_space<vmem>> -> memref<1x80xi32, #tpu.memory_space<vmem>>
      %dma_start3A_72 = tpu.memref_squeeze %dma_start3A_71 : memref<1x80xi32, #tpu.memory_space<vmem>> -> memref<80xi32, #tpu.memory_space<vmem>>
      %dma_start3A_73 = arith.constant 0 : i32
      %dma_start3A_74 = arith.constant 0 : i32
      %dma_start3A_75 = tpu.memref_slice %arg3[%dma_start3A_73, %dma_start3A_74] : memref<10000x64xf32, #tpu.memory_space<hbm>> -> memref<10000x64xf32, #tpu.memory_space<hbm>>
      tpu.enqueue_indirect_dma source(%dma_start3A_75 : memref<10000x64xf32, #tpu.memory_space<hbm>>) target(%arg14 : memref<80x64xf32, #tpu.memory_space<vmem>>) offsets(%dma_start3A_72 : memref<80xi32, #tpu.memory_space<vmem>>) semaphore(%arg23 : memref<!tpu.dma_semaphore, #tpu.memory_space<semaphore_mem>>)
      %dma_start3A_76 = arith.constant 5 : i32
      %dma_start3A_77 = arith.constant 0 : i32
      %dma_start3A_78 = tpu.memref_slice %arg8[%dma_start3A_76, %dma_start3A_77] : memref<250x80xi32, #tpu.memory_space<vmem>> -> memref<1x80xi32, #tpu.memory_space<vmem>>
      %dma_start3A_79 = tpu.memref_squeeze %dma_start3A_78 : memref<1x80xi32, #tpu.memory_space<vmem>> -> memref<80xi32, #tpu.memory_space<vmem>>
      %dma_start3A_80 = arith.constant 0 : i32
      %dma_start3A_81 = arith.constant 0 : i32
      %dma_start3A_82 = tpu.memref_slice %arg3[%dma_start3A_80, %dma_start3A_81] : memref<10000x64xf32, #tpu.memory_space<hbm>> -> memref<10000x64xf32, #tpu.memory_space<hbm>>
      tpu.enqueue_indirect_dma source(%dma_start3A_82 : memref<10000x64xf32, #tpu.memory_space<hbm>>) target(%arg15 : memref<80x64xf32, #tpu.memory_space<vmem>>) offsets(%dma_start3A_79 : memref<80xi32, #tpu.memory_space<vmem>>) semaphore(%arg24 : memref<!tpu.dma_semaphore, #tpu.memory_space<semaphore_mem>>)
      %dma_wait3A = arith.constant 0 : i32
      %dma_wait3A_83 = arith.constant 0 : i32
      %dma_wait3A_84 = tpu.memref_slice %arg3[%dma_wait3A, %dma_wait3A_83] : memref<10000x64xf32, #tpu.memory_space<hbm>> -> memref<80x64xf32, #tpu.memory_space<hbm>>
      %dma_wait3A_85 = arith.constant 0 : i32
      %dma_wait3A_86 = arith.constant 0 : i32
      %dma_wait3A_87 = tpu.memref_slice %arg3[%dma_wait3A_85, %dma_wait3A_86] : memref<10000x64xf32, #tpu.memory_space<hbm>> -> memref<80x64xf32, #tpu.memory_space<hbm>>
      tpu.wait_dma2 semaphore(%arg19 : memref<!tpu.dma_semaphore, #tpu.memory_space<semaphore_mem>>) src(%dma_wait3A_87 : memref<80x64xf32, #tpu.memory_space<hbm>>) dst(%arg10 : memref<80x64xf32, #tpu.memory_space<vmem>>)
      %dma_start3A_88 = arith.constant 0 : i32
      %dma_start3A_89 = arith.constant 0 : i32
      %dma_start3A_90 = tpu.memref_slice %arg9[%dma_start3A_88, %dma_start3A_89] : memref<250x80xi32, #tpu.memory_space<vmem>> -> memref<1x80xi32, #tpu.memory_space<vmem>>
      %dma_start3A_91 = tpu.memref_squeeze %dma_start3A_90 : memref<1x80xi32, #tpu.memory_space<vmem>> -> memref<80xi32, #tpu.memory_space<vmem>>
      %dma_start3A_92 = arith.constant 0 : i32
      %dma_start3A_93 = arith.constant 0 : i32
      %dma_start3A_94 = tpu.memref_slice %arg18[%dma_start3A_92, %dma_start3A_93] : memref<10000x64xf32, #tpu.memory_space<vmem_shared>> -> memref<10000x64xf32, #tpu.memory_space<vmem_shared>>
      tpu.enqueue_indirect_dma source(%arg10 : memref<80x64xf32, #tpu.memory_space<vmem>>) target(%dma_start3A_94 : memref<10000x64xf32, #tpu.memory_space<vmem_shared>>) offsets(%dma_start3A_91 : memref<80xi32, #tpu.memory_space<vmem>>) semaphore(%arg26 : memref<!tpu.dma_semaphore, #tpu.memory_space<semaphore_mem>>) {add = true}
      %dma_start3A_95 = arith.constant 6 : i32
      %dma_start3A_96 = arith.constant 0 : i32
      %dma_start3A_97 = tpu.memref_slice %arg8[%dma_start3A_95, %dma_start3A_96] : memref<250x80xi32, #tpu.memory_space<vmem>> -> memref<1x80xi32, #tpu.memory_space<vmem>>
      %dma_start3A_98 = tpu.memref_squeeze %dma_start3A_97 : memref<1x80xi32, #tpu.memory_space<vmem>> -> memref<80xi32, #tpu.memory_space<vmem>>
      %dma_start3A_99 = arith.constant 0 : i32
      %dma_start3A_100 = arith.constant 0 : i32
      %dma_start3A_101 = tpu.memref_slice %arg3[%dma_start3A_99, %dma_start3A_100] : memref<10000x64xf32, #tpu.memory_space<hbm>> -> memref<10000x64xf32, #tpu.memory_space<hbm>>
      tpu.enqueue_indirect_dma source(%dma_start3A_101 : memref<10000x64xf32, #tpu.memory_space<hbm>>) target(%arg16 : memref<80x64xf32, #tpu.memory_space<vmem>>) offsets(%dma_start3A_98 : memref<80xi32, #tpu.memory_space<vmem>>) semaphore(%arg25 : memref<!tpu.dma_semaphore, #tpu.memory_space<semaphore_mem>>)
      %dma_wait3A_102 = arith.constant 0 : i32
      %dma_wait3A_103 = arith.constant 0 : i32
      %dma_wait3A_104 = tpu.memref_slice %arg3[%dma_wait3A_102, %dma_wait3A_103] : memref<10000x64xf32, #tpu.memory_space<hbm>> -> memref<80x64xf32, #tpu.memory_space<hbm>>
      %dma_wait3A_105 = arith.constant 0 : i32
      %dma_wait3A_106 = arith.constant 0 : i32
      %dma_wait3A_107 = tpu.memref_slice %arg3[%dma_wait3A_105, %dma_wait3A_106] : memref<10000x64xf32, #tpu.memory_space<hbm>> -> memref<80x64xf32, #tpu.memory_space<hbm>>
      tpu.wait_dma2 semaphore(%arg20 : memref<!tpu.dma_semaphore, #tpu.memory_space<semaphore_mem>>) src(%dma_wait3A_107 : memref<80x64xf32, #tpu.memory_space<hbm>>) dst(%arg11 : memref<80x64xf32, #tpu.memory_space<vmem>>)
      %dma_start3A_108 = arith.constant 1 : i32
      %dma_start3A_109 = arith.constant 0 : i32
      %dma_start3A_110 = tpu.memref_slice %arg9[%dma_start3A_108, %dma_start3A_109] : memref<250x80xi32, #tpu.memory_space<vmem>> -> memref<1x80xi32, #tpu.memory_space<vmem>>
      %dma_start3A_111 = tpu.memref_squeeze %dma_start3A_110 : memref<1x80xi32, #tpu.memory_space<vmem>> -> memref<80xi32, #tpu.memory_space<vmem>>
      %dma_start3A_112 = arith.constant 0 : i32
      %dma_start3A_113 = arith.constant 0 : i32
      %dma_start3A_114 = tpu.memref_slice %arg18[%dma_start3A_112, %dma_start3A_113] : memref<10000x64xf32, #tpu.memory_space<vmem_shared>> -> memref<10000x64xf32, #tpu.memory_space<vmem_shared>>
      tpu.enqueue_indirect_dma source(%arg11 : memref<80x64xf32, #tpu.memory_space<vmem>>) target(%dma_start3A_114 : memref<10000x64xf32, #tpu.memory_space<vmem_shared>>) offsets(%dma_start3A_111 : memref<80xi32, #tpu.memory_space<vmem>>) semaphore(%arg27 : memref<!tpu.dma_semaphore, #tpu.memory_space<semaphore_mem>>) {add = true}
      %dma_wait3A_115 = arith.constant 0 : i32
      %dma_wait3A_116 = arith.constant 0 : i32
      %dma_wait3A_117 = tpu.memref_slice %arg18[%dma_wait3A_115, %dma_wait3A_116] : memref<10000x64xf32, #tpu.memory_space<vmem_shared>> -> memref<80x64xf32, #tpu.memory_space<vmem_shared>>
      %dma_wait3A_118 = arith.constant 0 : i32
      %dma_wait3A_119 = arith.constant 0 : i32
      %dma_wait3A_120 = tpu.memref_slice %arg18[%dma_wait3A_118, %dma_wait3A_119] : memref<10000x64xf32, #tpu.memory_space<vmem_shared>> -> memref<80x64xf32, #tpu.memory_space<vmem_shared>>
      tpu.wait_dma2 semaphore(%arg26 : memref<!tpu.dma_semaphore, #tpu.memory_space<semaphore_mem>>) src(%arg10 : memref<80x64xf32, #tpu.memory_space<vmem>>) dst(%dma_wait3A_120 : memref<80x64xf32, #tpu.memory_space<vmem_shared>>)
      %dma_start3A_121 = arith.constant 7 : i32
      %dma_start3A_122 = arith.constant 0 : i32
      %dma_start3A_123 = tpu.memref_slice %arg8[%dma_start3A_121, %dma_start3A_122] : memref<250x80xi32, #tpu.memory_space<vmem>> -> memref<1x80xi32, #tpu.memory_space<vmem>>
      %dma_start3A_124 = tpu.memref_squeeze %dma_start3A_123 : memref<1x80xi32, #tpu.memory_space<vmem>> -> memref<80xi32, #tpu.memory_space<vmem>>
      %dma_start3A_125 = arith.constant 0 : i32
      %dma_start3A_126 = arith.constant 0 : i32
      %dma_start3A_127 = tpu.memref_slice %arg3[%dma_start3A_125, %dma_start3A_126] : memref<10000x64xf32, #tpu.memory_space<hbm>> -> memref<10000x64xf32, #tpu.memory_space<hbm>>
      tpu.enqueue_indirect_dma source(%dma_start3A_127 : memref<10000x64xf32, #tpu.memory_space<hbm>>) target(%arg10 : memref<80x64xf32, #tpu.memory_space<vmem>>) offsets(%dma_start3A_124 : memref<80xi32, #tpu.memory_space<vmem>>) semaphore(%arg19 : memref<!tpu.dma_semaphore, #tpu.memory_space<semaphore_mem>>)
      %dma_wait3A_128 = arith.constant 0 : i32
      %dma_wait3A_129 = arith.constant 0 : i32
      %dma_wait3A_130 = tpu.memref_slice %arg3[%dma_wait3A_128, %dma_wait3A_129] : memref<10000x64xf32, #tpu.memory_space<hbm>> -> memref<80x64xf32, #tpu.memory_space<hbm>>
      %dma_wait3A_131 = arith.constant 0 : i32
      %dma_wait3A_132 = arith.constant 0 : i32
      %dma_wait3A_133 = tpu.memref_slice %arg3[%dma_wait3A_131, %dma_wait3A_132] : memref<10000x64xf32, #tpu.memory_space<hbm>> -> memref<80x64xf32, #tpu.memory_space<hbm>>
      tpu.wait_dma2 semaphore(%arg21 : memref<!tpu.dma_semaphore, #tpu.memory_space<semaphore_mem>>) src(%dma_wait3A_133 : memref<80x64xf32, #tpu.memory_space<hbm>>) dst(%arg12 : memref<80x64xf32, #tpu.memory_space<vmem>>)
      %dma_start3A_134 = arith.constant 2 : i32
      %dma_start3A_135 = arith.constant 0 : i32
      %dma_start3A_136 = tpu.memref_slice %arg9[%dma_start3A_134, %dma_start3A_135] : memref<250x80xi32, #tpu.memory_space<vmem>> -> memref<1x80xi32, #tpu.memory_space<vmem>>
      %dma_start3A_137 = tpu.memref_squeeze %dma_start3A_136 : memref<1x80xi32, #tpu.memory_space<vmem>> -> memref<80xi32, #tpu.memory_space<vmem>>
      %dma_start3A_138 = arith.constant 0 : i32
      %dma_start3A_139 = arith.constant 0 : i32
      %dma_start3A_140 = tpu.memref_slice %arg18[%dma_start3A_138, %dma_start3A_139] : memref<10000x64xf32, #tpu.memory_space<vmem_shared>> -> memref<10000x64xf32, #tpu.memory_space<vmem_shared>>
      tpu.enqueue_indirect_dma source(%arg12 : memref<80x64xf32, #tpu.memory_space<vmem>>) target(%dma_start3A_140 : memref<10000x64xf32, #tpu.memory_space<vmem_shared>>) offsets(%dma_start3A_137 : memref<80xi32, #tpu.memory_space<vmem>>) semaphore(%arg28 : memref<!tpu.dma_semaphore, #tpu.memory_space<semaphore_mem>>) {add = true}
      %dma_wait3A_141 = arith.constant 0 : i32
      %dma_wait3A_142 = arith.constant 0 : i32
      %dma_wait3A_143 = tpu.memref_slice %arg18[%dma_wait3A_141, %dma_wait3A_142] : memref<10000x64xf32, #tpu.memory_space<vmem_shared>> -> memref<80x64xf32, #tpu.memory_space<vmem_shared>>
      %dma_wait3A_144 = arith.constant 0 : i32
      %dma_wait3A_145 = arith.constant 0 : i32
      %dma_wait3A_146 = tpu.memref_slice %arg18[%dma_wait3A_144, %dma_wait3A_145] : memref<10000x64xf32, #tpu.memory_space<vmem_shared>> -> memref<80x64xf32, #tpu.memory_space<vmem_shared>>
      tpu.wait_dma2 semaphore(%arg27 : memref<!tpu.dma_semaphore, #tpu.memory_space<semaphore_mem>>) src(%arg11 : memref<80x64xf32, #tpu.memory_space<vmem>>) dst(%dma_wait3A_146 : memref<80x64xf32, #tpu.memory_space<vmem_shared>>)
      %dma_start3A_147 = arith.constant 8 : i32
      %dma_start3A_148 = arith.constant 0 : i32
      %dma_start3A_149 = tpu.memref_slice %arg8[%dma_start3A_147, %dma_start3A_148] : memref<250x80xi32, #tpu.memory_space<vmem>> -> memref<1x80xi32, #tpu.memory_space<vmem>>
      %dma_start3A_150 = tpu.memref_squeeze %dma_start3A_149 : memref<1x80xi32, #tpu.memory_space<vmem>> -> memref<80xi32, #tpu.memory_space<vmem>>
      %dma_start3A_151 = arith.constant 0 : i32
      %dma_start3A_152 = arith.constant 0 : i32
      %dma_start3A_153 = tpu.memref_slice %arg3[%dma_start3A_151, %dma_start3A_152] : memref<10000x64xf32, #tpu.memory_space<hbm>> -> memref<10000x64xf32, #tpu.memory_space<hbm>>
      tpu.enqueue_indirect_dma source(%dma_start3A_153 : memref<10000x64xf32, #tpu.memory_space<hbm>>) target(%arg11 : memref<80x64xf32, #tpu.memory_space<vmem>>) offsets(%dma_start3A_150 : memref<80xi32, #tpu.memory_space<vmem>>) semaphore(%arg20 : memref<!tpu.dma_semaphore, #tpu.memory_space<semaphore_mem>>)
      %dma_wait3A_154 = arith.constant 0 : i32
      %dma_wait3A_155 = arith.constant 0 : i32
      %dma_wait3A_156 = tpu.memref_slice %arg3[%dma_wait3A_154, %dma_wait3A_155] : memref<10000x64xf32, #tpu.memory_space<hbm>> -> memref<80x64xf32, #tpu.memory_space<hbm>>
      %dma_wait3A_157 = arith.constant 0 : i32
      %dma_wait3A_158 = arith.constant 0 : i32
      %dma_wait3A_159 = tpu.memref_slice %arg3[%dma_wait3A_157, %dma_wait3A_158] : memref<10000x64xf32, #tpu.memory_space<hbm>> -> memref<80x64xf32, #tpu.memory_space<hbm>>
      tpu.wait_dma2 semaphore(%arg22 : memref<!tpu.dma_semaphore, #tpu.memory_space<semaphore_mem>>) src(%dma_wait3A_159 : memref<80x64xf32, #tpu.memory_space<hbm>>) dst(%arg13 : memref<80x64xf32, #tpu.memory_space<vmem>>)
      %dma_start3A_160 = arith.constant 3 : i32
      %dma_start3A_161 = arith.constant 0 : i32
      %dma_start3A_162 = tpu.memref_slice %arg9[%dma_start3A_160, %dma_start3A_161] : memref<250x80xi32, #tpu.memory_space<vmem>> -> memref<1x80xi32, #tpu.memory_space<vmem>>
      %dma_start3A_163 = tpu.memref_squeeze %dma_start3A_162 : memref<1x80xi32, #tpu.memory_space<vmem>> -> memref<80xi32, #tpu.memory_space<vmem>>
      %dma_start3A_164 = arith.constant 0 : i32
      %dma_start3A_165 = arith.constant 0 : i32
      %dma_start3A_166 = tpu.memref_slice %arg18[%dma_start3A_164, %dma_start3A_165] : memref<10000x64xf32, #tpu.memory_space<vmem_shared>> -> memref<10000x64xf32, #tpu.memory_space<vmem_shared>>
      tpu.enqueue_indirect_dma source(%arg13 : memref<80x64xf32, #tpu.memory_space<vmem>>) target(%dma_start3A_166 : memref<10000x64xf32, #tpu.memory_space<vmem_shared>>) offsets(%dma_start3A_163 : memref<80xi32, #tpu.memory_space<vmem>>) semaphore(%arg29 : memref<!tpu.dma_semaphore, #tpu.memory_space<semaphore_mem>>) {add = true}
      %dma_wait3A_167 = arith.constant 0 : i32
      %dma_wait3A_168 = arith.constant 0 : i32
      %dma_wait3A_169 = tpu.memref_slice %arg18[%dma_wait3A_167, %dma_wait3A_168] : memref<10000x64xf32, #tpu.memory_space<vmem_shared>> -> memref<80x64xf32, #tpu.memory_space<vmem_shared>>
      %dma_wait3A_170 = arith.constant 0 : i32
      %dma_wait3A_171 = arith.constant 0 : i32
      %dma_wait3A_172 = tpu.memref_slice %arg18[%dma_wait3A_170, %dma_wait3A_171] : memref<10000x64xf32, #tpu.memory_space<vmem_shared>> -> memref<80x64xf32, #tpu.memory_space<vmem_shared>>
      tpu.wait_dma2 semaphore(%arg28 : memref<!tpu.dma_semaphore, #tpu.memory_space<semaphore_mem>>) src(%arg12 : memref<80x64xf32, #tpu.memory_space<vmem>>) dst(%dma_wait3A_172 : memref<80x64xf32, #tpu.memory_space<vmem_shared>>)
      %dma_start3A_173 = arith.constant 9 : i32
      %dma_start3A_174 = arith.constant 0 : i32
      %dma_start3A_175 = tpu.memref_slice %arg8[%dma_start3A_173, %dma_start3A_174] : memref<250x80xi32, #tpu.memory_space<vmem>> -> memref<1x80xi32, #tpu.memory_space<vmem>>
      %dma_start3A_176 = tpu.memref_squeeze %dma_start3A_175 : memref<1x80xi32, #tpu.memory_space<vmem>> -> memref<80xi32, #tpu.memory_space<vmem>>
      %dma_start3A_177 = arith.constant 0 : i32
      %dma_start3A_178 = arith.constant 0 : i32
      %dma_start3A_179 = tpu.memref_slice %arg3[%dma_start3A_177, %dma_start3A_178] : memref<10000x64xf32, #tpu.memory_space<hbm>> -> memref<10000x64xf32, #tpu.memory_space<hbm>>
      tpu.enqueue_indirect_dma source(%dma_start3A_179 : memref<10000x64xf32, #tpu.memory_space<hbm>>) target(%arg12 : memref<80x64xf32, #tpu.memory_space<vmem>>) offsets(%dma_start3A_176 : memref<80xi32, #tpu.memory_space<vmem>>) semaphore(%arg21 : memref<!tpu.dma_semaphore, #tpu.memory_space<semaphore_mem>>)
      %dma_wait3A_180 = arith.constant 0 : i32
      %dma_wait3A_181 = arith.constant 0 : i32
      %dma_wait3A_182 = tpu.memref_slice %arg3[%dma_wait3A_180, %dma_wait3A_181] : memref<10000x64xf32, #tpu.memory_space<hbm>> -> memref<80x64xf32, #tpu.memory_space<hbm>>
      %dma_wait3A_183 = arith.constant 0 : i32
      %dma_wait3A_184 = arith.constant 0 : i32
      %dma_wait3A_185 = tpu.memref_slice %arg3[%dma_wait3A_183, %dma_wait3A_184] : memref<10000x64xf32, #tpu.memory_space<hbm>> -> memref<80x64xf32, #tpu.memory_space<hbm>>
      tpu.wait_dma2 semaphore(%arg23 : memref<!tpu.dma_semaphore, #tpu.memory_space<semaphore_mem>>) src(%dma_wait3A_185 : memref<80x64xf32, #tpu.memory_space<hbm>>) dst(%arg14 : memref<80x64xf32, #tpu.memory_space<vmem>>)
      %dma_start3A_186 = arith.constant 4 : i32
      %dma_start3A_187 = arith.constant 0 : i32
      %dma_start3A_188 = tpu.memref_slice %arg9[%dma_start3A_186, %dma_start3A_187] : memref<250x80xi32, #tpu.memory_space<vmem>> -> memref<1x80xi32, #tpu.memory_space<vmem>>
      %dma_start3A_189 = tpu.memref_squeeze %dma_start3A_188 : memref<1x80xi32, #tpu.memory_space<vmem>> -> memref<80xi32, #tpu.memory_space<vmem>>
      %dma_start3A_190 = arith.constant 0 : i32
      %dma_start3A_191 = arith.constant 0 : i32
      %dma_start3A_192 = tpu.memref_slice %arg18[%dma_start3A_190, %dma_start3A_191] : memref<10000x64xf32, #tpu.memory_space<vmem_shared>> -> memref<10000x64xf32, #tpu.memory_space<vmem_shared>>
      tpu.enqueue_indirect_dma source(%arg14 : memref<80x64xf32, #tpu.memory_space<vmem>>) target(%dma_start3A_192 : memref<10000x64xf32, #tpu.memory_space<vmem_shared>>) offsets(%dma_start3A_189 : memref<80xi32, #tpu.memory_space<vmem>>) semaphore(%arg30 : memref<!tpu.dma_semaphore, #tpu.memory_space<semaphore_mem>>) {add = true}
      %dma_wait3A_193 = arith.constant 0 : i32
      %dma_wait3A_194 = arith.constant 0 : i32
      %dma_wait3A_195 = tpu.memref_slice %arg18[%dma_wait3A_193, %dma_wait3A_194] : memref<10000x64xf32, #tpu.memory_space<vmem_shared>> -> memref<80x64xf32, #tpu.memory_space<vmem_shared>>
      %dma_wait3A_196 = arith.constant 0 : i32
      %dma_wait3A_197 = arith.constant 0 : i32
      %dma_wait3A_198 = tpu.memref_slice %arg18[%dma_wait3A_196, %dma_wait3A_197] : memref<10000x64xf32, #tpu.memory_space<vmem_shared>> -> memref<80x64xf32, #tpu.memory_space<vmem_shared>>
      tpu.wait_dma2 semaphore(%arg29 : memref<!tpu.dma_semaphore, #tpu.memory_space<semaphore_mem>>) src(%arg13 : memref<80x64xf32, #tpu.memory_space<vmem>>) dst(%dma_wait3A_198 : memref<80x64xf32, #tpu.memory_space<vmem_shared>>)
      %dma_start3A_199 = arith.constant 10 : i32
      %dma_start3A_200 = arith.constant 0 : i32
      %dma_start3A_201 = tpu.memref_slice %arg8[%dma_start3A_199, %dma_start3A_200] : memref<250x80xi32, #tpu.memory_space<vmem>> -> memref<1x80xi32, #tpu.memory_space<vmem>>
      %dma_start3A_202 = tpu.memref_squeeze %dma_start3A_201 : memref<1x80xi32, #tpu.memory_space<vmem>> -> memref<80xi32, #tpu.memory_space<vmem>>
      %dma_start3A_203 = arith.constant 0 : i32
      %dma_start3A_204 = arith.constant 0 : i32
      %dma_start3A_205 = tpu.memref_slice %arg3[%dma_start3A_203, %dma_start3A_204] : memref<10000x64xf32, #tpu.memory_space<hbm>> -> memref<10000x64xf32, #tpu.memory_space<hbm>>
      tpu.enqueue_indirect_dma source(%dma_start3A_205 : memref<10000x64xf32, #tpu.memory_space<hbm>>) target(%arg13 : memref<80x64xf32, #tpu.memory_space<vmem>>) offsets(%dma_start3A_202 : memref<80xi32, #tpu.memory_space<vmem>>) semaphore(%arg22 : memref<!tpu.dma_semaphore, #tpu.memory_space<semaphore_mem>>)
      %dma_wait3A_206 = arith.constant 0 : i32
      %dma_wait3A_207 = arith.constant 0 : i32
      %dma_wait3A_208 = tpu.memref_slice %arg3[%dma_wait3A_206, %dma_wait3A_207] : memref<10000x64xf32, #tpu.memory_space<hbm>> -> memref<80x64xf32, #tpu.memory_space<hbm>>
      %dma_wait3A_209 = arith.constant 0 : i32
      %dma_wait3A_210 = arith.constant 0 : i32
      %dma_wait3A_211 = tpu.memref_slice %arg3[%dma_wait3A_209, %dma_wait3A_210] : memref<10000x64xf32, #tpu.memory_space<hbm>> -> memref<80x64xf32, #tpu.memory_space<hbm>>
      tpu.wait_dma2 semaphore(%arg24 : memref<!tpu.dma_semaphore, #tpu.memory_space<semaphore_mem>>) src(%dma_wait3A_211 : memref<80x64xf32, #tpu.memory_space<hbm>>) dst(%arg15 : memref<80x64xf32, #tpu.memory_space<vmem>>)
      %dma_start3A_212 = arith.constant 5 : i32
      %dma_start3A_213 = arith.constant 0 : i32
      %dma_start3A_214 = tpu.memref_slice %arg9[%dma_start3A_212, %dma_start3A_213] : memref<250x80xi32, #tpu.memory_space<vmem>> -> memref<1x80xi32, #tpu.memory_space<vmem>>
      %dma_start3A_215 = tpu.memref_squeeze %dma_start3A_214 : memref<1x80xi32, #tpu.memory_space<vmem>> -> memref<80xi32, #tpu.memory_space<vmem>>
      %dma_start3A_216 = arith.constant 0 : i32
      %dma_start3A_217 = arith.constant 0 : i32
      %dma_start3A_218 = tpu.memref_slice %arg18[%dma_start3A_216, %dma_start3A_217] : memref<10000x64xf32, #tpu.memory_space<vmem_shared>> -> memref<10000x64xf32, #tpu.memory_space<vmem_shared>>
      tpu.enqueue_indirect_dma source(%arg15 : memref<80x64xf32, #tpu.memory_space<vmem>>) target(%dma_start3A_218 : memref<10000x64xf32, #tpu.memory_space<vmem_shared>>) offsets(%dma_start3A_215 : memref<80xi32, #tpu.memory_space<vmem>>) semaphore(%arg31 : memref<!tpu.dma_semaphore, #tpu.memory_space<semaphore_mem>>) {add = true}
      %dma_wait3A_219 = arith.constant 0 : i32
      %dma_wait3A_220 = arith.constant 0 : i32
      %dma_wait3A_221 = tpu.memref_slice %arg18[%dma_wait3A_219, %dma_wait3A_220] : memref<10000x64xf32, #tpu.memory_space<vmem_shared>> -> memref<80x64xf32, #tpu.memory_space<vmem_shared>>
      %dma_wait3A_222 = arith.constant 0 : i32
      %dma_wait3A_223 = arith.constant 0 : i32
      %dma_wait3A_224 = tpu.memref_slice %arg18[%dma_wait3A_222, %dma_wait3A_223] : memref<10000x64xf32, #tpu.memory_space<vmem_shared>> -> memref<80x64xf32, #tpu.memory_space<vmem_shared>>
      tpu.wait_dma2 semaphore(%arg30 : memref<!tpu.dma_semaphore, #tpu.memory_space<semaphore_mem>>) src(%arg14 : memref<80x64xf32, #tpu.memory_space<vmem>>) dst(%dma_wait3A_224 : memref<80x64xf32, #tpu.memory_space<vmem_shared>>)
      %dma_start3A_225 = arith.constant 11 : i32
      %dma_start3A_226 = arith.constant 0 : i32
      %dma_start3A_227 = tpu.memref_slice %arg8[%dma_start3A_225, %dma_start3A_226] : memref<250x80xi32, #tpu.memory_space<vmem>> -> memref<1x80xi32, #tpu.memory_space<vmem>>
      %dma_start3A_228 = tpu.memref_squeeze %dma_start3A_227 : memref<1x80xi32, #tpu.memory_space<vmem>> -> memref<80xi32, #tpu.memory_space<vmem>>
      %dma_start3A_229 = arith.constant 0 : i32
      %dma_start3A_230 = arith.constant 0 : i32
      %dma_start3A_231 = tpu.memref_slice %arg3[%dma_start3A_229, %dma_start3A_230] : memref<10000x64xf32, #tpu.memory_space<hbm>> -> memref<10000x64xf32, #tpu.memory_space<hbm>>
      tpu.enqueue_indirect_dma source(%dma_start3A_231 : memref<10000x64xf32, #tpu.memory_space<hbm>>) target(%arg14 : memref<80x64xf32, #tpu.memory_space<vmem>>) offsets(%dma_start3A_228 : memref<80xi32, #tpu.memory_space<vmem>>) semaphore(%arg23 : memref<!tpu.dma_semaphore, #tpu.memory_space<semaphore_mem>>)
      %dma_wait3A_232 = arith.constant 0 : i32
      %dma_wait3A_233 = arith.constant 0 : i32
      %dma_wait3A_234 = tpu.memref_slice %arg3[%dma_wait3A_232, %dma_wait3A_233] : memref<10000x64xf32, #tpu.memory_space<hbm>> -> memref<80x64xf32, #tpu.memory_space<hbm>>
      %dma_wait3A_235 = arith.constant 0 : i32
      %dma_wait3A_236 = arith.constant 0 : i32
      %dma_wait3A_237 = tpu.memref_slice %arg3[%dma_wait3A_235, %dma_wait3A_236] : memref<10000x64xf32, #tpu.memory_space<hbm>> -> memref<80x64xf32, #tpu.memory_space<hbm>>
      tpu.wait_dma2 semaphore(%arg25 : memref<!tpu.dma_semaphore, #tpu.memory_space<semaphore_mem>>) src(%dma_wait3A_237 : memref<80x64xf32, #tpu.memory_space<hbm>>) dst(%arg16 : memref<80x64xf32, #tpu.memory_space<vmem>>)
      %dma_start3A_238 = arith.constant 6 : i32
      %dma_start3A_239 = arith.constant 0 : i32
      %dma_start3A_240 = tpu.memref_slice %arg9[%dma_start3A_238, %dma_start3A_239] : memref<250x80xi32, #tpu.memory_space<vmem>> -> memref<1x80xi32, #tpu.memory_space<vmem>>
      %dma_start3A_241 = tpu.memref_squeeze %dma_start3A_240 : memref<1x80xi32, #tpu.memory_space<vmem>> -> memref<80xi32, #tpu.memory_space<vmem>>
      %dma_start3A_242 = arith.constant 0 : i32
      %dma_start3A_243 = arith.constant 0 : i32
      %dma_start3A_244 = tpu.memref_slice %arg18[%dma_start3A_242, %dma_start3A_243] : memref<10000x64xf32, #tpu.memory_space<vmem_shared>> -> memref<10000x64xf32, #tpu.memory_space<vmem_shared>>
      tpu.enqueue_indirect_dma source(%arg16 : memref<80x64xf32, #tpu.memory_space<vmem>>) target(%dma_start3A_244 : memref<10000x64xf32, #tpu.memory_space<vmem_shared>>) offsets(%dma_start3A_241 : memref<80xi32, #tpu.memory_space<vmem>>) semaphore(%arg32 : memref<!tpu.dma_semaphore, #tpu.memory_space<semaphore_mem>>) {add = true}
      %scan3A_245 = arith.constant 0 : i32
      %scan3A_246 = arith.constant 1 : i32
      %scan3A_247 = arith.constant 34 : i32
      %scan3A_248 = arith.addi %scan3A_246, %scan3A_247 : i32
      %scan3A_249 = arith.constant 1 : i32
      scf.for %scan3A_358 = %scan3A_246 to %scan3A_248 step %scan3A_249  : i32 {
        %mul3A_359 = arith.constant 7 : i32
        %mul3A_360 = arith.muli %scan3A_358, %mul3A_359 : i32
        %dma_wait3A_361 = arith.constant 0 : i32
        %dma_wait3A_362 = arith.constant 0 : i32
        %dma_wait3A_363 = tpu.memref_slice %arg18[%dma_wait3A_361, %dma_wait3A_362] : memref<10000x64xf32, #tpu.memory_space<vmem_shared>> -> memref<80x64xf32, #tpu.memory_space<vmem_shared>>
        %dma_wait3A_364 = arith.constant 0 : i32
        %dma_wait3A_365 = arith.constant 0 : i32
        %dma_wait3A_366 = tpu.memref_slice %arg18[%dma_wait3A_364, %dma_wait3A_365] : memref<10000x64xf32, #tpu.memory_space<vmem_shared>> -> memref<80x64xf32, #tpu.memory_space<vmem_shared>>
        tpu.wait_dma2 semaphore(%arg31 : memref<!tpu.dma_semaphore, #tpu.memory_space<semaphore_mem>>) src(%arg15 : memref<80x64xf32, #tpu.memory_space<vmem>>) dst(%dma_wait3A_366 : memref<80x64xf32, #tpu.memory_space<vmem_shared>>)
        %add3A_367 = arith.constant 0 : i32
        %add3A_368 = arith.addi %mul3A_360, %add3A_367 : i32
        %add3A_369 = arith.constant 5 : i32
        %add3A_370 = arith.addi %add3A_368, %add3A_369 : i32
        %dma_start3A_371 = arith.constant 0 : i32
        %dma_start3A_372 = tpu.memref_slice %arg8[%add3A_370, %dma_start3A_371] : memref<250x80xi32, #tpu.memory_space<vmem>> -> memref<1x80xi32, #tpu.memory_space<vmem>>
        %dma_start3A_373 = tpu.memref_squeeze %dma_start3A_372 : memref<1x80xi32, #tpu.memory_space<vmem>> -> memref<80xi32, #tpu.memory_space<vmem>>
        %dma_start3A_374 = arith.constant 0 : i32
        %dma_start3A_375 = arith.constant 0 : i32
        %dma_start3A_376 = tpu.memref_slice %arg3[%dma_start3A_374, %dma_start3A_375] : memref<10000x64xf32, #tpu.memory_space<hbm>> -> memref<10000x64xf32, #tpu.memory_space<hbm>>
        tpu.enqueue_indirect_dma source(%dma_start3A_376 : memref<10000x64xf32, #tpu.memory_space<hbm>>) target(%arg15 : memref<80x64xf32, #tpu.memory_space<vmem>>) offsets(%dma_start3A_373 : memref<80xi32, #tpu.memory_space<vmem>>) semaphore(%arg24 : memref<!tpu.dma_semaphore, #tpu.memory_space<semaphore_mem>>)
        %dma_wait3A_377 = arith.constant 0 : i32
        %dma_wait3A_378 = arith.constant 0 : i32
        %dma_wait3A_379 = tpu.memref_slice %arg3[%dma_wait3A_377, %dma_wait3A_378] : memref<10000x64xf32, #tpu.memory_space<hbm>> -> memref<80x64xf32, #tpu.memory_space<hbm>>
        %dma_wait3A_380 = arith.constant 0 : i32
        %dma_wait3A_381 = arith.constant 0 : i32
        %dma_wait3A_382 = tpu.memref_slice %arg3[%dma_wait3A_380, %dma_wait3A_381] : memref<10000x64xf32, #tpu.memory_space<hbm>> -> memref<80x64xf32, #tpu.memory_space<hbm>>
        tpu.wait_dma2 semaphore(%arg19 : memref<!tpu.dma_semaphore, #tpu.memory_space<semaphore_mem>>) src(%dma_wait3A_382 : memref<80x64xf32, #tpu.memory_space<hbm>>) dst(%arg10 : memref<80x64xf32, #tpu.memory_space<vmem>>)
        %add3A_383 = arith.constant 0 : i32
        %add3A_384 = arith.addi %mul3A_360, %add3A_383 : i32
        %dma_start3A_385 = arith.constant 0 : i32
        %dma_start3A_386 = tpu.memref_slice %arg9[%add3A_384, %dma_start3A_385] : memref<250x80xi32, #tpu.memory_space<vmem>> -> memref<1x80xi32, #tpu.memory_space<vmem>>
        %dma_start3A_387 = tpu.memref_squeeze %dma_start3A_386 : memref<1x80xi32, #tpu.memory_space<vmem>> -> memref<80xi32, #tpu.memory_space<vmem>>
        %dma_start3A_388 = arith.constant 0 : i32
        %dma_start3A_389 = arith.constant 0 : i32
        %dma_start3A_390 = tpu.memref_slice %arg18[%dma_start3A_388, %dma_start3A_389] : memref<10000x64xf32, #tpu.memory_space<vmem_shared>> -> memref<10000x64xf32, #tpu.memory_space<vmem_shared>>
        tpu.enqueue_indirect_dma source(%arg10 : memref<80x64xf32, #tpu.memory_space<vmem>>) target(%dma_start3A_390 : memref<10000x64xf32, #tpu.memory_space<vmem_shared>>) offsets(%dma_start3A_387 : memref<80xi32, #tpu.memory_space<vmem>>) semaphore(%arg26 : memref<!tpu.dma_semaphore, #tpu.memory_space<semaphore_mem>>) {add = true}
        %dma_wait3A_391 = arith.constant 0 : i32
        %dma_wait3A_392 = arith.constant 0 : i32
        %dma_wait3A_393 = tpu.memref_slice %arg18[%dma_wait3A_391, %dma_wait3A_392] : memref<10000x64xf32, #tpu.memory_space<vmem_shared>> -> memref<80x64xf32, #tpu.memory_space<vmem_shared>>
        %dma_wait3A_394 = arith.constant 0 : i32
        %dma_wait3A_395 = arith.constant 0 : i32
        %dma_wait3A_396 = tpu.memref_slice %arg18[%dma_wait3A_394, %dma_wait3A_395] : memref<10000x64xf32, #tpu.memory_space<vmem_shared>> -> memref<80x64xf32, #tpu.memory_space<vmem_shared>>
        tpu.wait_dma2 semaphore(%arg32 : memref<!tpu.dma_semaphore, #tpu.memory_space<semaphore_mem>>) src(%arg16 : memref<80x64xf32, #tpu.memory_space<vmem>>) dst(%dma_wait3A_396 : memref<80x64xf32, #tpu.memory_space<vmem_shared>>)
        %add3A_397 = arith.constant 1 : i32
        %add3A_398 = arith.addi %mul3A_360, %add3A_397 : i32
        %add3A_399 = arith.constant 5 : i32
        %add3A_400 = arith.addi %add3A_398, %add3A_399 : i32
        %dma_start3A_401 = arith.constant 0 : i32
        %dma_start3A_402 = tpu.memref_slice %arg8[%add3A_400, %dma_start3A_401] : memref<250x80xi32, #tpu.memory_space<vmem>> -> memref<1x80xi32, #tpu.memory_space<vmem>>
        %dma_start3A_403 = tpu.memref_squeeze %dma_start3A_402 : memref<1x80xi32, #tpu.memory_space<vmem>> -> memref<80xi32, #tpu.memory_space<vmem>>
        %dma_start3A_404 = arith.constant 0 : i32
        %dma_start3A_405 = arith.constant 0 : i32
        %dma_start3A_406 = tpu.memref_slice %arg3[%dma_start3A_404, %dma_start3A_405] : memref<10000x64xf32, #tpu.memory_space<hbm>> -> memref<10000x64xf32, #tpu.memory_space<hbm>>
        tpu.enqueue_indirect_dma source(%dma_start3A_406 : memref<10000x64xf32, #tpu.memory_space<hbm>>) target(%arg16 : memref<80x64xf32, #tpu.memory_space<vmem>>) offsets(%dma_start3A_403 : memref<80xi32, #tpu.memory_space<vmem>>) semaphore(%arg25 : memref<!tpu.dma_semaphore, #tpu.memory_space<semaphore_mem>>)
        %dma_wait3A_407 = arith.constant 0 : i32
        %dma_wait3A_408 = arith.constant 0 : i32
        %dma_wait3A_409 = tpu.memref_slice %arg3[%dma_wait3A_407, %dma_wait3A_408] : memref<10000x64xf32, #tpu.memory_space<hbm>> -> memref<80x64xf32, #tpu.memory_space<hbm>>
        %dma_wait3A_410 = arith.constant 0 : i32
        %dma_wait3A_411 = arith.constant 0 : i32
        %dma_wait3A_412 = tpu.memref_slice %arg3[%dma_wait3A_410, %dma_wait3A_411] : memref<10000x64xf32, #tpu.memory_space<hbm>> -> memref<80x64xf32, #tpu.memory_space<hbm>>
        tpu.wait_dma2 semaphore(%arg20 : memref<!tpu.dma_semaphore, #tpu.memory_space<semaphore_mem>>) src(%dma_wait3A_412 : memref<80x64xf32, #tpu.memory_space<hbm>>) dst(%arg11 : memref<80x64xf32, #tpu.memory_space<vmem>>)
        %add3A_413 = arith.constant 1 : i32
        %add3A_414 = arith.addi %mul3A_360, %add3A_413 : i32
        %dma_start3A_415 = arith.constant 0 : i32
        %dma_start3A_416 = tpu.memref_slice %arg9[%add3A_414, %dma_start3A_415] : memref<250x80xi32, #tpu.memory_space<vmem>> -> memref<1x80xi32, #tpu.memory_space<vmem>>
        %dma_start3A_417 = tpu.memref_squeeze %dma_start3A_416 : memref<1x80xi32, #tpu.memory_space<vmem>> -> memref<80xi32, #tpu.memory_space<vmem>>
        %dma_start3A_418 = arith.constant 0 : i32
        %dma_start3A_419 = arith.constant 0 : i32
        %dma_start3A_420 = tpu.memref_slice %arg18[%dma_start3A_418, %dma_start3A_419] : memref<10000x64xf32, #tpu.memory_space<vmem_shared>> -> memref<10000x64xf32, #tpu.memory_space<vmem_shared>>
        tpu.enqueue_indirect_dma source(%arg11 : memref<80x64xf32, #tpu.memory_space<vmem>>) target(%dma_start3A_420 : memref<10000x64xf32, #tpu.memory_space<vmem_shared>>) offsets(%dma_start3A_417 : memref<80xi32, #tpu.memory_space<vmem>>) semaphore(%arg27 : memref<!tpu.dma_semaphore, #tpu.memory_space<semaphore_mem>>) {add = true}
        %dma_wait3A_421 = arith.constant 0 : i32
        %dma_wait3A_422 = arith.constant 0 : i32
        %dma_wait3A_423 = tpu.memref_slice %arg18[%dma_wait3A_421, %dma_wait3A_422] : memref<10000x64xf32, #tpu.memory_space<vmem_shared>> -> memref<80x64xf32, #tpu.memory_space<vmem_shared>>
        %dma_wait3A_424 = arith.constant 0 : i32
        %dma_wait3A_425 = arith.constant 0 : i32
        %dma_wait3A_426 = tpu.memref_slice %arg18[%dma_wait3A_424, %dma_wait3A_425] : memref<10000x64xf32, #tpu.memory_space<vmem_shared>> -> memref<80x64xf32, #tpu.memory_space<vmem_shared>>
        tpu.wait_dma2 semaphore(%arg26 : memref<!tpu.dma_semaphore, #tpu.memory_space<semaphore_mem>>) src(%arg10 : memref<80x64xf32, #tpu.memory_space<vmem>>) dst(%dma_wait3A_426 : memref<80x64xf32, #tpu.memory_space<vmem_shared>>)
        %add3A_427 = arith.constant 2 : i32
        %add3A_428 = arith.addi %mul3A_360, %add3A_427 : i32
        %add3A_429 = arith.constant 5 : i32
        %add3A_430 = arith.addi %add3A_428, %add3A_429 : i32
        %dma_start3A_431 = arith.constant 0 : i32
        %dma_start3A_432 = tpu.memref_slice %arg8[%add3A_430, %dma_start3A_431] : memref<250x80xi32, #tpu.memory_space<vmem>> -> memref<1x80xi32, #tpu.memory_space<vmem>>
        %dma_start3A_433 = tpu.memref_squeeze %dma_start3A_432 : memref<1x80xi32, #tpu.memory_space<vmem>> -> memref<80xi32, #tpu.memory_space<vmem>>
        %dma_start3A_434 = arith.constant 0 : i32
        %dma_start3A_435 = arith.constant 0 : i32
        %dma_start3A_436 = tpu.memref_slice %arg3[%dma_start3A_434, %dma_start3A_435] : memref<10000x64xf32, #tpu.memory_space<hbm>> -> memref<10000x64xf32, #tpu.memory_space<hbm>>
        tpu.enqueue_indirect_dma source(%dma_start3A_436 : memref<10000x64xf32, #tpu.memory_space<hbm>>) target(%arg10 : memref<80x64xf32, #tpu.memory_space<vmem>>) offsets(%dma_start3A_433 : memref<80xi32, #tpu.memory_space<vmem>>) semaphore(%arg19 : memref<!tpu.dma_semaphore, #tpu.memory_space<semaphore_mem>>)
        %dma_wait3A_437 = arith.constant 0 : i32
        %dma_wait3A_438 = arith.constant 0 : i32
        %dma_wait3A_439 = tpu.memref_slice %arg3[%dma_wait3A_437, %dma_wait3A_438] : memref<10000x64xf32, #tpu.memory_space<hbm>> -> memref<80x64xf32, #tpu.memory_space<hbm>>
        %dma_wait3A_440 = arith.constant 0 : i32
        %dma_wait3A_441 = arith.constant 0 : i32
        %dma_wait3A_442 = tpu.memref_slice %arg3[%dma_wait3A_440, %dma_wait3A_441] : memref<10000x64xf32, #tpu.memory_space<hbm>> -> memref<80x64xf32, #tpu.memory_space<hbm>>
        tpu.wait_dma2 semaphore(%arg21 : memref<!tpu.dma_semaphore, #tpu.memory_space<semaphore_mem>>) src(%dma_wait3A_442 : memref<80x64xf32, #tpu.memory_space<hbm>>) dst(%arg12 : memref<80x64xf32, #tpu.memory_space<vmem>>)
        %add3A_443 = arith.constant 2 : i32
        %add3A_444 = arith.addi %mul3A_360, %add3A_443 : i32
        %dma_start3A_445 = arith.constant 0 : i32
        %dma_start3A_446 = tpu.memref_slice %arg9[%add3A_444, %dma_start3A_445] : memref<250x80xi32, #tpu.memory_space<vmem>> -> memref<1x80xi32, #tpu.memory_space<vmem>>
        %dma_start3A_447 = tpu.memref_squeeze %dma_start3A_446 : memref<1x80xi32, #tpu.memory_space<vmem>> -> memref<80xi32, #tpu.memory_space<vmem>>
        %dma_start3A_448 = arith.constant 0 : i32
        %dma_start3A_449 = arith.constant 0 : i32
        %dma_start3A_450 = tpu.memref_slice %arg18[%dma_start3A_448, %dma_start3A_449] : memref<10000x64xf32, #tpu.memory_space<vmem_shared>> -> memref<10000x64xf32, #tpu.memory_space<vmem_shared>>
        tpu.enqueue_indirect_dma source(%arg12 : memref<80x64xf32, #tpu.memory_space<vmem>>) target(%dma_start3A_450 : memref<10000x64xf32, #tpu.memory_space<vmem_shared>>) offsets(%dma_start3A_447 : memref<80xi32, #tpu.memory_space<vmem>>) semaphore(%arg28 : memref<!tpu.dma_semaphore, #tpu.memory_space<semaphore_mem>>) {add = true}
        %dma_wait3A_451 = arith.constant 0 : i32
        %dma_wait3A_452 = arith.constant 0 : i32
        %dma_wait3A_453 = tpu.memref_slice %arg18[%dma_wait3A_451, %dma_wait3A_452] : memref<10000x64xf32, #tpu.memory_space<vmem_shared>> -> memref<80x64xf32, #tpu.memory_space<vmem_shared>>
        %dma_wait3A_454 = arith.constant 0 : i32
        %dma_wait3A_455 = arith.constant 0 : i32
        %dma_wait3A_456 = tpu.memref_slice %arg18[%dma_wait3A_454, %dma_wait3A_455] : memref<10000x64xf32, #tpu.memory_space<vmem_shared>> -> memref<80x64xf32, #tpu.memory_space<vmem_shared>>
        tpu.wait_dma2 semaphore(%arg27 : memref<!tpu.dma_semaphore, #tpu.memory_space<semaphore_mem>>) src(%arg11 : memref<80x64xf32, #tpu.memory_space<vmem>>) dst(%dma_wait3A_456 : memref<80x64xf32, #tpu.memory_space<vmem_shared>>)
        %add3A_457 = arith.constant 3 : i32
        %add3A_458 = arith.addi %mul3A_360, %add3A_457 : i32
        %add3A_459 = arith.constant 5 : i32
        %add3A_460 = arith.addi %add3A_458, %add3A_459 : i32
        %dma_start3A_461 = arith.constant 0 : i32
        %dma_start3A_462 = tpu.memref_slice %arg8[%add3A_460, %dma_start3A_461] : memref<250x80xi32, #tpu.memory_space<vmem>> -> memref<1x80xi32, #tpu.memory_space<vmem>>
        %dma_start3A_463 = tpu.memref_squeeze %dma_start3A_462 : memref<1x80xi32, #tpu.memory_space<vmem>> -> memref<80xi32, #tpu.memory_space<vmem>>
        %dma_start3A_464 = arith.constant 0 : i32
        %dma_start3A_465 = arith.constant 0 : i32
        %dma_start3A_466 = tpu.memref_slice %arg3[%dma_start3A_464, %dma_start3A_465] : memref<10000x64xf32, #tpu.memory_space<hbm>> -> memref<10000x64xf32, #tpu.memory_space<hbm>>
        tpu.enqueue_indirect_dma source(%dma_start3A_466 : memref<10000x64xf32, #tpu.memory_space<hbm>>) target(%arg11 : memref<80x64xf32, #tpu.memory_space<vmem>>) offsets(%dma_start3A_463 : memref<80xi32, #tpu.memory_space<vmem>>) semaphore(%arg20 : memref<!tpu.dma_semaphore, #tpu.memory_space<semaphore_mem>>)
        %dma_wait3A_467 = arith.constant 0 : i32
        %dma_wait3A_468 = arith.constant 0 : i32
        %dma_wait3A_469 = tpu.memref_slice %arg3[%dma_wait3A_467, %dma_wait3A_468] : memref<10000x64xf32, #tpu.memory_space<hbm>> -> memref<80x64xf32, #tpu.memory_space<hbm>>
        %dma_wait3A_470 = arith.constant 0 : i32
        %dma_wait3A_471 = arith.constant 0 : i32
        %dma_wait3A_472 = tpu.memref_slice %arg3[%dma_wait3A_470, %dma_wait3A_471] : memref<10000x64xf32, #tpu.memory_space<hbm>> -> memref<80x64xf32, #tpu.memory_space<hbm>>
        tpu.wait_dma2 semaphore(%arg22 : memref<!tpu.dma_semaphore, #tpu.memory_space<semaphore_mem>>) src(%dma_wait3A_472 : memref<80x64xf32, #tpu.memory_space<hbm>>) dst(%arg13 : memref<80x64xf32, #tpu.memory_space<vmem>>)
        %add3A_473 = arith.constant 3 : i32
        %add3A_474 = arith.addi %mul3A_360, %add3A_473 : i32
        %dma_start3A_475 = arith.constant 0 : i32
        %dma_start3A_476 = tpu.memref_slice %arg9[%add3A_474, %dma_start3A_475] : memref<250x80xi32, #tpu.memory_space<vmem>> -> memref<1x80xi32, #tpu.memory_space<vmem>>
        %dma_start3A_477 = tpu.memref_squeeze %dma_start3A_476 : memref<1x80xi32, #tpu.memory_space<vmem>> -> memref<80xi32, #tpu.memory_space<vmem>>
        %dma_start3A_478 = arith.constant 0 : i32
        %dma_start3A_479 = arith.constant 0 : i32
        %dma_start3A_480 = tpu.memref_slice %arg18[%dma_start3A_478, %dma_start3A_479] : memref<10000x64xf32, #tpu.memory_space<vmem_shared>> -> memref<10000x64xf32, #tpu.memory_space<vmem_shared>>
        tpu.enqueue_indirect_dma source(%arg13 : memref<80x64xf32, #tpu.memory_space<vmem>>) target(%dma_start3A_480 : memref<10000x64xf32, #tpu.memory_space<vmem_shared>>) offsets(%dma_start3A_477 : memref<80xi32, #tpu.memory_space<vmem>>) semaphore(%arg29 : memref<!tpu.dma_semaphore, #tpu.memory_space<semaphore_mem>>) {add = true}
        %dma_wait3A_481 = arith.constant 0 : i32
        %dma_wait3A_482 = arith.constant 0 : i32
        %dma_wait3A_483 = tpu.memref_slice %arg18[%dma_wait3A_481, %dma_wait3A_482] : memref<10000x64xf32, #tpu.memory_space<vmem_shared>> -> memref<80x64xf32, #tpu.memory_space<vmem_shared>>
        %dma_wait3A_484 = arith.constant 0 : i32
        %dma_wait3A_485 = arith.constant 0 : i32
        %dma_wait3A_486 = tpu.memref_slice %arg18[%dma_wait3A_484, %dma_wait3A_485] : memref<10000x64xf32, #tpu.memory_space<vmem_shared>> -> memref<80x64xf32, #tpu.memory_space<vmem_shared>>
        tpu.wait_dma2 semaphore(%arg28 : memref<!tpu.dma_semaphore, #tpu.memory_space<semaphore_mem>>) src(%arg12 : memref<80x64xf32, #tpu.memory_space<vmem>>) dst(%dma_wait3A_486 : memref<80x64xf32, #tpu.memory_space<vmem_shared>>)
        %add3A_487 = arith.constant 4 : i32
        %add3A_488 = arith.addi %mul3A_360, %add3A_487 : i32
        %add3A_489 = arith.constant 5 : i32
        %add3A_490 = arith.addi %add3A_488, %add3A_489 : i32
        %dma_start3A_491 = arith.constant 0 : i32
        %dma_start3A_492 = tpu.memref_slice %arg8[%add3A_490, %dma_start3A_491] : memref<250x80xi32, #tpu.memory_space<vmem>> -> memref<1x80xi32, #tpu.memory_space<vmem>>
        %dma_start3A_493 = tpu.memref_squeeze %dma_start3A_492 : memref<1x80xi32, #tpu.memory_space<vmem>> -> memref<80xi32, #tpu.memory_space<vmem>>
        %dma_start3A_494 = arith.constant 0 : i32
        %dma_start3A_495 = arith.constant 0 : i32
        %dma_start3A_496 = tpu.memref_slice %arg3[%dma_start3A_494, %dma_start3A_495] : memref<10000x64xf32, #tpu.memory_space<hbm>> -> memref<10000x64xf32, #tpu.memory_space<hbm>>
        tpu.enqueue_indirect_dma source(%dma_start3A_496 : memref<10000x64xf32, #tpu.memory_space<hbm>>) target(%arg12 : memref<80x64xf32, #tpu.memory_space<vmem>>) offsets(%dma_start3A_493 : memref<80xi32, #tpu.memory_space<vmem>>) semaphore(%arg21 : memref<!tpu.dma_semaphore, #tpu.memory_space<semaphore_mem>>)
        %dma_wait3A_497 = arith.constant 0 : i32
        %dma_wait3A_498 = arith.constant 0 : i32
        %dma_wait3A_499 = tpu.memref_slice %arg3[%dma_wait3A_497, %dma_wait3A_498] : memref<10000x64xf32, #tpu.memory_space<hbm>> -> memref<80x64xf32, #tpu.memory_space<hbm>>
        %dma_wait3A_500 = arith.constant 0 : i32
        %dma_wait3A_501 = arith.constant 0 : i32
        %dma_wait3A_502 = tpu.memref_slice %arg3[%dma_wait3A_500, %dma_wait3A_501] : memref<10000x64xf32, #tpu.memory_space<hbm>> -> memref<80x64xf32, #tpu.memory_space<hbm>>
        tpu.wait_dma2 semaphore(%arg23 : memref<!tpu.dma_semaphore, #tpu.memory_space<semaphore_mem>>) src(%dma_wait3A_502 : memref<80x64xf32, #tpu.memory_space<hbm>>) dst(%arg14 : memref<80x64xf32, #tpu.memory_space<vmem>>)
        %add3A_503 = arith.constant 4 : i32
        %add3A_504 = arith.addi %mul3A_360, %add3A_503 : i32
        %dma_start3A_505 = arith.constant 0 : i32
        %dma_start3A_506 = tpu.memref_slice %arg9[%add3A_504, %dma_start3A_505] : memref<250x80xi32, #tpu.memory_space<vmem>> -> memref<1x80xi32, #tpu.memory_space<vmem>>
        %dma_start3A_507 = tpu.memref_squeeze %dma_start3A_506 : memref<1x80xi32, #tpu.memory_space<vmem>> -> memref<80xi32, #tpu.memory_space<vmem>>
        %dma_start3A_508 = arith.constant 0 : i32
        %dma_start3A_509 = arith.constant 0 : i32
        %dma_start3A_510 = tpu.memref_slice %arg18[%dma_start3A_508, %dma_start3A_509] : memref<10000x64xf32, #tpu.memory_space<vmem_shared>> -> memref<10000x64xf32, #tpu.memory_space<vmem_shared>>
        tpu.enqueue_indirect_dma source(%arg14 : memref<80x64xf32, #tpu.memory_space<vmem>>) target(%dma_start3A_510 : memref<10000x64xf32, #tpu.memory_space<vmem_shared>>) offsets(%dma_start3A_507 : memref<80xi32, #tpu.memory_space<vmem>>) semaphore(%arg30 : memref<!tpu.dma_semaphore, #tpu.memory_space<semaphore_mem>>) {add = true}
        %dma_wait3A_511 = arith.constant 0 : i32
        %dma_wait3A_512 = arith.constant 0 : i32
        %dma_wait3A_513 = tpu.memref_slice %arg18[%dma_wait3A_511, %dma_wait3A_512] : memref<10000x64xf32, #tpu.memory_space<vmem_shared>> -> memref<80x64xf32, #tpu.memory_space<vmem_shared>>
        %dma_wait3A_514 = arith.constant 0 : i32
        %dma_wait3A_515 = arith.constant 0 : i32
        %dma_wait3A_516 = tpu.memref_slice %arg18[%dma_wait3A_514, %dma_wait3A_515] : memref<10000x64xf32, #tpu.memory_space<vmem_shared>> -> memref<80x64xf32, #tpu.memory_space<vmem_shared>>
        tpu.wait_dma2 semaphore(%arg29 : memref<!tpu.dma_semaphore, #tpu.memory_space<semaphore_mem>>) src(%arg13 : memref<80x64xf32, #tpu.memory_space<vmem>>) dst(%dma_wait3A_516 : memref<80x64xf32, #tpu.memory_space<vmem_shared>>)
        %add3A_517 = arith.constant 5 : i32
        %add3A_518 = arith.addi %mul3A_360, %add3A_517 : i32
        %add3A_519 = arith.constant 5 : i32
        %add3A_520 = arith.addi %add3A_518, %add3A_519 : i32
        %dma_start3A_521 = arith.constant 0 : i32
        %dma_start3A_522 = tpu.memref_slice %arg8[%add3A_520, %dma_start3A_521] : memref<250x80xi32, #tpu.memory_space<vmem>> -> memref<1x80xi32, #tpu.memory_space<vmem>>
        %dma_start3A_523 = tpu.memref_squeeze %dma_start3A_522 : memref<1x80xi32, #tpu.memory_space<vmem>> -> memref<80xi32, #tpu.memory_space<vmem>>
        %dma_start3A_524 = arith.constant 0 : i32
        %dma_start3A_525 = arith.constant 0 : i32
        %dma_start3A_526 = tpu.memref_slice %arg3[%dma_start3A_524, %dma_start3A_525] : memref<10000x64xf32, #tpu.memory_space<hbm>> -> memref<10000x64xf32, #tpu.memory_space<hbm>>
        tpu.enqueue_indirect_dma source(%dma_start3A_526 : memref<10000x64xf32, #tpu.memory_space<hbm>>) target(%arg13 : memref<80x64xf32, #tpu.memory_space<vmem>>) offsets(%dma_start3A_523 : memref<80xi32, #tpu.memory_space<vmem>>) semaphore(%arg22 : memref<!tpu.dma_semaphore, #tpu.memory_space<semaphore_mem>>)
        %dma_wait3A_527 = arith.constant 0 : i32
        %dma_wait3A_528 = arith.constant 0 : i32
        %dma_wait3A_529 = tpu.memref_slice %arg3[%dma_wait3A_527, %dma_wait3A_528] : memref<10000x64xf32, #tpu.memory_space<hbm>> -> memref<80x64xf32, #tpu.memory_space<hbm>>
        %dma_wait3A_530 = arith.constant 0 : i32
        %dma_wait3A_531 = arith.constant 0 : i32
        %dma_wait3A_532 = tpu.memref_slice %arg3[%dma_wait3A_530, %dma_wait3A_531] : memref<10000x64xf32, #tpu.memory_space<hbm>> -> memref<80x64xf32, #tpu.memory_space<hbm>>
        tpu.wait_dma2 semaphore(%arg24 : memref<!tpu.dma_semaphore, #tpu.memory_space<semaphore_mem>>) src(%dma_wait3A_532 : memref<80x64xf32, #tpu.memory_space<hbm>>) dst(%arg15 : memref<80x64xf32, #tpu.memory_space<vmem>>)
        %add3A_533 = arith.constant 5 : i32
        %add3A_534 = arith.addi %mul3A_360, %add3A_533 : i32
        %dma_start3A_535 = arith.constant 0 : i32
        %dma_start3A_536 = tpu.memref_slice %arg9[%add3A_534, %dma_start3A_535] : memref<250x80xi32, #tpu.memory_space<vmem>> -> memref<1x80xi32, #tpu.memory_space<vmem>>
        %dma_start3A_537 = tpu.memref_squeeze %dma_start3A_536 : memref<1x80xi32, #tpu.memory_space<vmem>> -> memref<80xi32, #tpu.memory_space<vmem>>
        %dma_start3A_538 = arith.constant 0 : i32
        %dma_start3A_539 = arith.constant 0 : i32
        %dma_start3A_540 = tpu.memref_slice %arg18[%dma_start3A_538, %dma_start3A_539] : memref<10000x64xf32, #tpu.memory_space<vmem_shared>> -> memref<10000x64xf32, #tpu.memory_space<vmem_shared>>
        tpu.enqueue_indirect_dma source(%arg15 : memref<80x64xf32, #tpu.memory_space<vmem>>) target(%dma_start3A_540 : memref<10000x64xf32, #tpu.memory_space<vmem_shared>>) offsets(%dma_start3A_537 : memref<80xi32, #tpu.memory_space<vmem>>) semaphore(%arg31 : memref<!tpu.dma_semaphore, #tpu.memory_space<semaphore_mem>>) {add = true}
        %dma_wait3A_541 = arith.constant 0 : i32
        %dma_wait3A_542 = arith.constant 0 : i32
        %dma_wait3A_543 = tpu.memref_slice %arg18[%dma_wait3A_541, %dma_wait3A_542] : memref<10000x64xf32, #tpu.memory_space<vmem_shared>> -> memref<80x64xf32, #tpu.memory_space<vmem_shared>>
        %dma_wait3A_544 = arith.constant 0 : i32
        %dma_wait3A_545 = arith.constant 0 : i32
        %dma_wait3A_546 = tpu.memref_slice %arg18[%dma_wait3A_544, %dma_wait3A_545] : memref<10000x64xf32, #tpu.memory_space<vmem_shared>> -> memref<80x64xf32, #tpu.memory_space<vmem_shared>>
        tpu.wait_dma2 semaphore(%arg30 : memref<!tpu.dma_semaphore, #tpu.memory_space<semaphore_mem>>) src(%arg14 : memref<80x64xf32, #tpu.memory_space<vmem>>) dst(%dma_wait3A_546 : memref<80x64xf32, #tpu.memory_space<vmem_shared>>)
        %add3A_547 = arith.constant 6 : i32
        %add3A_548 = arith.addi %mul3A_360, %add3A_547 : i32
        %add3A_549 = arith.constant 5 : i32
        %add3A_550 = arith.addi %add3A_548, %add3A_549 : i32
        %dma_start3A_551 = arith.constant 0 : i32
        %dma_start3A_552 = tpu.memref_slice %arg8[%add3A_550, %dma_start3A_551] : memref<250x80xi32, #tpu.memory_space<vmem>> -> memref<1x80xi32, #tpu.memory_space<vmem>>
        %dma_start3A_553 = tpu.memref_squeeze %dma_start3A_552 : memref<1x80xi32, #tpu.memory_space<vmem>> -> memref<80xi32, #tpu.memory_space<vmem>>
        %dma_start3A_554 = arith.constant 0 : i32
        %dma_start3A_555 = arith.constant 0 : i32
        %dma_start3A_556 = tpu.memref_slice %arg3[%dma_start3A_554, %dma_start3A_555] : memref<10000x64xf32, #tpu.memory_space<hbm>> -> memref<10000x64xf32, #tpu.memory_space<hbm>>
        tpu.enqueue_indirect_dma source(%dma_start3A_556 : memref<10000x64xf32, #tpu.memory_space<hbm>>) target(%arg14 : memref<80x64xf32, #tpu.memory_space<vmem>>) offsets(%dma_start3A_553 : memref<80xi32, #tpu.memory_space<vmem>>) semaphore(%arg23 : memref<!tpu.dma_semaphore, #tpu.memory_space<semaphore_mem>>)
        %dma_wait3A_557 = arith.constant 0 : i32
        %dma_wait3A_558 = arith.constant 0 : i32
        %dma_wait3A_559 = tpu.memref_slice %arg3[%dma_wait3A_557, %dma_wait3A_558] : memref<10000x64xf32, #tpu.memory_space<hbm>> -> memref<80x64xf32, #tpu.memory_space<hbm>>
        %dma_wait3A_560 = arith.constant 0 : i32
        %dma_wait3A_561 = arith.constant 0 : i32
        %dma_wait3A_562 = tpu.memref_slice %arg3[%dma_wait3A_560, %dma_wait3A_561] : memref<10000x64xf32, #tpu.memory_space<hbm>> -> memref<80x64xf32, #tpu.memory_space<hbm>>
        tpu.wait_dma2 semaphore(%arg25 : memref<!tpu.dma_semaphore, #tpu.memory_space<semaphore_mem>>) src(%dma_wait3A_562 : memref<80x64xf32, #tpu.memory_space<hbm>>) dst(%arg16 : memref<80x64xf32, #tpu.memory_space<vmem>>)
        %add3A_563 = arith.constant 6 : i32
        %add3A_564 = arith.addi %mul3A_360, %add3A_563 : i32
        %dma_start3A_565 = arith.constant 0 : i32
        %dma_start3A_566 = tpu.memref_slice %arg9[%add3A_564, %dma_start3A_565] : memref<250x80xi32, #tpu.memory_space<vmem>> -> memref<1x80xi32, #tpu.memory_space<vmem>>
        %dma_start3A_567 = tpu.memref_squeeze %dma_start3A_566 : memref<1x80xi32, #tpu.memory_space<vmem>> -> memref<80xi32, #tpu.memory_space<vmem>>
        %dma_start3A_568 = arith.constant 0 : i32
        %dma_start3A_569 = arith.constant 0 : i32
        %dma_start3A_570 = tpu.memref_slice %arg18[%dma_start3A_568, %dma_start3A_569] : memref<10000x64xf32, #tpu.memory_space<vmem_shared>> -> memref<10000x64xf32, #tpu.memory_space<vmem_shared>>
        tpu.enqueue_indirect_dma source(%arg16 : memref<80x64xf32, #tpu.memory_space<vmem>>) target(%dma_start3A_570 : memref<10000x64xf32, #tpu.memory_space<vmem_shared>>) offsets(%dma_start3A_567 : memref<80xi32, #tpu.memory_space<vmem>>) semaphore(%arg32 : memref<!tpu.dma_semaphore, #tpu.memory_space<semaphore_mem>>) {add = true}
      }
      %scan3A_250 = arith.constant 34 : i32
      %dma_wait3A_251 = arith.constant 0 : i32
      %dma_wait3A_252 = arith.constant 0 : i32
      %dma_wait3A_253 = tpu.memref_slice %arg3[%dma_wait3A_251, %dma_wait3A_252] : memref<10000x64xf32, #tpu.memory_space<hbm>> -> memref<80x64xf32, #tpu.memory_space<hbm>>
      %dma_wait3A_254 = arith.constant 0 : i32
      %dma_wait3A_255 = arith.constant 0 : i32
      %dma_wait3A_256 = tpu.memref_slice %arg3[%dma_wait3A_254, %dma_wait3A_255] : memref<10000x64xf32, #tpu.memory_space<hbm>> -> memref<80x64xf32, #tpu.memory_space<hbm>>
      tpu.wait_dma2 semaphore(%arg19 : memref<!tpu.dma_semaphore, #tpu.memory_space<semaphore_mem>>) src(%dma_wait3A_256 : memref<80x64xf32, #tpu.memory_space<hbm>>) dst(%arg10 : memref<80x64xf32, #tpu.memory_space<vmem>>)
      %dma_start3A_257 = arith.constant 245 : i32
      %dma_start3A_258 = arith.constant 0 : i32
      %dma_start3A_259 = tpu.memref_slice %arg9[%dma_start3A_257, %dma_start3A_258] : memref<250x80xi32, #tpu.memory_space<vmem>> -> memref<1x80xi32, #tpu.memory_space<vmem>>
      %dma_start3A_260 = tpu.memref_squeeze %dma_start3A_259 : memref<1x80xi32, #tpu.memory_space<vmem>> -> memref<80xi32, #tpu.memory_space<vmem>>
      %dma_start3A_261 = arith.constant 0 : i32
      %dma_start3A_262 = arith.constant 0 : i32
      %dma_start3A_263 = tpu.memref_slice %arg18[%dma_start3A_261, %dma_start3A_262] : memref<10000x64xf32, #tpu.memory_space<vmem_shared>> -> memref<10000x64xf32, #tpu.memory_space<vmem_shared>>
      tpu.enqueue_indirect_dma source(%arg10 : memref<80x64xf32, #tpu.memory_space<vmem>>) target(%dma_start3A_263 : memref<10000x64xf32, #tpu.memory_space<vmem_shared>>) offsets(%dma_start3A_260 : memref<80xi32, #tpu.memory_space<vmem>>) semaphore(%arg26 : memref<!tpu.dma_semaphore, #tpu.memory_space<semaphore_mem>>) {add = true}
      %dma_wait3A_264 = arith.constant 0 : i32
      %dma_wait3A_265 = arith.constant 0 : i32
      %dma_wait3A_266 = tpu.memref_slice %arg3[%dma_wait3A_264, %dma_wait3A_265] : memref<10000x64xf32, #tpu.memory_space<hbm>> -> memref<80x64xf32, #tpu.memory_space<hbm>>
      %dma_wait3A_267 = arith.constant 0 : i32
      %dma_wait3A_268 = arith.constant 0 : i32
      %dma_wait3A_269 = tpu.memref_slice %arg3[%dma_wait3A_267, %dma_wait3A_268] : memref<10000x64xf32, #tpu.memory_space<hbm>> -> memref<80x64xf32, #tpu.memory_space<hbm>>
      tpu.wait_dma2 semaphore(%arg20 : memref<!tpu.dma_semaphore, #tpu.memory_space<semaphore_mem>>) src(%dma_wait3A_269 : memref<80x64xf32, #tpu.memory_space<hbm>>) dst(%arg11 : memref<80x64xf32, #tpu.memory_space<vmem>>)
      %dma_start3A_270 = arith.constant 246 : i32
      %dma_start3A_271 = arith.constant 0 : i32
      %dma_start3A_272 = tpu.memref_slice %arg9[%dma_start3A_270, %dma_start3A_271] : memref<250x80xi32, #tpu.memory_space<vmem>> -> memref<1x80xi32, #tpu.memory_space<vmem>>
      %dma_start3A_273 = tpu.memref_squeeze %dma_start3A_272 : memref<1x80xi32, #tpu.memory_space<vmem>> -> memref<80xi32, #tpu.memory_space<vmem>>
      %dma_start3A_274 = arith.constant 0 : i32
      %dma_start3A_275 = arith.constant 0 : i32
      %dma_start3A_276 = tpu.memref_slice %arg18[%dma_start3A_274, %dma_start3A_275] : memref<10000x64xf32, #tpu.memory_space<vmem_shared>> -> memref<10000x64xf32, #tpu.memory_space<vmem_shared>>
      tpu.enqueue_indirect_dma source(%arg11 : memref<80x64xf32, #tpu.memory_space<vmem>>) target(%dma_start3A_276 : memref<10000x64xf32, #tpu.memory_space<vmem_shared>>) offsets(%dma_start3A_273 : memref<80xi32, #tpu.memory_space<vmem>>) semaphore(%arg27 : memref<!tpu.dma_semaphore, #tpu.memory_space<semaphore_mem>>) {add = true}
      %dma_wait3A_277 = arith.constant 0 : i32
      %dma_wait3A_278 = arith.constant 0 : i32
      %dma_wait3A_279 = tpu.memref_slice %arg3[%dma_wait3A_277, %dma_wait3A_278] : memref<10000x64xf32, #tpu.memory_space<hbm>> -> memref<80x64xf32, #tpu.memory_space<hbm>>
      %dma_wait3A_280 = arith.constant 0 : i32
      %dma_wait3A_281 = arith.constant 0 : i32
      %dma_wait3A_282 = tpu.memref_slice %arg3[%dma_wait3A_280, %dma_wait3A_281] : memref<10000x64xf32, #tpu.memory_space<hbm>> -> memref<80x64xf32, #tpu.memory_space<hbm>>
      tpu.wait_dma2 semaphore(%arg21 : memref<!tpu.dma_semaphore, #tpu.memory_space<semaphore_mem>>) src(%dma_wait3A_282 : memref<80x64xf32, #tpu.memory_space<hbm>>) dst(%arg12 : memref<80x64xf32, #tpu.memory_space<vmem>>)
      %dma_start3A_283 = arith.constant 247 : i32
      %dma_start3A_284 = arith.constant 0 : i32
      %dma_start3A_285 = tpu.memref_slice %arg9[%dma_start3A_283, %dma_start3A_284] : memref<250x80xi32, #tpu.memory_space<vmem>> -> memref<1x80xi32, #tpu.memory_space<vmem>>
      %dma_start3A_286 = tpu.memref_squeeze %dma_start3A_285 : memref<1x80xi32, #tpu.memory_space<vmem>> -> memref<80xi32, #tpu.memory_space<vmem>>
      %dma_start3A_287 = arith.constant 0 : i32
      %dma_start3A_288 = arith.constant 0 : i32
      %dma_start3A_289 = tpu.memref_slice %arg18[%dma_start3A_287, %dma_start3A_288] : memref<10000x64xf32, #tpu.memory_space<vmem_shared>> -> memref<10000x64xf32, #tpu.memory_space<vmem_shared>>
      tpu.enqueue_indirect_dma source(%arg12 : memref<80x64xf32, #tpu.memory_space<vmem>>) target(%dma_start3A_289 : memref<10000x64xf32, #tpu.memory_space<vmem_shared>>) offsets(%dma_start3A_286 : memref<80xi32, #tpu.memory_space<vmem>>) semaphore(%arg28 : memref<!tpu.dma_semaphore, #tpu.memory_space<semaphore_mem>>) {add = true}
      %dma_wait3A_290 = arith.constant 0 : i32
      %dma_wait3A_291 = arith.constant 0 : i32
      %dma_wait3A_292 = tpu.memref_slice %arg3[%dma_wait3A_290, %dma_wait3A_291] : memref<10000x64xf32, #tpu.memory_space<hbm>> -> memref<80x64xf32, #tpu.memory_space<hbm>>
      %dma_wait3A_293 = arith.constant 0 : i32
      %dma_wait3A_294 = arith.constant 0 : i32
      %dma_wait3A_295 = tpu.memref_slice %arg3[%dma_wait3A_293, %dma_wait3A_294] : memref<10000x64xf32, #tpu.memory_space<hbm>> -> memref<80x64xf32, #tpu.memory_space<hbm>>
      tpu.wait_dma2 semaphore(%arg22 : memref<!tpu.dma_semaphore, #tpu.memory_space<semaphore_mem>>) src(%dma_wait3A_295 : memref<80x64xf32, #tpu.memory_space<hbm>>) dst(%arg13 : memref<80x64xf32, #tpu.memory_space<vmem>>)
      %dma_start3A_296 = arith.constant 248 : i32
      %dma_start3A_297 = arith.constant 0 : i32
      %dma_start3A_298 = tpu.memref_slice %arg9[%dma_start3A_296, %dma_start3A_297] : memref<250x80xi32, #tpu.memory_space<vmem>> -> memref<1x80xi32, #tpu.memory_space<vmem>>
      %dma_start3A_299 = tpu.memref_squeeze %dma_start3A_298 : memref<1x80xi32, #tpu.memory_space<vmem>> -> memref<80xi32, #tpu.memory_space<vmem>>
      %dma_start3A_300 = arith.constant 0 : i32
      %dma_start3A_301 = arith.constant 0 : i32
      %dma_start3A_302 = tpu.memref_slice %arg18[%dma_start3A_300, %dma_start3A_301] : memref<10000x64xf32, #tpu.memory_space<vmem_shared>> -> memref<10000x64xf32, #tpu.memory_space<vmem_shared>>
      tpu.enqueue_indirect_dma source(%arg13 : memref<80x64xf32, #tpu.memory_space<vmem>>) target(%dma_start3A_302 : memref<10000x64xf32, #tpu.memory_space<vmem_shared>>) offsets(%dma_start3A_299 : memref<80xi32, #tpu.memory_space<vmem>>) semaphore(%arg29 : memref<!tpu.dma_semaphore, #tpu.memory_space<semaphore_mem>>) {add = true}
      %dma_wait3A_303 = arith.constant 0 : i32
      %dma_wait3A_304 = arith.constant 0 : i32
      %dma_wait3A_305 = tpu.memref_slice %arg3[%dma_wait3A_303, %dma_wait3A_304] : memref<10000x64xf32, #tpu.memory_space<hbm>> -> memref<80x64xf32, #tpu.memory_space<hbm>>
      %dma_wait3A_306 = arith.constant 0 : i32
      %dma_wait3A_307 = arith.constant 0 : i32
      %dma_wait3A_308 = tpu.memref_slice %arg3[%dma_wait3A_306, %dma_wait3A_307] : memref<10000x64xf32, #tpu.memory_space<hbm>> -> memref<80x64xf32, #tpu.memory_space<hbm>>
      tpu.wait_dma2 semaphore(%arg23 : memref<!tpu.dma_semaphore, #tpu.memory_space<semaphore_mem>>) src(%dma_wait3A_308 : memref<80x64xf32, #tpu.memory_space<hbm>>) dst(%arg14 : memref<80x64xf32, #tpu.memory_space<vmem>>)
      %dma_start3A_309 = arith.constant 249 : i32
      %dma_start3A_310 = arith.constant 0 : i32
      %dma_start3A_311 = tpu.memref_slice %arg9[%dma_start3A_309, %dma_start3A_310] : memref<250x80xi32, #tpu.memory_space<vmem>> -> memref<1x80xi32, #tpu.memory_space<vmem>>
      %dma_start3A_312 = tpu.memref_squeeze %dma_start3A_311 : memref<1x80xi32, #tpu.memory_space<vmem>> -> memref<80xi32, #tpu.memory_space<vmem>>
      %dma_start3A_313 = arith.constant 0 : i32
      %dma_start3A_314 = arith.constant 0 : i32
      %dma_start3A_315 = tpu.memref_slice %arg18[%dma_start3A_313, %dma_start3A_314] : memref<10000x64xf32, #tpu.memory_space<vmem_shared>> -> memref<10000x64xf32, #tpu.memory_space<vmem_shared>>
      tpu.enqueue_indirect_dma source(%arg14 : memref<80x64xf32, #tpu.memory_space<vmem>>) target(%dma_start3A_315 : memref<10000x64xf32, #tpu.memory_space<vmem_shared>>) offsets(%dma_start3A_312 : memref<80xi32, #tpu.memory_space<vmem>>) semaphore(%arg30 : memref<!tpu.dma_semaphore, #tpu.memory_space<semaphore_mem>>) {add = true}
      %dma_wait3A_316 = arith.constant 0 : i32
      %dma_wait3A_317 = arith.constant 0 : i32
      %dma_wait3A_318 = tpu.memref_slice %arg18[%dma_wait3A_316, %dma_wait3A_317] : memref<10000x64xf32, #tpu.memory_space<vmem_shared>> -> memref<80x64xf32, #tpu.memory_space<vmem_shared>>
      %dma_wait3A_319 = arith.constant 0 : i32
      %dma_wait3A_320 = arith.constant 0 : i32
      %dma_wait3A_321 = tpu.memref_slice %arg18[%dma_wait3A_319, %dma_wait3A_320] : memref<10000x64xf32, #tpu.memory_space<vmem_shared>> -> memref<80x64xf32, #tpu.memory_space<vmem_shared>>
      tpu.wait_dma2 semaphore(%arg26 : memref<!tpu.dma_semaphore, #tpu.memory_space<semaphore_mem>>) src(%arg10 : memref<80x64xf32, #tpu.memory_space<vmem>>) dst(%dma_wait3A_321 : memref<80x64xf32, #tpu.memory_space<vmem_shared>>)
      %dma_wait3A_322 = arith.constant 0 : i32
      %dma_wait3A_323 = arith.constant 0 : i32
      %dma_wait3A_324 = tpu.memref_slice %arg18[%dma_wait3A_322, %dma_wait3A_323] : memref<10000x64xf32, #tpu.memory_space<vmem_shared>> -> memref<80x64xf32, #tpu.memory_space<vmem_shared>>
      %dma_wait3A_325 = arith.constant 0 : i32
      %dma_wait3A_326 = arith.constant 0 : i32
      %dma_wait3A_327 = tpu.memref_slice %arg18[%dma_wait3A_325, %dma_wait3A_326] : memref<10000x64xf32, #tpu.memory_space<vmem_shared>> -> memref<80x64xf32, #tpu.memory_space<vmem_shared>>
      tpu.wait_dma2 semaphore(%arg27 : memref<!tpu.dma_semaphore, #tpu.memory_space<semaphore_mem>>) src(%arg11 : memref<80x64xf32, #tpu.memory_space<vmem>>) dst(%dma_wait3A_327 : memref<80x64xf32, #tpu.memory_space<vmem_shared>>)
      %dma_wait3A_328 = arith.constant 0 : i32
      %dma_wait3A_329 = arith.constant 0 : i32
      %dma_wait3A_330 = tpu.memref_slice %arg18[%dma_wait3A_328, %dma_wait3A_329] : memref<10000x64xf32, #tpu.memory_space<vmem_shared>> -> memref<80x64xf32, #tpu.memory_space<vmem_shared>>
      %dma_wait3A_331 = arith.constant 0 : i32
      %dma_wait3A_332 = arith.constant 0 : i32
      %dma_wait3A_333 = tpu.memref_slice %arg18[%dma_wait3A_331, %dma_wait3A_332] : memref<10000x64xf32, #tpu.memory_space<vmem_shared>> -> memref<80x64xf32, #tpu.memory_space<vmem_shared>>
      tpu.wait_dma2 semaphore(%arg28 : memref<!tpu.dma_semaphore, #tpu.memory_space<semaphore_mem>>) src(%arg12 : memref<80x64xf32, #tpu.memory_space<vmem>>) dst(%dma_wait3A_333 : memref<80x64xf32, #tpu.memory_space<vmem_shared>>)
      %dma_wait3A_334 = arith.constant 0 : i32
      %dma_wait3A_335 = arith.constant 0 : i32
      %dma_wait3A_336 = tpu.memref_slice %arg18[%dma_wait3A_334, %dma_wait3A_335] : memref<10000x64xf32, #tpu.memory_space<vmem_shared>> -> memref<80x64xf32, #tpu.memory_space<vmem_shared>>
      %dma_wait3A_337 = arith.constant 0 : i32
      %dma_wait3A_338 = arith.constant 0 : i32
      %dma_wait3A_339 = tpu.memref_slice %arg18[%dma_wait3A_337, %dma_wait3A_338] : memref<10000x64xf32, #tpu.memory_space<vmem_shared>> -> memref<80x64xf32, #tpu.memory_space<vmem_shared>>
      tpu.wait_dma2 semaphore(%arg29 : memref<!tpu.dma_semaphore, #tpu.memory_space<semaphore_mem>>) src(%arg13 : memref<80x64xf32, #tpu.memory_space<vmem>>) dst(%dma_wait3A_339 : memref<80x64xf32, #tpu.memory_space<vmem_shared>>)
      %dma_wait3A_340 = arith.constant 0 : i32
      %dma_wait3A_341 = arith.constant 0 : i32
      %dma_wait3A_342 = tpu.memref_slice %arg18[%dma_wait3A_340, %dma_wait3A_341] : memref<10000x64xf32, #tpu.memory_space<vmem_shared>> -> memref<80x64xf32, #tpu.memory_space<vmem_shared>>
      %dma_wait3A_343 = arith.constant 0 : i32
      %dma_wait3A_344 = arith.constant 0 : i32
      %dma_wait3A_345 = tpu.memref_slice %arg18[%dma_wait3A_343, %dma_wait3A_344] : memref<10000x64xf32, #tpu.memory_space<vmem_shared>> -> memref<80x64xf32, #tpu.memory_space<vmem_shared>>
      tpu.wait_dma2 semaphore(%arg30 : memref<!tpu.dma_semaphore, #tpu.memory_space<semaphore_mem>>) src(%arg14 : memref<80x64xf32, #tpu.memory_space<vmem>>) dst(%dma_wait3A_345 : memref<80x64xf32, #tpu.memory_space<vmem_shared>>)
      %dma_wait3A_346 = arith.constant 0 : i32
      %dma_wait3A_347 = arith.constant 0 : i32
      %dma_wait3A_348 = tpu.memref_slice %arg18[%dma_wait3A_346, %dma_wait3A_347] : memref<10000x64xf32, #tpu.memory_space<vmem_shared>> -> memref<80x64xf32, #tpu.memory_space<vmem_shared>>
      %dma_wait3A_349 = arith.constant 0 : i32
      %dma_wait3A_350 = arith.constant 0 : i32
      %dma_wait3A_351 = tpu.memref_slice %arg18[%dma_wait3A_349, %dma_wait3A_350] : memref<10000x64xf32, #tpu.memory_space<vmem_shared>> -> memref<80x64xf32, #tpu.memory_space<vmem_shared>>
      tpu.wait_dma2 semaphore(%arg31 : memref<!tpu.dma_semaphore, #tpu.memory_space<semaphore_mem>>) src(%arg15 : memref<80x64xf32, #tpu.memory_space<vmem>>) dst(%dma_wait3A_351 : memref<80x64xf32, #tpu.memory_space<vmem_shared>>)
      %dma_wait3A_352 = arith.constant 0 : i32
      %dma_wait3A_353 = arith.constant 0 : i32
      %dma_wait3A_354 = tpu.memref_slice %arg18[%dma_wait3A_352, %dma_wait3A_353] : memref<10000x64xf32, #tpu.memory_space<vmem_shared>> -> memref<80x64xf32, #tpu.memory_space<vmem_shared>>
      %dma_wait3A_355 = arith.constant 0 : i32
      %dma_wait3A_356 = arith.constant 0 : i32
      %dma_wait3A_357 = tpu.memref_slice %arg18[%dma_wait3A_355, %dma_wait3A_356] : memref<10000x64xf32, #tpu.memory_space<vmem_shared>> -> memref<80x64xf32, #tpu.memory_space<vmem_shared>>
      tpu.wait_dma2 semaphore(%arg32 : memref<!tpu.dma_semaphore, #tpu.memory_space<semaphore_mem>>) src(%arg16 : memref<80x64xf32, #tpu.memory_space<vmem>>) dst(%dma_wait3A_357 : memref<80x64xf32, #tpu.memory_space<vmem_shared>>)
    } else {
    }
    %barrier3A_31 = arith.constant 0 : index
    tpu.barrier barrier_id(%barrier3A_31)
    %eq3A_32 = arith.constant 0 : i32
    %eq3A_33 = arith.cmpi eq, %arg0, %eq3A_32 : i32
    %convert_element_type3A_34 = arith.extui %eq3A_33 : i1 to i32
    %cond3A_35 = arith.constant 0 : i32
    %cond3A_36 = arith.cmpi ne, %convert_element_type3A_34, %cond3A_35 : i32
    scf.if %cond3A_36 {
      %mul3A_42 = arith.constant 625 : i32
      %mul3A_43 = arith.muli %arg1, %mul3A_42 : i32
      %mul3A_44 = arith.constant 625 : i32
      %mul3A_45 = arith.muli %arg1, %mul3A_44 : i32
      "tpu.region"() ({
        %run_scoped3A = tpu.sem_alloc : memref<!tpu.dma_semaphore, #tpu.memory_space<semaphore_mem>>
        %dma_start3A = arith.constant 0 : i32
        %dma_start3A_46 = tpu.memref_slice %arg6[%mul3A_45, %dma_start3A] : memref<10000x64xf32, #tpu.memory_space<hbm>> -> memref<625x64xf32, #tpu.memory_space<hbm>>
        %dma_start3A_47 = arith.constant 0 : i32
        %dma_start3A_48 = tpu.memref_slice %arg18[%mul3A_43, %dma_start3A_47] : memref<10000x64xf32, #tpu.memory_space<vmem_shared>> -> memref<625x64xf32, #tpu.memory_space<vmem_shared>>
        tpu.enqueue_dma source(%dma_start3A_48 : memref<625x64xf32, #tpu.memory_space<vmem_shared>>) target(%dma_start3A_46 : memref<625x64xf32, #tpu.memory_space<hbm>>) target_semaphore(%run_scoped3A : memref<!tpu.dma_semaphore, #tpu.memory_space<semaphore_mem>>)
        %dma_wait3A = arith.constant 0 : i32
        %dma_wait3A_49 = tpu.memref_slice %arg6[%mul3A_45, %dma_wait3A] : memref<10000x64xf32, #tpu.memory_space<hbm>> -> memref<625x64xf32, #tpu.memory_space<hbm>>
        %dma_wait3A_50 = arith.constant 0 : i32
        %dma_wait3A_51 = tpu.memref_slice %arg18[%mul3A_43, %dma_wait3A_50] : memref<10000x64xf32, #tpu.memory_space<vmem_shared>> -> memref<625x64xf32, #tpu.memory_space<vmem_shared>>
        tpu.wait_dma2 semaphore(%run_scoped3A : memref<!tpu.dma_semaphore, #tpu.memory_space<semaphore_mem>>) src(%dma_wait3A_51 : memref<625x64xf32, #tpu.memory_space<vmem_shared>>) dst(%dma_wait3A_49 : memref<625x64xf32, #tpu.memory_space<hbm>>)
        tpu.yield
      }) : () -> ()
    } else {
    }
    %eq3A_37 = arith.constant 1 : i32
    %eq3A_38 = arith.cmpi eq, %arg0, %eq3A_37 : i32
    %convert_element_type3A_39 = arith.extui %eq3A_38 : i1 to i32
    %cond3A_40 = arith.constant 0 : i32
    %cond3A_41 = arith.cmpi ne, %convert_element_type3A_39, %cond3A_40 : i32
    scf.if %cond3A_41 {
      %mul3A_42 = arith.constant 625 : i32
      %mul3A_43 = arith.muli %arg1, %mul3A_42 : i32
      %mul3A_44 = arith.constant 625 : i32
      %mul3A_45 = arith.muli %arg1, %mul3A_44 : i32
      "tpu.region"() ({
        %run_scoped3A = tpu.sem_alloc : memref<!tpu.dma_semaphore, #tpu.memory_space<semaphore_mem>>
        %dma_start3A = arith.constant 0 : i32
        %dma_start3A_46 = tpu.memref_slice %arg7[%mul3A_45, %dma_start3A] : memref<10000x64xf32, #tpu.memory_space<hbm>> -> memref<625x64xf32, #tpu.memory_space<hbm>>
        %dma_start3A_47 = arith.constant 0 : i32
        %dma_start3A_48 = tpu.memref_slice %arg18[%mul3A_43, %dma_start3A_47] : memref<10000x64xf32, #tpu.memory_space<vmem_shared>> -> memref<625x64xf32, #tpu.memory_space<vmem_shared>>
        tpu.enqueue_dma source(%dma_start3A_48 : memref<625x64xf32, #tpu.memory_space<vmem_shared>>) target(%dma_start3A_46 : memref<625x64xf32, #tpu.memory_space<hbm>>) target_semaphore(%run_scoped3A : memref<!tpu.dma_semaphore, #tpu.memory_space<semaphore_mem>>)
        %dma_wait3A = arith.constant 0 : i32
        %dma_wait3A_49 = tpu.memref_slice %arg7[%mul3A_45, %dma_wait3A] : memref<10000x64xf32, #tpu.memory_space<hbm>> -> memref<625x64xf32, #tpu.memory_space<hbm>>
        %dma_wait3A_50 = arith.constant 0 : i32
        %dma_wait3A_51 = tpu.memref_slice %arg18[%mul3A_43, %dma_wait3A_50] : memref<10000x64xf32, #tpu.memory_space<vmem_shared>> -> memref<625x64xf32, #tpu.memory_space<vmem_shared>>
        tpu.wait_dma2 semaphore(%run_scoped3A : memref<!tpu.dma_semaphore, #tpu.memory_space<semaphore_mem>>) src(%dma_wait3A_51 : memref<625x64xf32, #tpu.memory_space<vmem_shared>>) dst(%dma_wait3A_49 : memref<625x64xf32, #tpu.memory_space<hbm>>)
        tpu.yield
      }) : () -> ()
    } else {
    }
    return
  }
}

#map = affine_map<(d0, d1) -> (0, 0, 0)>
module attributes {stable_mosaic.version = 14 : i64} {
  func.func @_deg_body(%arg0: i32, %arg1: i32, %arg2: memref<32x125x80xi32, #tpu.memory_space<hbm>>, %arg3: memref<2x10000x16xf32, #tpu.memory_space<hbm>>, %arg4: memref<125x80xi32, #tpu.memory_space<vmem>>, %arg5: memref<80x16xf32, #tpu.memory_space<vmem>>, %arg6: memref<625x16xf32, #tpu.memory_space<vmem>>, %arg7: memref<10000x16xf32, #tpu.memory_space<vmem_shared>>, %arg8: memref<!tpu.dma_semaphore, #tpu.memory_space<semaphore_mem>>) attributes {dimension_semantics = [#tpu.dimension_semantics<core_parallel>, #tpu.dimension_semantics<subcore_parallel>], iteration_bounds = array<i64: 2, 16>, scalar_prefetch = 0 : i64, scratch_operands = 5 : i64, tpu.core_type = #tpu.core_type<sc_vector_subcore>, window_params = [{transform_indices = #map}, {transform_indices = #map}]} {
    %mul3A = arith.constant 16 : i32
    %mul3A_0 = arith.muli %arg0, %mul3A : i32
    %add3A = arith.addi %mul3A_0, %arg1 : i32
    "tpu.region"() ({
      %run_scoped3A = tpu.sem_alloc : memref<!tpu.dma_semaphore, #tpu.memory_space<semaphore_mem>>
      %dma_start3A = arith.constant 0 : i32
      %dma_start3A_34 = arith.constant 0 : i32
      %dma_start3A_35 = tpu.memref_slice %arg2[%add3A, %dma_start3A, %dma_start3A_34] : memref<32x125x80xi32, #tpu.memory_space<hbm>> -> memref<1x125x80xi32, #tpu.memory_space<hbm>>
      %dma_start3A_36 = tpu.memref_squeeze %dma_start3A_35 : memref<1x125x80xi32, #tpu.memory_space<hbm>> -> memref<125x80xi32, #tpu.memory_space<hbm>>
      %dma_start3A_37 = arith.constant 0 : i32
      %dma_start3A_38 = arith.constant 0 : i32
      %dma_start3A_39 = tpu.memref_slice %arg2[%add3A, %dma_start3A_37, %dma_start3A_38] : memref<32x125x80xi32, #tpu.memory_space<hbm>> -> memref<1x125x80xi32, #tpu.memory_space<hbm>>
      %dma_start3A_40 = tpu.memref_squeeze %dma_start3A_39 : memref<1x125x80xi32, #tpu.memory_space<hbm>> -> memref<125x80xi32, #tpu.memory_space<hbm>>
      tpu.enqueue_dma source(%dma_start3A_40 : memref<125x80xi32, #tpu.memory_space<hbm>>) target(%arg4 : memref<125x80xi32, #tpu.memory_space<vmem>>) target_semaphore(%run_scoped3A : memref<!tpu.dma_semaphore, #tpu.memory_space<semaphore_mem>>)
      %dma_wait3A = arith.constant 0 : i32
      %dma_wait3A_41 = arith.constant 0 : i32
      %dma_wait3A_42 = tpu.memref_slice %arg2[%add3A, %dma_wait3A, %dma_wait3A_41] : memref<32x125x80xi32, #tpu.memory_space<hbm>> -> memref<1x125x80xi32, #tpu.memory_space<hbm>>
      %dma_wait3A_43 = tpu.memref_squeeze %dma_wait3A_42 : memref<1x125x80xi32, #tpu.memory_space<hbm>> -> memref<125x80xi32, #tpu.memory_space<hbm>>
      %dma_wait3A_44 = arith.constant 0 : i32
      %dma_wait3A_45 = arith.constant 0 : i32
      %dma_wait3A_46 = tpu.memref_slice %arg2[%add3A, %dma_wait3A_44, %dma_wait3A_45] : memref<32x125x80xi32, #tpu.memory_space<hbm>> -> memref<1x125x80xi32, #tpu.memory_space<hbm>>
      %dma_wait3A_47 = tpu.memref_squeeze %dma_wait3A_46 : memref<1x125x80xi32, #tpu.memory_space<hbm>> -> memref<125x80xi32, #tpu.memory_space<hbm>>
      tpu.wait_dma2 semaphore(%run_scoped3A : memref<!tpu.dma_semaphore, #tpu.memory_space<semaphore_mem>>) src(%dma_wait3A_47 : memref<125x80xi32, #tpu.memory_space<hbm>>) dst(%arg4 : memref<125x80xi32, #tpu.memory_space<vmem>>)
      tpu.yield
    }) : () -> ()
    %broadcast_in_dim3A = arith.constant 1.000000e+00 : f32
    %broadcast_in_dim3A_1 = vector.broadcast %broadcast_in_dim3A : f32 to vector<16xf32>
    %broadcast_in_dim3A_2 = arith.constant 0.000000e+00 : f32
    %broadcast_in_dim3A_3 = vector.broadcast %broadcast_in_dim3A_2 : f32 to vector<16xf32>
    %scan3A = arith.constant 0 : i32
    %scan3A_4 = arith.constant 0 : i32
    %scan3A_5 = arith.constant 80 : i32
    %scan3A_6 = arith.addi %scan3A_4, %scan3A_5 : i32
    %scan3A_7 = arith.constant 1 : i32
    scf.for %scan3A_34 = %scan3A_4 to %scan3A_6 step %scan3A_7  : i32 {
      %swap3A = arith.index_cast %scan3A_34 : i32 to index
      %swap3A_35 = arith.constant 0 : index
      %swap3A_36 = tpu.vector_load %arg5[%swap3A, %swap3A_35] {strides = array<i32>} : memref<80x16xf32, #tpu.memory_space<vmem>>, vector<1x16xf32>,
      %swap3A_37 = vector.shape_cast %swap3A_36 : vector<1x16xf32> to vector<16xf32>
      %swap3A_38 = vector.shape_cast %broadcast_in_dim3A_1 : vector<16xf32> to vector<1x16xf32>
      tpu.vector_store %arg5[%swap3A, %swap3A_35], %swap3A_38 {strides = array<i32>} : memref<80x16xf32, #tpu.memory_space<vmem>>, vector<1x16xf32>,
    }
    %scan3A_8 = arith.constant 80 : i32
    %scan3A_9 = arith.constant 0 : i32
    %scan3A_10 = arith.constant 0 : i32
    %scan3A_11 = arith.constant 625 : i32
    %scan3A_12 = arith.addi %scan3A_10, %scan3A_11 : i32
    %scan3A_13 = arith.constant 1 : i32
    scf.for %scan3A_34 = %scan3A_10 to %scan3A_12 step %scan3A_13  : i32 {
      %swap3A = arith.index_cast %scan3A_34 : i32 to index
      %swap3A_35 = arith.constant 0 : index
      %swap3A_36 = tpu.vector_load %arg6[%swap3A, %swap3A_35] {strides = array<i32>} : memref<625x16xf32, #tpu.memory_space<vmem>>, vector<1x16xf32>,
      %swap3A_37 = vector.shape_cast %swap3A_36 : vector<1x16xf32> to vector<16xf32>
      %swap3A_38 = vector.shape_cast %broadcast_in_dim3A_3 : vector<16xf32> to vector<1x16xf32>
      tpu.vector_store %arg6[%swap3A, %swap3A_35], %swap3A_38 {strides = array<i32>} : memref<625x16xf32, #tpu.memory_space<vmem>>, vector<1x16xf32>,
    }
    %scan3A_14 = arith.constant 625 : i32
    %mul3A_15 = arith.constant 625 : i32
    %mul3A_16 = arith.muli %arg1, %mul3A_15 : i32
    "tpu.region"() ({
      %run_scoped3A = tpu.sem_alloc : memref<!tpu.dma_semaphore, #tpu.memory_space<semaphore_mem>>
      %dma_start3A = arith.constant 0 : i32
      %dma_start3A_34 = tpu.memref_slice %arg7[%mul3A_16, %dma_start3A] : memref<10000x16xf32, #tpu.memory_space<vmem_shared>> -> memref<625x16xf32, #tpu.memory_space<vmem_shared>>
      %dma_start3A_35 = arith.constant 0 : i32
      %dma_start3A_36 = tpu.memref_slice %arg7[%mul3A_16, %dma_start3A_35] : memref<10000x16xf32, #tpu.memory_space<vmem_shared>> -> memref<625x16xf32, #tpu.memory_space<vmem_shared>>
      tpu.enqueue_dma source(%arg6 : memref<625x16xf32, #tpu.memory_space<vmem>>) target(%dma_start3A_36 : memref<625x16xf32, #tpu.memory_space<vmem_shared>>) target_semaphore(%run_scoped3A : memref<!tpu.dma_semaphore, #tpu.memory_space<semaphore_mem>>)
      %dma_wait3A = arith.constant 0 : i32
      %dma_wait3A_37 = tpu.memref_slice %arg7[%mul3A_16, %dma_wait3A] : memref<10000x16xf32, #tpu.memory_space<vmem_shared>> -> memref<625x16xf32, #tpu.memory_space<vmem_shared>>
      %dma_wait3A_38 = arith.constant 0 : i32
      %dma_wait3A_39 = tpu.memref_slice %arg7[%mul3A_16, %dma_wait3A_38] : memref<10000x16xf32, #tpu.memory_space<vmem_shared>> -> memref<625x16xf32, #tpu.memory_space<vmem_shared>>
      tpu.wait_dma2 semaphore(%run_scoped3A : memref<!tpu.dma_semaphore, #tpu.memory_space<semaphore_mem>>) src(%arg6 : memref<625x16xf32, #tpu.memory_space<vmem>>) dst(%dma_wait3A_39 : memref<625x16xf32, #tpu.memory_space<vmem_shared>>)
      tpu.yield
    }) : () -> ()
    %barrier3A = arith.constant 0 : index
    tpu.barrier barrier_id(%barrier3A)
    %scan3A_17 = arith.constant 0 : i32
    %scan3A_18 = arith.constant 0 : i32
    %scan3A_19 = arith.constant 125 : i32
    %scan3A_20 = arith.addi %scan3A_18, %scan3A_19 : i32
    %scan3A_21 = arith.constant 1 : i32
    scf.for %scan3A_34 = %scan3A_18 to %scan3A_20 step %scan3A_21  : i32 {
      %dma_start3A = arith.constant 0 : i32
      %dma_start3A_35 = tpu.memref_slice %arg4[%scan3A_34, %dma_start3A] : memref<125x80xi32, #tpu.memory_space<vmem>> -> memref<1x80xi32, #tpu.memory_space<vmem>>
      %dma_start3A_36 = tpu.memref_squeeze %dma_start3A_35 : memref<1x80xi32, #tpu.memory_space<vmem>> -> memref<80xi32, #tpu.memory_space<vmem>>
      %dma_start3A_37 = arith.constant 0 : i32
      %dma_start3A_38 = arith.constant 0 : i32
      %dma_start3A_39 = tpu.memref_slice %arg7[%dma_start3A_37, %dma_start3A_38] : memref<10000x16xf32, #tpu.memory_space<vmem_shared>> -> memref<10000x16xf32, #tpu.memory_space<vmem_shared>>
      tpu.enqueue_indirect_dma source(%arg5 : memref<80x16xf32, #tpu.memory_space<vmem>>) target(%dma_start3A_39 : memref<10000x16xf32, #tpu.memory_space<vmem_shared>>) offsets(%dma_start3A_36 : memref<80xi32, #tpu.memory_space<vmem>>) semaphore(%arg8 : memref<!tpu.dma_semaphore, #tpu.memory_space<semaphore_mem>>) {add = true}
    }
    %scan3A_22 = arith.constant 125 : i32
    %scan3A_23 = arith.constant 0 : i32
    %scan3A_24 = arith.constant 0 : i32
    %scan3A_25 = arith.constant 125 : i32
    %scan3A_26 = arith.addi %scan3A_24, %scan3A_25 : i32
    %scan3A_27 = arith.constant 1 : i32
    scf.for %scan3A_34 = %scan3A_24 to %scan3A_26 step %scan3A_27  : i32 {
      %dma_wait3A = arith.constant 0 : i32
      %dma_wait3A_35 = arith.constant 0 : i32
      %dma_wait3A_36 = tpu.memref_slice %arg7[%dma_wait3A, %dma_wait3A_35] : memref<10000x16xf32, #tpu.memory_space<vmem_shared>> -> memref<80x16xf32, #tpu.memory_space<vmem_shared>>
      %dma_wait3A_37 = arith.constant 0 : i32
      %dma_wait3A_38 = arith.constant 0 : i32
      %dma_wait3A_39 = tpu.memref_slice %arg7[%dma_wait3A_37, %dma_wait3A_38] : memref<10000x16xf32, #tpu.memory_space<vmem_shared>> -> memref<80x16xf32, #tpu.memory_space<vmem_shared>>
      tpu.wait_dma2 semaphore(%arg8 : memref<!tpu.dma_semaphore, #tpu.memory_space<semaphore_mem>>) src(%arg5 : memref<80x16xf32, #tpu.memory_space<vmem>>) dst(%dma_wait3A_39 : memref<80x16xf32, #tpu.memory_space<vmem_shared>>)
    }
    %scan3A_28 = arith.constant 125 : i32
    %barrier3A_29 = arith.constant 0 : index
    tpu.barrier barrier_id(%barrier3A_29)
    %mul3A_30 = arith.constant 625 : i32
    %mul3A_31 = arith.muli %arg1, %mul3A_30 : i32
    %mul3A_32 = arith.constant 625 : i32
    %mul3A_33 = arith.muli %arg1, %mul3A_32 : i32
    "tpu.region"() ({
      %run_scoped3A = tpu.sem_alloc : memref<!tpu.dma_semaphore, #tpu.memory_space<semaphore_mem>>
      %dma_start3A = arith.constant 0 : i32
      %dma_start3A_34 = tpu.memref_slice %arg3[%arg0, %mul3A_33, %dma_start3A] : memref<2x10000x16xf32, #tpu.memory_space<hbm>> -> memref<1x625x16xf32, #tpu.memory_space<hbm>>
      %dma_start3A_35 = tpu.memref_squeeze %dma_start3A_34 : memref<1x625x16xf32, #tpu.memory_space<hbm>> -> memref<625x16xf32, #tpu.memory_space<hbm>>
      %dma_start3A_36 = arith.constant 0 : i32
      %dma_start3A_37 = tpu.memref_slice %arg7[%mul3A_31, %dma_start3A_36] : memref<10000x16xf32, #tpu.memory_space<vmem_shared>> -> memref<625x16xf32, #tpu.memory_space<vmem_shared>>
      tpu.enqueue_dma source(%dma_start3A_37 : memref<625x16xf32, #tpu.memory_space<vmem_shared>>) target(%dma_start3A_35 : memref<625x16xf32, #tpu.memory_space<hbm>>) target_semaphore(%run_scoped3A : memref<!tpu.dma_semaphore, #tpu.memory_space<semaphore_mem>>)
      %dma_wait3A = arith.constant 0 : i32
      %dma_wait3A_38 = tpu.memref_slice %arg3[%arg0, %mul3A_33, %dma_wait3A] : memref<2x10000x16xf32, #tpu.memory_space<hbm>> -> memref<1x625x16xf32, #tpu.memory_space<hbm>>
      %dma_wait3A_39 = tpu.memref_squeeze %dma_wait3A_38 : memref<1x625x16xf32, #tpu.memory_space<hbm>> -> memref<625x16xf32, #tpu.memory_space<hbm>>
      %dma_wait3A_40 = arith.constant 0 : i32
      %dma_wait3A_41 = tpu.memref_slice %arg7[%mul3A_31, %dma_wait3A_40] : memref<10000x16xf32, #tpu.memory_space<vmem_shared>> -> memref<625x16xf32, #tpu.memory_space<vmem_shared>>
      tpu.wait_dma2 semaphore(%run_scoped3A : memref<!tpu.dma_semaphore, #tpu.memory_space<semaphore_mem>>) src(%dma_wait3A_41 : memref<625x16xf32, #tpu.memory_space<vmem_shared>>) dst(%dma_wait3A_39 : memref<625x16xf32, #tpu.memory_space<hbm>>)
      tpu.yield
    }) : () -> ()
    return
  }
}

#map = affine_map<(d0, d1) -> (0, 0)>
#map1 = affine_map<(d0, d1) -> (0, 0, 0)>
module attributes {stable_mosaic.version = 14 : i64} {
  func.func @_agg_body(%arg0: i32, %arg1: i32, %arg2: memref<10000x64xf32, #tpu.memory_space<hbm>>, %arg3: memref<10000x64xf32, #tpu.memory_space<hbm>>, %arg4: memref<16x250x80xi32, #tpu.memory_space<hbm>>, %arg5: memref<16x250x80xi32, #tpu.memory_space<hbm>>, %arg6: memref<10000x64xf32, #tpu.memory_space<hbm>>, %arg7: memref<10000x64xf32, #tpu.memory_space<hbm>>, %arg8: memref<250x80xi32, #tpu.memory_space<vmem>>, %arg9: memref<250x80xi32, #tpu.memory_space<vmem>>, %arg10: memref<80x64xf32, #tpu.memory_space<vmem>>, %arg11: memref<80x64xf32, #tpu.memory_space<vmem>>, %arg12: memref<80x64xf32, #tpu.memory_space<vmem>>, %arg13: memref<80x64xf32, #tpu.memory_space<vmem>>, %arg14: memref<80x64xf32, #tpu.memory_space<vmem>>, %arg15: memref<80x64xf32, #tpu.memory_space<vmem>>, %arg16: memref<80x64xf32, #tpu.memory_space<vmem>>, %arg17: memref<125x64xf32, #tpu.memory_space<vmem>>, %arg18: memref<10000x64xf32, #tpu.memory_space<vmem_shared>>, %arg19: memref<!tpu.dma_semaphore, #tpu.memory_space<semaphore_mem>>, %arg20: memref<!tpu.dma_semaphore, #tpu.memory_space<semaphore_mem>>, %arg21: memref<!tpu.dma_semaphore, #tpu.memory_space<semaphore_mem>>, %arg22: memref<!tpu.dma_semaphore, #tpu.memory_space<semaphore_mem>>, %arg23: memref<!tpu.dma_semaphore, #tpu.memory_space<semaphore_mem>>, %arg24: memref<!tpu.dma_semaphore, #tpu.memory_space<semaphore_mem>>, %arg25: memref<!tpu.dma_semaphore, #tpu.memory_space<semaphore_mem>>, %arg26: memref<!tpu.dma_semaphore, #tpu.memory_space<semaphore_mem>>, %arg27: memref<!tpu.dma_semaphore, #tpu.memory_space<semaphore_mem>>, %arg28: memref<!tpu.dma_semaphore, #tpu.memory_space<semaphore_mem>>, %arg29: memref<!tpu.dma_semaphore, #tpu.memory_space<semaphore_mem>>, %arg30: memref<!tpu.dma_semaphore, #tpu.memory_space<semaphore_mem>>, %arg31: memref<!tpu.dma_semaphore, #tpu.memory_space<semaphore_mem>>, %arg32: memref<!tpu.dma_semaphore, #tpu.memory_space<semaphore_mem>>) attributes {dimension_semantics = [#tpu.dimension_semantics<core_parallel>, #tpu.dimension_semantics<subcore_parallel>], iteration_bounds = array<i64: 2, 16>, scalar_prefetch = 0 : i64, scratch_operands = 25 : i64, tpu.core_type = #tpu.core_type<sc_vector_subcore>, window_params = [{transform_indices = #map}, {transform_indices = #map}, {transform_indices = #map1}, {transform_indices = #map1}, {transform_indices = #map}, {transform_indices = #map}]} {
    "tpu.region"() ({
      %run_scoped3A = tpu.sem_alloc : memref<!tpu.dma_semaphore, #tpu.memory_space<semaphore_mem>>
      %dma_start3A = arith.constant 0 : i32
      %dma_start3A_42 = arith.constant 0 : i32
      %dma_start3A_43 = tpu.memref_slice %arg4[%arg1, %dma_start3A, %dma_start3A_42] : memref<16x250x80xi32, #tpu.memory_space<hbm>> -> memref<1x250x80xi32, #tpu.memory_space<hbm>>
      %dma_start3A_44 = tpu.memref_squeeze %dma_start3A_43 : memref<1x250x80xi32, #tpu.memory_space<hbm>> -> memref<250x80xi32, #tpu.memory_space<hbm>>
      %dma_start3A_45 = arith.constant 0 : i32
      %dma_start3A_46 = arith.constant 0 : i32
      %dma_start3A_47 = tpu.memref_slice %arg4[%arg1, %dma_start3A_45, %dma_start3A_46] : memref<16x250x80xi32, #tpu.memory_space<hbm>> -> memref<1x250x80xi32, #tpu.memory_space<hbm>>
      %dma_start3A_48 = tpu.memref_squeeze %dma_start3A_47 : memref<1x250x80xi32, #tpu.memory_space<hbm>> -> memref<250x80xi32, #tpu.memory_space<hbm>>
      tpu.enqueue_dma source(%dma_start3A_48 : memref<250x80xi32, #tpu.memory_space<hbm>>) target(%arg8 : memref<250x80xi32, #tpu.memory_space<vmem>>) target_semaphore(%run_scoped3A : memref<!tpu.dma_semaphore, #tpu.memory_space<semaphore_mem>>)
      %dma_wait3A = arith.constant 0 : i32
      %dma_wait3A_49 = arith.constant 0 : i32
      %dma_wait3A_50 = tpu.memref_slice %arg4[%arg1, %dma_wait3A, %dma_wait3A_49] : memref<16x250x80xi32, #tpu.memory_space<hbm>> -> memref<1x250x80xi32, #tpu.memory_space<hbm>>
      %dma_wait3A_51 = tpu.memref_squeeze %dma_wait3A_50 : memref<1x250x80xi32, #tpu.memory_space<hbm>> -> memref<250x80xi32, #tpu.memory_space<hbm>>
      %dma_wait3A_52 = arith.constant 0 : i32
      %dma_wait3A_53 = arith.constant 0 : i32
      %dma_wait3A_54 = tpu.memref_slice %arg4[%arg1, %dma_wait3A_52, %dma_wait3A_53] : memref<16x250x80xi32, #tpu.memory_space<hbm>> -> memref<1x250x80xi32, #tpu.memory_space<hbm>>
      %dma_wait3A_55 = tpu.memref_squeeze %dma_wait3A_54 : memref<1x250x80xi32, #tpu.memory_space<hbm>> -> memref<250x80xi32, #tpu.memory_space<hbm>>
      tpu.wait_dma2 semaphore(%run_scoped3A : memref<!tpu.dma_semaphore, #tpu.memory_space<semaphore_mem>>) src(%dma_wait3A_55 : memref<250x80xi32, #tpu.memory_space<hbm>>) dst(%arg8 : memref<250x80xi32, #tpu.memory_space<vmem>>)
      tpu.yield
    }) : () -> ()
    "tpu.region"() ({
      %run_scoped3A = tpu.sem_alloc : memref<!tpu.dma_semaphore, #tpu.memory_space<semaphore_mem>>
      %dma_start3A = arith.constant 0 : i32
      %dma_start3A_42 = arith.constant 0 : i32
      %dma_start3A_43 = tpu.memref_slice %arg5[%arg1, %dma_start3A, %dma_start3A_42] : memref<16x250x80xi32, #tpu.memory_space<hbm>> -> memref<1x250x80xi32, #tpu.memory_space<hbm>>
      %dma_start3A_44 = tpu.memref_squeeze %dma_start3A_43 : memref<1x250x80xi32, #tpu.memory_space<hbm>> -> memref<250x80xi32, #tpu.memory_space<hbm>>
      %dma_start3A_45 = arith.constant 0 : i32
      %dma_start3A_46 = arith.constant 0 : i32
      %dma_start3A_47 = tpu.memref_slice %arg5[%arg1, %dma_start3A_45, %dma_start3A_46] : memref<16x250x80xi32, #tpu.memory_space<hbm>> -> memref<1x250x80xi32, #tpu.memory_space<hbm>>
      %dma_start3A_48 = tpu.memref_squeeze %dma_start3A_47 : memref<1x250x80xi32, #tpu.memory_space<hbm>> -> memref<250x80xi32, #tpu.memory_space<hbm>>
      tpu.enqueue_dma source(%dma_start3A_48 : memref<250x80xi32, #tpu.memory_space<hbm>>) target(%arg9 : memref<250x80xi32, #tpu.memory_space<vmem>>) target_semaphore(%run_scoped3A : memref<!tpu.dma_semaphore, #tpu.memory_space<semaphore_mem>>)
      %dma_wait3A = arith.constant 0 : i32
      %dma_wait3A_49 = arith.constant 0 : i32
      %dma_wait3A_50 = tpu.memref_slice %arg5[%arg1, %dma_wait3A, %dma_wait3A_49] : memref<16x250x80xi32, #tpu.memory_space<hbm>> -> memref<1x250x80xi32, #tpu.memory_space<hbm>>
      %dma_wait3A_51 = tpu.memref_squeeze %dma_wait3A_50 : memref<1x250x80xi32, #tpu.memory_space<hbm>> -> memref<250x80xi32, #tpu.memory_space<hbm>>
      %dma_wait3A_52 = arith.constant 0 : i32
      %dma_wait3A_53 = arith.constant 0 : i32
      %dma_wait3A_54 = tpu.memref_slice %arg5[%arg1, %dma_wait3A_52, %dma_wait3A_53] : memref<16x250x80xi32, #tpu.memory_space<hbm>> -> memref<1x250x80xi32, #tpu.memory_space<hbm>>
      %dma_wait3A_55 = tpu.memref_squeeze %dma_wait3A_54 : memref<1x250x80xi32, #tpu.memory_space<hbm>> -> memref<250x80xi32, #tpu.memory_space<hbm>>
      tpu.wait_dma2 semaphore(%run_scoped3A : memref<!tpu.dma_semaphore, #tpu.memory_space<semaphore_mem>>) src(%dma_wait3A_55 : memref<250x80xi32, #tpu.memory_space<hbm>>) dst(%arg9 : memref<250x80xi32, #tpu.memory_space<vmem>>)
      tpu.yield
    }) : () -> ()
    %broadcast_in_dim3A = arith.constant 0.000000e+00 : f32
    %broadcast_in_dim3A_0 = vector.broadcast %broadcast_in_dim3A : f32 to vector<16xf32>
    %scan3A = arith.constant 0 : i32
    %scan3A_1 = arith.constant 0 : i32
    %scan3A_2 = arith.constant 125 : i32
    %scan3A_3 = arith.addi %scan3A_1, %scan3A_2 : i32
    %scan3A_4 = arith.constant 1 : i32
    scf.for %scan3A_42 = %scan3A_1 to %scan3A_3 step %scan3A_4  : i32 {
      %swap3A = arith.index_cast %scan3A_42 : i32 to index
      %swap3A_43 = arith.constant 0 : index
      %swap3A_44 = tpu.vector_load %arg17[%swap3A, %swap3A_43] {strides = array<i32>} : memref<125x64xf32, #tpu.memory_space<vmem>>, vector<1x16xf32>,
      %swap3A_45 = vector.shape_cast %swap3A_44 : vector<1x16xf32> to vector<16xf32>
      %swap3A_46 = vector.shape_cast %broadcast_in_dim3A_0 : vector<16xf32> to vector<1x16xf32>
      tpu.vector_store %arg17[%swap3A, %swap3A_43], %swap3A_46 {strides = array<i32>} : memref<125x64xf32, #tpu.memory_space<vmem>>, vector<1x16xf32>,
      %swap3A_47 = arith.index_cast %scan3A_42 : i32 to index
      %swap3A_48 = arith.constant 16 : index
      %swap3A_49 = tpu.vector_load %arg17[%swap3A_47, %swap3A_48] {strides = array<i32>} : memref<125x64xf32, #tpu.memory_space<vmem>>, vector<1x16xf32>,
      %swap3A_50 = vector.shape_cast %swap3A_49 : vector<1x16xf32> to vector<16xf32>
      %swap3A_51 = vector.shape_cast %broadcast_in_dim3A_0 : vector<16xf32> to vector<1x16xf32>
      tpu.vector_store %arg17[%swap3A_47, %swap3A_48], %swap3A_51 {strides = array<i32>} : memref<125x64xf32, #tpu.memory_space<vmem>>, vector<1x16xf32>,
      %swap3A_52 = arith.index_cast %scan3A_42 : i32 to index
      %swap3A_53 = arith.constant 32 : index
      %swap3A_54 = tpu.vector_load %arg17[%swap3A_52, %swap3A_53] {strides = array<i32>} : memref<125x64xf32, #tpu.memory_space<vmem>>, vector<1x16xf32>,
      %swap3A_55 = vector.shape_cast %swap3A_54 : vector<1x16xf32> to vector<16xf32>
      %swap3A_56 = vector.shape_cast %broadcast_in_dim3A_0 : vector<16xf32> to vector<1x16xf32>
      tpu.vector_store %arg17[%swap3A_52, %swap3A_53], %swap3A_56 {strides = array<i32>} : memref<125x64xf32, #tpu.memory_space<vmem>>, vector<1x16xf32>,
      %swap3A_57 = arith.index_cast %scan3A_42 : i32 to index
      %swap3A_58 = arith.constant 48 : index
      %swap3A_59 = tpu.vector_load %arg17[%swap3A_57, %swap3A_58] {strides = array<i32>} : memref<125x64xf32, #tpu.memory_space<vmem>>, vector<1x16xf32>,
      %swap3A_60 = vector.shape_cast %swap3A_59 : vector<1x16xf32> to vector<16xf32>
      %swap3A_61 = vector.shape_cast %broadcast_in_dim3A_0 : vector<16xf32> to vector<1x16xf32>
      tpu.vector_store %arg17[%swap3A_57, %swap3A_58], %swap3A_61 {strides = array<i32>} : memref<125x64xf32, #tpu.memory_space<vmem>>, vector<1x16xf32>,
    }
    %scan3A_5 = arith.constant 125 : i32
    %mul3A = arith.constant 625 : i32
    %mul3A_6 = arith.muli %arg1, %mul3A : i32
    %add3A = arith.constant 0 : i32
    %add3A_7 = arith.addi %mul3A_6, %add3A : i32
    "tpu.region"() ({
      %run_scoped3A = tpu.sem_alloc : memref<!tpu.dma_semaphore, #tpu.memory_space<semaphore_mem>>
      %dma_start3A = arith.constant 0 : i32
      %dma_start3A_42 = tpu.memref_slice %arg18[%add3A_7, %dma_start3A] : memref<10000x64xf32, #tpu.memory_space<vmem_shared>> -> memref<125x64xf32, #tpu.memory_space<vmem_shared>>
      %dma_start3A_43 = arith.constant 0 : i32
      %dma_start3A_44 = tpu.memref_slice %arg18[%add3A_7, %dma_start3A_43] : memref<10000x64xf32, #tpu.memory_space<vmem_shared>> -> memref<125x64xf32, #tpu.memory_space<vmem_shared>>
      tpu.enqueue_dma source(%arg17 : memref<125x64xf32, #tpu.memory_space<vmem>>) target(%dma_start3A_44 : memref<125x64xf32, #tpu.memory_space<vmem_shared>>) target_semaphore(%run_scoped3A : memref<!tpu.dma_semaphore, #tpu.memory_space<semaphore_mem>>)
      %dma_wait3A = arith.constant 0 : i32
      %dma_wait3A_45 = tpu.memref_slice %arg18[%add3A_7, %dma_wait3A] : memref<10000x64xf32, #tpu.memory_space<vmem_shared>> -> memref<125x64xf32, #tpu.memory_space<vmem_shared>>
      %dma_wait3A_46 = arith.constant 0 : i32
      %dma_wait3A_47 = tpu.memref_slice %arg18[%add3A_7, %dma_wait3A_46] : memref<10000x64xf32, #tpu.memory_space<vmem_shared>> -> memref<125x64xf32, #tpu.memory_space<vmem_shared>>
      tpu.wait_dma2 semaphore(%run_scoped3A : memref<!tpu.dma_semaphore, #tpu.memory_space<semaphore_mem>>) src(%arg17 : memref<125x64xf32, #tpu.memory_space<vmem>>) dst(%dma_wait3A_47 : memref<125x64xf32, #tpu.memory_space<vmem_shared>>)
      tpu.yield
    }) : () -> ()
    %mul3A_8 = arith.constant 625 : i32
    %mul3A_9 = arith.muli %arg1, %mul3A_8 : i32
    %add3A_10 = arith.constant 125 : i32
    %add3A_11 = arith.addi %mul3A_9, %add3A_10 : i32
    "tpu.region"() ({
      %run_scoped3A = tpu.sem_alloc : memref<!tpu.dma_semaphore, #tpu.memory_space<semaphore_mem>>
      %dma_start3A = arith.constant 0 : i32
      %dma_start3A_42 = tpu.memref_slice %arg18[%add3A_11, %dma_start3A] : memref<10000x64xf32, #tpu.memory_space<vmem_shared>> -> memref<125x64xf32, #tpu.memory_space<vmem_shared>>
      %dma_start3A_43 = arith.constant 0 : i32
      %dma_start3A_44 = tpu.memref_slice %arg18[%add3A_11, %dma_start3A_43] : memref<10000x64xf32, #tpu.memory_space<vmem_shared>> -> memref<125x64xf32, #tpu.memory_space<vmem_shared>>
      tpu.enqueue_dma source(%arg17 : memref<125x64xf32, #tpu.memory_space<vmem>>) target(%dma_start3A_44 : memref<125x64xf32, #tpu.memory_space<vmem_shared>>) target_semaphore(%run_scoped3A : memref<!tpu.dma_semaphore, #tpu.memory_space<semaphore_mem>>)
      %dma_wait3A = arith.constant 0 : i32
      %dma_wait3A_45 = tpu.memref_slice %arg18[%add3A_11, %dma_wait3A] : memref<10000x64xf32, #tpu.memory_space<vmem_shared>> -> memref<125x64xf32, #tpu.memory_space<vmem_shared>>
      %dma_wait3A_46 = arith.constant 0 : i32
      %dma_wait3A_47 = tpu.memref_slice %arg18[%add3A_11, %dma_wait3A_46] : memref<10000x64xf32, #tpu.memory_space<vmem_shared>> -> memref<125x64xf32, #tpu.memory_space<vmem_shared>>
      tpu.wait_dma2 semaphore(%run_scoped3A : memref<!tpu.dma_semaphore, #tpu.memory_space<semaphore_mem>>) src(%arg17 : memref<125x64xf32, #tpu.memory_space<vmem>>) dst(%dma_wait3A_47 : memref<125x64xf32, #tpu.memory_space<vmem_shared>>)
      tpu.yield
    }) : () -> ()
    %mul3A_12 = arith.constant 625 : i32
    %mul3A_13 = arith.muli %arg1, %mul3A_12 : i32
    %add3A_14 = arith.constant 250 : i32
    %add3A_15 = arith.addi %mul3A_13, %add3A_14 : i32
    "tpu.region"() ({
      %run_scoped3A = tpu.sem_alloc : memref<!tpu.dma_semaphore, #tpu.memory_space<semaphore_mem>>
      %dma_start3A = arith.constant 0 : i32
      %dma_start3A_42 = tpu.memref_slice %arg18[%add3A_15, %dma_start3A] : memref<10000x64xf32, #tpu.memory_space<vmem_shared>> -> memref<125x64xf32, #tpu.memory_space<vmem_shared>>
      %dma_start3A_43 = arith.constant 0 : i32
      %dma_start3A_44 = tpu.memref_slice %arg18[%add3A_15, %dma_start3A_43] : memref<10000x64xf32, #tpu.memory_space<vmem_shared>> -> memref<125x64xf32, #tpu.memory_space<vmem_shared>>
      tpu.enqueue_dma source(%arg17 : memref<125x64xf32, #tpu.memory_space<vmem>>) target(%dma_start3A_44 : memref<125x64xf32, #tpu.memory_space<vmem_shared>>) target_semaphore(%run_scoped3A : memref<!tpu.dma_semaphore, #tpu.memory_space<semaphore_mem>>)
      %dma_wait3A = arith.constant 0 : i32
      %dma_wait3A_45 = tpu.memref_slice %arg18[%add3A_15, %dma_wait3A] : memref<10000x64xf32, #tpu.memory_space<vmem_shared>> -> memref<125x64xf32, #tpu.memory_space<vmem_shared>>
      %dma_wait3A_46 = arith.constant 0 : i32
      %dma_wait3A_47 = tpu.memref_slice %arg18[%add3A_15, %dma_wait3A_46] : memref<10000x64xf32, #tpu.memory_space<vmem_shared>> -> memref<125x64xf32, #tpu.memory_space<vmem_shared>>
      tpu.wait_dma2 semaphore(%run_scoped3A : memref<!tpu.dma_semaphore, #tpu.memory_space<semaphore_mem>>) src(%arg17 : memref<125x64xf32, #tpu.memory_space<vmem>>) dst(%dma_wait3A_47 : memref<125x64xf32, #tpu.memory_space<vmem_shared>>)
      tpu.yield
    }) : () -> ()
    %mul3A_16 = arith.constant 625 : i32
    %mul3A_17 = arith.muli %arg1, %mul3A_16 : i32
    %add3A_18 = arith.constant 375 : i32
    %add3A_19 = arith.addi %mul3A_17, %add3A_18 : i32
    "tpu.region"() ({
      %run_scoped3A = tpu.sem_alloc : memref<!tpu.dma_semaphore, #tpu.memory_space<semaphore_mem>>
      %dma_start3A = arith.constant 0 : i32
      %dma_start3A_42 = tpu.memref_slice %arg18[%add3A_19, %dma_start3A] : memref<10000x64xf32, #tpu.memory_space<vmem_shared>> -> memref<125x64xf32, #tpu.memory_space<vmem_shared>>
      %dma_start3A_43 = arith.constant 0 : i32
      %dma_start3A_44 = tpu.memref_slice %arg18[%add3A_19, %dma_start3A_43] : memref<10000x64xf32, #tpu.memory_space<vmem_shared>> -> memref<125x64xf32, #tpu.memory_space<vmem_shared>>
      tpu.enqueue_dma source(%arg17 : memref<125x64xf32, #tpu.memory_space<vmem>>) target(%dma_start3A_44 : memref<125x64xf32, #tpu.memory_space<vmem_shared>>) target_semaphore(%run_scoped3A : memref<!tpu.dma_semaphore, #tpu.memory_space<semaphore_mem>>)
      %dma_wait3A = arith.constant 0 : i32
      %dma_wait3A_45 = tpu.memref_slice %arg18[%add3A_19, %dma_wait3A] : memref<10000x64xf32, #tpu.memory_space<vmem_shared>> -> memref<125x64xf32, #tpu.memory_space<vmem_shared>>
      %dma_wait3A_46 = arith.constant 0 : i32
      %dma_wait3A_47 = tpu.memref_slice %arg18[%add3A_19, %dma_wait3A_46] : memref<10000x64xf32, #tpu.memory_space<vmem_shared>> -> memref<125x64xf32, #tpu.memory_space<vmem_shared>>
      tpu.wait_dma2 semaphore(%run_scoped3A : memref<!tpu.dma_semaphore, #tpu.memory_space<semaphore_mem>>) src(%arg17 : memref<125x64xf32, #tpu.memory_space<vmem>>) dst(%dma_wait3A_47 : memref<125x64xf32, #tpu.memory_space<vmem_shared>>)
      tpu.yield
    }) : () -> ()
    %mul3A_20 = arith.constant 625 : i32
    %mul3A_21 = arith.muli %arg1, %mul3A_20 : i32
    %add3A_22 = arith.constant 500 : i32
    %add3A_23 = arith.addi %mul3A_21, %add3A_22 : i32
    "tpu.region"() ({
      %run_scoped3A = tpu.sem_alloc : memref<!tpu.dma_semaphore, #tpu.memory_space<semaphore_mem>>
      %dma_start3A = arith.constant 0 : i32
      %dma_start3A_42 = tpu.memref_slice %arg18[%add3A_23, %dma_start3A] : memref<10000x64xf32, #tpu.memory_space<vmem_shared>> -> memref<125x64xf32, #tpu.memory_space<vmem_shared>>
      %dma_start3A_43 = arith.constant 0 : i32
      %dma_start3A_44 = tpu.memref_slice %arg18[%add3A_23, %dma_start3A_43] : memref<10000x64xf32, #tpu.memory_space<vmem_shared>> -> memref<125x64xf32, #tpu.memory_space<vmem_shared>>
      tpu.enqueue_dma source(%arg17 : memref<125x64xf32, #tpu.memory_space<vmem>>) target(%dma_start3A_44 : memref<125x64xf32, #tpu.memory_space<vmem_shared>>) target_semaphore(%run_scoped3A : memref<!tpu.dma_semaphore, #tpu.memory_space<semaphore_mem>>)
      %dma_wait3A = arith.constant 0 : i32
      %dma_wait3A_45 = tpu.memref_slice %arg18[%add3A_23, %dma_wait3A] : memref<10000x64xf32, #tpu.memory_space<vmem_shared>> -> memref<125x64xf32, #tpu.memory_space<vmem_shared>>
      %dma_wait3A_46 = arith.constant 0 : i32
      %dma_wait3A_47 = tpu.memref_slice %arg18[%add3A_23, %dma_wait3A_46] : memref<10000x64xf32, #tpu.memory_space<vmem_shared>> -> memref<125x64xf32, #tpu.memory_space<vmem_shared>>
      tpu.wait_dma2 semaphore(%run_scoped3A : memref<!tpu.dma_semaphore, #tpu.memory_space<semaphore_mem>>) src(%arg17 : memref<125x64xf32, #tpu.memory_space<vmem>>) dst(%dma_wait3A_47 : memref<125x64xf32, #tpu.memory_space<vmem_shared>>)
      tpu.yield
    }) : () -> ()
    %barrier3A = arith.constant 0 : index
    tpu.barrier barrier_id(%barrier3A)
    %eq3A = arith.constant 0 : i32
    %eq3A_24 = arith.cmpi eq, %arg0, %eq3A : i32
    %convert_element_type3A = arith.extui %eq3A_24 : i1 to i32
    %cond3A = arith.constant 0 : i32
    %cond3A_25 = arith.cmpi ne, %convert_element_type3A, %cond3A : i32
    scf.if %cond3A_25 {
      %dma_start3A = arith.constant 0 : i32
      %dma_start3A_42 = arith.constant 0 : i32
      %dma_start3A_43 = tpu.memref_slice %arg8[%dma_start3A, %dma_start3A_42] : memref<250x80xi32, #tpu.memory_space<vmem>> -> memref<1x80xi32, #tpu.memory_space<vmem>>
      %dma_start3A_44 = tpu.memref_squeeze %dma_start3A_43 : memref<1x80xi32, #tpu.memory_space<vmem>> -> memref<80xi32, #tpu.memory_space<vmem>>
      %dma_start3A_45 = arith.constant 0 : i32
      %dma_start3A_46 = arith.constant 0 : i32
      %dma_start3A_47 = tpu.memref_slice %arg2[%dma_start3A_45, %dma_start3A_46] : memref<10000x64xf32, #tpu.memory_space<hbm>> -> memref<10000x64xf32, #tpu.memory_space<hbm>>
      tpu.enqueue_indirect_dma source(%dma_start3A_47 : memref<10000x64xf32, #tpu.memory_space<hbm>>) target(%arg10 : memref<80x64xf32, #tpu.memory_space<vmem>>) offsets(%dma_start3A_44 : memref<80xi32, #tpu.memory_space<vmem>>) semaphore(%arg19 : memref<!tpu.dma_semaphore, #tpu.memory_space<semaphore_mem>>)
      %dma_start3A_48 = arith.constant 1 : i32
      %dma_start3A_49 = arith.constant 0 : i32
      %dma_start3A_50 = tpu.memref_slice %arg8[%dma_start3A_48, %dma_start3A_49] : memref<250x80xi32, #tpu.memory_space<vmem>> -> memref<1x80xi32, #tpu.memory_space<vmem>>
      %dma_start3A_51 = tpu.memref_squeeze %dma_start3A_50 : memref<1x80xi32, #tpu.memory_space<vmem>> -> memref<80xi32, #tpu.memory_space<vmem>>
      %dma_start3A_52 = arith.constant 0 : i32
      %dma_start3A_53 = arith.constant 0 : i32
      %dma_start3A_54 = tpu.memref_slice %arg2[%dma_start3A_52, %dma_start3A_53] : memref<10000x64xf32, #tpu.memory_space<hbm>> -> memref<10000x64xf32, #tpu.memory_space<hbm>>
      tpu.enqueue_indirect_dma source(%dma_start3A_54 : memref<10000x64xf32, #tpu.memory_space<hbm>>) target(%arg11 : memref<80x64xf32, #tpu.memory_space<vmem>>) offsets(%dma_start3A_51 : memref<80xi32, #tpu.memory_space<vmem>>) semaphore(%arg20 : memref<!tpu.dma_semaphore, #tpu.memory_space<semaphore_mem>>)
      %dma_start3A_55 = arith.constant 2 : i32
      %dma_start3A_56 = arith.constant 0 : i32
      %dma_start3A_57 = tpu.memref_slice %arg8[%dma_start3A_55, %dma_start3A_56] : memref<250x80xi32, #tpu.memory_space<vmem>> -> memref<1x80xi32, #tpu.memory_space<vmem>>
      %dma_start3A_58 = tpu.memref_squeeze %dma_start3A_57 : memref<1x80xi32, #tpu.memory_space<vmem>> -> memref<80xi32, #tpu.memory_space<vmem>>
      %dma_start3A_59 = arith.constant 0 : i32
      %dma_start3A_60 = arith.constant 0 : i32
      %dma_start3A_61 = tpu.memref_slice %arg2[%dma_start3A_59, %dma_start3A_60] : memref<10000x64xf32, #tpu.memory_space<hbm>> -> memref<10000x64xf32, #tpu.memory_space<hbm>>
      tpu.enqueue_indirect_dma source(%dma_start3A_61 : memref<10000x64xf32, #tpu.memory_space<hbm>>) target(%arg12 : memref<80x64xf32, #tpu.memory_space<vmem>>) offsets(%dma_start3A_58 : memref<80xi32, #tpu.memory_space<vmem>>) semaphore(%arg21 : memref<!tpu.dma_semaphore, #tpu.memory_space<semaphore_mem>>)
      %dma_start3A_62 = arith.constant 3 : i32
      %dma_start3A_63 = arith.constant 0 : i32
      %dma_start3A_64 = tpu.memref_slice %arg8[%dma_start3A_62, %dma_start3A_63] : memref<250x80xi32, #tpu.memory_space<vmem>> -> memref<1x80xi32, #tpu.memory_space<vmem>>
      %dma_start3A_65 = tpu.memref_squeeze %dma_start3A_64 : memref<1x80xi32, #tpu.memory_space<vmem>> -> memref<80xi32, #tpu.memory_space<vmem>>
      %dma_start3A_66 = arith.constant 0 : i32
      %dma_start3A_67 = arith.constant 0 : i32
      %dma_start3A_68 = tpu.memref_slice %arg2[%dma_start3A_66, %dma_start3A_67] : memref<10000x64xf32, #tpu.memory_space<hbm>> -> memref<10000x64xf32, #tpu.memory_space<hbm>>
      tpu.enqueue_indirect_dma source(%dma_start3A_68 : memref<10000x64xf32, #tpu.memory_space<hbm>>) target(%arg13 : memref<80x64xf32, #tpu.memory_space<vmem>>) offsets(%dma_start3A_65 : memref<80xi32, #tpu.memory_space<vmem>>) semaphore(%arg22 : memref<!tpu.dma_semaphore, #tpu.memory_space<semaphore_mem>>)
      %dma_start3A_69 = arith.constant 4 : i32
      %dma_start3A_70 = arith.constant 0 : i32
      %dma_start3A_71 = tpu.memref_slice %arg8[%dma_start3A_69, %dma_start3A_70] : memref<250x80xi32, #tpu.memory_space<vmem>> -> memref<1x80xi32, #tpu.memory_space<vmem>>
      %dma_start3A_72 = tpu.memref_squeeze %dma_start3A_71 : memref<1x80xi32, #tpu.memory_space<vmem>> -> memref<80xi32, #tpu.memory_space<vmem>>
      %dma_start3A_73 = arith.constant 0 : i32
      %dma_start3A_74 = arith.constant 0 : i32
      %dma_start3A_75 = tpu.memref_slice %arg2[%dma_start3A_73, %dma_start3A_74] : memref<10000x64xf32, #tpu.memory_space<hbm>> -> memref<10000x64xf32, #tpu.memory_space<hbm>>
      tpu.enqueue_indirect_dma source(%dma_start3A_75 : memref<10000x64xf32, #tpu.memory_space<hbm>>) target(%arg14 : memref<80x64xf32, #tpu.memory_space<vmem>>) offsets(%dma_start3A_72 : memref<80xi32, #tpu.memory_space<vmem>>) semaphore(%arg23 : memref<!tpu.dma_semaphore, #tpu.memory_space<semaphore_mem>>)
      %dma_start3A_76 = arith.constant 5 : i32
      %dma_start3A_77 = arith.constant 0 : i32
      %dma_start3A_78 = tpu.memref_slice %arg8[%dma_start3A_76, %dma_start3A_77] : memref<250x80xi32, #tpu.memory_space<vmem>> -> memref<1x80xi32, #tpu.memory_space<vmem>>
      %dma_start3A_79 = tpu.memref_squeeze %dma_start3A_78 : memref<1x80xi32, #tpu.memory_space<vmem>> -> memref<80xi32, #tpu.memory_space<vmem>>
      %dma_start3A_80 = arith.constant 0 : i32
      %dma_start3A_81 = arith.constant 0 : i32
      %dma_start3A_82 = tpu.memref_slice %arg2[%dma_start3A_80, %dma_start3A_81] : memref<10000x64xf32, #tpu.memory_space<hbm>> -> memref<10000x64xf32, #tpu.memory_space<hbm>>
      tpu.enqueue_indirect_dma source(%dma_start3A_82 : memref<10000x64xf32, #tpu.memory_space<hbm>>) target(%arg15 : memref<80x64xf32, #tpu.memory_space<vmem>>) offsets(%dma_start3A_79 : memref<80xi32, #tpu.memory_space<vmem>>) semaphore(%arg24 : memref<!tpu.dma_semaphore, #tpu.memory_space<semaphore_mem>>)
      %dma_wait3A = arith.constant 0 : i32
      %dma_wait3A_83 = arith.constant 0 : i32
      %dma_wait3A_84 = tpu.memref_slice %arg2[%dma_wait3A, %dma_wait3A_83] : memref<10000x64xf32, #tpu.memory_space<hbm>> -> memref<80x64xf32, #tpu.memory_space<hbm>>
      %dma_wait3A_85 = arith.constant 0 : i32
      %dma_wait3A_86 = arith.constant 0 : i32
      %dma_wait3A_87 = tpu.memref_slice %arg2[%dma_wait3A_85, %dma_wait3A_86] : memref<10000x64xf32, #tpu.memory_space<hbm>> -> memref<80x64xf32, #tpu.memory_space<hbm>>
      tpu.wait_dma2 semaphore(%arg19 : memref<!tpu.dma_semaphore, #tpu.memory_space<semaphore_mem>>) src(%dma_wait3A_87 : memref<80x64xf32, #tpu.memory_space<hbm>>) dst(%arg10 : memref<80x64xf32, #tpu.memory_space<vmem>>)
      %dma_start3A_88 = arith.constant 0 : i32
      %dma_start3A_89 = arith.constant 0 : i32
      %dma_start3A_90 = tpu.memref_slice %arg9[%dma_start3A_88, %dma_start3A_89] : memref<250x80xi32, #tpu.memory_space<vmem>> -> memref<1x80xi32, #tpu.memory_space<vmem>>
      %dma_start3A_91 = tpu.memref_squeeze %dma_start3A_90 : memref<1x80xi32, #tpu.memory_space<vmem>> -> memref<80xi32, #tpu.memory_space<vmem>>
      %dma_start3A_92 = arith.constant 0 : i32
      %dma_start3A_93 = arith.constant 0 : i32
      %dma_start3A_94 = tpu.memref_slice %arg18[%dma_start3A_92, %dma_start3A_93] : memref<10000x64xf32, #tpu.memory_space<vmem_shared>> -> memref<10000x64xf32, #tpu.memory_space<vmem_shared>>
      tpu.enqueue_indirect_dma source(%arg10 : memref<80x64xf32, #tpu.memory_space<vmem>>) target(%dma_start3A_94 : memref<10000x64xf32, #tpu.memory_space<vmem_shared>>) offsets(%dma_start3A_91 : memref<80xi32, #tpu.memory_space<vmem>>) semaphore(%arg26 : memref<!tpu.dma_semaphore, #tpu.memory_space<semaphore_mem>>) {add = true}
      %dma_start3A_95 = arith.constant 6 : i32
      %dma_start3A_96 = arith.constant 0 : i32
      %dma_start3A_97 = tpu.memref_slice %arg8[%dma_start3A_95, %dma_start3A_96] : memref<250x80xi32, #tpu.memory_space<vmem>> -> memref<1x80xi32, #tpu.memory_space<vmem>>
      %dma_start3A_98 = tpu.memref_squeeze %dma_start3A_97 : memref<1x80xi32, #tpu.memory_space<vmem>> -> memref<80xi32, #tpu.memory_space<vmem>>
      %dma_start3A_99 = arith.constant 0 : i32
      %dma_start3A_100 = arith.constant 0 : i32
      %dma_start3A_101 = tpu.memref_slice %arg2[%dma_start3A_99, %dma_start3A_100] : memref<10000x64xf32, #tpu.memory_space<hbm>> -> memref<10000x64xf32, #tpu.memory_space<hbm>>
      tpu.enqueue_indirect_dma source(%dma_start3A_101 : memref<10000x64xf32, #tpu.memory_space<hbm>>) target(%arg16 : memref<80x64xf32, #tpu.memory_space<vmem>>) offsets(%dma_start3A_98 : memref<80xi32, #tpu.memory_space<vmem>>) semaphore(%arg25 : memref<!tpu.dma_semaphore, #tpu.memory_space<semaphore_mem>>)
      %dma_wait3A_102 = arith.constant 0 : i32
      %dma_wait3A_103 = arith.constant 0 : i32
      %dma_wait3A_104 = tpu.memref_slice %arg2[%dma_wait3A_102, %dma_wait3A_103] : memref<10000x64xf32, #tpu.memory_space<hbm>> -> memref<80x64xf32, #tpu.memory_space<hbm>>
      %dma_wait3A_105 = arith.constant 0 : i32
      %dma_wait3A_106 = arith.constant 0 : i32
      %dma_wait3A_107 = tpu.memref_slice %arg2[%dma_wait3A_105, %dma_wait3A_106] : memref<10000x64xf32, #tpu.memory_space<hbm>> -> memref<80x64xf32, #tpu.memory_space<hbm>>
      tpu.wait_dma2 semaphore(%arg20 : memref<!tpu.dma_semaphore, #tpu.memory_space<semaphore_mem>>) src(%dma_wait3A_107 : memref<80x64xf32, #tpu.memory_space<hbm>>) dst(%arg11 : memref<80x64xf32, #tpu.memory_space<vmem>>)
      %dma_start3A_108 = arith.constant 1 : i32
      %dma_start3A_109 = arith.constant 0 : i32
      %dma_start3A_110 = tpu.memref_slice %arg9[%dma_start3A_108, %dma_start3A_109] : memref<250x80xi32, #tpu.memory_space<vmem>> -> memref<1x80xi32, #tpu.memory_space<vmem>>
      %dma_start3A_111 = tpu.memref_squeeze %dma_start3A_110 : memref<1x80xi32, #tpu.memory_space<vmem>> -> memref<80xi32, #tpu.memory_space<vmem>>
      %dma_start3A_112 = arith.constant 0 : i32
      %dma_start3A_113 = arith.constant 0 : i32
      %dma_start3A_114 = tpu.memref_slice %arg18[%dma_start3A_112, %dma_start3A_113] : memref<10000x64xf32, #tpu.memory_space<vmem_shared>> -> memref<10000x64xf32, #tpu.memory_space<vmem_shared>>
      tpu.enqueue_indirect_dma source(%arg11 : memref<80x64xf32, #tpu.memory_space<vmem>>) target(%dma_start3A_114 : memref<10000x64xf32, #tpu.memory_space<vmem_shared>>) offsets(%dma_start3A_111 : memref<80xi32, #tpu.memory_space<vmem>>) semaphore(%arg27 : memref<!tpu.dma_semaphore, #tpu.memory_space<semaphore_mem>>) {add = true}
      %dma_wait3A_115 = arith.constant 0 : i32
      %dma_wait3A_116 = arith.constant 0 : i32
      %dma_wait3A_117 = tpu.memref_slice %arg18[%dma_wait3A_115, %dma_wait3A_116] : memref<10000x64xf32, #tpu.memory_space<vmem_shared>> -> memref<80x64xf32, #tpu.memory_space<vmem_shared>>
      %dma_wait3A_118 = arith.constant 0 : i32
      %dma_wait3A_119 = arith.constant 0 : i32
      %dma_wait3A_120 = tpu.memref_slice %arg18[%dma_wait3A_118, %dma_wait3A_119] : memref<10000x64xf32, #tpu.memory_space<vmem_shared>> -> memref<80x64xf32, #tpu.memory_space<vmem_shared>>
      tpu.wait_dma2 semaphore(%arg26 : memref<!tpu.dma_semaphore, #tpu.memory_space<semaphore_mem>>) src(%arg10 : memref<80x64xf32, #tpu.memory_space<vmem>>) dst(%dma_wait3A_120 : memref<80x64xf32, #tpu.memory_space<vmem_shared>>)
      %dma_start3A_121 = arith.constant 7 : i32
      %dma_start3A_122 = arith.constant 0 : i32
      %dma_start3A_123 = tpu.memref_slice %arg8[%dma_start3A_121, %dma_start3A_122] : memref<250x80xi32, #tpu.memory_space<vmem>> -> memref<1x80xi32, #tpu.memory_space<vmem>>
      %dma_start3A_124 = tpu.memref_squeeze %dma_start3A_123 : memref<1x80xi32, #tpu.memory_space<vmem>> -> memref<80xi32, #tpu.memory_space<vmem>>
      %dma_start3A_125 = arith.constant 0 : i32
      %dma_start3A_126 = arith.constant 0 : i32
      %dma_start3A_127 = tpu.memref_slice %arg2[%dma_start3A_125, %dma_start3A_126] : memref<10000x64xf32, #tpu.memory_space<hbm>> -> memref<10000x64xf32, #tpu.memory_space<hbm>>
      tpu.enqueue_indirect_dma source(%dma_start3A_127 : memref<10000x64xf32, #tpu.memory_space<hbm>>) target(%arg10 : memref<80x64xf32, #tpu.memory_space<vmem>>) offsets(%dma_start3A_124 : memref<80xi32, #tpu.memory_space<vmem>>) semaphore(%arg19 : memref<!tpu.dma_semaphore, #tpu.memory_space<semaphore_mem>>)
      %dma_wait3A_128 = arith.constant 0 : i32
      %dma_wait3A_129 = arith.constant 0 : i32
      %dma_wait3A_130 = tpu.memref_slice %arg2[%dma_wait3A_128, %dma_wait3A_129] : memref<10000x64xf32, #tpu.memory_space<hbm>> -> memref<80x64xf32, #tpu.memory_space<hbm>>
      %dma_wait3A_131 = arith.constant 0 : i32
      %dma_wait3A_132 = arith.constant 0 : i32
      %dma_wait3A_133 = tpu.memref_slice %arg2[%dma_wait3A_131, %dma_wait3A_132] : memref<10000x64xf32, #tpu.memory_space<hbm>> -> memref<80x64xf32, #tpu.memory_space<hbm>>
      tpu.wait_dma2 semaphore(%arg21 : memref<!tpu.dma_semaphore, #tpu.memory_space<semaphore_mem>>) src(%dma_wait3A_133 : memref<80x64xf32, #tpu.memory_space<hbm>>) dst(%arg12 : memref<80x64xf32, #tpu.memory_space<vmem>>)
      %dma_start3A_134 = arith.constant 2 : i32
      %dma_start3A_135 = arith.constant 0 : i32
      %dma_start3A_136 = tpu.memref_slice %arg9[%dma_start3A_134, %dma_start3A_135] : memref<250x80xi32, #tpu.memory_space<vmem>> -> memref<1x80xi32, #tpu.memory_space<vmem>>
      %dma_start3A_137 = tpu.memref_squeeze %dma_start3A_136 : memref<1x80xi32, #tpu.memory_space<vmem>> -> memref<80xi32, #tpu.memory_space<vmem>>
      %dma_start3A_138 = arith.constant 0 : i32
      %dma_start3A_139 = arith.constant 0 : i32
      %dma_start3A_140 = tpu.memref_slice %arg18[%dma_start3A_138, %dma_start3A_139] : memref<10000x64xf32, #tpu.memory_space<vmem_shared>> -> memref<10000x64xf32, #tpu.memory_space<vmem_shared>>
      tpu.enqueue_indirect_dma source(%arg12 : memref<80x64xf32, #tpu.memory_space<vmem>>) target(%dma_start3A_140 : memref<10000x64xf32, #tpu.memory_space<vmem_shared>>) offsets(%dma_start3A_137 : memref<80xi32, #tpu.memory_space<vmem>>) semaphore(%arg28 : memref<!tpu.dma_semaphore, #tpu.memory_space<semaphore_mem>>) {add = true}
      %dma_wait3A_141 = arith.constant 0 : i32
      %dma_wait3A_142 = arith.constant 0 : i32
      %dma_wait3A_143 = tpu.memref_slice %arg18[%dma_wait3A_141, %dma_wait3A_142] : memref<10000x64xf32, #tpu.memory_space<vmem_shared>> -> memref<80x64xf32, #tpu.memory_space<vmem_shared>>
      %dma_wait3A_144 = arith.constant 0 : i32
      %dma_wait3A_145 = arith.constant 0 : i32
      %dma_wait3A_146 = tpu.memref_slice %arg18[%dma_wait3A_144, %dma_wait3A_145] : memref<10000x64xf32, #tpu.memory_space<vmem_shared>> -> memref<80x64xf32, #tpu.memory_space<vmem_shared>>
      tpu.wait_dma2 semaphore(%arg27 : memref<!tpu.dma_semaphore, #tpu.memory_space<semaphore_mem>>) src(%arg11 : memref<80x64xf32, #tpu.memory_space<vmem>>) dst(%dma_wait3A_146 : memref<80x64xf32, #tpu.memory_space<vmem_shared>>)
      %dma_start3A_147 = arith.constant 8 : i32
      %dma_start3A_148 = arith.constant 0 : i32
      %dma_start3A_149 = tpu.memref_slice %arg8[%dma_start3A_147, %dma_start3A_148] : memref<250x80xi32, #tpu.memory_space<vmem>> -> memref<1x80xi32, #tpu.memory_space<vmem>>
      %dma_start3A_150 = tpu.memref_squeeze %dma_start3A_149 : memref<1x80xi32, #tpu.memory_space<vmem>> -> memref<80xi32, #tpu.memory_space<vmem>>
      %dma_start3A_151 = arith.constant 0 : i32
      %dma_start3A_152 = arith.constant 0 : i32
      %dma_start3A_153 = tpu.memref_slice %arg2[%dma_start3A_151, %dma_start3A_152] : memref<10000x64xf32, #tpu.memory_space<hbm>> -> memref<10000x64xf32, #tpu.memory_space<hbm>>
      tpu.enqueue_indirect_dma source(%dma_start3A_153 : memref<10000x64xf32, #tpu.memory_space<hbm>>) target(%arg11 : memref<80x64xf32, #tpu.memory_space<vmem>>) offsets(%dma_start3A_150 : memref<80xi32, #tpu.memory_space<vmem>>) semaphore(%arg20 : memref<!tpu.dma_semaphore, #tpu.memory_space<semaphore_mem>>)
      %dma_wait3A_154 = arith.constant 0 : i32
      %dma_wait3A_155 = arith.constant 0 : i32
      %dma_wait3A_156 = tpu.memref_slice %arg2[%dma_wait3A_154, %dma_wait3A_155] : memref<10000x64xf32, #tpu.memory_space<hbm>> -> memref<80x64xf32, #tpu.memory_space<hbm>>
      %dma_wait3A_157 = arith.constant 0 : i32
      %dma_wait3A_158 = arith.constant 0 : i32
      %dma_wait3A_159 = tpu.memref_slice %arg2[%dma_wait3A_157, %dma_wait3A_158] : memref<10000x64xf32, #tpu.memory_space<hbm>> -> memref<80x64xf32, #tpu.memory_space<hbm>>
      tpu.wait_dma2 semaphore(%arg22 : memref<!tpu.dma_semaphore, #tpu.memory_space<semaphore_mem>>) src(%dma_wait3A_159 : memref<80x64xf32, #tpu.memory_space<hbm>>) dst(%arg13 : memref<80x64xf32, #tpu.memory_space<vmem>>)
      %dma_start3A_160 = arith.constant 3 : i32
      %dma_start3A_161 = arith.constant 0 : i32
      %dma_start3A_162 = tpu.memref_slice %arg9[%dma_start3A_160, %dma_start3A_161] : memref<250x80xi32, #tpu.memory_space<vmem>> -> memref<1x80xi32, #tpu.memory_space<vmem>>
      %dma_start3A_163 = tpu.memref_squeeze %dma_start3A_162 : memref<1x80xi32, #tpu.memory_space<vmem>> -> memref<80xi32, #tpu.memory_space<vmem>>
      %dma_start3A_164 = arith.constant 0 : i32
      %dma_start3A_165 = arith.constant 0 : i32
      %dma_start3A_166 = tpu.memref_slice %arg18[%dma_start3A_164, %dma_start3A_165] : memref<10000x64xf32, #tpu.memory_space<vmem_shared>> -> memref<10000x64xf32, #tpu.memory_space<vmem_shared>>
      tpu.enqueue_indirect_dma source(%arg13 : memref<80x64xf32, #tpu.memory_space<vmem>>) target(%dma_start3A_166 : memref<10000x64xf32, #tpu.memory_space<vmem_shared>>) offsets(%dma_start3A_163 : memref<80xi32, #tpu.memory_space<vmem>>) semaphore(%arg29 : memref<!tpu.dma_semaphore, #tpu.memory_space<semaphore_mem>>) {add = true}
      %dma_wait3A_167 = arith.constant 0 : i32
      %dma_wait3A_168 = arith.constant 0 : i32
      %dma_wait3A_169 = tpu.memref_slice %arg18[%dma_wait3A_167, %dma_wait3A_168] : memref<10000x64xf32, #tpu.memory_space<vmem_shared>> -> memref<80x64xf32, #tpu.memory_space<vmem_shared>>
      %dma_wait3A_170 = arith.constant 0 : i32
      %dma_wait3A_171 = arith.constant 0 : i32
      %dma_wait3A_172 = tpu.memref_slice %arg18[%dma_wait3A_170, %dma_wait3A_171] : memref<10000x64xf32, #tpu.memory_space<vmem_shared>> -> memref<80x64xf32, #tpu.memory_space<vmem_shared>>
      tpu.wait_dma2 semaphore(%arg28 : memref<!tpu.dma_semaphore, #tpu.memory_space<semaphore_mem>>) src(%arg12 : memref<80x64xf32, #tpu.memory_space<vmem>>) dst(%dma_wait3A_172 : memref<80x64xf32, #tpu.memory_space<vmem_shared>>)
      %dma_start3A_173 = arith.constant 9 : i32
      %dma_start3A_174 = arith.constant 0 : i32
      %dma_start3A_175 = tpu.memref_slice %arg8[%dma_start3A_173, %dma_start3A_174] : memref<250x80xi32, #tpu.memory_space<vmem>> -> memref<1x80xi32, #tpu.memory_space<vmem>>
      %dma_start3A_176 = tpu.memref_squeeze %dma_start3A_175 : memref<1x80xi32, #tpu.memory_space<vmem>> -> memref<80xi32, #tpu.memory_space<vmem>>
      %dma_start3A_177 = arith.constant 0 : i32
      %dma_start3A_178 = arith.constant 0 : i32
      %dma_start3A_179 = tpu.memref_slice %arg2[%dma_start3A_177, %dma_start3A_178] : memref<10000x64xf32, #tpu.memory_space<hbm>> -> memref<10000x64xf32, #tpu.memory_space<hbm>>
      tpu.enqueue_indirect_dma source(%dma_start3A_179 : memref<10000x64xf32, #tpu.memory_space<hbm>>) target(%arg12 : memref<80x64xf32, #tpu.memory_space<vmem>>) offsets(%dma_start3A_176 : memref<80xi32, #tpu.memory_space<vmem>>) semaphore(%arg21 : memref<!tpu.dma_semaphore, #tpu.memory_space<semaphore_mem>>)
      %dma_wait3A_180 = arith.constant 0 : i32
      %dma_wait3A_181 = arith.constant 0 : i32
      %dma_wait3A_182 = tpu.memref_slice %arg2[%dma_wait3A_180, %dma_wait3A_181] : memref<10000x64xf32, #tpu.memory_space<hbm>> -> memref<80x64xf32, #tpu.memory_space<hbm>>
      %dma_wait3A_183 = arith.constant 0 : i32
      %dma_wait3A_184 = arith.constant 0 : i32
      %dma_wait3A_185 = tpu.memref_slice %arg2[%dma_wait3A_183, %dma_wait3A_184] : memref<10000x64xf32, #tpu.memory_space<hbm>> -> memref<80x64xf32, #tpu.memory_space<hbm>>
      tpu.wait_dma2 semaphore(%arg23 : memref<!tpu.dma_semaphore, #tpu.memory_space<semaphore_mem>>) src(%dma_wait3A_185 : memref<80x64xf32, #tpu.memory_space<hbm>>) dst(%arg14 : memref<80x64xf32, #tpu.memory_space<vmem>>)
      %dma_start3A_186 = arith.constant 4 : i32
      %dma_start3A_187 = arith.constant 0 : i32
      %dma_start3A_188 = tpu.memref_slice %arg9[%dma_start3A_186, %dma_start3A_187] : memref<250x80xi32, #tpu.memory_space<vmem>> -> memref<1x80xi32, #tpu.memory_space<vmem>>
      %dma_start3A_189 = tpu.memref_squeeze %dma_start3A_188 : memref<1x80xi32, #tpu.memory_space<vmem>> -> memref<80xi32, #tpu.memory_space<vmem>>
      %dma_start3A_190 = arith.constant 0 : i32
      %dma_start3A_191 = arith.constant 0 : i32
      %dma_start3A_192 = tpu.memref_slice %arg18[%dma_start3A_190, %dma_start3A_191] : memref<10000x64xf32, #tpu.memory_space<vmem_shared>> -> memref<10000x64xf32, #tpu.memory_space<vmem_shared>>
      tpu.enqueue_indirect_dma source(%arg14 : memref<80x64xf32, #tpu.memory_space<vmem>>) target(%dma_start3A_192 : memref<10000x64xf32, #tpu.memory_space<vmem_shared>>) offsets(%dma_start3A_189 : memref<80xi32, #tpu.memory_space<vmem>>) semaphore(%arg30 : memref<!tpu.dma_semaphore, #tpu.memory_space<semaphore_mem>>) {add = true}
      %dma_wait3A_193 = arith.constant 0 : i32
      %dma_wait3A_194 = arith.constant 0 : i32
      %dma_wait3A_195 = tpu.memref_slice %arg18[%dma_wait3A_193, %dma_wait3A_194] : memref<10000x64xf32, #tpu.memory_space<vmem_shared>> -> memref<80x64xf32, #tpu.memory_space<vmem_shared>>
      %dma_wait3A_196 = arith.constant 0 : i32
      %dma_wait3A_197 = arith.constant 0 : i32
      %dma_wait3A_198 = tpu.memref_slice %arg18[%dma_wait3A_196, %dma_wait3A_197] : memref<10000x64xf32, #tpu.memory_space<vmem_shared>> -> memref<80x64xf32, #tpu.memory_space<vmem_shared>>
      tpu.wait_dma2 semaphore(%arg29 : memref<!tpu.dma_semaphore, #tpu.memory_space<semaphore_mem>>) src(%arg13 : memref<80x64xf32, #tpu.memory_space<vmem>>) dst(%dma_wait3A_198 : memref<80x64xf32, #tpu.memory_space<vmem_shared>>)
      %dma_start3A_199 = arith.constant 10 : i32
      %dma_start3A_200 = arith.constant 0 : i32
      %dma_start3A_201 = tpu.memref_slice %arg8[%dma_start3A_199, %dma_start3A_200] : memref<250x80xi32, #tpu.memory_space<vmem>> -> memref<1x80xi32, #tpu.memory_space<vmem>>
      %dma_start3A_202 = tpu.memref_squeeze %dma_start3A_201 : memref<1x80xi32, #tpu.memory_space<vmem>> -> memref<80xi32, #tpu.memory_space<vmem>>
      %dma_start3A_203 = arith.constant 0 : i32
      %dma_start3A_204 = arith.constant 0 : i32
      %dma_start3A_205 = tpu.memref_slice %arg2[%dma_start3A_203, %dma_start3A_204] : memref<10000x64xf32, #tpu.memory_space<hbm>> -> memref<10000x64xf32, #tpu.memory_space<hbm>>
      tpu.enqueue_indirect_dma source(%dma_start3A_205 : memref<10000x64xf32, #tpu.memory_space<hbm>>) target(%arg13 : memref<80x64xf32, #tpu.memory_space<vmem>>) offsets(%dma_start3A_202 : memref<80xi32, #tpu.memory_space<vmem>>) semaphore(%arg22 : memref<!tpu.dma_semaphore, #tpu.memory_space<semaphore_mem>>)
      %dma_wait3A_206 = arith.constant 0 : i32
      %dma_wait3A_207 = arith.constant 0 : i32
      %dma_wait3A_208 = tpu.memref_slice %arg2[%dma_wait3A_206, %dma_wait3A_207] : memref<10000x64xf32, #tpu.memory_space<hbm>> -> memref<80x64xf32, #tpu.memory_space<hbm>>
      %dma_wait3A_209 = arith.constant 0 : i32
      %dma_wait3A_210 = arith.constant 0 : i32
      %dma_wait3A_211 = tpu.memref_slice %arg2[%dma_wait3A_209, %dma_wait3A_210] : memref<10000x64xf32, #tpu.memory_space<hbm>> -> memref<80x64xf32, #tpu.memory_space<hbm>>
      tpu.wait_dma2 semaphore(%arg24 : memref<!tpu.dma_semaphore, #tpu.memory_space<semaphore_mem>>) src(%dma_wait3A_211 : memref<80x64xf32, #tpu.memory_space<hbm>>) dst(%arg15 : memref<80x64xf32, #tpu.memory_space<vmem>>)
      %dma_start3A_212 = arith.constant 5 : i32
      %dma_start3A_213 = arith.constant 0 : i32
      %dma_start3A_214 = tpu.memref_slice %arg9[%dma_start3A_212, %dma_start3A_213] : memref<250x80xi32, #tpu.memory_space<vmem>> -> memref<1x80xi32, #tpu.memory_space<vmem>>
      %dma_start3A_215 = tpu.memref_squeeze %dma_start3A_214 : memref<1x80xi32, #tpu.memory_space<vmem>> -> memref<80xi32, #tpu.memory_space<vmem>>
      %dma_start3A_216 = arith.constant 0 : i32
      %dma_start3A_217 = arith.constant 0 : i32
      %dma_start3A_218 = tpu.memref_slice %arg18[%dma_start3A_216, %dma_start3A_217] : memref<10000x64xf32, #tpu.memory_space<vmem_shared>> -> memref<10000x64xf32, #tpu.memory_space<vmem_shared>>
      tpu.enqueue_indirect_dma source(%arg15 : memref<80x64xf32, #tpu.memory_space<vmem>>) target(%dma_start3A_218 : memref<10000x64xf32, #tpu.memory_space<vmem_shared>>) offsets(%dma_start3A_215 : memref<80xi32, #tpu.memory_space<vmem>>) semaphore(%arg31 : memref<!tpu.dma_semaphore, #tpu.memory_space<semaphore_mem>>) {add = true}
      %dma_wait3A_219 = arith.constant 0 : i32
      %dma_wait3A_220 = arith.constant 0 : i32
      %dma_wait3A_221 = tpu.memref_slice %arg18[%dma_wait3A_219, %dma_wait3A_220] : memref<10000x64xf32, #tpu.memory_space<vmem_shared>> -> memref<80x64xf32, #tpu.memory_space<vmem_shared>>
      %dma_wait3A_222 = arith.constant 0 : i32
      %dma_wait3A_223 = arith.constant 0 : i32
      %dma_wait3A_224 = tpu.memref_slice %arg18[%dma_wait3A_222, %dma_wait3A_223] : memref<10000x64xf32, #tpu.memory_space<vmem_shared>> -> memref<80x64xf32, #tpu.memory_space<vmem_shared>>
      tpu.wait_dma2 semaphore(%arg30 : memref<!tpu.dma_semaphore, #tpu.memory_space<semaphore_mem>>) src(%arg14 : memref<80x64xf32, #tpu.memory_space<vmem>>) dst(%dma_wait3A_224 : memref<80x64xf32, #tpu.memory_space<vmem_shared>>)
      %dma_start3A_225 = arith.constant 11 : i32
      %dma_start3A_226 = arith.constant 0 : i32
      %dma_start3A_227 = tpu.memref_slice %arg8[%dma_start3A_225, %dma_start3A_226] : memref<250x80xi32, #tpu.memory_space<vmem>> -> memref<1x80xi32, #tpu.memory_space<vmem>>
      %dma_start3A_228 = tpu.memref_squeeze %dma_start3A_227 : memref<1x80xi32, #tpu.memory_space<vmem>> -> memref<80xi32, #tpu.memory_space<vmem>>
      %dma_start3A_229 = arith.constant 0 : i32
      %dma_start3A_230 = arith.constant 0 : i32
      %dma_start3A_231 = tpu.memref_slice %arg2[%dma_start3A_229, %dma_start3A_230] : memref<10000x64xf32, #tpu.memory_space<hbm>> -> memref<10000x64xf32, #tpu.memory_space<hbm>>
      tpu.enqueue_indirect_dma source(%dma_start3A_231 : memref<10000x64xf32, #tpu.memory_space<hbm>>) target(%arg14 : memref<80x64xf32, #tpu.memory_space<vmem>>) offsets(%dma_start3A_228 : memref<80xi32, #tpu.memory_space<vmem>>) semaphore(%arg23 : memref<!tpu.dma_semaphore, #tpu.memory_space<semaphore_mem>>)
      %dma_wait3A_232 = arith.constant 0 : i32
      %dma_wait3A_233 = arith.constant 0 : i32
      %dma_wait3A_234 = tpu.memref_slice %arg2[%dma_wait3A_232, %dma_wait3A_233] : memref<10000x64xf32, #tpu.memory_space<hbm>> -> memref<80x64xf32, #tpu.memory_space<hbm>>
      %dma_wait3A_235 = arith.constant 0 : i32
      %dma_wait3A_236 = arith.constant 0 : i32
      %dma_wait3A_237 = tpu.memref_slice %arg2[%dma_wait3A_235, %dma_wait3A_236] : memref<10000x64xf32, #tpu.memory_space<hbm>> -> memref<80x64xf32, #tpu.memory_space<hbm>>
      tpu.wait_dma2 semaphore(%arg25 : memref<!tpu.dma_semaphore, #tpu.memory_space<semaphore_mem>>) src(%dma_wait3A_237 : memref<80x64xf32, #tpu.memory_space<hbm>>) dst(%arg16 : memref<80x64xf32, #tpu.memory_space<vmem>>)
      %dma_start3A_238 = arith.constant 6 : i32
      %dma_start3A_239 = arith.constant 0 : i32
      %dma_start3A_240 = tpu.memref_slice %arg9[%dma_start3A_238, %dma_start3A_239] : memref<250x80xi32, #tpu.memory_space<vmem>> -> memref<1x80xi32, #tpu.memory_space<vmem>>
      %dma_start3A_241 = tpu.memref_squeeze %dma_start3A_240 : memref<1x80xi32, #tpu.memory_space<vmem>> -> memref<80xi32, #tpu.memory_space<vmem>>
      %dma_start3A_242 = arith.constant 0 : i32
      %dma_start3A_243 = arith.constant 0 : i32
      %dma_start3A_244 = tpu.memref_slice %arg18[%dma_start3A_242, %dma_start3A_243] : memref<10000x64xf32, #tpu.memory_space<vmem_shared>> -> memref<10000x64xf32, #tpu.memory_space<vmem_shared>>
      tpu.enqueue_indirect_dma source(%arg16 : memref<80x64xf32, #tpu.memory_space<vmem>>) target(%dma_start3A_244 : memref<10000x64xf32, #tpu.memory_space<vmem_shared>>) offsets(%dma_start3A_241 : memref<80xi32, #tpu.memory_space<vmem>>) semaphore(%arg32 : memref<!tpu.dma_semaphore, #tpu.memory_space<semaphore_mem>>) {add = true}
      %scan3A_245 = arith.constant 0 : i32
      %scan3A_246 = arith.constant 1 : i32
      %scan3A_247 = arith.constant 34 : i32
      %scan3A_248 = arith.addi %scan3A_246, %scan3A_247 : i32
      %scan3A_249 = arith.constant 1 : i32
      scf.for %scan3A_358 = %scan3A_246 to %scan3A_248 step %scan3A_249  : i32 {
        %mul3A_359 = arith.constant 7 : i32
        %mul3A_360 = arith.muli %scan3A_358, %mul3A_359 : i32
        %dma_wait3A_361 = arith.constant 0 : i32
        %dma_wait3A_362 = arith.constant 0 : i32
        %dma_wait3A_363 = tpu.memref_slice %arg18[%dma_wait3A_361, %dma_wait3A_362] : memref<10000x64xf32, #tpu.memory_space<vmem_shared>> -> memref<80x64xf32, #tpu.memory_space<vmem_shared>>
        %dma_wait3A_364 = arith.constant 0 : i32
        %dma_wait3A_365 = arith.constant 0 : i32
        %dma_wait3A_366 = tpu.memref_slice %arg18[%dma_wait3A_364, %dma_wait3A_365] : memref<10000x64xf32, #tpu.memory_space<vmem_shared>> -> memref<80x64xf32, #tpu.memory_space<vmem_shared>>
        tpu.wait_dma2 semaphore(%arg31 : memref<!tpu.dma_semaphore, #tpu.memory_space<semaphore_mem>>) src(%arg15 : memref<80x64xf32, #tpu.memory_space<vmem>>) dst(%dma_wait3A_366 : memref<80x64xf32, #tpu.memory_space<vmem_shared>>)
        %add3A_367 = arith.constant 0 : i32
        %add3A_368 = arith.addi %mul3A_360, %add3A_367 : i32
        %add3A_369 = arith.constant 5 : i32
        %add3A_370 = arith.addi %add3A_368, %add3A_369 : i32
        %dma_start3A_371 = arith.constant 0 : i32
        %dma_start3A_372 = tpu.memref_slice %arg8[%add3A_370, %dma_start3A_371] : memref<250x80xi32, #tpu.memory_space<vmem>> -> memref<1x80xi32, #tpu.memory_space<vmem>>
        %dma_start3A_373 = tpu.memref_squeeze %dma_start3A_372 : memref<1x80xi32, #tpu.memory_space<vmem>> -> memref<80xi32, #tpu.memory_space<vmem>>
        %dma_start3A_374 = arith.constant 0 : i32
        %dma_start3A_375 = arith.constant 0 : i32
        %dma_start3A_376 = tpu.memref_slice %arg2[%dma_start3A_374, %dma_start3A_375] : memref<10000x64xf32, #tpu.memory_space<hbm>> -> memref<10000x64xf32, #tpu.memory_space<hbm>>
        tpu.enqueue_indirect_dma source(%dma_start3A_376 : memref<10000x64xf32, #tpu.memory_space<hbm>>) target(%arg15 : memref<80x64xf32, #tpu.memory_space<vmem>>) offsets(%dma_start3A_373 : memref<80xi32, #tpu.memory_space<vmem>>) semaphore(%arg24 : memref<!tpu.dma_semaphore, #tpu.memory_space<semaphore_mem>>)
        %dma_wait3A_377 = arith.constant 0 : i32
        %dma_wait3A_378 = arith.constant 0 : i32
        %dma_wait3A_379 = tpu.memref_slice %arg2[%dma_wait3A_377, %dma_wait3A_378] : memref<10000x64xf32, #tpu.memory_space<hbm>> -> memref<80x64xf32, #tpu.memory_space<hbm>>
        %dma_wait3A_380 = arith.constant 0 : i32
        %dma_wait3A_381 = arith.constant 0 : i32
        %dma_wait3A_382 = tpu.memref_slice %arg2[%dma_wait3A_380, %dma_wait3A_381] : memref<10000x64xf32, #tpu.memory_space<hbm>> -> memref<80x64xf32, #tpu.memory_space<hbm>>
        tpu.wait_dma2 semaphore(%arg19 : memref<!tpu.dma_semaphore, #tpu.memory_space<semaphore_mem>>) src(%dma_wait3A_382 : memref<80x64xf32, #tpu.memory_space<hbm>>) dst(%arg10 : memref<80x64xf32, #tpu.memory_space<vmem>>)
        %add3A_383 = arith.constant 0 : i32
        %add3A_384 = arith.addi %mul3A_360, %add3A_383 : i32
        %dma_start3A_385 = arith.constant 0 : i32
        %dma_start3A_386 = tpu.memref_slice %arg9[%add3A_384, %dma_start3A_385] : memref<250x80xi32, #tpu.memory_space<vmem>> -> memref<1x80xi32, #tpu.memory_space<vmem>>
        %dma_start3A_387 = tpu.memref_squeeze %dma_start3A_386 : memref<1x80xi32, #tpu.memory_space<vmem>> -> memref<80xi32, #tpu.memory_space<vmem>>
        %dma_start3A_388 = arith.constant 0 : i32
        %dma_start3A_389 = arith.constant 0 : i32
        %dma_start3A_390 = tpu.memref_slice %arg18[%dma_start3A_388, %dma_start3A_389] : memref<10000x64xf32, #tpu.memory_space<vmem_shared>> -> memref<10000x64xf32, #tpu.memory_space<vmem_shared>>
        tpu.enqueue_indirect_dma source(%arg10 : memref<80x64xf32, #tpu.memory_space<vmem>>) target(%dma_start3A_390 : memref<10000x64xf32, #tpu.memory_space<vmem_shared>>) offsets(%dma_start3A_387 : memref<80xi32, #tpu.memory_space<vmem>>) semaphore(%arg26 : memref<!tpu.dma_semaphore, #tpu.memory_space<semaphore_mem>>) {add = true}
        %dma_wait3A_391 = arith.constant 0 : i32
        %dma_wait3A_392 = arith.constant 0 : i32
        %dma_wait3A_393 = tpu.memref_slice %arg18[%dma_wait3A_391, %dma_wait3A_392] : memref<10000x64xf32, #tpu.memory_space<vmem_shared>> -> memref<80x64xf32, #tpu.memory_space<vmem_shared>>
        %dma_wait3A_394 = arith.constant 0 : i32
        %dma_wait3A_395 = arith.constant 0 : i32
        %dma_wait3A_396 = tpu.memref_slice %arg18[%dma_wait3A_394, %dma_wait3A_395] : memref<10000x64xf32, #tpu.memory_space<vmem_shared>> -> memref<80x64xf32, #tpu.memory_space<vmem_shared>>
        tpu.wait_dma2 semaphore(%arg32 : memref<!tpu.dma_semaphore, #tpu.memory_space<semaphore_mem>>) src(%arg16 : memref<80x64xf32, #tpu.memory_space<vmem>>) dst(%dma_wait3A_396 : memref<80x64xf32, #tpu.memory_space<vmem_shared>>)
        %add3A_397 = arith.constant 1 : i32
        %add3A_398 = arith.addi %mul3A_360, %add3A_397 : i32
        %add3A_399 = arith.constant 5 : i32
        %add3A_400 = arith.addi %add3A_398, %add3A_399 : i32
        %dma_start3A_401 = arith.constant 0 : i32
        %dma_start3A_402 = tpu.memref_slice %arg8[%add3A_400, %dma_start3A_401] : memref<250x80xi32, #tpu.memory_space<vmem>> -> memref<1x80xi32, #tpu.memory_space<vmem>>
        %dma_start3A_403 = tpu.memref_squeeze %dma_start3A_402 : memref<1x80xi32, #tpu.memory_space<vmem>> -> memref<80xi32, #tpu.memory_space<vmem>>
        %dma_start3A_404 = arith.constant 0 : i32
        %dma_start3A_405 = arith.constant 0 : i32
        %dma_start3A_406 = tpu.memref_slice %arg2[%dma_start3A_404, %dma_start3A_405] : memref<10000x64xf32, #tpu.memory_space<hbm>> -> memref<10000x64xf32, #tpu.memory_space<hbm>>
        tpu.enqueue_indirect_dma source(%dma_start3A_406 : memref<10000x64xf32, #tpu.memory_space<hbm>>) target(%arg16 : memref<80x64xf32, #tpu.memory_space<vmem>>) offsets(%dma_start3A_403 : memref<80xi32, #tpu.memory_space<vmem>>) semaphore(%arg25 : memref<!tpu.dma_semaphore, #tpu.memory_space<semaphore_mem>>)
        %dma_wait3A_407 = arith.constant 0 : i32
        %dma_wait3A_408 = arith.constant 0 : i32
        %dma_wait3A_409 = tpu.memref_slice %arg2[%dma_wait3A_407, %dma_wait3A_408] : memref<10000x64xf32, #tpu.memory_space<hbm>> -> memref<80x64xf32, #tpu.memory_space<hbm>>
        %dma_wait3A_410 = arith.constant 0 : i32
        %dma_wait3A_411 = arith.constant 0 : i32
        %dma_wait3A_412 = tpu.memref_slice %arg2[%dma_wait3A_410, %dma_wait3A_411] : memref<10000x64xf32, #tpu.memory_space<hbm>> -> memref<80x64xf32, #tpu.memory_space<hbm>>
        tpu.wait_dma2 semaphore(%arg20 : memref<!tpu.dma_semaphore, #tpu.memory_space<semaphore_mem>>) src(%dma_wait3A_412 : memref<80x64xf32, #tpu.memory_space<hbm>>) dst(%arg11 : memref<80x64xf32, #tpu.memory_space<vmem>>)
        %add3A_413 = arith.constant 1 : i32
        %add3A_414 = arith.addi %mul3A_360, %add3A_413 : i32
        %dma_start3A_415 = arith.constant 0 : i32
        %dma_start3A_416 = tpu.memref_slice %arg9[%add3A_414, %dma_start3A_415] : memref<250x80xi32, #tpu.memory_space<vmem>> -> memref<1x80xi32, #tpu.memory_space<vmem>>
        %dma_start3A_417 = tpu.memref_squeeze %dma_start3A_416 : memref<1x80xi32, #tpu.memory_space<vmem>> -> memref<80xi32, #tpu.memory_space<vmem>>
        %dma_start3A_418 = arith.constant 0 : i32
        %dma_start3A_419 = arith.constant 0 : i32
        %dma_start3A_420 = tpu.memref_slice %arg18[%dma_start3A_418, %dma_start3A_419] : memref<10000x64xf32, #tpu.memory_space<vmem_shared>> -> memref<10000x64xf32, #tpu.memory_space<vmem_shared>>
        tpu.enqueue_indirect_dma source(%arg11 : memref<80x64xf32, #tpu.memory_space<vmem>>) target(%dma_start3A_420 : memref<10000x64xf32, #tpu.memory_space<vmem_shared>>) offsets(%dma_start3A_417 : memref<80xi32, #tpu.memory_space<vmem>>) semaphore(%arg27 : memref<!tpu.dma_semaphore, #tpu.memory_space<semaphore_mem>>) {add = true}
        %dma_wait3A_421 = arith.constant 0 : i32
        %dma_wait3A_422 = arith.constant 0 : i32
        %dma_wait3A_423 = tpu.memref_slice %arg18[%dma_wait3A_421, %dma_wait3A_422] : memref<10000x64xf32, #tpu.memory_space<vmem_shared>> -> memref<80x64xf32, #tpu.memory_space<vmem_shared>>
        %dma_wait3A_424 = arith.constant 0 : i32
        %dma_wait3A_425 = arith.constant 0 : i32
        %dma_wait3A_426 = tpu.memref_slice %arg18[%dma_wait3A_424, %dma_wait3A_425] : memref<10000x64xf32, #tpu.memory_space<vmem_shared>> -> memref<80x64xf32, #tpu.memory_space<vmem_shared>>
        tpu.wait_dma2 semaphore(%arg26 : memref<!tpu.dma_semaphore, #tpu.memory_space<semaphore_mem>>) src(%arg10 : memref<80x64xf32, #tpu.memory_space<vmem>>) dst(%dma_wait3A_426 : memref<80x64xf32, #tpu.memory_space<vmem_shared>>)
        %add3A_427 = arith.constant 2 : i32
        %add3A_428 = arith.addi %mul3A_360, %add3A_427 : i32
        %add3A_429 = arith.constant 5 : i32
        %add3A_430 = arith.addi %add3A_428, %add3A_429 : i32
        %dma_start3A_431 = arith.constant 0 : i32
        %dma_start3A_432 = tpu.memref_slice %arg8[%add3A_430, %dma_start3A_431] : memref<250x80xi32, #tpu.memory_space<vmem>> -> memref<1x80xi32, #tpu.memory_space<vmem>>
        %dma_start3A_433 = tpu.memref_squeeze %dma_start3A_432 : memref<1x80xi32, #tpu.memory_space<vmem>> -> memref<80xi32, #tpu.memory_space<vmem>>
        %dma_start3A_434 = arith.constant 0 : i32
        %dma_start3A_435 = arith.constant 0 : i32
        %dma_start3A_436 = tpu.memref_slice %arg2[%dma_start3A_434, %dma_start3A_435] : memref<10000x64xf32, #tpu.memory_space<hbm>> -> memref<10000x64xf32, #tpu.memory_space<hbm>>
        tpu.enqueue_indirect_dma source(%dma_start3A_436 : memref<10000x64xf32, #tpu.memory_space<hbm>>) target(%arg10 : memref<80x64xf32, #tpu.memory_space<vmem>>) offsets(%dma_start3A_433 : memref<80xi32, #tpu.memory_space<vmem>>) semaphore(%arg19 : memref<!tpu.dma_semaphore, #tpu.memory_space<semaphore_mem>>)
        %dma_wait3A_437 = arith.constant 0 : i32
        %dma_wait3A_438 = arith.constant 0 : i32
        %dma_wait3A_439 = tpu.memref_slice %arg2[%dma_wait3A_437, %dma_wait3A_438] : memref<10000x64xf32, #tpu.memory_space<hbm>> -> memref<80x64xf32, #tpu.memory_space<hbm>>
        %dma_wait3A_440 = arith.constant 0 : i32
        %dma_wait3A_441 = arith.constant 0 : i32
        %dma_wait3A_442 = tpu.memref_slice %arg2[%dma_wait3A_440, %dma_wait3A_441] : memref<10000x64xf32, #tpu.memory_space<hbm>> -> memref<80x64xf32, #tpu.memory_space<hbm>>
        tpu.wait_dma2 semaphore(%arg21 : memref<!tpu.dma_semaphore, #tpu.memory_space<semaphore_mem>>) src(%dma_wait3A_442 : memref<80x64xf32, #tpu.memory_space<hbm>>) dst(%arg12 : memref<80x64xf32, #tpu.memory_space<vmem>>)
        %add3A_443 = arith.constant 2 : i32
        %add3A_444 = arith.addi %mul3A_360, %add3A_443 : i32
        %dma_start3A_445 = arith.constant 0 : i32
        %dma_start3A_446 = tpu.memref_slice %arg9[%add3A_444, %dma_start3A_445] : memref<250x80xi32, #tpu.memory_space<vmem>> -> memref<1x80xi32, #tpu.memory_space<vmem>>
        %dma_start3A_447 = tpu.memref_squeeze %dma_start3A_446 : memref<1x80xi32, #tpu.memory_space<vmem>> -> memref<80xi32, #tpu.memory_space<vmem>>
        %dma_start3A_448 = arith.constant 0 : i32
        %dma_start3A_449 = arith.constant 0 : i32
        %dma_start3A_450 = tpu.memref_slice %arg18[%dma_start3A_448, %dma_start3A_449] : memref<10000x64xf32, #tpu.memory_space<vmem_shared>> -> memref<10000x64xf32, #tpu.memory_space<vmem_shared>>
        tpu.enqueue_indirect_dma source(%arg12 : memref<80x64xf32, #tpu.memory_space<vmem>>) target(%dma_start3A_450 : memref<10000x64xf32, #tpu.memory_space<vmem_shared>>) offsets(%dma_start3A_447 : memref<80xi32, #tpu.memory_space<vmem>>) semaphore(%arg28 : memref<!tpu.dma_semaphore, #tpu.memory_space<semaphore_mem>>) {add = true}
        %dma_wait3A_451 = arith.constant 0 : i32
        %dma_wait3A_452 = arith.constant 0 : i32
        %dma_wait3A_453 = tpu.memref_slice %arg18[%dma_wait3A_451, %dma_wait3A_452] : memref<10000x64xf32, #tpu.memory_space<vmem_shared>> -> memref<80x64xf32, #tpu.memory_space<vmem_shared>>
        %dma_wait3A_454 = arith.constant 0 : i32
        %dma_wait3A_455 = arith.constant 0 : i32
        %dma_wait3A_456 = tpu.memref_slice %arg18[%dma_wait3A_454, %dma_wait3A_455] : memref<10000x64xf32, #tpu.memory_space<vmem_shared>> -> memref<80x64xf32, #tpu.memory_space<vmem_shared>>
        tpu.wait_dma2 semaphore(%arg27 : memref<!tpu.dma_semaphore, #tpu.memory_space<semaphore_mem>>) src(%arg11 : memref<80x64xf32, #tpu.memory_space<vmem>>) dst(%dma_wait3A_456 : memref<80x64xf32, #tpu.memory_space<vmem_shared>>)
        %add3A_457 = arith.constant 3 : i32
        %add3A_458 = arith.addi %mul3A_360, %add3A_457 : i32
        %add3A_459 = arith.constant 5 : i32
        %add3A_460 = arith.addi %add3A_458, %add3A_459 : i32
        %dma_start3A_461 = arith.constant 0 : i32
        %dma_start3A_462 = tpu.memref_slice %arg8[%add3A_460, %dma_start3A_461] : memref<250x80xi32, #tpu.memory_space<vmem>> -> memref<1x80xi32, #tpu.memory_space<vmem>>
        %dma_start3A_463 = tpu.memref_squeeze %dma_start3A_462 : memref<1x80xi32, #tpu.memory_space<vmem>> -> memref<80xi32, #tpu.memory_space<vmem>>
        %dma_start3A_464 = arith.constant 0 : i32
        %dma_start3A_465 = arith.constant 0 : i32
        %dma_start3A_466 = tpu.memref_slice %arg2[%dma_start3A_464, %dma_start3A_465] : memref<10000x64xf32, #tpu.memory_space<hbm>> -> memref<10000x64xf32, #tpu.memory_space<hbm>>
        tpu.enqueue_indirect_dma source(%dma_start3A_466 : memref<10000x64xf32, #tpu.memory_space<hbm>>) target(%arg11 : memref<80x64xf32, #tpu.memory_space<vmem>>) offsets(%dma_start3A_463 : memref<80xi32, #tpu.memory_space<vmem>>) semaphore(%arg20 : memref<!tpu.dma_semaphore, #tpu.memory_space<semaphore_mem>>)
        %dma_wait3A_467 = arith.constant 0 : i32
        %dma_wait3A_468 = arith.constant 0 : i32
        %dma_wait3A_469 = tpu.memref_slice %arg2[%dma_wait3A_467, %dma_wait3A_468] : memref<10000x64xf32, #tpu.memory_space<hbm>> -> memref<80x64xf32, #tpu.memory_space<hbm>>
        %dma_wait3A_470 = arith.constant 0 : i32
        %dma_wait3A_471 = arith.constant 0 : i32
        %dma_wait3A_472 = tpu.memref_slice %arg2[%dma_wait3A_470, %dma_wait3A_471] : memref<10000x64xf32, #tpu.memory_space<hbm>> -> memref<80x64xf32, #tpu.memory_space<hbm>>
        tpu.wait_dma2 semaphore(%arg22 : memref<!tpu.dma_semaphore, #tpu.memory_space<semaphore_mem>>) src(%dma_wait3A_472 : memref<80x64xf32, #tpu.memory_space<hbm>>) dst(%arg13 : memref<80x64xf32, #tpu.memory_space<vmem>>)
        %add3A_473 = arith.constant 3 : i32
        %add3A_474 = arith.addi %mul3A_360, %add3A_473 : i32
        %dma_start3A_475 = arith.constant 0 : i32
        %dma_start3A_476 = tpu.memref_slice %arg9[%add3A_474, %dma_start3A_475] : memref<250x80xi32, #tpu.memory_space<vmem>> -> memref<1x80xi32, #tpu.memory_space<vmem>>
        %dma_start3A_477 = tpu.memref_squeeze %dma_start3A_476 : memref<1x80xi32, #tpu.memory_space<vmem>> -> memref<80xi32, #tpu.memory_space<vmem>>
        %dma_start3A_478 = arith.constant 0 : i32
        %dma_start3A_479 = arith.constant 0 : i32
        %dma_start3A_480 = tpu.memref_slice %arg18[%dma_start3A_478, %dma_start3A_479] : memref<10000x64xf32, #tpu.memory_space<vmem_shared>> -> memref<10000x64xf32, #tpu.memory_space<vmem_shared>>
        tpu.enqueue_indirect_dma source(%arg13 : memref<80x64xf32, #tpu.memory_space<vmem>>) target(%dma_start3A_480 : memref<10000x64xf32, #tpu.memory_space<vmem_shared>>) offsets(%dma_start3A_477 : memref<80xi32, #tpu.memory_space<vmem>>) semaphore(%arg29 : memref<!tpu.dma_semaphore, #tpu.memory_space<semaphore_mem>>) {add = true}
        %dma_wait3A_481 = arith.constant 0 : i32
        %dma_wait3A_482 = arith.constant 0 : i32
        %dma_wait3A_483 = tpu.memref_slice %arg18[%dma_wait3A_481, %dma_wait3A_482] : memref<10000x64xf32, #tpu.memory_space<vmem_shared>> -> memref<80x64xf32, #tpu.memory_space<vmem_shared>>
        %dma_wait3A_484 = arith.constant 0 : i32
        %dma_wait3A_485 = arith.constant 0 : i32
        %dma_wait3A_486 = tpu.memref_slice %arg18[%dma_wait3A_484, %dma_wait3A_485] : memref<10000x64xf32, #tpu.memory_space<vmem_shared>> -> memref<80x64xf32, #tpu.memory_space<vmem_shared>>
        tpu.wait_dma2 semaphore(%arg28 : memref<!tpu.dma_semaphore, #tpu.memory_space<semaphore_mem>>) src(%arg12 : memref<80x64xf32, #tpu.memory_space<vmem>>) dst(%dma_wait3A_486 : memref<80x64xf32, #tpu.memory_space<vmem_shared>>)
        %add3A_487 = arith.constant 4 : i32
        %add3A_488 = arith.addi %mul3A_360, %add3A_487 : i32
        %add3A_489 = arith.constant 5 : i32
        %add3A_490 = arith.addi %add3A_488, %add3A_489 : i32
        %dma_start3A_491 = arith.constant 0 : i32
        %dma_start3A_492 = tpu.memref_slice %arg8[%add3A_490, %dma_start3A_491] : memref<250x80xi32, #tpu.memory_space<vmem>> -> memref<1x80xi32, #tpu.memory_space<vmem>>
        %dma_start3A_493 = tpu.memref_squeeze %dma_start3A_492 : memref<1x80xi32, #tpu.memory_space<vmem>> -> memref<80xi32, #tpu.memory_space<vmem>>
        %dma_start3A_494 = arith.constant 0 : i32
        %dma_start3A_495 = arith.constant 0 : i32
        %dma_start3A_496 = tpu.memref_slice %arg2[%dma_start3A_494, %dma_start3A_495] : memref<10000x64xf32, #tpu.memory_space<hbm>> -> memref<10000x64xf32, #tpu.memory_space<hbm>>
        tpu.enqueue_indirect_dma source(%dma_start3A_496 : memref<10000x64xf32, #tpu.memory_space<hbm>>) target(%arg12 : memref<80x64xf32, #tpu.memory_space<vmem>>) offsets(%dma_start3A_493 : memref<80xi32, #tpu.memory_space<vmem>>) semaphore(%arg21 : memref<!tpu.dma_semaphore, #tpu.memory_space<semaphore_mem>>)
        %dma_wait3A_497 = arith.constant 0 : i32
        %dma_wait3A_498 = arith.constant 0 : i32
        %dma_wait3A_499 = tpu.memref_slice %arg2[%dma_wait3A_497, %dma_wait3A_498] : memref<10000x64xf32, #tpu.memory_space<hbm>> -> memref<80x64xf32, #tpu.memory_space<hbm>>
        %dma_wait3A_500 = arith.constant 0 : i32
        %dma_wait3A_501 = arith.constant 0 : i32
        %dma_wait3A_502 = tpu.memref_slice %arg2[%dma_wait3A_500, %dma_wait3A_501] : memref<10000x64xf32, #tpu.memory_space<hbm>> -> memref<80x64xf32, #tpu.memory_space<hbm>>
        tpu.wait_dma2 semaphore(%arg23 : memref<!tpu.dma_semaphore, #tpu.memory_space<semaphore_mem>>) src(%dma_wait3A_502 : memref<80x64xf32, #tpu.memory_space<hbm>>) dst(%arg14 : memref<80x64xf32, #tpu.memory_space<vmem>>)
        %add3A_503 = arith.constant 4 : i32
        %add3A_504 = arith.addi %mul3A_360, %add3A_503 : i32
        %dma_start3A_505 = arith.constant 0 : i32
        %dma_start3A_506 = tpu.memref_slice %arg9[%add3A_504, %dma_start3A_505] : memref<250x80xi32, #tpu.memory_space<vmem>> -> memref<1x80xi32, #tpu.memory_space<vmem>>
        %dma_start3A_507 = tpu.memref_squeeze %dma_start3A_506 : memref<1x80xi32, #tpu.memory_space<vmem>> -> memref<80xi32, #tpu.memory_space<vmem>>
        %dma_start3A_508 = arith.constant 0 : i32
        %dma_start3A_509 = arith.constant 0 : i32
        %dma_start3A_510 = tpu.memref_slice %arg18[%dma_start3A_508, %dma_start3A_509] : memref<10000x64xf32, #tpu.memory_space<vmem_shared>> -> memref<10000x64xf32, #tpu.memory_space<vmem_shared>>
        tpu.enqueue_indirect_dma source(%arg14 : memref<80x64xf32, #tpu.memory_space<vmem>>) target(%dma_start3A_510 : memref<10000x64xf32, #tpu.memory_space<vmem_shared>>) offsets(%dma_start3A_507 : memref<80xi32, #tpu.memory_space<vmem>>) semaphore(%arg30 : memref<!tpu.dma_semaphore, #tpu.memory_space<semaphore_mem>>) {add = true}
        %dma_wait3A_511 = arith.constant 0 : i32
        %dma_wait3A_512 = arith.constant 0 : i32
        %dma_wait3A_513 = tpu.memref_slice %arg18[%dma_wait3A_511, %dma_wait3A_512] : memref<10000x64xf32, #tpu.memory_space<vmem_shared>> -> memref<80x64xf32, #tpu.memory_space<vmem_shared>>
        %dma_wait3A_514 = arith.constant 0 : i32
        %dma_wait3A_515 = arith.constant 0 : i32
        %dma_wait3A_516 = tpu.memref_slice %arg18[%dma_wait3A_514, %dma_wait3A_515] : memref<10000x64xf32, #tpu.memory_space<vmem_shared>> -> memref<80x64xf32, #tpu.memory_space<vmem_shared>>
        tpu.wait_dma2 semaphore(%arg29 : memref<!tpu.dma_semaphore, #tpu.memory_space<semaphore_mem>>) src(%arg13 : memref<80x64xf32, #tpu.memory_space<vmem>>) dst(%dma_wait3A_516 : memref<80x64xf32, #tpu.memory_space<vmem_shared>>)
        %add3A_517 = arith.constant 5 : i32
        %add3A_518 = arith.addi %mul3A_360, %add3A_517 : i32
        %add3A_519 = arith.constant 5 : i32
        %add3A_520 = arith.addi %add3A_518, %add3A_519 : i32
        %dma_start3A_521 = arith.constant 0 : i32
        %dma_start3A_522 = tpu.memref_slice %arg8[%add3A_520, %dma_start3A_521] : memref<250x80xi32, #tpu.memory_space<vmem>> -> memref<1x80xi32, #tpu.memory_space<vmem>>
        %dma_start3A_523 = tpu.memref_squeeze %dma_start3A_522 : memref<1x80xi32, #tpu.memory_space<vmem>> -> memref<80xi32, #tpu.memory_space<vmem>>
        %dma_start3A_524 = arith.constant 0 : i32
        %dma_start3A_525 = arith.constant 0 : i32
        %dma_start3A_526 = tpu.memref_slice %arg2[%dma_start3A_524, %dma_start3A_525] : memref<10000x64xf32, #tpu.memory_space<hbm>> -> memref<10000x64xf32, #tpu.memory_space<hbm>>
        tpu.enqueue_indirect_dma source(%dma_start3A_526 : memref<10000x64xf32, #tpu.memory_space<hbm>>) target(%arg13 : memref<80x64xf32, #tpu.memory_space<vmem>>) offsets(%dma_start3A_523 : memref<80xi32, #tpu.memory_space<vmem>>) semaphore(%arg22 : memref<!tpu.dma_semaphore, #tpu.memory_space<semaphore_mem>>)
        %dma_wait3A_527 = arith.constant 0 : i32
        %dma_wait3A_528 = arith.constant 0 : i32
        %dma_wait3A_529 = tpu.memref_slice %arg2[%dma_wait3A_527, %dma_wait3A_528] : memref<10000x64xf32, #tpu.memory_space<hbm>> -> memref<80x64xf32, #tpu.memory_space<hbm>>
        %dma_wait3A_530 = arith.constant 0 : i32
        %dma_wait3A_531 = arith.constant 0 : i32
        %dma_wait3A_532 = tpu.memref_slice %arg2[%dma_wait3A_530, %dma_wait3A_531] : memref<10000x64xf32, #tpu.memory_space<hbm>> -> memref<80x64xf32, #tpu.memory_space<hbm>>
        tpu.wait_dma2 semaphore(%arg24 : memref<!tpu.dma_semaphore, #tpu.memory_space<semaphore_mem>>) src(%dma_wait3A_532 : memref<80x64xf32, #tpu.memory_space<hbm>>) dst(%arg15 : memref<80x64xf32, #tpu.memory_space<vmem>>)
        %add3A_533 = arith.constant 5 : i32
        %add3A_534 = arith.addi %mul3A_360, %add3A_533 : i32
        %dma_start3A_535 = arith.constant 0 : i32
        %dma_start3A_536 = tpu.memref_slice %arg9[%add3A_534, %dma_start3A_535] : memref<250x80xi32, #tpu.memory_space<vmem>> -> memref<1x80xi32, #tpu.memory_space<vmem>>
        %dma_start3A_537 = tpu.memref_squeeze %dma_start3A_536 : memref<1x80xi32, #tpu.memory_space<vmem>> -> memref<80xi32, #tpu.memory_space<vmem>>
        %dma_start3A_538 = arith.constant 0 : i32
        %dma_start3A_539 = arith.constant 0 : i32
        %dma_start3A_540 = tpu.memref_slice %arg18[%dma_start3A_538, %dma_start3A_539] : memref<10000x64xf32, #tpu.memory_space<vmem_shared>> -> memref<10000x64xf32, #tpu.memory_space<vmem_shared>>
        tpu.enqueue_indirect_dma source(%arg15 : memref<80x64xf32, #tpu.memory_space<vmem>>) target(%dma_start3A_540 : memref<10000x64xf32, #tpu.memory_space<vmem_shared>>) offsets(%dma_start3A_537 : memref<80xi32, #tpu.memory_space<vmem>>) semaphore(%arg31 : memref<!tpu.dma_semaphore, #tpu.memory_space<semaphore_mem>>) {add = true}
        %dma_wait3A_541 = arith.constant 0 : i32
        %dma_wait3A_542 = arith.constant 0 : i32
        %dma_wait3A_543 = tpu.memref_slice %arg18[%dma_wait3A_541, %dma_wait3A_542] : memref<10000x64xf32, #tpu.memory_space<vmem_shared>> -> memref<80x64xf32, #tpu.memory_space<vmem_shared>>
        %dma_wait3A_544 = arith.constant 0 : i32
        %dma_wait3A_545 = arith.constant 0 : i32
        %dma_wait3A_546 = tpu.memref_slice %arg18[%dma_wait3A_544, %dma_wait3A_545] : memref<10000x64xf32, #tpu.memory_space<vmem_shared>> -> memref<80x64xf32, #tpu.memory_space<vmem_shared>>
        tpu.wait_dma2 semaphore(%arg30 : memref<!tpu.dma_semaphore, #tpu.memory_space<semaphore_mem>>) src(%arg14 : memref<80x64xf32, #tpu.memory_space<vmem>>) dst(%dma_wait3A_546 : memref<80x64xf32, #tpu.memory_space<vmem_shared>>)
        %add3A_547 = arith.constant 6 : i32
        %add3A_548 = arith.addi %mul3A_360, %add3A_547 : i32
        %add3A_549 = arith.constant 5 : i32
        %add3A_550 = arith.addi %add3A_548, %add3A_549 : i32
        %dma_start3A_551 = arith.constant 0 : i32
        %dma_start3A_552 = tpu.memref_slice %arg8[%add3A_550, %dma_start3A_551] : memref<250x80xi32, #tpu.memory_space<vmem>> -> memref<1x80xi32, #tpu.memory_space<vmem>>
        %dma_start3A_553 = tpu.memref_squeeze %dma_start3A_552 : memref<1x80xi32, #tpu.memory_space<vmem>> -> memref<80xi32, #tpu.memory_space<vmem>>
        %dma_start3A_554 = arith.constant 0 : i32
        %dma_start3A_555 = arith.constant 0 : i32
        %dma_start3A_556 = tpu.memref_slice %arg2[%dma_start3A_554, %dma_start3A_555] : memref<10000x64xf32, #tpu.memory_space<hbm>> -> memref<10000x64xf32, #tpu.memory_space<hbm>>
        tpu.enqueue_indirect_dma source(%dma_start3A_556 : memref<10000x64xf32, #tpu.memory_space<hbm>>) target(%arg14 : memref<80x64xf32, #tpu.memory_space<vmem>>) offsets(%dma_start3A_553 : memref<80xi32, #tpu.memory_space<vmem>>) semaphore(%arg23 : memref<!tpu.dma_semaphore, #tpu.memory_space<semaphore_mem>>)
        %dma_wait3A_557 = arith.constant 0 : i32
        %dma_wait3A_558 = arith.constant 0 : i32
        %dma_wait3A_559 = tpu.memref_slice %arg2[%dma_wait3A_557, %dma_wait3A_558] : memref<10000x64xf32, #tpu.memory_space<hbm>> -> memref<80x64xf32, #tpu.memory_space<hbm>>
        %dma_wait3A_560 = arith.constant 0 : i32
        %dma_wait3A_561 = arith.constant 0 : i32
        %dma_wait3A_562 = tpu.memref_slice %arg2[%dma_wait3A_560, %dma_wait3A_561] : memref<10000x64xf32, #tpu.memory_space<hbm>> -> memref<80x64xf32, #tpu.memory_space<hbm>>
        tpu.wait_dma2 semaphore(%arg25 : memref<!tpu.dma_semaphore, #tpu.memory_space<semaphore_mem>>) src(%dma_wait3A_562 : memref<80x64xf32, #tpu.memory_space<hbm>>) dst(%arg16 : memref<80x64xf32, #tpu.memory_space<vmem>>)
        %add3A_563 = arith.constant 6 : i32
        %add3A_564 = arith.addi %mul3A_360, %add3A_563 : i32
        %dma_start3A_565 = arith.constant 0 : i32
        %dma_start3A_566 = tpu.memref_slice %arg9[%add3A_564, %dma_start3A_565] : memref<250x80xi32, #tpu.memory_space<vmem>> -> memref<1x80xi32, #tpu.memory_space<vmem>>
        %dma_start3A_567 = tpu.memref_squeeze %dma_start3A_566 : memref<1x80xi32, #tpu.memory_space<vmem>> -> memref<80xi32, #tpu.memory_space<vmem>>
        %dma_start3A_568 = arith.constant 0 : i32
        %dma_start3A_569 = arith.constant 0 : i32
        %dma_start3A_570 = tpu.memref_slice %arg18[%dma_start3A_568, %dma_start3A_569] : memref<10000x64xf32, #tpu.memory_space<vmem_shared>> -> memref<10000x64xf32, #tpu.memory_space<vmem_shared>>
        tpu.enqueue_indirect_dma source(%arg16 : memref<80x64xf32, #tpu.memory_space<vmem>>) target(%dma_start3A_570 : memref<10000x64xf32, #tpu.memory_space<vmem_shared>>) offsets(%dma_start3A_567 : memref<80xi32, #tpu.memory_space<vmem>>) semaphore(%arg32 : memref<!tpu.dma_semaphore, #tpu.memory_space<semaphore_mem>>) {add = true}
      }
      %scan3A_250 = arith.constant 34 : i32
      %dma_wait3A_251 = arith.constant 0 : i32
      %dma_wait3A_252 = arith.constant 0 : i32
      %dma_wait3A_253 = tpu.memref_slice %arg2[%dma_wait3A_251, %dma_wait3A_252] : memref<10000x64xf32, #tpu.memory_space<hbm>> -> memref<80x64xf32, #tpu.memory_space<hbm>>
      %dma_wait3A_254 = arith.constant 0 : i32
      %dma_wait3A_255 = arith.constant 0 : i32
      %dma_wait3A_256 = tpu.memref_slice %arg2[%dma_wait3A_254, %dma_wait3A_255] : memref<10000x64xf32, #tpu.memory_space<hbm>> -> memref<80x64xf32, #tpu.memory_space<hbm>>
      tpu.wait_dma2 semaphore(%arg19 : memref<!tpu.dma_semaphore, #tpu.memory_space<semaphore_mem>>) src(%dma_wait3A_256 : memref<80x64xf32, #tpu.memory_space<hbm>>) dst(%arg10 : memref<80x64xf32, #tpu.memory_space<vmem>>)
      %dma_start3A_257 = arith.constant 245 : i32
      %dma_start3A_258 = arith.constant 0 : i32
      %dma_start3A_259 = tpu.memref_slice %arg9[%dma_start3A_257, %dma_start3A_258] : memref<250x80xi32, #tpu.memory_space<vmem>> -> memref<1x80xi32, #tpu.memory_space<vmem>>
      %dma_start3A_260 = tpu.memref_squeeze %dma_start3A_259 : memref<1x80xi32, #tpu.memory_space<vmem>> -> memref<80xi32, #tpu.memory_space<vmem>>
      %dma_start3A_261 = arith.constant 0 : i32
      %dma_start3A_262 = arith.constant 0 : i32
      %dma_start3A_263 = tpu.memref_slice %arg18[%dma_start3A_261, %dma_start3A_262] : memref<10000x64xf32, #tpu.memory_space<vmem_shared>> -> memref<10000x64xf32, #tpu.memory_space<vmem_shared>>
      tpu.enqueue_indirect_dma source(%arg10 : memref<80x64xf32, #tpu.memory_space<vmem>>) target(%dma_start3A_263 : memref<10000x64xf32, #tpu.memory_space<vmem_shared>>) offsets(%dma_start3A_260 : memref<80xi32, #tpu.memory_space<vmem>>) semaphore(%arg26 : memref<!tpu.dma_semaphore, #tpu.memory_space<semaphore_mem>>) {add = true}
      %dma_wait3A_264 = arith.constant 0 : i32
      %dma_wait3A_265 = arith.constant 0 : i32
      %dma_wait3A_266 = tpu.memref_slice %arg2[%dma_wait3A_264, %dma_wait3A_265] : memref<10000x64xf32, #tpu.memory_space<hbm>> -> memref<80x64xf32, #tpu.memory_space<hbm>>
      %dma_wait3A_267 = arith.constant 0 : i32
      %dma_wait3A_268 = arith.constant 0 : i32
      %dma_wait3A_269 = tpu.memref_slice %arg2[%dma_wait3A_267, %dma_wait3A_268] : memref<10000x64xf32, #tpu.memory_space<hbm>> -> memref<80x64xf32, #tpu.memory_space<hbm>>
      tpu.wait_dma2 semaphore(%arg20 : memref<!tpu.dma_semaphore, #tpu.memory_space<semaphore_mem>>) src(%dma_wait3A_269 : memref<80x64xf32, #tpu.memory_space<hbm>>) dst(%arg11 : memref<80x64xf32, #tpu.memory_space<vmem>>)
      %dma_start3A_270 = arith.constant 246 : i32
      %dma_start3A_271 = arith.constant 0 : i32
      %dma_start3A_272 = tpu.memref_slice %arg9[%dma_start3A_270, %dma_start3A_271] : memref<250x80xi32, #tpu.memory_space<vmem>> -> memref<1x80xi32, #tpu.memory_space<vmem>>
      %dma_start3A_273 = tpu.memref_squeeze %dma_start3A_272 : memref<1x80xi32, #tpu.memory_space<vmem>> -> memref<80xi32, #tpu.memory_space<vmem>>
      %dma_start3A_274 = arith.constant 0 : i32
      %dma_start3A_275 = arith.constant 0 : i32
      %dma_start3A_276 = tpu.memref_slice %arg18[%dma_start3A_274, %dma_start3A_275] : memref<10000x64xf32, #tpu.memory_space<vmem_shared>> -> memref<10000x64xf32, #tpu.memory_space<vmem_shared>>
      tpu.enqueue_indirect_dma source(%arg11 : memref<80x64xf32, #tpu.memory_space<vmem>>) target(%dma_start3A_276 : memref<10000x64xf32, #tpu.memory_space<vmem_shared>>) offsets(%dma_start3A_273 : memref<80xi32, #tpu.memory_space<vmem>>) semaphore(%arg27 : memref<!tpu.dma_semaphore, #tpu.memory_space<semaphore_mem>>) {add = true}
      %dma_wait3A_277 = arith.constant 0 : i32
      %dma_wait3A_278 = arith.constant 0 : i32
      %dma_wait3A_279 = tpu.memref_slice %arg2[%dma_wait3A_277, %dma_wait3A_278] : memref<10000x64xf32, #tpu.memory_space<hbm>> -> memref<80x64xf32, #tpu.memory_space<hbm>>
      %dma_wait3A_280 = arith.constant 0 : i32
      %dma_wait3A_281 = arith.constant 0 : i32
      %dma_wait3A_282 = tpu.memref_slice %arg2[%dma_wait3A_280, %dma_wait3A_281] : memref<10000x64xf32, #tpu.memory_space<hbm>> -> memref<80x64xf32, #tpu.memory_space<hbm>>
      tpu.wait_dma2 semaphore(%arg21 : memref<!tpu.dma_semaphore, #tpu.memory_space<semaphore_mem>>) src(%dma_wait3A_282 : memref<80x64xf32, #tpu.memory_space<hbm>>) dst(%arg12 : memref<80x64xf32, #tpu.memory_space<vmem>>)
      %dma_start3A_283 = arith.constant 247 : i32
      %dma_start3A_284 = arith.constant 0 : i32
      %dma_start3A_285 = tpu.memref_slice %arg9[%dma_start3A_283, %dma_start3A_284] : memref<250x80xi32, #tpu.memory_space<vmem>> -> memref<1x80xi32, #tpu.memory_space<vmem>>
      %dma_start3A_286 = tpu.memref_squeeze %dma_start3A_285 : memref<1x80xi32, #tpu.memory_space<vmem>> -> memref<80xi32, #tpu.memory_space<vmem>>
      %dma_start3A_287 = arith.constant 0 : i32
      %dma_start3A_288 = arith.constant 0 : i32
      %dma_start3A_289 = tpu.memref_slice %arg18[%dma_start3A_287, %dma_start3A_288] : memref<10000x64xf32, #tpu.memory_space<vmem_shared>> -> memref<10000x64xf32, #tpu.memory_space<vmem_shared>>
      tpu.enqueue_indirect_dma source(%arg12 : memref<80x64xf32, #tpu.memory_space<vmem>>) target(%dma_start3A_289 : memref<10000x64xf32, #tpu.memory_space<vmem_shared>>) offsets(%dma_start3A_286 : memref<80xi32, #tpu.memory_space<vmem>>) semaphore(%arg28 : memref<!tpu.dma_semaphore, #tpu.memory_space<semaphore_mem>>) {add = true}
      %dma_wait3A_290 = arith.constant 0 : i32
      %dma_wait3A_291 = arith.constant 0 : i32
      %dma_wait3A_292 = tpu.memref_slice %arg2[%dma_wait3A_290, %dma_wait3A_291] : memref<10000x64xf32, #tpu.memory_space<hbm>> -> memref<80x64xf32, #tpu.memory_space<hbm>>
      %dma_wait3A_293 = arith.constant 0 : i32
      %dma_wait3A_294 = arith.constant 0 : i32
      %dma_wait3A_295 = tpu.memref_slice %arg2[%dma_wait3A_293, %dma_wait3A_294] : memref<10000x64xf32, #tpu.memory_space<hbm>> -> memref<80x64xf32, #tpu.memory_space<hbm>>
      tpu.wait_dma2 semaphore(%arg22 : memref<!tpu.dma_semaphore, #tpu.memory_space<semaphore_mem>>) src(%dma_wait3A_295 : memref<80x64xf32, #tpu.memory_space<hbm>>) dst(%arg13 : memref<80x64xf32, #tpu.memory_space<vmem>>)
      %dma_start3A_296 = arith.constant 248 : i32
      %dma_start3A_297 = arith.constant 0 : i32
      %dma_start3A_298 = tpu.memref_slice %arg9[%dma_start3A_296, %dma_start3A_297] : memref<250x80xi32, #tpu.memory_space<vmem>> -> memref<1x80xi32, #tpu.memory_space<vmem>>
      %dma_start3A_299 = tpu.memref_squeeze %dma_start3A_298 : memref<1x80xi32, #tpu.memory_space<vmem>> -> memref<80xi32, #tpu.memory_space<vmem>>
      %dma_start3A_300 = arith.constant 0 : i32
      %dma_start3A_301 = arith.constant 0 : i32
      %dma_start3A_302 = tpu.memref_slice %arg18[%dma_start3A_300, %dma_start3A_301] : memref<10000x64xf32, #tpu.memory_space<vmem_shared>> -> memref<10000x64xf32, #tpu.memory_space<vmem_shared>>
      tpu.enqueue_indirect_dma source(%arg13 : memref<80x64xf32, #tpu.memory_space<vmem>>) target(%dma_start3A_302 : memref<10000x64xf32, #tpu.memory_space<vmem_shared>>) offsets(%dma_start3A_299 : memref<80xi32, #tpu.memory_space<vmem>>) semaphore(%arg29 : memref<!tpu.dma_semaphore, #tpu.memory_space<semaphore_mem>>) {add = true}
      %dma_wait3A_303 = arith.constant 0 : i32
      %dma_wait3A_304 = arith.constant 0 : i32
      %dma_wait3A_305 = tpu.memref_slice %arg2[%dma_wait3A_303, %dma_wait3A_304] : memref<10000x64xf32, #tpu.memory_space<hbm>> -> memref<80x64xf32, #tpu.memory_space<hbm>>
      %dma_wait3A_306 = arith.constant 0 : i32
      %dma_wait3A_307 = arith.constant 0 : i32
      %dma_wait3A_308 = tpu.memref_slice %arg2[%dma_wait3A_306, %dma_wait3A_307] : memref<10000x64xf32, #tpu.memory_space<hbm>> -> memref<80x64xf32, #tpu.memory_space<hbm>>
      tpu.wait_dma2 semaphore(%arg23 : memref<!tpu.dma_semaphore, #tpu.memory_space<semaphore_mem>>) src(%dma_wait3A_308 : memref<80x64xf32, #tpu.memory_space<hbm>>) dst(%arg14 : memref<80x64xf32, #tpu.memory_space<vmem>>)
      %dma_start3A_309 = arith.constant 249 : i32
      %dma_start3A_310 = arith.constant 0 : i32
      %dma_start3A_311 = tpu.memref_slice %arg9[%dma_start3A_309, %dma_start3A_310] : memref<250x80xi32, #tpu.memory_space<vmem>> -> memref<1x80xi32, #tpu.memory_space<vmem>>
      %dma_start3A_312 = tpu.memref_squeeze %dma_start3A_311 : memref<1x80xi32, #tpu.memory_space<vmem>> -> memref<80xi32, #tpu.memory_space<vmem>>
      %dma_start3A_313 = arith.constant 0 : i32
      %dma_start3A_314 = arith.constant 0 : i32
      %dma_start3A_315 = tpu.memref_slice %arg18[%dma_start3A_313, %dma_start3A_314] : memref<10000x64xf32, #tpu.memory_space<vmem_shared>> -> memref<10000x64xf32, #tpu.memory_space<vmem_shared>>
      tpu.enqueue_indirect_dma source(%arg14 : memref<80x64xf32, #tpu.memory_space<vmem>>) target(%dma_start3A_315 : memref<10000x64xf32, #tpu.memory_space<vmem_shared>>) offsets(%dma_start3A_312 : memref<80xi32, #tpu.memory_space<vmem>>) semaphore(%arg30 : memref<!tpu.dma_semaphore, #tpu.memory_space<semaphore_mem>>) {add = true}
      %dma_wait3A_316 = arith.constant 0 : i32
      %dma_wait3A_317 = arith.constant 0 : i32
      %dma_wait3A_318 = tpu.memref_slice %arg18[%dma_wait3A_316, %dma_wait3A_317] : memref<10000x64xf32, #tpu.memory_space<vmem_shared>> -> memref<80x64xf32, #tpu.memory_space<vmem_shared>>
      %dma_wait3A_319 = arith.constant 0 : i32
      %dma_wait3A_320 = arith.constant 0 : i32
      %dma_wait3A_321 = tpu.memref_slice %arg18[%dma_wait3A_319, %dma_wait3A_320] : memref<10000x64xf32, #tpu.memory_space<vmem_shared>> -> memref<80x64xf32, #tpu.memory_space<vmem_shared>>
      tpu.wait_dma2 semaphore(%arg26 : memref<!tpu.dma_semaphore, #tpu.memory_space<semaphore_mem>>) src(%arg10 : memref<80x64xf32, #tpu.memory_space<vmem>>) dst(%dma_wait3A_321 : memref<80x64xf32, #tpu.memory_space<vmem_shared>>)
      %dma_wait3A_322 = arith.constant 0 : i32
      %dma_wait3A_323 = arith.constant 0 : i32
      %dma_wait3A_324 = tpu.memref_slice %arg18[%dma_wait3A_322, %dma_wait3A_323] : memref<10000x64xf32, #tpu.memory_space<vmem_shared>> -> memref<80x64xf32, #tpu.memory_space<vmem_shared>>
      %dma_wait3A_325 = arith.constant 0 : i32
      %dma_wait3A_326 = arith.constant 0 : i32
      %dma_wait3A_327 = tpu.memref_slice %arg18[%dma_wait3A_325, %dma_wait3A_326] : memref<10000x64xf32, #tpu.memory_space<vmem_shared>> -> memref<80x64xf32, #tpu.memory_space<vmem_shared>>
      tpu.wait_dma2 semaphore(%arg27 : memref<!tpu.dma_semaphore, #tpu.memory_space<semaphore_mem>>) src(%arg11 : memref<80x64xf32, #tpu.memory_space<vmem>>) dst(%dma_wait3A_327 : memref<80x64xf32, #tpu.memory_space<vmem_shared>>)
      %dma_wait3A_328 = arith.constant 0 : i32
      %dma_wait3A_329 = arith.constant 0 : i32
      %dma_wait3A_330 = tpu.memref_slice %arg18[%dma_wait3A_328, %dma_wait3A_329] : memref<10000x64xf32, #tpu.memory_space<vmem_shared>> -> memref<80x64xf32, #tpu.memory_space<vmem_shared>>
      %dma_wait3A_331 = arith.constant 0 : i32
      %dma_wait3A_332 = arith.constant 0 : i32
      %dma_wait3A_333 = tpu.memref_slice %arg18[%dma_wait3A_331, %dma_wait3A_332] : memref<10000x64xf32, #tpu.memory_space<vmem_shared>> -> memref<80x64xf32, #tpu.memory_space<vmem_shared>>
      tpu.wait_dma2 semaphore(%arg28 : memref<!tpu.dma_semaphore, #tpu.memory_space<semaphore_mem>>) src(%arg12 : memref<80x64xf32, #tpu.memory_space<vmem>>) dst(%dma_wait3A_333 : memref<80x64xf32, #tpu.memory_space<vmem_shared>>)
      %dma_wait3A_334 = arith.constant 0 : i32
      %dma_wait3A_335 = arith.constant 0 : i32
      %dma_wait3A_336 = tpu.memref_slice %arg18[%dma_wait3A_334, %dma_wait3A_335] : memref<10000x64xf32, #tpu.memory_space<vmem_shared>> -> memref<80x64xf32, #tpu.memory_space<vmem_shared>>
      %dma_wait3A_337 = arith.constant 0 : i32
      %dma_wait3A_338 = arith.constant 0 : i32
      %dma_wait3A_339 = tpu.memref_slice %arg18[%dma_wait3A_337, %dma_wait3A_338] : memref<10000x64xf32, #tpu.memory_space<vmem_shared>> -> memref<80x64xf32, #tpu.memory_space<vmem_shared>>
      tpu.wait_dma2 semaphore(%arg29 : memref<!tpu.dma_semaphore, #tpu.memory_space<semaphore_mem>>) src(%arg13 : memref<80x64xf32, #tpu.memory_space<vmem>>) dst(%dma_wait3A_339 : memref<80x64xf32, #tpu.memory_space<vmem_shared>>)
      %dma_wait3A_340 = arith.constant 0 : i32
      %dma_wait3A_341 = arith.constant 0 : i32
      %dma_wait3A_342 = tpu.memref_slice %arg18[%dma_wait3A_340, %dma_wait3A_341] : memref<10000x64xf32, #tpu.memory_space<vmem_shared>> -> memref<80x64xf32, #tpu.memory_space<vmem_shared>>
      %dma_wait3A_343 = arith.constant 0 : i32
      %dma_wait3A_344 = arith.constant 0 : i32
      %dma_wait3A_345 = tpu.memref_slice %arg18[%dma_wait3A_343, %dma_wait3A_344] : memref<10000x64xf32, #tpu.memory_space<vmem_shared>> -> memref<80x64xf32, #tpu.memory_space<vmem_shared>>
      tpu.wait_dma2 semaphore(%arg30 : memref<!tpu.dma_semaphore, #tpu.memory_space<semaphore_mem>>) src(%arg14 : memref<80x64xf32, #tpu.memory_space<vmem>>) dst(%dma_wait3A_345 : memref<80x64xf32, #tpu.memory_space<vmem_shared>>)
      %dma_wait3A_346 = arith.constant 0 : i32
      %dma_wait3A_347 = arith.constant 0 : i32
      %dma_wait3A_348 = tpu.memref_slice %arg18[%dma_wait3A_346, %dma_wait3A_347] : memref<10000x64xf32, #tpu.memory_space<vmem_shared>> -> memref<80x64xf32, #tpu.memory_space<vmem_shared>>
      %dma_wait3A_349 = arith.constant 0 : i32
      %dma_wait3A_350 = arith.constant 0 : i32
      %dma_wait3A_351 = tpu.memref_slice %arg18[%dma_wait3A_349, %dma_wait3A_350] : memref<10000x64xf32, #tpu.memory_space<vmem_shared>> -> memref<80x64xf32, #tpu.memory_space<vmem_shared>>
      tpu.wait_dma2 semaphore(%arg31 : memref<!tpu.dma_semaphore, #tpu.memory_space<semaphore_mem>>) src(%arg15 : memref<80x64xf32, #tpu.memory_space<vmem>>) dst(%dma_wait3A_351 : memref<80x64xf32, #tpu.memory_space<vmem_shared>>)
      %dma_wait3A_352 = arith.constant 0 : i32
      %dma_wait3A_353 = arith.constant 0 : i32
      %dma_wait3A_354 = tpu.memref_slice %arg18[%dma_wait3A_352, %dma_wait3A_353] : memref<10000x64xf32, #tpu.memory_space<vmem_shared>> -> memref<80x64xf32, #tpu.memory_space<vmem_shared>>
      %dma_wait3A_355 = arith.constant 0 : i32
      %dma_wait3A_356 = arith.constant 0 : i32
      %dma_wait3A_357 = tpu.memref_slice %arg18[%dma_wait3A_355, %dma_wait3A_356] : memref<10000x64xf32, #tpu.memory_space<vmem_shared>> -> memref<80x64xf32, #tpu.memory_space<vmem_shared>>
      tpu.wait_dma2 semaphore(%arg32 : memref<!tpu.dma_semaphore, #tpu.memory_space<semaphore_mem>>) src(%arg16 : memref<80x64xf32, #tpu.memory_space<vmem>>) dst(%dma_wait3A_357 : memref<80x64xf32, #tpu.memory_space<vmem_shared>>)
    } else {
    }
    %eq3A_26 = arith.constant 1 : i32
    %eq3A_27 = arith.cmpi eq, %arg0, %eq3A_26 : i32
    %convert_element_type3A_28 = arith.extui %eq3A_27 : i1 to i32
    %cond3A_29 = arith.constant 0 : i32
    %cond3A_30 = arith.cmpi ne, %convert_element_type3A_28, %cond3A_29 : i32
    scf.if %cond3A_30 {
      %dma_start3A = arith.constant 0 : i32
      %dma_start3A_42 = arith.constant 0 : i32
      %dma_start3A_43 = tpu.memref_slice %arg8[%dma_start3A, %dma_start3A_42] : memref<250x80xi32, #tpu.memory_space<vmem>> -> memref<1x80xi32, #tpu.memory_space<vmem>>
      %dma_start3A_44 = tpu.memref_squeeze %dma_start3A_43 : memref<1x80xi32, #tpu.memory_space<vmem>> -> memref<80xi32, #tpu.memory_space<vmem>>
      %dma_start3A_45 = arith.constant 0 : i32
      %dma_start3A_46 = arith.constant 0 : i32
      %dma_start3A_47 = tpu.memref_slice %arg3[%dma_start3A_45, %dma_start3A_46] : memref<10000x64xf32, #tpu.memory_space<hbm>> -> memref<10000x64xf32, #tpu.memory_space<hbm>>
      tpu.enqueue_indirect_dma source(%dma_start3A_47 : memref<10000x64xf32, #tpu.memory_space<hbm>>) target(%arg10 : memref<80x64xf32, #tpu.memory_space<vmem>>) offsets(%dma_start3A_44 : memref<80xi32, #tpu.memory_space<vmem>>) semaphore(%arg19 : memref<!tpu.dma_semaphore, #tpu.memory_space<semaphore_mem>>)
      %dma_start3A_48 = arith.constant 1 : i32
      %dma_start3A_49 = arith.constant 0 : i32
      %dma_start3A_50 = tpu.memref_slice %arg8[%dma_start3A_48, %dma_start3A_49] : memref<250x80xi32, #tpu.memory_space<vmem>> -> memref<1x80xi32, #tpu.memory_space<vmem>>
      %dma_start3A_51 = tpu.memref_squeeze %dma_start3A_50 : memref<1x80xi32, #tpu.memory_space<vmem>> -> memref<80xi32, #tpu.memory_space<vmem>>
      %dma_start3A_52 = arith.constant 0 : i32
      %dma_start3A_53 = arith.constant 0 : i32
      %dma_start3A_54 = tpu.memref_slice %arg3[%dma_start3A_52, %dma_start3A_53] : memref<10000x64xf32, #tpu.memory_space<hbm>> -> memref<10000x64xf32, #tpu.memory_space<hbm>>
      tpu.enqueue_indirect_dma source(%dma_start3A_54 : memref<10000x64xf32, #tpu.memory_space<hbm>>) target(%arg11 : memref<80x64xf32, #tpu.memory_space<vmem>>) offsets(%dma_start3A_51 : memref<80xi32, #tpu.memory_space<vmem>>) semaphore(%arg20 : memref<!tpu.dma_semaphore, #tpu.memory_space<semaphore_mem>>)
      %dma_start3A_55 = arith.constant 2 : i32
      %dma_start3A_56 = arith.constant 0 : i32
      %dma_start3A_57 = tpu.memref_slice %arg8[%dma_start3A_55, %dma_start3A_56] : memref<250x80xi32, #tpu.memory_space<vmem>> -> memref<1x80xi32, #tpu.memory_space<vmem>>
      %dma_start3A_58 = tpu.memref_squeeze %dma_start3A_57 : memref<1x80xi32, #tpu.memory_space<vmem>> -> memref<80xi32, #tpu.memory_space<vmem>>
      %dma_start3A_59 = arith.constant 0 : i32
      %dma_start3A_60 = arith.constant 0 : i32
      %dma_start3A_61 = tpu.memref_slice %arg3[%dma_start3A_59, %dma_start3A_60] : memref<10000x64xf32, #tpu.memory_space<hbm>> -> memref<10000x64xf32, #tpu.memory_space<hbm>>
      tpu.enqueue_indirect_dma source(%dma_start3A_61 : memref<10000x64xf32, #tpu.memory_space<hbm>>) target(%arg12 : memref<80x64xf32, #tpu.memory_space<vmem>>) offsets(%dma_start3A_58 : memref<80xi32, #tpu.memory_space<vmem>>) semaphore(%arg21 : memref<!tpu.dma_semaphore, #tpu.memory_space<semaphore_mem>>)
      %dma_start3A_62 = arith.constant 3 : i32
      %dma_start3A_63 = arith.constant 0 : i32
      %dma_start3A_64 = tpu.memref_slice %arg8[%dma_start3A_62, %dma_start3A_63] : memref<250x80xi32, #tpu.memory_space<vmem>> -> memref<1x80xi32, #tpu.memory_space<vmem>>
      %dma_start3A_65 = tpu.memref_squeeze %dma_start3A_64 : memref<1x80xi32, #tpu.memory_space<vmem>> -> memref<80xi32, #tpu.memory_space<vmem>>
      %dma_start3A_66 = arith.constant 0 : i32
      %dma_start3A_67 = arith.constant 0 : i32
      %dma_start3A_68 = tpu.memref_slice %arg3[%dma_start3A_66, %dma_start3A_67] : memref<10000x64xf32, #tpu.memory_space<hbm>> -> memref<10000x64xf32, #tpu.memory_space<hbm>>
      tpu.enqueue_indirect_dma source(%dma_start3A_68 : memref<10000x64xf32, #tpu.memory_space<hbm>>) target(%arg13 : memref<80x64xf32, #tpu.memory_space<vmem>>) offsets(%dma_start3A_65 : memref<80xi32, #tpu.memory_space<vmem>>) semaphore(%arg22 : memref<!tpu.dma_semaphore, #tpu.memory_space<semaphore_mem>>)
      %dma_start3A_69 = arith.constant 4 : i32
      %dma_start3A_70 = arith.constant 0 : i32
      %dma_start3A_71 = tpu.memref_slice %arg8[%dma_start3A_69, %dma_start3A_70] : memref<250x80xi32, #tpu.memory_space<vmem>> -> memref<1x80xi32, #tpu.memory_space<vmem>>
      %dma_start3A_72 = tpu.memref_squeeze %dma_start3A_71 : memref<1x80xi32, #tpu.memory_space<vmem>> -> memref<80xi32, #tpu.memory_space<vmem>>
      %dma_start3A_73 = arith.constant 0 : i32
      %dma_start3A_74 = arith.constant 0 : i32
      %dma_start3A_75 = tpu.memref_slice %arg3[%dma_start3A_73, %dma_start3A_74] : memref<10000x64xf32, #tpu.memory_space<hbm>> -> memref<10000x64xf32, #tpu.memory_space<hbm>>
      tpu.enqueue_indirect_dma source(%dma_start3A_75 : memref<10000x64xf32, #tpu.memory_space<hbm>>) target(%arg14 : memref<80x64xf32, #tpu.memory_space<vmem>>) offsets(%dma_start3A_72 : memref<80xi32, #tpu.memory_space<vmem>>) semaphore(%arg23 : memref<!tpu.dma_semaphore, #tpu.memory_space<semaphore_mem>>)
      %dma_start3A_76 = arith.constant 5 : i32
      %dma_start3A_77 = arith.constant 0 : i32
      %dma_start3A_78 = tpu.memref_slice %arg8[%dma_start3A_76, %dma_start3A_77] : memref<250x80xi32, #tpu.memory_space<vmem>> -> memref<1x80xi32, #tpu.memory_space<vmem>>
      %dma_start3A_79 = tpu.memref_squeeze %dma_start3A_78 : memref<1x80xi32, #tpu.memory_space<vmem>> -> memref<80xi32, #tpu.memory_space<vmem>>
      %dma_start3A_80 = arith.constant 0 : i32
      %dma_start3A_81 = arith.constant 0 : i32
      %dma_start3A_82 = tpu.memref_slice %arg3[%dma_start3A_80, %dma_start3A_81] : memref<10000x64xf32, #tpu.memory_space<hbm>> -> memref<10000x64xf32, #tpu.memory_space<hbm>>
      tpu.enqueue_indirect_dma source(%dma_start3A_82 : memref<10000x64xf32, #tpu.memory_space<hbm>>) target(%arg15 : memref<80x64xf32, #tpu.memory_space<vmem>>) offsets(%dma_start3A_79 : memref<80xi32, #tpu.memory_space<vmem>>) semaphore(%arg24 : memref<!tpu.dma_semaphore, #tpu.memory_space<semaphore_mem>>)
      %dma_wait3A = arith.constant 0 : i32
      %dma_wait3A_83 = arith.constant 0 : i32
      %dma_wait3A_84 = tpu.memref_slice %arg3[%dma_wait3A, %dma_wait3A_83] : memref<10000x64xf32, #tpu.memory_space<hbm>> -> memref<80x64xf32, #tpu.memory_space<hbm>>
      %dma_wait3A_85 = arith.constant 0 : i32
      %dma_wait3A_86 = arith.constant 0 : i32
      %dma_wait3A_87 = tpu.memref_slice %arg3[%dma_wait3A_85, %dma_wait3A_86] : memref<10000x64xf32, #tpu.memory_space<hbm>> -> memref<80x64xf32, #tpu.memory_space<hbm>>
      tpu.wait_dma2 semaphore(%arg19 : memref<!tpu.dma_semaphore, #tpu.memory_space<semaphore_mem>>) src(%dma_wait3A_87 : memref<80x64xf32, #tpu.memory_space<hbm>>) dst(%arg10 : memref<80x64xf32, #tpu.memory_space<vmem>>)
      %dma_start3A_88 = arith.constant 0 : i32
      %dma_start3A_89 = arith.constant 0 : i32
      %dma_start3A_90 = tpu.memref_slice %arg9[%dma_start3A_88, %dma_start3A_89] : memref<250x80xi32, #tpu.memory_space<vmem>> -> memref<1x80xi32, #tpu.memory_space<vmem>>
      %dma_start3A_91 = tpu.memref_squeeze %dma_start3A_90 : memref<1x80xi32, #tpu.memory_space<vmem>> -> memref<80xi32, #tpu.memory_space<vmem>>
      %dma_start3A_92 = arith.constant 0 : i32
      %dma_start3A_93 = arith.constant 0 : i32
      %dma_start3A_94 = tpu.memref_slice %arg18[%dma_start3A_92, %dma_start3A_93] : memref<10000x64xf32, #tpu.memory_space<vmem_shared>> -> memref<10000x64xf32, #tpu.memory_space<vmem_shared>>
      tpu.enqueue_indirect_dma source(%arg10 : memref<80x64xf32, #tpu.memory_space<vmem>>) target(%dma_start3A_94 : memref<10000x64xf32, #tpu.memory_space<vmem_shared>>) offsets(%dma_start3A_91 : memref<80xi32, #tpu.memory_space<vmem>>) semaphore(%arg26 : memref<!tpu.dma_semaphore, #tpu.memory_space<semaphore_mem>>) {add = true}
      %dma_start3A_95 = arith.constant 6 : i32
      %dma_start3A_96 = arith.constant 0 : i32
      %dma_start3A_97 = tpu.memref_slice %arg8[%dma_start3A_95, %dma_start3A_96] : memref<250x80xi32, #tpu.memory_space<vmem>> -> memref<1x80xi32, #tpu.memory_space<vmem>>
      %dma_start3A_98 = tpu.memref_squeeze %dma_start3A_97 : memref<1x80xi32, #tpu.memory_space<vmem>> -> memref<80xi32, #tpu.memory_space<vmem>>
      %dma_start3A_99 = arith.constant 0 : i32
      %dma_start3A_100 = arith.constant 0 : i32
      %dma_start3A_101 = tpu.memref_slice %arg3[%dma_start3A_99, %dma_start3A_100] : memref<10000x64xf32, #tpu.memory_space<hbm>> -> memref<10000x64xf32, #tpu.memory_space<hbm>>
      tpu.enqueue_indirect_dma source(%dma_start3A_101 : memref<10000x64xf32, #tpu.memory_space<hbm>>) target(%arg16 : memref<80x64xf32, #tpu.memory_space<vmem>>) offsets(%dma_start3A_98 : memref<80xi32, #tpu.memory_space<vmem>>) semaphore(%arg25 : memref<!tpu.dma_semaphore, #tpu.memory_space<semaphore_mem>>)
      %dma_wait3A_102 = arith.constant 0 : i32
      %dma_wait3A_103 = arith.constant 0 : i32
      %dma_wait3A_104 = tpu.memref_slice %arg3[%dma_wait3A_102, %dma_wait3A_103] : memref<10000x64xf32, #tpu.memory_space<hbm>> -> memref<80x64xf32, #tpu.memory_space<hbm>>
      %dma_wait3A_105 = arith.constant 0 : i32
      %dma_wait3A_106 = arith.constant 0 : i32
      %dma_wait3A_107 = tpu.memref_slice %arg3[%dma_wait3A_105, %dma_wait3A_106] : memref<10000x64xf32, #tpu.memory_space<hbm>> -> memref<80x64xf32, #tpu.memory_space<hbm>>
      tpu.wait_dma2 semaphore(%arg20 : memref<!tpu.dma_semaphore, #tpu.memory_space<semaphore_mem>>) src(%dma_wait3A_107 : memref<80x64xf32, #tpu.memory_space<hbm>>) dst(%arg11 : memref<80x64xf32, #tpu.memory_space<vmem>>)
      %dma_start3A_108 = arith.constant 1 : i32
      %dma_start3A_109 = arith.constant 0 : i32
      %dma_start3A_110 = tpu.memref_slice %arg9[%dma_start3A_108, %dma_start3A_109] : memref<250x80xi32, #tpu.memory_space<vmem>> -> memref<1x80xi32, #tpu.memory_space<vmem>>
      %dma_start3A_111 = tpu.memref_squeeze %dma_start3A_110 : memref<1x80xi32, #tpu.memory_space<vmem>> -> memref<80xi32, #tpu.memory_space<vmem>>
      %dma_start3A_112 = arith.constant 0 : i32
      %dma_start3A_113 = arith.constant 0 : i32
      %dma_start3A_114 = tpu.memref_slice %arg18[%dma_start3A_112, %dma_start3A_113] : memref<10000x64xf32, #tpu.memory_space<vmem_shared>> -> memref<10000x64xf32, #tpu.memory_space<vmem_shared>>
      tpu.enqueue_indirect_dma source(%arg11 : memref<80x64xf32, #tpu.memory_space<vmem>>) target(%dma_start3A_114 : memref<10000x64xf32, #tpu.memory_space<vmem_shared>>) offsets(%dma_start3A_111 : memref<80xi32, #tpu.memory_space<vmem>>) semaphore(%arg27 : memref<!tpu.dma_semaphore, #tpu.memory_space<semaphore_mem>>) {add = true}
      %dma_wait3A_115 = arith.constant 0 : i32
      %dma_wait3A_116 = arith.constant 0 : i32
      %dma_wait3A_117 = tpu.memref_slice %arg18[%dma_wait3A_115, %dma_wait3A_116] : memref<10000x64xf32, #tpu.memory_space<vmem_shared>> -> memref<80x64xf32, #tpu.memory_space<vmem_shared>>
      %dma_wait3A_118 = arith.constant 0 : i32
      %dma_wait3A_119 = arith.constant 0 : i32
      %dma_wait3A_120 = tpu.memref_slice %arg18[%dma_wait3A_118, %dma_wait3A_119] : memref<10000x64xf32, #tpu.memory_space<vmem_shared>> -> memref<80x64xf32, #tpu.memory_space<vmem_shared>>
      tpu.wait_dma2 semaphore(%arg26 : memref<!tpu.dma_semaphore, #tpu.memory_space<semaphore_mem>>) src(%arg10 : memref<80x64xf32, #tpu.memory_space<vmem>>) dst(%dma_wait3A_120 : memref<80x64xf32, #tpu.memory_space<vmem_shared>>)
      %dma_start3A_121 = arith.constant 7 : i32
      %dma_start3A_122 = arith.constant 0 : i32
      %dma_start3A_123 = tpu.memref_slice %arg8[%dma_start3A_121, %dma_start3A_122] : memref<250x80xi32, #tpu.memory_space<vmem>> -> memref<1x80xi32, #tpu.memory_space<vmem>>
      %dma_start3A_124 = tpu.memref_squeeze %dma_start3A_123 : memref<1x80xi32, #tpu.memory_space<vmem>> -> memref<80xi32, #tpu.memory_space<vmem>>
      %dma_start3A_125 = arith.constant 0 : i32
      %dma_start3A_126 = arith.constant 0 : i32
      %dma_start3A_127 = tpu.memref_slice %arg3[%dma_start3A_125, %dma_start3A_126] : memref<10000x64xf32, #tpu.memory_space<hbm>> -> memref<10000x64xf32, #tpu.memory_space<hbm>>
      tpu.enqueue_indirect_dma source(%dma_start3A_127 : memref<10000x64xf32, #tpu.memory_space<hbm>>) target(%arg10 : memref<80x64xf32, #tpu.memory_space<vmem>>) offsets(%dma_start3A_124 : memref<80xi32, #tpu.memory_space<vmem>>) semaphore(%arg19 : memref<!tpu.dma_semaphore, #tpu.memory_space<semaphore_mem>>)
      %dma_wait3A_128 = arith.constant 0 : i32
      %dma_wait3A_129 = arith.constant 0 : i32
      %dma_wait3A_130 = tpu.memref_slice %arg3[%dma_wait3A_128, %dma_wait3A_129] : memref<10000x64xf32, #tpu.memory_space<hbm>> -> memref<80x64xf32, #tpu.memory_space<hbm>>
      %dma_wait3A_131 = arith.constant 0 : i32
      %dma_wait3A_132 = arith.constant 0 : i32
      %dma_wait3A_133 = tpu.memref_slice %arg3[%dma_wait3A_131, %dma_wait3A_132] : memref<10000x64xf32, #tpu.memory_space<hbm>> -> memref<80x64xf32, #tpu.memory_space<hbm>>
      tpu.wait_dma2 semaphore(%arg21 : memref<!tpu.dma_semaphore, #tpu.memory_space<semaphore_mem>>) src(%dma_wait3A_133 : memref<80x64xf32, #tpu.memory_space<hbm>>) dst(%arg12 : memref<80x64xf32, #tpu.memory_space<vmem>>)
      %dma_start3A_134 = arith.constant 2 : i32
      %dma_start3A_135 = arith.constant 0 : i32
      %dma_start3A_136 = tpu.memref_slice %arg9[%dma_start3A_134, %dma_start3A_135] : memref<250x80xi32, #tpu.memory_space<vmem>> -> memref<1x80xi32, #tpu.memory_space<vmem>>
      %dma_start3A_137 = tpu.memref_squeeze %dma_start3A_136 : memref<1x80xi32, #tpu.memory_space<vmem>> -> memref<80xi32, #tpu.memory_space<vmem>>
      %dma_start3A_138 = arith.constant 0 : i32
      %dma_start3A_139 = arith.constant 0 : i32
      %dma_start3A_140 = tpu.memref_slice %arg18[%dma_start3A_138, %dma_start3A_139] : memref<10000x64xf32, #tpu.memory_space<vmem_shared>> -> memref<10000x64xf32, #tpu.memory_space<vmem_shared>>
      tpu.enqueue_indirect_dma source(%arg12 : memref<80x64xf32, #tpu.memory_space<vmem>>) target(%dma_start3A_140 : memref<10000x64xf32, #tpu.memory_space<vmem_shared>>) offsets(%dma_start3A_137 : memref<80xi32, #tpu.memory_space<vmem>>) semaphore(%arg28 : memref<!tpu.dma_semaphore, #tpu.memory_space<semaphore_mem>>) {add = true}
      %dma_wait3A_141 = arith.constant 0 : i32
      %dma_wait3A_142 = arith.constant 0 : i32
      %dma_wait3A_143 = tpu.memref_slice %arg18[%dma_wait3A_141, %dma_wait3A_142] : memref<10000x64xf32, #tpu.memory_space<vmem_shared>> -> memref<80x64xf32, #tpu.memory_space<vmem_shared>>
      %dma_wait3A_144 = arith.constant 0 : i32
      %dma_wait3A_145 = arith.constant 0 : i32
      %dma_wait3A_146 = tpu.memref_slice %arg18[%dma_wait3A_144, %dma_wait3A_145] : memref<10000x64xf32, #tpu.memory_space<vmem_shared>> -> memref<80x64xf32, #tpu.memory_space<vmem_shared>>
      tpu.wait_dma2 semaphore(%arg27 : memref<!tpu.dma_semaphore, #tpu.memory_space<semaphore_mem>>) src(%arg11 : memref<80x64xf32, #tpu.memory_space<vmem>>) dst(%dma_wait3A_146 : memref<80x64xf32, #tpu.memory_space<vmem_shared>>)
      %dma_start3A_147 = arith.constant 8 : i32
      %dma_start3A_148 = arith.constant 0 : i32
      %dma_start3A_149 = tpu.memref_slice %arg8[%dma_start3A_147, %dma_start3A_148] : memref<250x80xi32, #tpu.memory_space<vmem>> -> memref<1x80xi32, #tpu.memory_space<vmem>>
      %dma_start3A_150 = tpu.memref_squeeze %dma_start3A_149 : memref<1x80xi32, #tpu.memory_space<vmem>> -> memref<80xi32, #tpu.memory_space<vmem>>
      %dma_start3A_151 = arith.constant 0 : i32
      %dma_start3A_152 = arith.constant 0 : i32
      %dma_start3A_153 = tpu.memref_slice %arg3[%dma_start3A_151, %dma_start3A_152] : memref<10000x64xf32, #tpu.memory_space<hbm>> -> memref<10000x64xf32, #tpu.memory_space<hbm>>
      tpu.enqueue_indirect_dma source(%dma_start3A_153 : memref<10000x64xf32, #tpu.memory_space<hbm>>) target(%arg11 : memref<80x64xf32, #tpu.memory_space<vmem>>) offsets(%dma_start3A_150 : memref<80xi32, #tpu.memory_space<vmem>>) semaphore(%arg20 : memref<!tpu.dma_semaphore, #tpu.memory_space<semaphore_mem>>)
      %dma_wait3A_154 = arith.constant 0 : i32
      %dma_wait3A_155 = arith.constant 0 : i32
      %dma_wait3A_156 = tpu.memref_slice %arg3[%dma_wait3A_154, %dma_wait3A_155] : memref<10000x64xf32, #tpu.memory_space<hbm>> -> memref<80x64xf32, #tpu.memory_space<hbm>>
      %dma_wait3A_157 = arith.constant 0 : i32
      %dma_wait3A_158 = arith.constant 0 : i32
      %dma_wait3A_159 = tpu.memref_slice %arg3[%dma_wait3A_157, %dma_wait3A_158] : memref<10000x64xf32, #tpu.memory_space<hbm>> -> memref<80x64xf32, #tpu.memory_space<hbm>>
      tpu.wait_dma2 semaphore(%arg22 : memref<!tpu.dma_semaphore, #tpu.memory_space<semaphore_mem>>) src(%dma_wait3A_159 : memref<80x64xf32, #tpu.memory_space<hbm>>) dst(%arg13 : memref<80x64xf32, #tpu.memory_space<vmem>>)
      %dma_start3A_160 = arith.constant 3 : i32
      %dma_start3A_161 = arith.constant 0 : i32
      %dma_start3A_162 = tpu.memref_slice %arg9[%dma_start3A_160, %dma_start3A_161] : memref<250x80xi32, #tpu.memory_space<vmem>> -> memref<1x80xi32, #tpu.memory_space<vmem>>
      %dma_start3A_163 = tpu.memref_squeeze %dma_start3A_162 : memref<1x80xi32, #tpu.memory_space<vmem>> -> memref<80xi32, #tpu.memory_space<vmem>>
      %dma_start3A_164 = arith.constant 0 : i32
      %dma_start3A_165 = arith.constant 0 : i32
      %dma_start3A_166 = tpu.memref_slice %arg18[%dma_start3A_164, %dma_start3A_165] : memref<10000x64xf32, #tpu.memory_space<vmem_shared>> -> memref<10000x64xf32, #tpu.memory_space<vmem_shared>>
      tpu.enqueue_indirect_dma source(%arg13 : memref<80x64xf32, #tpu.memory_space<vmem>>) target(%dma_start3A_166 : memref<10000x64xf32, #tpu.memory_space<vmem_shared>>) offsets(%dma_start3A_163 : memref<80xi32, #tpu.memory_space<vmem>>) semaphore(%arg29 : memref<!tpu.dma_semaphore, #tpu.memory_space<semaphore_mem>>) {add = true}
      %dma_wait3A_167 = arith.constant 0 : i32
      %dma_wait3A_168 = arith.constant 0 : i32
      %dma_wait3A_169 = tpu.memref_slice %arg18[%dma_wait3A_167, %dma_wait3A_168] : memref<10000x64xf32, #tpu.memory_space<vmem_shared>> -> memref<80x64xf32, #tpu.memory_space<vmem_shared>>
      %dma_wait3A_170 = arith.constant 0 : i32
      %dma_wait3A_171 = arith.constant 0 : i32
      %dma_wait3A_172 = tpu.memref_slice %arg18[%dma_wait3A_170, %dma_wait3A_171] : memref<10000x64xf32, #tpu.memory_space<vmem_shared>> -> memref<80x64xf32, #tpu.memory_space<vmem_shared>>
      tpu.wait_dma2 semaphore(%arg28 : memref<!tpu.dma_semaphore, #tpu.memory_space<semaphore_mem>>) src(%arg12 : memref<80x64xf32, #tpu.memory_space<vmem>>) dst(%dma_wait3A_172 : memref<80x64xf32, #tpu.memory_space<vmem_shared>>)
      %dma_start3A_173 = arith.constant 9 : i32
      %dma_start3A_174 = arith.constant 0 : i32
      %dma_start3A_175 = tpu.memref_slice %arg8[%dma_start3A_173, %dma_start3A_174] : memref<250x80xi32, #tpu.memory_space<vmem>> -> memref<1x80xi32, #tpu.memory_space<vmem>>
      %dma_start3A_176 = tpu.memref_squeeze %dma_start3A_175 : memref<1x80xi32, #tpu.memory_space<vmem>> -> memref<80xi32, #tpu.memory_space<vmem>>
      %dma_start3A_177 = arith.constant 0 : i32
      %dma_start3A_178 = arith.constant 0 : i32
      %dma_start3A_179 = tpu.memref_slice %arg3[%dma_start3A_177, %dma_start3A_178] : memref<10000x64xf32, #tpu.memory_space<hbm>> -> memref<10000x64xf32, #tpu.memory_space<hbm>>
      tpu.enqueue_indirect_dma source(%dma_start3A_179 : memref<10000x64xf32, #tpu.memory_space<hbm>>) target(%arg12 : memref<80x64xf32, #tpu.memory_space<vmem>>) offsets(%dma_start3A_176 : memref<80xi32, #tpu.memory_space<vmem>>) semaphore(%arg21 : memref<!tpu.dma_semaphore, #tpu.memory_space<semaphore_mem>>)
      %dma_wait3A_180 = arith.constant 0 : i32
      %dma_wait3A_181 = arith.constant 0 : i32
      %dma_wait3A_182 = tpu.memref_slice %arg3[%dma_wait3A_180, %dma_wait3A_181] : memref<10000x64xf32, #tpu.memory_space<hbm>> -> memref<80x64xf32, #tpu.memory_space<hbm>>
      %dma_wait3A_183 = arith.constant 0 : i32
      %dma_wait3A_184 = arith.constant 0 : i32
      %dma_wait3A_185 = tpu.memref_slice %arg3[%dma_wait3A_183, %dma_wait3A_184] : memref<10000x64xf32, #tpu.memory_space<hbm>> -> memref<80x64xf32, #tpu.memory_space<hbm>>
      tpu.wait_dma2 semaphore(%arg23 : memref<!tpu.dma_semaphore, #tpu.memory_space<semaphore_mem>>) src(%dma_wait3A_185 : memref<80x64xf32, #tpu.memory_space<hbm>>) dst(%arg14 : memref<80x64xf32, #tpu.memory_space<vmem>>)
      %dma_start3A_186 = arith.constant 4 : i32
      %dma_start3A_187 = arith.constant 0 : i32
      %dma_start3A_188 = tpu.memref_slice %arg9[%dma_start3A_186, %dma_start3A_187] : memref<250x80xi32, #tpu.memory_space<vmem>> -> memref<1x80xi32, #tpu.memory_space<vmem>>
      %dma_start3A_189 = tpu.memref_squeeze %dma_start3A_188 : memref<1x80xi32, #tpu.memory_space<vmem>> -> memref<80xi32, #tpu.memory_space<vmem>>
      %dma_start3A_190 = arith.constant 0 : i32
      %dma_start3A_191 = arith.constant 0 : i32
      %dma_start3A_192 = tpu.memref_slice %arg18[%dma_start3A_190, %dma_start3A_191] : memref<10000x64xf32, #tpu.memory_space<vmem_shared>> -> memref<10000x64xf32, #tpu.memory_space<vmem_shared>>
      tpu.enqueue_indirect_dma source(%arg14 : memref<80x64xf32, #tpu.memory_space<vmem>>) target(%dma_start3A_192 : memref<10000x64xf32, #tpu.memory_space<vmem_shared>>) offsets(%dma_start3A_189 : memref<80xi32, #tpu.memory_space<vmem>>) semaphore(%arg30 : memref<!tpu.dma_semaphore, #tpu.memory_space<semaphore_mem>>) {add = true}
      %dma_wait3A_193 = arith.constant 0 : i32
      %dma_wait3A_194 = arith.constant 0 : i32
      %dma_wait3A_195 = tpu.memref_slice %arg18[%dma_wait3A_193, %dma_wait3A_194] : memref<10000x64xf32, #tpu.memory_space<vmem_shared>> -> memref<80x64xf32, #tpu.memory_space<vmem_shared>>
      %dma_wait3A_196 = arith.constant 0 : i32
      %dma_wait3A_197 = arith.constant 0 : i32
      %dma_wait3A_198 = tpu.memref_slice %arg18[%dma_wait3A_196, %dma_wait3A_197] : memref<10000x64xf32, #tpu.memory_space<vmem_shared>> -> memref<80x64xf32, #tpu.memory_space<vmem_shared>>
      tpu.wait_dma2 semaphore(%arg29 : memref<!tpu.dma_semaphore, #tpu.memory_space<semaphore_mem>>) src(%arg13 : memref<80x64xf32, #tpu.memory_space<vmem>>) dst(%dma_wait3A_198 : memref<80x64xf32, #tpu.memory_space<vmem_shared>>)
      %dma_start3A_199 = arith.constant 10 : i32
      %dma_start3A_200 = arith.constant 0 : i32
      %dma_start3A_201 = tpu.memref_slice %arg8[%dma_start3A_199, %dma_start3A_200] : memref<250x80xi32, #tpu.memory_space<vmem>> -> memref<1x80xi32, #tpu.memory_space<vmem>>
      %dma_start3A_202 = tpu.memref_squeeze %dma_start3A_201 : memref<1x80xi32, #tpu.memory_space<vmem>> -> memref<80xi32, #tpu.memory_space<vmem>>
      %dma_start3A_203 = arith.constant 0 : i32
      %dma_start3A_204 = arith.constant 0 : i32
      %dma_start3A_205 = tpu.memref_slice %arg3[%dma_start3A_203, %dma_start3A_204] : memref<10000x64xf32, #tpu.memory_space<hbm>> -> memref<10000x64xf32, #tpu.memory_space<hbm>>
      tpu.enqueue_indirect_dma source(%dma_start3A_205 : memref<10000x64xf32, #tpu.memory_space<hbm>>) target(%arg13 : memref<80x64xf32, #tpu.memory_space<vmem>>) offsets(%dma_start3A_202 : memref<80xi32, #tpu.memory_space<vmem>>) semaphore(%arg22 : memref<!tpu.dma_semaphore, #tpu.memory_space<semaphore_mem>>)
      %dma_wait3A_206 = arith.constant 0 : i32
      %dma_wait3A_207 = arith.constant 0 : i32
      %dma_wait3A_208 = tpu.memref_slice %arg3[%dma_wait3A_206, %dma_wait3A_207] : memref<10000x64xf32, #tpu.memory_space<hbm>> -> memref<80x64xf32, #tpu.memory_space<hbm>>
      %dma_wait3A_209 = arith.constant 0 : i32
      %dma_wait3A_210 = arith.constant 0 : i32
      %dma_wait3A_211 = tpu.memref_slice %arg3[%dma_wait3A_209, %dma_wait3A_210] : memref<10000x64xf32, #tpu.memory_space<hbm>> -> memref<80x64xf32, #tpu.memory_space<hbm>>
      tpu.wait_dma2 semaphore(%arg24 : memref<!tpu.dma_semaphore, #tpu.memory_space<semaphore_mem>>) src(%dma_wait3A_211 : memref<80x64xf32, #tpu.memory_space<hbm>>) dst(%arg15 : memref<80x64xf32, #tpu.memory_space<vmem>>)
      %dma_start3A_212 = arith.constant 5 : i32
      %dma_start3A_213 = arith.constant 0 : i32
      %dma_start3A_214 = tpu.memref_slice %arg9[%dma_start3A_212, %dma_start3A_213] : memref<250x80xi32, #tpu.memory_space<vmem>> -> memref<1x80xi32, #tpu.memory_space<vmem>>
      %dma_start3A_215 = tpu.memref_squeeze %dma_start3A_214 : memref<1x80xi32, #tpu.memory_space<vmem>> -> memref<80xi32, #tpu.memory_space<vmem>>
      %dma_start3A_216 = arith.constant 0 : i32
      %dma_start3A_217 = arith.constant 0 : i32
      %dma_start3A_218 = tpu.memref_slice %arg18[%dma_start3A_216, %dma_start3A_217] : memref<10000x64xf32, #tpu.memory_space<vmem_shared>> -> memref<10000x64xf32, #tpu.memory_space<vmem_shared>>
      tpu.enqueue_indirect_dma source(%arg15 : memref<80x64xf32, #tpu.memory_space<vmem>>) target(%dma_start3A_218 : memref<10000x64xf32, #tpu.memory_space<vmem_shared>>) offsets(%dma_start3A_215 : memref<80xi32, #tpu.memory_space<vmem>>) semaphore(%arg31 : memref<!tpu.dma_semaphore, #tpu.memory_space<semaphore_mem>>) {add = true}
      %dma_wait3A_219 = arith.constant 0 : i32
      %dma_wait3A_220 = arith.constant 0 : i32
      %dma_wait3A_221 = tpu.memref_slice %arg18[%dma_wait3A_219, %dma_wait3A_220] : memref<10000x64xf32, #tpu.memory_space<vmem_shared>> -> memref<80x64xf32, #tpu.memory_space<vmem_shared>>
      %dma_wait3A_222 = arith.constant 0 : i32
      %dma_wait3A_223 = arith.constant 0 : i32
      %dma_wait3A_224 = tpu.memref_slice %arg18[%dma_wait3A_222, %dma_wait3A_223] : memref<10000x64xf32, #tpu.memory_space<vmem_shared>> -> memref<80x64xf32, #tpu.memory_space<vmem_shared>>
      tpu.wait_dma2 semaphore(%arg30 : memref<!tpu.dma_semaphore, #tpu.memory_space<semaphore_mem>>) src(%arg14 : memref<80x64xf32, #tpu.memory_space<vmem>>) dst(%dma_wait3A_224 : memref<80x64xf32, #tpu.memory_space<vmem_shared>>)
      %dma_start3A_225 = arith.constant 11 : i32
      %dma_start3A_226 = arith.constant 0 : i32
      %dma_start3A_227 = tpu.memref_slice %arg8[%dma_start3A_225, %dma_start3A_226] : memref<250x80xi32, #tpu.memory_space<vmem>> -> memref<1x80xi32, #tpu.memory_space<vmem>>
      %dma_start3A_228 = tpu.memref_squeeze %dma_start3A_227 : memref<1x80xi32, #tpu.memory_space<vmem>> -> memref<80xi32, #tpu.memory_space<vmem>>
      %dma_start3A_229 = arith.constant 0 : i32
      %dma_start3A_230 = arith.constant 0 : i32
      %dma_start3A_231 = tpu.memref_slice %arg3[%dma_start3A_229, %dma_start3A_230] : memref<10000x64xf32, #tpu.memory_space<hbm>> -> memref<10000x64xf32, #tpu.memory_space<hbm>>
      tpu.enqueue_indirect_dma source(%dma_start3A_231 : memref<10000x64xf32, #tpu.memory_space<hbm>>) target(%arg14 : memref<80x64xf32, #tpu.memory_space<vmem>>) offsets(%dma_start3A_228 : memref<80xi32, #tpu.memory_space<vmem>>) semaphore(%arg23 : memref<!tpu.dma_semaphore, #tpu.memory_space<semaphore_mem>>)
      %dma_wait3A_232 = arith.constant 0 : i32
      %dma_wait3A_233 = arith.constant 0 : i32
      %dma_wait3A_234 = tpu.memref_slice %arg3[%dma_wait3A_232, %dma_wait3A_233] : memref<10000x64xf32, #tpu.memory_space<hbm>> -> memref<80x64xf32, #tpu.memory_space<hbm>>
      %dma_wait3A_235 = arith.constant 0 : i32
      %dma_wait3A_236 = arith.constant 0 : i32
      %dma_wait3A_237 = tpu.memref_slice %arg3[%dma_wait3A_235, %dma_wait3A_236] : memref<10000x64xf32, #tpu.memory_space<hbm>> -> memref<80x64xf32, #tpu.memory_space<hbm>>
      tpu.wait_dma2 semaphore(%arg25 : memref<!tpu.dma_semaphore, #tpu.memory_space<semaphore_mem>>) src(%dma_wait3A_237 : memref<80x64xf32, #tpu.memory_space<hbm>>) dst(%arg16 : memref<80x64xf32, #tpu.memory_space<vmem>>)
      %dma_start3A_238 = arith.constant 6 : i32
      %dma_start3A_239 = arith.constant 0 : i32
      %dma_start3A_240 = tpu.memref_slice %arg9[%dma_start3A_238, %dma_start3A_239] : memref<250x80xi32, #tpu.memory_space<vmem>> -> memref<1x80xi32, #tpu.memory_space<vmem>>
      %dma_start3A_241 = tpu.memref_squeeze %dma_start3A_240 : memref<1x80xi32, #tpu.memory_space<vmem>> -> memref<80xi32, #tpu.memory_space<vmem>>
      %dma_start3A_242 = arith.constant 0 : i32
      %dma_start3A_243 = arith.constant 0 : i32
      %dma_start3A_244 = tpu.memref_slice %arg18[%dma_start3A_242, %dma_start3A_243] : memref<10000x64xf32, #tpu.memory_space<vmem_shared>> -> memref<10000x64xf32, #tpu.memory_space<vmem_shared>>
      tpu.enqueue_indirect_dma source(%arg16 : memref<80x64xf32, #tpu.memory_space<vmem>>) target(%dma_start3A_244 : memref<10000x64xf32, #tpu.memory_space<vmem_shared>>) offsets(%dma_start3A_241 : memref<80xi32, #tpu.memory_space<vmem>>) semaphore(%arg32 : memref<!tpu.dma_semaphore, #tpu.memory_space<semaphore_mem>>) {add = true}
      %scan3A_245 = arith.constant 0 : i32
      %scan3A_246 = arith.constant 1 : i32
      %scan3A_247 = arith.constant 34 : i32
      %scan3A_248 = arith.addi %scan3A_246, %scan3A_247 : i32
      %scan3A_249 = arith.constant 1 : i32
      scf.for %scan3A_358 = %scan3A_246 to %scan3A_248 step %scan3A_249  : i32 {
        %mul3A_359 = arith.constant 7 : i32
        %mul3A_360 = arith.muli %scan3A_358, %mul3A_359 : i32
        %dma_wait3A_361 = arith.constant 0 : i32
        %dma_wait3A_362 = arith.constant 0 : i32
        %dma_wait3A_363 = tpu.memref_slice %arg18[%dma_wait3A_361, %dma_wait3A_362] : memref<10000x64xf32, #tpu.memory_space<vmem_shared>> -> memref<80x64xf32, #tpu.memory_space<vmem_shared>>
        %dma_wait3A_364 = arith.constant 0 : i32
        %dma_wait3A_365 = arith.constant 0 : i32
        %dma_wait3A_366 = tpu.memref_slice %arg18[%dma_wait3A_364, %dma_wait3A_365] : memref<10000x64xf32, #tpu.memory_space<vmem_shared>> -> memref<80x64xf32, #tpu.memory_space<vmem_shared>>
        tpu.wait_dma2 semaphore(%arg31 : memref<!tpu.dma_semaphore, #tpu.memory_space<semaphore_mem>>) src(%arg15 : memref<80x64xf32, #tpu.memory_space<vmem>>) dst(%dma_wait3A_366 : memref<80x64xf32, #tpu.memory_space<vmem_shared>>)
        %add3A_367 = arith.constant 0 : i32
        %add3A_368 = arith.addi %mul3A_360, %add3A_367 : i32
        %add3A_369 = arith.constant 5 : i32
        %add3A_370 = arith.addi %add3A_368, %add3A_369 : i32
        %dma_start3A_371 = arith.constant 0 : i32
        %dma_start3A_372 = tpu.memref_slice %arg8[%add3A_370, %dma_start3A_371] : memref<250x80xi32, #tpu.memory_space<vmem>> -> memref<1x80xi32, #tpu.memory_space<vmem>>
        %dma_start3A_373 = tpu.memref_squeeze %dma_start3A_372 : memref<1x80xi32, #tpu.memory_space<vmem>> -> memref<80xi32, #tpu.memory_space<vmem>>
        %dma_start3A_374 = arith.constant 0 : i32
        %dma_start3A_375 = arith.constant 0 : i32
        %dma_start3A_376 = tpu.memref_slice %arg3[%dma_start3A_374, %dma_start3A_375] : memref<10000x64xf32, #tpu.memory_space<hbm>> -> memref<10000x64xf32, #tpu.memory_space<hbm>>
        tpu.enqueue_indirect_dma source(%dma_start3A_376 : memref<10000x64xf32, #tpu.memory_space<hbm>>) target(%arg15 : memref<80x64xf32, #tpu.memory_space<vmem>>) offsets(%dma_start3A_373 : memref<80xi32, #tpu.memory_space<vmem>>) semaphore(%arg24 : memref<!tpu.dma_semaphore, #tpu.memory_space<semaphore_mem>>)
        %dma_wait3A_377 = arith.constant 0 : i32
        %dma_wait3A_378 = arith.constant 0 : i32
        %dma_wait3A_379 = tpu.memref_slice %arg3[%dma_wait3A_377, %dma_wait3A_378] : memref<10000x64xf32, #tpu.memory_space<hbm>> -> memref<80x64xf32, #tpu.memory_space<hbm>>
        %dma_wait3A_380 = arith.constant 0 : i32
        %dma_wait3A_381 = arith.constant 0 : i32
        %dma_wait3A_382 = tpu.memref_slice %arg3[%dma_wait3A_380, %dma_wait3A_381] : memref<10000x64xf32, #tpu.memory_space<hbm>> -> memref<80x64xf32, #tpu.memory_space<hbm>>
        tpu.wait_dma2 semaphore(%arg19 : memref<!tpu.dma_semaphore, #tpu.memory_space<semaphore_mem>>) src(%dma_wait3A_382 : memref<80x64xf32, #tpu.memory_space<hbm>>) dst(%arg10 : memref<80x64xf32, #tpu.memory_space<vmem>>)
        %add3A_383 = arith.constant 0 : i32
        %add3A_384 = arith.addi %mul3A_360, %add3A_383 : i32
        %dma_start3A_385 = arith.constant 0 : i32
        %dma_start3A_386 = tpu.memref_slice %arg9[%add3A_384, %dma_start3A_385] : memref<250x80xi32, #tpu.memory_space<vmem>> -> memref<1x80xi32, #tpu.memory_space<vmem>>
        %dma_start3A_387 = tpu.memref_squeeze %dma_start3A_386 : memref<1x80xi32, #tpu.memory_space<vmem>> -> memref<80xi32, #tpu.memory_space<vmem>>
        %dma_start3A_388 = arith.constant 0 : i32
        %dma_start3A_389 = arith.constant 0 : i32
        %dma_start3A_390 = tpu.memref_slice %arg18[%dma_start3A_388, %dma_start3A_389] : memref<10000x64xf32, #tpu.memory_space<vmem_shared>> -> memref<10000x64xf32, #tpu.memory_space<vmem_shared>>
        tpu.enqueue_indirect_dma source(%arg10 : memref<80x64xf32, #tpu.memory_space<vmem>>) target(%dma_start3A_390 : memref<10000x64xf32, #tpu.memory_space<vmem_shared>>) offsets(%dma_start3A_387 : memref<80xi32, #tpu.memory_space<vmem>>) semaphore(%arg26 : memref<!tpu.dma_semaphore, #tpu.memory_space<semaphore_mem>>) {add = true}
        %dma_wait3A_391 = arith.constant 0 : i32
        %dma_wait3A_392 = arith.constant 0 : i32
        %dma_wait3A_393 = tpu.memref_slice %arg18[%dma_wait3A_391, %dma_wait3A_392] : memref<10000x64xf32, #tpu.memory_space<vmem_shared>> -> memref<80x64xf32, #tpu.memory_space<vmem_shared>>
        %dma_wait3A_394 = arith.constant 0 : i32
        %dma_wait3A_395 = arith.constant 0 : i32
        %dma_wait3A_396 = tpu.memref_slice %arg18[%dma_wait3A_394, %dma_wait3A_395] : memref<10000x64xf32, #tpu.memory_space<vmem_shared>> -> memref<80x64xf32, #tpu.memory_space<vmem_shared>>
        tpu.wait_dma2 semaphore(%arg32 : memref<!tpu.dma_semaphore, #tpu.memory_space<semaphore_mem>>) src(%arg16 : memref<80x64xf32, #tpu.memory_space<vmem>>) dst(%dma_wait3A_396 : memref<80x64xf32, #tpu.memory_space<vmem_shared>>)
        %add3A_397 = arith.constant 1 : i32
        %add3A_398 = arith.addi %mul3A_360, %add3A_397 : i32
        %add3A_399 = arith.constant 5 : i32
        %add3A_400 = arith.addi %add3A_398, %add3A_399 : i32
        %dma_start3A_401 = arith.constant 0 : i32
        %dma_start3A_402 = tpu.memref_slice %arg8[%add3A_400, %dma_start3A_401] : memref<250x80xi32, #tpu.memory_space<vmem>> -> memref<1x80xi32, #tpu.memory_space<vmem>>
        %dma_start3A_403 = tpu.memref_squeeze %dma_start3A_402 : memref<1x80xi32, #tpu.memory_space<vmem>> -> memref<80xi32, #tpu.memory_space<vmem>>
        %dma_start3A_404 = arith.constant 0 : i32
        %dma_start3A_405 = arith.constant 0 : i32
        %dma_start3A_406 = tpu.memref_slice %arg3[%dma_start3A_404, %dma_start3A_405] : memref<10000x64xf32, #tpu.memory_space<hbm>> -> memref<10000x64xf32, #tpu.memory_space<hbm>>
        tpu.enqueue_indirect_dma source(%dma_start3A_406 : memref<10000x64xf32, #tpu.memory_space<hbm>>) target(%arg16 : memref<80x64xf32, #tpu.memory_space<vmem>>) offsets(%dma_start3A_403 : memref<80xi32, #tpu.memory_space<vmem>>) semaphore(%arg25 : memref<!tpu.dma_semaphore, #tpu.memory_space<semaphore_mem>>)
        %dma_wait3A_407 = arith.constant 0 : i32
        %dma_wait3A_408 = arith.constant 0 : i32
        %dma_wait3A_409 = tpu.memref_slice %arg3[%dma_wait3A_407, %dma_wait3A_408] : memref<10000x64xf32, #tpu.memory_space<hbm>> -> memref<80x64xf32, #tpu.memory_space<hbm>>
        %dma_wait3A_410 = arith.constant 0 : i32
        %dma_wait3A_411 = arith.constant 0 : i32
        %dma_wait3A_412 = tpu.memref_slice %arg3[%dma_wait3A_410, %dma_wait3A_411] : memref<10000x64xf32, #tpu.memory_space<hbm>> -> memref<80x64xf32, #tpu.memory_space<hbm>>
        tpu.wait_dma2 semaphore(%arg20 : memref<!tpu.dma_semaphore, #tpu.memory_space<semaphore_mem>>) src(%dma_wait3A_412 : memref<80x64xf32, #tpu.memory_space<hbm>>) dst(%arg11 : memref<80x64xf32, #tpu.memory_space<vmem>>)
        %add3A_413 = arith.constant 1 : i32
        %add3A_414 = arith.addi %mul3A_360, %add3A_413 : i32
        %dma_start3A_415 = arith.constant 0 : i32
        %dma_start3A_416 = tpu.memref_slice %arg9[%add3A_414, %dma_start3A_415] : memref<250x80xi32, #tpu.memory_space<vmem>> -> memref<1x80xi32, #tpu.memory_space<vmem>>
        %dma_start3A_417 = tpu.memref_squeeze %dma_start3A_416 : memref<1x80xi32, #tpu.memory_space<vmem>> -> memref<80xi32, #tpu.memory_space<vmem>>
        %dma_start3A_418 = arith.constant 0 : i32
        %dma_start3A_419 = arith.constant 0 : i32
        %dma_start3A_420 = tpu.memref_slice %arg18[%dma_start3A_418, %dma_start3A_419] : memref<10000x64xf32, #tpu.memory_space<vmem_shared>> -> memref<10000x64xf32, #tpu.memory_space<vmem_shared>>
        tpu.enqueue_indirect_dma source(%arg11 : memref<80x64xf32, #tpu.memory_space<vmem>>) target(%dma_start3A_420 : memref<10000x64xf32, #tpu.memory_space<vmem_shared>>) offsets(%dma_start3A_417 : memref<80xi32, #tpu.memory_space<vmem>>) semaphore(%arg27 : memref<!tpu.dma_semaphore, #tpu.memory_space<semaphore_mem>>) {add = true}
        %dma_wait3A_421 = arith.constant 0 : i32
        %dma_wait3A_422 = arith.constant 0 : i32
        %dma_wait3A_423 = tpu.memref_slice %arg18[%dma_wait3A_421, %dma_wait3A_422] : memref<10000x64xf32, #tpu.memory_space<vmem_shared>> -> memref<80x64xf32, #tpu.memory_space<vmem_shared>>
        %dma_wait3A_424 = arith.constant 0 : i32
        %dma_wait3A_425 = arith.constant 0 : i32
        %dma_wait3A_426 = tpu.memref_slice %arg18[%dma_wait3A_424, %dma_wait3A_425] : memref<10000x64xf32, #tpu.memory_space<vmem_shared>> -> memref<80x64xf32, #tpu.memory_space<vmem_shared>>
        tpu.wait_dma2 semaphore(%arg26 : memref<!tpu.dma_semaphore, #tpu.memory_space<semaphore_mem>>) src(%arg10 : memref<80x64xf32, #tpu.memory_space<vmem>>) dst(%dma_wait3A_426 : memref<80x64xf32, #tpu.memory_space<vmem_shared>>)
        %add3A_427 = arith.constant 2 : i32
        %add3A_428 = arith.addi %mul3A_360, %add3A_427 : i32
        %add3A_429 = arith.constant 5 : i32
        %add3A_430 = arith.addi %add3A_428, %add3A_429 : i32
        %dma_start3A_431 = arith.constant 0 : i32
        %dma_start3A_432 = tpu.memref_slice %arg8[%add3A_430, %dma_start3A_431] : memref<250x80xi32, #tpu.memory_space<vmem>> -> memref<1x80xi32, #tpu.memory_space<vmem>>
        %dma_start3A_433 = tpu.memref_squeeze %dma_start3A_432 : memref<1x80xi32, #tpu.memory_space<vmem>> -> memref<80xi32, #tpu.memory_space<vmem>>
        %dma_start3A_434 = arith.constant 0 : i32
        %dma_start3A_435 = arith.constant 0 : i32
        %dma_start3A_436 = tpu.memref_slice %arg3[%dma_start3A_434, %dma_start3A_435] : memref<10000x64xf32, #tpu.memory_space<hbm>> -> memref<10000x64xf32, #tpu.memory_space<hbm>>
        tpu.enqueue_indirect_dma source(%dma_start3A_436 : memref<10000x64xf32, #tpu.memory_space<hbm>>) target(%arg10 : memref<80x64xf32, #tpu.memory_space<vmem>>) offsets(%dma_start3A_433 : memref<80xi32, #tpu.memory_space<vmem>>) semaphore(%arg19 : memref<!tpu.dma_semaphore, #tpu.memory_space<semaphore_mem>>)
        %dma_wait3A_437 = arith.constant 0 : i32
        %dma_wait3A_438 = arith.constant 0 : i32
        %dma_wait3A_439 = tpu.memref_slice %arg3[%dma_wait3A_437, %dma_wait3A_438] : memref<10000x64xf32, #tpu.memory_space<hbm>> -> memref<80x64xf32, #tpu.memory_space<hbm>>
        %dma_wait3A_440 = arith.constant 0 : i32
        %dma_wait3A_441 = arith.constant 0 : i32
        %dma_wait3A_442 = tpu.memref_slice %arg3[%dma_wait3A_440, %dma_wait3A_441] : memref<10000x64xf32, #tpu.memory_space<hbm>> -> memref<80x64xf32, #tpu.memory_space<hbm>>
        tpu.wait_dma2 semaphore(%arg21 : memref<!tpu.dma_semaphore, #tpu.memory_space<semaphore_mem>>) src(%dma_wait3A_442 : memref<80x64xf32, #tpu.memory_space<hbm>>) dst(%arg12 : memref<80x64xf32, #tpu.memory_space<vmem>>)
        %add3A_443 = arith.constant 2 : i32
        %add3A_444 = arith.addi %mul3A_360, %add3A_443 : i32
        %dma_start3A_445 = arith.constant 0 : i32
        %dma_start3A_446 = tpu.memref_slice %arg9[%add3A_444, %dma_start3A_445] : memref<250x80xi32, #tpu.memory_space<vmem>> -> memref<1x80xi32, #tpu.memory_space<vmem>>
        %dma_start3A_447 = tpu.memref_squeeze %dma_start3A_446 : memref<1x80xi32, #tpu.memory_space<vmem>> -> memref<80xi32, #tpu.memory_space<vmem>>
        %dma_start3A_448 = arith.constant 0 : i32
        %dma_start3A_449 = arith.constant 0 : i32
        %dma_start3A_450 = tpu.memref_slice %arg18[%dma_start3A_448, %dma_start3A_449] : memref<10000x64xf32, #tpu.memory_space<vmem_shared>> -> memref<10000x64xf32, #tpu.memory_space<vmem_shared>>
        tpu.enqueue_indirect_dma source(%arg12 : memref<80x64xf32, #tpu.memory_space<vmem>>) target(%dma_start3A_450 : memref<10000x64xf32, #tpu.memory_space<vmem_shared>>) offsets(%dma_start3A_447 : memref<80xi32, #tpu.memory_space<vmem>>) semaphore(%arg28 : memref<!tpu.dma_semaphore, #tpu.memory_space<semaphore_mem>>) {add = true}
        %dma_wait3A_451 = arith.constant 0 : i32
        %dma_wait3A_452 = arith.constant 0 : i32
        %dma_wait3A_453 = tpu.memref_slice %arg18[%dma_wait3A_451, %dma_wait3A_452] : memref<10000x64xf32, #tpu.memory_space<vmem_shared>> -> memref<80x64xf32, #tpu.memory_space<vmem_shared>>
        %dma_wait3A_454 = arith.constant 0 : i32
        %dma_wait3A_455 = arith.constant 0 : i32
        %dma_wait3A_456 = tpu.memref_slice %arg18[%dma_wait3A_454, %dma_wait3A_455] : memref<10000x64xf32, #tpu.memory_space<vmem_shared>> -> memref<80x64xf32, #tpu.memory_space<vmem_shared>>
        tpu.wait_dma2 semaphore(%arg27 : memref<!tpu.dma_semaphore, #tpu.memory_space<semaphore_mem>>) src(%arg11 : memref<80x64xf32, #tpu.memory_space<vmem>>) dst(%dma_wait3A_456 : memref<80x64xf32, #tpu.memory_space<vmem_shared>>)
        %add3A_457 = arith.constant 3 : i32
        %add3A_458 = arith.addi %mul3A_360, %add3A_457 : i32
        %add3A_459 = arith.constant 5 : i32
        %add3A_460 = arith.addi %add3A_458, %add3A_459 : i32
        %dma_start3A_461 = arith.constant 0 : i32
        %dma_start3A_462 = tpu.memref_slice %arg8[%add3A_460, %dma_start3A_461] : memref<250x80xi32, #tpu.memory_space<vmem>> -> memref<1x80xi32, #tpu.memory_space<vmem>>
        %dma_start3A_463 = tpu.memref_squeeze %dma_start3A_462 : memref<1x80xi32, #tpu.memory_space<vmem>> -> memref<80xi32, #tpu.memory_space<vmem>>
        %dma_start3A_464 = arith.constant 0 : i32
        %dma_start3A_465 = arith.constant 0 : i32
        %dma_start3A_466 = tpu.memref_slice %arg3[%dma_start3A_464, %dma_start3A_465] : memref<10000x64xf32, #tpu.memory_space<hbm>> -> memref<10000x64xf32, #tpu.memory_space<hbm>>
        tpu.enqueue_indirect_dma source(%dma_start3A_466 : memref<10000x64xf32, #tpu.memory_space<hbm>>) target(%arg11 : memref<80x64xf32, #tpu.memory_space<vmem>>) offsets(%dma_start3A_463 : memref<80xi32, #tpu.memory_space<vmem>>) semaphore(%arg20 : memref<!tpu.dma_semaphore, #tpu.memory_space<semaphore_mem>>)
        %dma_wait3A_467 = arith.constant 0 : i32
        %dma_wait3A_468 = arith.constant 0 : i32
        %dma_wait3A_469 = tpu.memref_slice %arg3[%dma_wait3A_467, %dma_wait3A_468] : memref<10000x64xf32, #tpu.memory_space<hbm>> -> memref<80x64xf32, #tpu.memory_space<hbm>>
        %dma_wait3A_470 = arith.constant 0 : i32
        %dma_wait3A_471 = arith.constant 0 : i32
        %dma_wait3A_472 = tpu.memref_slice %arg3[%dma_wait3A_470, %dma_wait3A_471] : memref<10000x64xf32, #tpu.memory_space<hbm>> -> memref<80x64xf32, #tpu.memory_space<hbm>>
        tpu.wait_dma2 semaphore(%arg22 : memref<!tpu.dma_semaphore, #tpu.memory_space<semaphore_mem>>) src(%dma_wait3A_472 : memref<80x64xf32, #tpu.memory_space<hbm>>) dst(%arg13 : memref<80x64xf32, #tpu.memory_space<vmem>>)
        %add3A_473 = arith.constant 3 : i32
        %add3A_474 = arith.addi %mul3A_360, %add3A_473 : i32
        %dma_start3A_475 = arith.constant 0 : i32
        %dma_start3A_476 = tpu.memref_slice %arg9[%add3A_474, %dma_start3A_475] : memref<250x80xi32, #tpu.memory_space<vmem>> -> memref<1x80xi32, #tpu.memory_space<vmem>>
        %dma_start3A_477 = tpu.memref_squeeze %dma_start3A_476 : memref<1x80xi32, #tpu.memory_space<vmem>> -> memref<80xi32, #tpu.memory_space<vmem>>
        %dma_start3A_478 = arith.constant 0 : i32
        %dma_start3A_479 = arith.constant 0 : i32
        %dma_start3A_480 = tpu.memref_slice %arg18[%dma_start3A_478, %dma_start3A_479] : memref<10000x64xf32, #tpu.memory_space<vmem_shared>> -> memref<10000x64xf32, #tpu.memory_space<vmem_shared>>
        tpu.enqueue_indirect_dma source(%arg13 : memref<80x64xf32, #tpu.memory_space<vmem>>) target(%dma_start3A_480 : memref<10000x64xf32, #tpu.memory_space<vmem_shared>>) offsets(%dma_start3A_477 : memref<80xi32, #tpu.memory_space<vmem>>) semaphore(%arg29 : memref<!tpu.dma_semaphore, #tpu.memory_space<semaphore_mem>>) {add = true}
        %dma_wait3A_481 = arith.constant 0 : i32
        %dma_wait3A_482 = arith.constant 0 : i32
        %dma_wait3A_483 = tpu.memref_slice %arg18[%dma_wait3A_481, %dma_wait3A_482] : memref<10000x64xf32, #tpu.memory_space<vmem_shared>> -> memref<80x64xf32, #tpu.memory_space<vmem_shared>>
        %dma_wait3A_484 = arith.constant 0 : i32
        %dma_wait3A_485 = arith.constant 0 : i32
        %dma_wait3A_486 = tpu.memref_slice %arg18[%dma_wait3A_484, %dma_wait3A_485] : memref<10000x64xf32, #tpu.memory_space<vmem_shared>> -> memref<80x64xf32, #tpu.memory_space<vmem_shared>>
        tpu.wait_dma2 semaphore(%arg28 : memref<!tpu.dma_semaphore, #tpu.memory_space<semaphore_mem>>) src(%arg12 : memref<80x64xf32, #tpu.memory_space<vmem>>) dst(%dma_wait3A_486 : memref<80x64xf32, #tpu.memory_space<vmem_shared>>)
        %add3A_487 = arith.constant 4 : i32
        %add3A_488 = arith.addi %mul3A_360, %add3A_487 : i32
        %add3A_489 = arith.constant 5 : i32
        %add3A_490 = arith.addi %add3A_488, %add3A_489 : i32
        %dma_start3A_491 = arith.constant 0 : i32
        %dma_start3A_492 = tpu.memref_slice %arg8[%add3A_490, %dma_start3A_491] : memref<250x80xi32, #tpu.memory_space<vmem>> -> memref<1x80xi32, #tpu.memory_space<vmem>>
        %dma_start3A_493 = tpu.memref_squeeze %dma_start3A_492 : memref<1x80xi32, #tpu.memory_space<vmem>> -> memref<80xi32, #tpu.memory_space<vmem>>
        %dma_start3A_494 = arith.constant 0 : i32
        %dma_start3A_495 = arith.constant 0 : i32
        %dma_start3A_496 = tpu.memref_slice %arg3[%dma_start3A_494, %dma_start3A_495] : memref<10000x64xf32, #tpu.memory_space<hbm>> -> memref<10000x64xf32, #tpu.memory_space<hbm>>
        tpu.enqueue_indirect_dma source(%dma_start3A_496 : memref<10000x64xf32, #tpu.memory_space<hbm>>) target(%arg12 : memref<80x64xf32, #tpu.memory_space<vmem>>) offsets(%dma_start3A_493 : memref<80xi32, #tpu.memory_space<vmem>>) semaphore(%arg21 : memref<!tpu.dma_semaphore, #tpu.memory_space<semaphore_mem>>)
        %dma_wait3A_497 = arith.constant 0 : i32
        %dma_wait3A_498 = arith.constant 0 : i32
        %dma_wait3A_499 = tpu.memref_slice %arg3[%dma_wait3A_497, %dma_wait3A_498] : memref<10000x64xf32, #tpu.memory_space<hbm>> -> memref<80x64xf32, #tpu.memory_space<hbm>>
        %dma_wait3A_500 = arith.constant 0 : i32
        %dma_wait3A_501 = arith.constant 0 : i32
        %dma_wait3A_502 = tpu.memref_slice %arg3[%dma_wait3A_500, %dma_wait3A_501] : memref<10000x64xf32, #tpu.memory_space<hbm>> -> memref<80x64xf32, #tpu.memory_space<hbm>>
        tpu.wait_dma2 semaphore(%arg23 : memref<!tpu.dma_semaphore, #tpu.memory_space<semaphore_mem>>) src(%dma_wait3A_502 : memref<80x64xf32, #tpu.memory_space<hbm>>) dst(%arg14 : memref<80x64xf32, #tpu.memory_space<vmem>>)
        %add3A_503 = arith.constant 4 : i32
        %add3A_504 = arith.addi %mul3A_360, %add3A_503 : i32
        %dma_start3A_505 = arith.constant 0 : i32
        %dma_start3A_506 = tpu.memref_slice %arg9[%add3A_504, %dma_start3A_505] : memref<250x80xi32, #tpu.memory_space<vmem>> -> memref<1x80xi32, #tpu.memory_space<vmem>>
        %dma_start3A_507 = tpu.memref_squeeze %dma_start3A_506 : memref<1x80xi32, #tpu.memory_space<vmem>> -> memref<80xi32, #tpu.memory_space<vmem>>
        %dma_start3A_508 = arith.constant 0 : i32
        %dma_start3A_509 = arith.constant 0 : i32
        %dma_start3A_510 = tpu.memref_slice %arg18[%dma_start3A_508, %dma_start3A_509] : memref<10000x64xf32, #tpu.memory_space<vmem_shared>> -> memref<10000x64xf32, #tpu.memory_space<vmem_shared>>
        tpu.enqueue_indirect_dma source(%arg14 : memref<80x64xf32, #tpu.memory_space<vmem>>) target(%dma_start3A_510 : memref<10000x64xf32, #tpu.memory_space<vmem_shared>>) offsets(%dma_start3A_507 : memref<80xi32, #tpu.memory_space<vmem>>) semaphore(%arg30 : memref<!tpu.dma_semaphore, #tpu.memory_space<semaphore_mem>>) {add = true}
        %dma_wait3A_511 = arith.constant 0 : i32
        %dma_wait3A_512 = arith.constant 0 : i32
        %dma_wait3A_513 = tpu.memref_slice %arg18[%dma_wait3A_511, %dma_wait3A_512] : memref<10000x64xf32, #tpu.memory_space<vmem_shared>> -> memref<80x64xf32, #tpu.memory_space<vmem_shared>>
        %dma_wait3A_514 = arith.constant 0 : i32
        %dma_wait3A_515 = arith.constant 0 : i32
        %dma_wait3A_516 = tpu.memref_slice %arg18[%dma_wait3A_514, %dma_wait3A_515] : memref<10000x64xf32, #tpu.memory_space<vmem_shared>> -> memref<80x64xf32, #tpu.memory_space<vmem_shared>>
        tpu.wait_dma2 semaphore(%arg29 : memref<!tpu.dma_semaphore, #tpu.memory_space<semaphore_mem>>) src(%arg13 : memref<80x64xf32, #tpu.memory_space<vmem>>) dst(%dma_wait3A_516 : memref<80x64xf32, #tpu.memory_space<vmem_shared>>)
        %add3A_517 = arith.constant 5 : i32
        %add3A_518 = arith.addi %mul3A_360, %add3A_517 : i32
        %add3A_519 = arith.constant 5 : i32
        %add3A_520 = arith.addi %add3A_518, %add3A_519 : i32
        %dma_start3A_521 = arith.constant 0 : i32
        %dma_start3A_522 = tpu.memref_slice %arg8[%add3A_520, %dma_start3A_521] : memref<250x80xi32, #tpu.memory_space<vmem>> -> memref<1x80xi32, #tpu.memory_space<vmem>>
        %dma_start3A_523 = tpu.memref_squeeze %dma_start3A_522 : memref<1x80xi32, #tpu.memory_space<vmem>> -> memref<80xi32, #tpu.memory_space<vmem>>
        %dma_start3A_524 = arith.constant 0 : i32
        %dma_start3A_525 = arith.constant 0 : i32
        %dma_start3A_526 = tpu.memref_slice %arg3[%dma_start3A_524, %dma_start3A_525] : memref<10000x64xf32, #tpu.memory_space<hbm>> -> memref<10000x64xf32, #tpu.memory_space<hbm>>
        tpu.enqueue_indirect_dma source(%dma_start3A_526 : memref<10000x64xf32, #tpu.memory_space<hbm>>) target(%arg13 : memref<80x64xf32, #tpu.memory_space<vmem>>) offsets(%dma_start3A_523 : memref<80xi32, #tpu.memory_space<vmem>>) semaphore(%arg22 : memref<!tpu.dma_semaphore, #tpu.memory_space<semaphore_mem>>)
        %dma_wait3A_527 = arith.constant 0 : i32
        %dma_wait3A_528 = arith.constant 0 : i32
        %dma_wait3A_529 = tpu.memref_slice %arg3[%dma_wait3A_527, %dma_wait3A_528] : memref<10000x64xf32, #tpu.memory_space<hbm>> -> memref<80x64xf32, #tpu.memory_space<hbm>>
        %dma_wait3A_530 = arith.constant 0 : i32
        %dma_wait3A_531 = arith.constant 0 : i32
        %dma_wait3A_532 = tpu.memref_slice %arg3[%dma_wait3A_530, %dma_wait3A_531] : memref<10000x64xf32, #tpu.memory_space<hbm>> -> memref<80x64xf32, #tpu.memory_space<hbm>>
        tpu.wait_dma2 semaphore(%arg24 : memref<!tpu.dma_semaphore, #tpu.memory_space<semaphore_mem>>) src(%dma_wait3A_532 : memref<80x64xf32, #tpu.memory_space<hbm>>) dst(%arg15 : memref<80x64xf32, #tpu.memory_space<vmem>>)
        %add3A_533 = arith.constant 5 : i32
        %add3A_534 = arith.addi %mul3A_360, %add3A_533 : i32
        %dma_start3A_535 = arith.constant 0 : i32
        %dma_start3A_536 = tpu.memref_slice %arg9[%add3A_534, %dma_start3A_535] : memref<250x80xi32, #tpu.memory_space<vmem>> -> memref<1x80xi32, #tpu.memory_space<vmem>>
        %dma_start3A_537 = tpu.memref_squeeze %dma_start3A_536 : memref<1x80xi32, #tpu.memory_space<vmem>> -> memref<80xi32, #tpu.memory_space<vmem>>
        %dma_start3A_538 = arith.constant 0 : i32
        %dma_start3A_539 = arith.constant 0 : i32
        %dma_start3A_540 = tpu.memref_slice %arg18[%dma_start3A_538, %dma_start3A_539] : memref<10000x64xf32, #tpu.memory_space<vmem_shared>> -> memref<10000x64xf32, #tpu.memory_space<vmem_shared>>
        tpu.enqueue_indirect_dma source(%arg15 : memref<80x64xf32, #tpu.memory_space<vmem>>) target(%dma_start3A_540 : memref<10000x64xf32, #tpu.memory_space<vmem_shared>>) offsets(%dma_start3A_537 : memref<80xi32, #tpu.memory_space<vmem>>) semaphore(%arg31 : memref<!tpu.dma_semaphore, #tpu.memory_space<semaphore_mem>>) {add = true}
        %dma_wait3A_541 = arith.constant 0 : i32
        %dma_wait3A_542 = arith.constant 0 : i32
        %dma_wait3A_543 = tpu.memref_slice %arg18[%dma_wait3A_541, %dma_wait3A_542] : memref<10000x64xf32, #tpu.memory_space<vmem_shared>> -> memref<80x64xf32, #tpu.memory_space<vmem_shared>>
        %dma_wait3A_544 = arith.constant 0 : i32
        %dma_wait3A_545 = arith.constant 0 : i32
        %dma_wait3A_546 = tpu.memref_slice %arg18[%dma_wait3A_544, %dma_wait3A_545] : memref<10000x64xf32, #tpu.memory_space<vmem_shared>> -> memref<80x64xf32, #tpu.memory_space<vmem_shared>>
        tpu.wait_dma2 semaphore(%arg30 : memref<!tpu.dma_semaphore, #tpu.memory_space<semaphore_mem>>) src(%arg14 : memref<80x64xf32, #tpu.memory_space<vmem>>) dst(%dma_wait3A_546 : memref<80x64xf32, #tpu.memory_space<vmem_shared>>)
        %add3A_547 = arith.constant 6 : i32
        %add3A_548 = arith.addi %mul3A_360, %add3A_547 : i32
        %add3A_549 = arith.constant 5 : i32
        %add3A_550 = arith.addi %add3A_548, %add3A_549 : i32
        %dma_start3A_551 = arith.constant 0 : i32
        %dma_start3A_552 = tpu.memref_slice %arg8[%add3A_550, %dma_start3A_551] : memref<250x80xi32, #tpu.memory_space<vmem>> -> memref<1x80xi32, #tpu.memory_space<vmem>>
        %dma_start3A_553 = tpu.memref_squeeze %dma_start3A_552 : memref<1x80xi32, #tpu.memory_space<vmem>> -> memref<80xi32, #tpu.memory_space<vmem>>
        %dma_start3A_554 = arith.constant 0 : i32
        %dma_start3A_555 = arith.constant 0 : i32
        %dma_start3A_556 = tpu.memref_slice %arg3[%dma_start3A_554, %dma_start3A_555] : memref<10000x64xf32, #tpu.memory_space<hbm>> -> memref<10000x64xf32, #tpu.memory_space<hbm>>
        tpu.enqueue_indirect_dma source(%dma_start3A_556 : memref<10000x64xf32, #tpu.memory_space<hbm>>) target(%arg14 : memref<80x64xf32, #tpu.memory_space<vmem>>) offsets(%dma_start3A_553 : memref<80xi32, #tpu.memory_space<vmem>>) semaphore(%arg23 : memref<!tpu.dma_semaphore, #tpu.memory_space<semaphore_mem>>)
        %dma_wait3A_557 = arith.constant 0 : i32
        %dma_wait3A_558 = arith.constant 0 : i32
        %dma_wait3A_559 = tpu.memref_slice %arg3[%dma_wait3A_557, %dma_wait3A_558] : memref<10000x64xf32, #tpu.memory_space<hbm>> -> memref<80x64xf32, #tpu.memory_space<hbm>>
        %dma_wait3A_560 = arith.constant 0 : i32
        %dma_wait3A_561 = arith.constant 0 : i32
        %dma_wait3A_562 = tpu.memref_slice %arg3[%dma_wait3A_560, %dma_wait3A_561] : memref<10000x64xf32, #tpu.memory_space<hbm>> -> memref<80x64xf32, #tpu.memory_space<hbm>>
        tpu.wait_dma2 semaphore(%arg25 : memref<!tpu.dma_semaphore, #tpu.memory_space<semaphore_mem>>) src(%dma_wait3A_562 : memref<80x64xf32, #tpu.memory_space<hbm>>) dst(%arg16 : memref<80x64xf32, #tpu.memory_space<vmem>>)
        %add3A_563 = arith.constant 6 : i32
        %add3A_564 = arith.addi %mul3A_360, %add3A_563 : i32
        %dma_start3A_565 = arith.constant 0 : i32
        %dma_start3A_566 = tpu.memref_slice %arg9[%add3A_564, %dma_start3A_565] : memref<250x80xi32, #tpu.memory_space<vmem>> -> memref<1x80xi32, #tpu.memory_space<vmem>>
        %dma_start3A_567 = tpu.memref_squeeze %dma_start3A_566 : memref<1x80xi32, #tpu.memory_space<vmem>> -> memref<80xi32, #tpu.memory_space<vmem>>
        %dma_start3A_568 = arith.constant 0 : i32
        %dma_start3A_569 = arith.constant 0 : i32
        %dma_start3A_570 = tpu.memref_slice %arg18[%dma_start3A_568, %dma_start3A_569] : memref<10000x64xf32, #tpu.memory_space<vmem_shared>> -> memref<10000x64xf32, #tpu.memory_space<vmem_shared>>
        tpu.enqueue_indirect_dma source(%arg16 : memref<80x64xf32, #tpu.memory_space<vmem>>) target(%dma_start3A_570 : memref<10000x64xf32, #tpu.memory_space<vmem_shared>>) offsets(%dma_start3A_567 : memref<80xi32, #tpu.memory_space<vmem>>) semaphore(%arg32 : memref<!tpu.dma_semaphore, #tpu.memory_space<semaphore_mem>>) {add = true}
      }
      %scan3A_250 = arith.constant 34 : i32
      %dma_wait3A_251 = arith.constant 0 : i32
      %dma_wait3A_252 = arith.constant 0 : i32
      %dma_wait3A_253 = tpu.memref_slice %arg3[%dma_wait3A_251, %dma_wait3A_252] : memref<10000x64xf32, #tpu.memory_space<hbm>> -> memref<80x64xf32, #tpu.memory_space<hbm>>
      %dma_wait3A_254 = arith.constant 0 : i32
      %dma_wait3A_255 = arith.constant 0 : i32
      %dma_wait3A_256 = tpu.memref_slice %arg3[%dma_wait3A_254, %dma_wait3A_255] : memref<10000x64xf32, #tpu.memory_space<hbm>> -> memref<80x64xf32, #tpu.memory_space<hbm>>
      tpu.wait_dma2 semaphore(%arg19 : memref<!tpu.dma_semaphore, #tpu.memory_space<semaphore_mem>>) src(%dma_wait3A_256 : memref<80x64xf32, #tpu.memory_space<hbm>>) dst(%arg10 : memref<80x64xf32, #tpu.memory_space<vmem>>)
      %dma_start3A_257 = arith.constant 245 : i32
      %dma_start3A_258 = arith.constant 0 : i32
      %dma_start3A_259 = tpu.memref_slice %arg9[%dma_start3A_257, %dma_start3A_258] : memref<250x80xi32, #tpu.memory_space<vmem>> -> memref<1x80xi32, #tpu.memory_space<vmem>>
      %dma_start3A_260 = tpu.memref_squeeze %dma_start3A_259 : memref<1x80xi32, #tpu.memory_space<vmem>> -> memref<80xi32, #tpu.memory_space<vmem>>
      %dma_start3A_261 = arith.constant 0 : i32
      %dma_start3A_262 = arith.constant 0 : i32
      %dma_start3A_263 = tpu.memref_slice %arg18[%dma_start3A_261, %dma_start3A_262] : memref<10000x64xf32, #tpu.memory_space<vmem_shared>> -> memref<10000x64xf32, #tpu.memory_space<vmem_shared>>
      tpu.enqueue_indirect_dma source(%arg10 : memref<80x64xf32, #tpu.memory_space<vmem>>) target(%dma_start3A_263 : memref<10000x64xf32, #tpu.memory_space<vmem_shared>>) offsets(%dma_start3A_260 : memref<80xi32, #tpu.memory_space<vmem>>) semaphore(%arg26 : memref<!tpu.dma_semaphore, #tpu.memory_space<semaphore_mem>>) {add = true}
      %dma_wait3A_264 = arith.constant 0 : i32
      %dma_wait3A_265 = arith.constant 0 : i32
      %dma_wait3A_266 = tpu.memref_slice %arg3[%dma_wait3A_264, %dma_wait3A_265] : memref<10000x64xf32, #tpu.memory_space<hbm>> -> memref<80x64xf32, #tpu.memory_space<hbm>>
      %dma_wait3A_267 = arith.constant 0 : i32
      %dma_wait3A_268 = arith.constant 0 : i32
      %dma_wait3A_269 = tpu.memref_slice %arg3[%dma_wait3A_267, %dma_wait3A_268] : memref<10000x64xf32, #tpu.memory_space<hbm>> -> memref<80x64xf32, #tpu.memory_space<hbm>>
      tpu.wait_dma2 semaphore(%arg20 : memref<!tpu.dma_semaphore, #tpu.memory_space<semaphore_mem>>) src(%dma_wait3A_269 : memref<80x64xf32, #tpu.memory_space<hbm>>) dst(%arg11 : memref<80x64xf32, #tpu.memory_space<vmem>>)
      %dma_start3A_270 = arith.constant 246 : i32
      %dma_start3A_271 = arith.constant 0 : i32
      %dma_start3A_272 = tpu.memref_slice %arg9[%dma_start3A_270, %dma_start3A_271] : memref<250x80xi32, #tpu.memory_space<vmem>> -> memref<1x80xi32, #tpu.memory_space<vmem>>
      %dma_start3A_273 = tpu.memref_squeeze %dma_start3A_272 : memref<1x80xi32, #tpu.memory_space<vmem>> -> memref<80xi32, #tpu.memory_space<vmem>>
      %dma_start3A_274 = arith.constant 0 : i32
      %dma_start3A_275 = arith.constant 0 : i32
      %dma_start3A_276 = tpu.memref_slice %arg18[%dma_start3A_274, %dma_start3A_275] : memref<10000x64xf32, #tpu.memory_space<vmem_shared>> -> memref<10000x64xf32, #tpu.memory_space<vmem_shared>>
      tpu.enqueue_indirect_dma source(%arg11 : memref<80x64xf32, #tpu.memory_space<vmem>>) target(%dma_start3A_276 : memref<10000x64xf32, #tpu.memory_space<vmem_shared>>) offsets(%dma_start3A_273 : memref<80xi32, #tpu.memory_space<vmem>>) semaphore(%arg27 : memref<!tpu.dma_semaphore, #tpu.memory_space<semaphore_mem>>) {add = true}
      %dma_wait3A_277 = arith.constant 0 : i32
      %dma_wait3A_278 = arith.constant 0 : i32
      %dma_wait3A_279 = tpu.memref_slice %arg3[%dma_wait3A_277, %dma_wait3A_278] : memref<10000x64xf32, #tpu.memory_space<hbm>> -> memref<80x64xf32, #tpu.memory_space<hbm>>
      %dma_wait3A_280 = arith.constant 0 : i32
      %dma_wait3A_281 = arith.constant 0 : i32
      %dma_wait3A_282 = tpu.memref_slice %arg3[%dma_wait3A_280, %dma_wait3A_281] : memref<10000x64xf32, #tpu.memory_space<hbm>> -> memref<80x64xf32, #tpu.memory_space<hbm>>
      tpu.wait_dma2 semaphore(%arg21 : memref<!tpu.dma_semaphore, #tpu.memory_space<semaphore_mem>>) src(%dma_wait3A_282 : memref<80x64xf32, #tpu.memory_space<hbm>>) dst(%arg12 : memref<80x64xf32, #tpu.memory_space<vmem>>)
      %dma_start3A_283 = arith.constant 247 : i32
      %dma_start3A_284 = arith.constant 0 : i32
      %dma_start3A_285 = tpu.memref_slice %arg9[%dma_start3A_283, %dma_start3A_284] : memref<250x80xi32, #tpu.memory_space<vmem>> -> memref<1x80xi32, #tpu.memory_space<vmem>>
      %dma_start3A_286 = tpu.memref_squeeze %dma_start3A_285 : memref<1x80xi32, #tpu.memory_space<vmem>> -> memref<80xi32, #tpu.memory_space<vmem>>
      %dma_start3A_287 = arith.constant 0 : i32
      %dma_start3A_288 = arith.constant 0 : i32
      %dma_start3A_289 = tpu.memref_slice %arg18[%dma_start3A_287, %dma_start3A_288] : memref<10000x64xf32, #tpu.memory_space<vmem_shared>> -> memref<10000x64xf32, #tpu.memory_space<vmem_shared>>
      tpu.enqueue_indirect_dma source(%arg12 : memref<80x64xf32, #tpu.memory_space<vmem>>) target(%dma_start3A_289 : memref<10000x64xf32, #tpu.memory_space<vmem_shared>>) offsets(%dma_start3A_286 : memref<80xi32, #tpu.memory_space<vmem>>) semaphore(%arg28 : memref<!tpu.dma_semaphore, #tpu.memory_space<semaphore_mem>>) {add = true}
      %dma_wait3A_290 = arith.constant 0 : i32
      %dma_wait3A_291 = arith.constant 0 : i32
      %dma_wait3A_292 = tpu.memref_slice %arg3[%dma_wait3A_290, %dma_wait3A_291] : memref<10000x64xf32, #tpu.memory_space<hbm>> -> memref<80x64xf32, #tpu.memory_space<hbm>>
      %dma_wait3A_293 = arith.constant 0 : i32
      %dma_wait3A_294 = arith.constant 0 : i32
      %dma_wait3A_295 = tpu.memref_slice %arg3[%dma_wait3A_293, %dma_wait3A_294] : memref<10000x64xf32, #tpu.memory_space<hbm>> -> memref<80x64xf32, #tpu.memory_space<hbm>>
      tpu.wait_dma2 semaphore(%arg22 : memref<!tpu.dma_semaphore, #tpu.memory_space<semaphore_mem>>) src(%dma_wait3A_295 : memref<80x64xf32, #tpu.memory_space<hbm>>) dst(%arg13 : memref<80x64xf32, #tpu.memory_space<vmem>>)
      %dma_start3A_296 = arith.constant 248 : i32
      %dma_start3A_297 = arith.constant 0 : i32
      %dma_start3A_298 = tpu.memref_slice %arg9[%dma_start3A_296, %dma_start3A_297] : memref<250x80xi32, #tpu.memory_space<vmem>> -> memref<1x80xi32, #tpu.memory_space<vmem>>
      %dma_start3A_299 = tpu.memref_squeeze %dma_start3A_298 : memref<1x80xi32, #tpu.memory_space<vmem>> -> memref<80xi32, #tpu.memory_space<vmem>>
      %dma_start3A_300 = arith.constant 0 : i32
      %dma_start3A_301 = arith.constant 0 : i32
      %dma_start3A_302 = tpu.memref_slice %arg18[%dma_start3A_300, %dma_start3A_301] : memref<10000x64xf32, #tpu.memory_space<vmem_shared>> -> memref<10000x64xf32, #tpu.memory_space<vmem_shared>>
      tpu.enqueue_indirect_dma source(%arg13 : memref<80x64xf32, #tpu.memory_space<vmem>>) target(%dma_start3A_302 : memref<10000x64xf32, #tpu.memory_space<vmem_shared>>) offsets(%dma_start3A_299 : memref<80xi32, #tpu.memory_space<vmem>>) semaphore(%arg29 : memref<!tpu.dma_semaphore, #tpu.memory_space<semaphore_mem>>) {add = true}
      %dma_wait3A_303 = arith.constant 0 : i32
      %dma_wait3A_304 = arith.constant 0 : i32
      %dma_wait3A_305 = tpu.memref_slice %arg3[%dma_wait3A_303, %dma_wait3A_304] : memref<10000x64xf32, #tpu.memory_space<hbm>> -> memref<80x64xf32, #tpu.memory_space<hbm>>
      %dma_wait3A_306 = arith.constant 0 : i32
      %dma_wait3A_307 = arith.constant 0 : i32
      %dma_wait3A_308 = tpu.memref_slice %arg3[%dma_wait3A_306, %dma_wait3A_307] : memref<10000x64xf32, #tpu.memory_space<hbm>> -> memref<80x64xf32, #tpu.memory_space<hbm>>
      tpu.wait_dma2 semaphore(%arg23 : memref<!tpu.dma_semaphore, #tpu.memory_space<semaphore_mem>>) src(%dma_wait3A_308 : memref<80x64xf32, #tpu.memory_space<hbm>>) dst(%arg14 : memref<80x64xf32, #tpu.memory_space<vmem>>)
      %dma_start3A_309 = arith.constant 249 : i32
      %dma_start3A_310 = arith.constant 0 : i32
      %dma_start3A_311 = tpu.memref_slice %arg9[%dma_start3A_309, %dma_start3A_310] : memref<250x80xi32, #tpu.memory_space<vmem>> -> memref<1x80xi32, #tpu.memory_space<vmem>>
      %dma_start3A_312 = tpu.memref_squeeze %dma_start3A_311 : memref<1x80xi32, #tpu.memory_space<vmem>> -> memref<80xi32, #tpu.memory_space<vmem>>
      %dma_start3A_313 = arith.constant 0 : i32
      %dma_start3A_314 = arith.constant 0 : i32
      %dma_start3A_315 = tpu.memref_slice %arg18[%dma_start3A_313, %dma_start3A_314] : memref<10000x64xf32, #tpu.memory_space<vmem_shared>> -> memref<10000x64xf32, #tpu.memory_space<vmem_shared>>
      tpu.enqueue_indirect_dma source(%arg14 : memref<80x64xf32, #tpu.memory_space<vmem>>) target(%dma_start3A_315 : memref<10000x64xf32, #tpu.memory_space<vmem_shared>>) offsets(%dma_start3A_312 : memref<80xi32, #tpu.memory_space<vmem>>) semaphore(%arg30 : memref<!tpu.dma_semaphore, #tpu.memory_space<semaphore_mem>>) {add = true}
      %dma_wait3A_316 = arith.constant 0 : i32
      %dma_wait3A_317 = arith.constant 0 : i32
      %dma_wait3A_318 = tpu.memref_slice %arg18[%dma_wait3A_316, %dma_wait3A_317] : memref<10000x64xf32, #tpu.memory_space<vmem_shared>> -> memref<80x64xf32, #tpu.memory_space<vmem_shared>>
      %dma_wait3A_319 = arith.constant 0 : i32
      %dma_wait3A_320 = arith.constant 0 : i32
      %dma_wait3A_321 = tpu.memref_slice %arg18[%dma_wait3A_319, %dma_wait3A_320] : memref<10000x64xf32, #tpu.memory_space<vmem_shared>> -> memref<80x64xf32, #tpu.memory_space<vmem_shared>>
      tpu.wait_dma2 semaphore(%arg26 : memref<!tpu.dma_semaphore, #tpu.memory_space<semaphore_mem>>) src(%arg10 : memref<80x64xf32, #tpu.memory_space<vmem>>) dst(%dma_wait3A_321 : memref<80x64xf32, #tpu.memory_space<vmem_shared>>)
      %dma_wait3A_322 = arith.constant 0 : i32
      %dma_wait3A_323 = arith.constant 0 : i32
      %dma_wait3A_324 = tpu.memref_slice %arg18[%dma_wait3A_322, %dma_wait3A_323] : memref<10000x64xf32, #tpu.memory_space<vmem_shared>> -> memref<80x64xf32, #tpu.memory_space<vmem_shared>>
      %dma_wait3A_325 = arith.constant 0 : i32
      %dma_wait3A_326 = arith.constant 0 : i32
      %dma_wait3A_327 = tpu.memref_slice %arg18[%dma_wait3A_325, %dma_wait3A_326] : memref<10000x64xf32, #tpu.memory_space<vmem_shared>> -> memref<80x64xf32, #tpu.memory_space<vmem_shared>>
      tpu.wait_dma2 semaphore(%arg27 : memref<!tpu.dma_semaphore, #tpu.memory_space<semaphore_mem>>) src(%arg11 : memref<80x64xf32, #tpu.memory_space<vmem>>) dst(%dma_wait3A_327 : memref<80x64xf32, #tpu.memory_space<vmem_shared>>)
      %dma_wait3A_328 = arith.constant 0 : i32
      %dma_wait3A_329 = arith.constant 0 : i32
      %dma_wait3A_330 = tpu.memref_slice %arg18[%dma_wait3A_328, %dma_wait3A_329] : memref<10000x64xf32, #tpu.memory_space<vmem_shared>> -> memref<80x64xf32, #tpu.memory_space<vmem_shared>>
      %dma_wait3A_331 = arith.constant 0 : i32
      %dma_wait3A_332 = arith.constant 0 : i32
      %dma_wait3A_333 = tpu.memref_slice %arg18[%dma_wait3A_331, %dma_wait3A_332] : memref<10000x64xf32, #tpu.memory_space<vmem_shared>> -> memref<80x64xf32, #tpu.memory_space<vmem_shared>>
      tpu.wait_dma2 semaphore(%arg28 : memref<!tpu.dma_semaphore, #tpu.memory_space<semaphore_mem>>) src(%arg12 : memref<80x64xf32, #tpu.memory_space<vmem>>) dst(%dma_wait3A_333 : memref<80x64xf32, #tpu.memory_space<vmem_shared>>)
      %dma_wait3A_334 = arith.constant 0 : i32
      %dma_wait3A_335 = arith.constant 0 : i32
      %dma_wait3A_336 = tpu.memref_slice %arg18[%dma_wait3A_334, %dma_wait3A_335] : memref<10000x64xf32, #tpu.memory_space<vmem_shared>> -> memref<80x64xf32, #tpu.memory_space<vmem_shared>>
      %dma_wait3A_337 = arith.constant 0 : i32
      %dma_wait3A_338 = arith.constant 0 : i32
      %dma_wait3A_339 = tpu.memref_slice %arg18[%dma_wait3A_337, %dma_wait3A_338] : memref<10000x64xf32, #tpu.memory_space<vmem_shared>> -> memref<80x64xf32, #tpu.memory_space<vmem_shared>>
      tpu.wait_dma2 semaphore(%arg29 : memref<!tpu.dma_semaphore, #tpu.memory_space<semaphore_mem>>) src(%arg13 : memref<80x64xf32, #tpu.memory_space<vmem>>) dst(%dma_wait3A_339 : memref<80x64xf32, #tpu.memory_space<vmem_shared>>)
      %dma_wait3A_340 = arith.constant 0 : i32
      %dma_wait3A_341 = arith.constant 0 : i32
      %dma_wait3A_342 = tpu.memref_slice %arg18[%dma_wait3A_340, %dma_wait3A_341] : memref<10000x64xf32, #tpu.memory_space<vmem_shared>> -> memref<80x64xf32, #tpu.memory_space<vmem_shared>>
      %dma_wait3A_343 = arith.constant 0 : i32
      %dma_wait3A_344 = arith.constant 0 : i32
      %dma_wait3A_345 = tpu.memref_slice %arg18[%dma_wait3A_343, %dma_wait3A_344] : memref<10000x64xf32, #tpu.memory_space<vmem_shared>> -> memref<80x64xf32, #tpu.memory_space<vmem_shared>>
      tpu.wait_dma2 semaphore(%arg30 : memref<!tpu.dma_semaphore, #tpu.memory_space<semaphore_mem>>) src(%arg14 : memref<80x64xf32, #tpu.memory_space<vmem>>) dst(%dma_wait3A_345 : memref<80x64xf32, #tpu.memory_space<vmem_shared>>)
      %dma_wait3A_346 = arith.constant 0 : i32
      %dma_wait3A_347 = arith.constant 0 : i32
      %dma_wait3A_348 = tpu.memref_slice %arg18[%dma_wait3A_346, %dma_wait3A_347] : memref<10000x64xf32, #tpu.memory_space<vmem_shared>> -> memref<80x64xf32, #tpu.memory_space<vmem_shared>>
      %dma_wait3A_349 = arith.constant 0 : i32
      %dma_wait3A_350 = arith.constant 0 : i32
      %dma_wait3A_351 = tpu.memref_slice %arg18[%dma_wait3A_349, %dma_wait3A_350] : memref<10000x64xf32, #tpu.memory_space<vmem_shared>> -> memref<80x64xf32, #tpu.memory_space<vmem_shared>>
      tpu.wait_dma2 semaphore(%arg31 : memref<!tpu.dma_semaphore, #tpu.memory_space<semaphore_mem>>) src(%arg15 : memref<80x64xf32, #tpu.memory_space<vmem>>) dst(%dma_wait3A_351 : memref<80x64xf32, #tpu.memory_space<vmem_shared>>)
      %dma_wait3A_352 = arith.constant 0 : i32
      %dma_wait3A_353 = arith.constant 0 : i32
      %dma_wait3A_354 = tpu.memref_slice %arg18[%dma_wait3A_352, %dma_wait3A_353] : memref<10000x64xf32, #tpu.memory_space<vmem_shared>> -> memref<80x64xf32, #tpu.memory_space<vmem_shared>>
      %dma_wait3A_355 = arith.constant 0 : i32
      %dma_wait3A_356 = arith.constant 0 : i32
      %dma_wait3A_357 = tpu.memref_slice %arg18[%dma_wait3A_355, %dma_wait3A_356] : memref<10000x64xf32, #tpu.memory_space<vmem_shared>> -> memref<80x64xf32, #tpu.memory_space<vmem_shared>>
      tpu.wait_dma2 semaphore(%arg32 : memref<!tpu.dma_semaphore, #tpu.memory_space<semaphore_mem>>) src(%arg16 : memref<80x64xf32, #tpu.memory_space<vmem>>) dst(%dma_wait3A_357 : memref<80x64xf32, #tpu.memory_space<vmem_shared>>)
    } else {
    }
    %barrier3A_31 = arith.constant 0 : index
    tpu.barrier barrier_id(%barrier3A_31)
    %eq3A_32 = arith.constant 0 : i32
    %eq3A_33 = arith.cmpi eq, %arg0, %eq3A_32 : i32
    %convert_element_type3A_34 = arith.extui %eq3A_33 : i1 to i32
    %cond3A_35 = arith.constant 0 : i32
    %cond3A_36 = arith.cmpi ne, %convert_element_type3A_34, %cond3A_35 : i32
    scf.if %cond3A_36 {
      %mul3A_42 = arith.constant 625 : i32
      %mul3A_43 = arith.muli %arg1, %mul3A_42 : i32
      %mul3A_44 = arith.constant 625 : i32
      %mul3A_45 = arith.muli %arg1, %mul3A_44 : i32
      "tpu.region"() ({
        %run_scoped3A = tpu.sem_alloc : memref<!tpu.dma_semaphore, #tpu.memory_space<semaphore_mem>>
        %dma_start3A = arith.constant 0 : i32
        %dma_start3A_46 = tpu.memref_slice %arg6[%mul3A_45, %dma_start3A] : memref<10000x64xf32, #tpu.memory_space<hbm>> -> memref<625x64xf32, #tpu.memory_space<hbm>>
        %dma_start3A_47 = arith.constant 0 : i32
        %dma_start3A_48 = tpu.memref_slice %arg18[%mul3A_43, %dma_start3A_47] : memref<10000x64xf32, #tpu.memory_space<vmem_shared>> -> memref<625x64xf32, #tpu.memory_space<vmem_shared>>
        tpu.enqueue_dma source(%dma_start3A_48 : memref<625x64xf32, #tpu.memory_space<vmem_shared>>) target(%dma_start3A_46 : memref<625x64xf32, #tpu.memory_space<hbm>>) target_semaphore(%run_scoped3A : memref<!tpu.dma_semaphore, #tpu.memory_space<semaphore_mem>>)
        %dma_wait3A = arith.constant 0 : i32
        %dma_wait3A_49 = tpu.memref_slice %arg6[%mul3A_45, %dma_wait3A] : memref<10000x64xf32, #tpu.memory_space<hbm>> -> memref<625x64xf32, #tpu.memory_space<hbm>>
        %dma_wait3A_50 = arith.constant 0 : i32
        %dma_wait3A_51 = tpu.memref_slice %arg18[%mul3A_43, %dma_wait3A_50] : memref<10000x64xf32, #tpu.memory_space<vmem_shared>> -> memref<625x64xf32, #tpu.memory_space<vmem_shared>>
        tpu.wait_dma2 semaphore(%run_scoped3A : memref<!tpu.dma_semaphore, #tpu.memory_space<semaphore_mem>>) src(%dma_wait3A_51 : memref<625x64xf32, #tpu.memory_space<vmem_shared>>) dst(%dma_wait3A_49 : memref<625x64xf32, #tpu.memory_space<hbm>>)
        tpu.yield
      }) : () -> ()
    } else {
    }
    %eq3A_37 = arith.constant 1 : i32
    %eq3A_38 = arith.cmpi eq, %arg0, %eq3A_37 : i32
    %convert_element_type3A_39 = arith.extui %eq3A_38 : i1 to i32
    %cond3A_40 = arith.constant 0 : i32
    %cond3A_41 = arith.cmpi ne, %convert_element_type3A_39, %cond3A_40 : i32
    scf.if %cond3A_41 {
      %mul3A_42 = arith.constant 625 : i32
      %mul3A_43 = arith.muli %arg1, %mul3A_42 : i32
      %mul3A_44 = arith.constant 625 : i32
      %mul3A_45 = arith.muli %arg1, %mul3A_44 : i32
      "tpu.region"() ({
        %run_scoped3A = tpu.sem_alloc : memref<!tpu.dma_semaphore, #tpu.memory_space<semaphore_mem>>
        %dma_start3A = arith.constant 0 : i32
        %dma_start3A_46 = tpu.memref_slice %arg7[%mul3A_45, %dma_start3A] : memref<10000x64xf32, #tpu.memory_space<hbm>> -> memref<625x64xf32, #tpu.memory_space<hbm>>
        %dma_start3A_47 = arith.constant 0 : i32
        %dma_start3A_48 = tpu.memref_slice %arg18[%mul3A_43, %dma_start3A_47] : memref<10000x64xf32, #tpu.memory_space<vmem_shared>> -> memref<625x64xf32, #tpu.memory_space<vmem_shared>>
        tpu.enqueue_dma source(%dma_start3A_48 : memref<625x64xf32, #tpu.memory_space<vmem_shared>>) target(%dma_start3A_46 : memref<625x64xf32, #tpu.memory_space<hbm>>) target_semaphore(%run_scoped3A : memref<!tpu.dma_semaphore, #tpu.memory_space<semaphore_mem>>)
        %dma_wait3A = arith.constant 0 : i32
        %dma_wait3A_49 = tpu.memref_slice %arg7[%mul3A_45, %dma_wait3A] : memref<10000x64xf32, #tpu.memory_space<hbm>> -> memref<625x64xf32, #tpu.memory_space<hbm>>
        %dma_wait3A_50 = arith.constant 0 : i32
        %dma_wait3A_51 = tpu.memref_slice %arg18[%mul3A_43, %dma_wait3A_50] : memref<10000x64xf32, #tpu.memory_space<vmem_shared>> -> memref<625x64xf32, #tpu.memory_space<vmem_shared>>
        tpu.wait_dma2 semaphore(%run_scoped3A : memref<!tpu.dma_semaphore, #tpu.memory_space<semaphore_mem>>) src(%dma_wait3A_51 : memref<625x64xf32, #tpu.memory_space<vmem_shared>>) dst(%dma_wait3A_49 : memref<625x64xf32, #tpu.memory_space<hbm>>)
        tpu.yield
      }) : () -> ()
    } else {
    }
    return
  }
}

module attributes {stable_mosaic.version = 14 : i64} {
  func.func @_mm_scale_body(%arg0: i32, %arg1: memref<2x2000x16xf32, #tpu.memory_space<vmem>>, %arg2: memref<2000x128xf32, #tpu.memory_space<vmem>>, %arg3: memref<128x128xf32, #tpu.memory_space<vmem>>, %arg4: memref<128x128xf32, #tpu.memory_space<vmem>>, %arg5: memref<128x128xf32, #tpu.memory_space<vmem>>, %arg6: memref<128x128xf32, #tpu.memory_space<vmem>>, %arg7: memref<1000x128xf32, #tpu.memory_space<vmem>>, %arg8: memref<1000x128xf32, #tpu.memory_space<vmem>>) attributes {dimension_semantics = [#tpu.dimension_semantics<arbitrary>], iteration_bounds = array<i64: 5>, scalar_prefetch = 0 : i64, scratch_operands = 0 : i64, tpu.core_type = #tpu.core_type<tc>, window_params = [{transform_indices = @transform_0, window_bounds = array<i64: 2, 2000, 16>}, {transform_indices = @transform_1, window_bounds = array<i64: 2000, 128>}, {pipeline_mode = #tpu.pipeline_mode<synchronous>, transform_indices = @transform_2, window_bounds = array<i64: 128, 128>}, {pipeline_mode = #tpu.pipeline_mode<synchronous>, transform_indices = @transform_3, window_bounds = array<i64: 128, 128>}, {pipeline_mode = #tpu.pipeline_mode<synchronous>, transform_indices = @transform_4, window_bounds = array<i64: 128, 128>}, {pipeline_mode = #tpu.pipeline_mode<synchronous>, transform_indices = @transform_5, window_bounds = array<i64: 128, 128>}, {transform_indices = @transform_6, window_bounds = array<i64: 1000, 128>}, {transform_indices = @transform_7, window_bounds = array<i64: 1000, 128>}]} {
    %get3A = arith.constant 0 : index
    %get3A_0 = arith.constant 0 : index
    %get3A_1 = arith.constant 0 : index
    %get3A_2 = vector.load %arg1[%get3A, %get3A_0, %get3A_1] : memref<2x2000x16xf32, #tpu.memory_space<vmem>>, vector<2x2000x16xf32>
    %slice3A = vector.extract_strided_slice %get3A_2 {offsets = [0, 0, 0], sizes = [1, 2000, 1], strides = [1, 1, 1]} : vector<2x2000x16xf32> to vector<1x2000x1xf32>
    %squeeze3A = vector.shape_cast %slice3A : vector<1x2000x1xf32> to vector<2000x1xf32>
    %slice3A_3 = vector.extract_strided_slice %get3A_2 {offsets = [1, 0, 0], sizes = [1, 2000, 1], strides = [1, 1, 1]} : vector<2x2000x16xf32> to vector<1x2000x1xf32>
    %squeeze3A_4 = vector.shape_cast %slice3A_3 : vector<1x2000x1xf32> to vector<2000x1xf32>
    %add3A = arith.addf %squeeze3A, %squeeze3A_4 : vector<2000x1xf32>
    %add3A_5 = arith.constant 1.000000e+00 : f32
    %add3A_6 = vector.broadcast %add3A_5 : f32 to vector<2000x1xf32>
    %add3A_7 = arith.addf %add3A, %add3A_6 : vector<2000x1xf32>
    %rsqrt3A = math.rsqrt %add3A_7 : vector<2000x1xf32>
    %reshape3A = vector.shape_cast %rsqrt3A : vector<2000x1xf32> to vector<1000x2x1xf32>
    %slice3A_8 = vector.extract_strided_slice %reshape3A {offsets = [0, 0, 0], sizes = [1000, 1, 1], strides = [1, 1, 1]} : vector<1000x2x1xf32> to vector<1000x1x1xf32>
    %squeeze3A_9 = vector.shape_cast %slice3A_8 : vector<1000x1x1xf32> to vector<1000x1xf32>
    %broadcast_in_dim3A = vector.shape_cast %squeeze3A_9 : vector<1000x1xf32> to vector<1000x1xf32>
    %broadcast_in_dim3A_10 = vector.broadcast %broadcast_in_dim3A : vector<1000x1xf32> to vector<1000x64xf32>
    %slice3A_11 = vector.extract_strided_slice %reshape3A {offsets = [0, 1, 0], sizes = [1000, 1, 1], strides = [1, 1, 1]} : vector<1000x2x1xf32> to vector<1000x1x1xf32>
    %squeeze3A_12 = vector.shape_cast %slice3A_11 : vector<1000x1x1xf32> to vector<1000x1xf32>
    %broadcast_in_dim3A_13 = vector.shape_cast %squeeze3A_12 : vector<1000x1xf32> to vector<1000x1xf32>
    %broadcast_in_dim3A_14 = vector.broadcast %broadcast_in_dim3A_13 : vector<1000x1xf32> to vector<1000x64xf32>
    %concatenate3A = tpu.concatenate %broadcast_in_dim3A_10, %broadcast_in_dim3A_14 in 1 : vector<1000x64xf32>, vector<1000x64xf32> -> vector<1000x128xf32>
    %get3A_15 = arith.constant 0 : index
    %get3A_16 = arith.constant 0 : index
    %get3A_17 = vector.load %arg2[%get3A_15, %get3A_16] : memref<2000x128xf32, #tpu.memory_space<vmem>>, vector<2000x128xf32>
    %reshape3A_18 = vector.shape_cast %get3A_17 : vector<2000x128xf32> to vector<1000x2x128xf32>
    %slice3A_19 = vector.extract_strided_slice %reshape3A_18 {offsets = [0, 0, 0], sizes = [1000, 1, 128], strides = [1, 1, 1]} : vector<1000x2x128xf32> to vector<1000x1x128xf32>
    %squeeze3A_20 = vector.shape_cast %slice3A_19 : vector<1000x1x128xf32> to vector<1000x128xf32>
    %slice3A_21 = vector.extract_strided_slice %reshape3A_18 {offsets = [0, 1, 0], sizes = [1000, 1, 128], strides = [1, 1, 1]} : vector<1000x2x128xf32> to vector<1000x1x128xf32>
    %squeeze3A_22 = vector.shape_cast %slice3A_21 : vector<1000x1x128xf32> to vector<1000x128xf32>
    %get3A_23 = arith.constant 0 : index
    %get3A_24 = arith.constant 0 : index
    %get3A_25 = vector.load %arg3[%get3A_23, %get3A_24] : memref<128x128xf32, #tpu.memory_space<vmem>>, vector<128x128xf32>
    %dot_general3A = arith.constant dense<0.000000e+00> : vector<1000x128xf32>
    %dot_general3A_26 = tpu.matmul %squeeze3A_20, %get3A_25, %dot_general3A {dimension_numbers = #tpu.dot_dimension_numbers<[1], [0], [0], [1], [0, 0, 1, 1], [], []>, transpose_lhs_hint = false} : vector<1000x128xf32>, vector<128x128xf32>, vector<1000x128xf32> -> vector<1000x128xf32>
    %get3A_27 = arith.constant 0 : index
    %get3A_28 = arith.constant 0 : index
    %get3A_29 = vector.load %arg4[%get3A_27, %get3A_28] : memref<128x128xf32, #tpu.memory_space<vmem>>, vector<128x128xf32>
    %dot_general3A_30 = arith.constant dense<0.000000e+00> : vector<1000x128xf32>
    %dot_general3A_31 = tpu.matmul %squeeze3A_22, %get3A_29, %dot_general3A_30 {dimension_numbers = #tpu.dot_dimension_numbers<[1], [0], [0], [1], [0, 0, 1, 1], [], []>, transpose_lhs_hint = false} : vector<1000x128xf32>, vector<128x128xf32>, vector<1000x128xf32> -> vector<1000x128xf32>
    %add3A_32 = arith.addf %dot_general3A_26, %dot_general3A_31 : vector<1000x128xf32>
    %mul3A = arith.mulf %add3A_32, %concatenate3A : vector<1000x128xf32>
    %swap3A = arith.constant 0 : index
    %swap3A_33 = arith.constant 0 : index
    %swap3A_34 = vector.load %arg7[%swap3A, %swap3A_33] : memref<1000x128xf32, #tpu.memory_space<vmem>>, vector<1000x128xf32>
    tpu.vector_store %arg7[%swap3A, %swap3A_33], %mul3A {strides = array<i32>} : memref<1000x128xf32, #tpu.memory_space<vmem>>, vector<1000x128xf32>,
    %get3A_35 = arith.constant 0 : index
    %get3A_36 = arith.constant 0 : index
    %get3A_37 = vector.load %arg5[%get3A_35, %get3A_36] : memref<128x128xf32, #tpu.memory_space<vmem>>, vector<128x128xf32>
    %dot_general3A_38 = arith.constant dense<0.000000e+00> : vector<1000x128xf32>
    %dot_general3A_39 = tpu.matmul %squeeze3A_20, %get3A_37, %dot_general3A_38 {dimension_numbers = #tpu.dot_dimension_numbers<[1], [0], [0], [1], [0, 0, 1, 1], [], []>, transpose_lhs_hint = false} : vector<1000x128xf32>, vector<128x128xf32>, vector<1000x128xf32> -> vector<1000x128xf32>
    %get3A_40 = arith.constant 0 : index
    %get3A_41 = arith.constant 0 : index
    %get3A_42 = vector.load %arg6[%get3A_40, %get3A_41] : memref<128x128xf32, #tpu.memory_space<vmem>>, vector<128x128xf32>
    %dot_general3A_43 = arith.constant dense<0.000000e+00> : vector<1000x128xf32>
    %dot_general3A_44 = tpu.matmul %squeeze3A_22, %get3A_42, %dot_general3A_43 {dimension_numbers = #tpu.dot_dimension_numbers<[1], [0], [0], [1], [0, 0, 1, 1], [], []>, transpose_lhs_hint = false} : vector<1000x128xf32>, vector<128x128xf32>, vector<1000x128xf32> -> vector<1000x128xf32>
    %add3A_45 = arith.addf %dot_general3A_39, %dot_general3A_44 : vector<1000x128xf32>
    %mul3A_46 = arith.mulf %add3A_45, %concatenate3A : vector<1000x128xf32>
    %swap3A_47 = arith.constant 0 : index
    %swap3A_48 = arith.constant 0 : index
    %swap3A_49 = vector.load %arg8[%swap3A_47, %swap3A_48] : memref<1000x128xf32, #tpu.memory_space<vmem>>, vector<1000x128xf32>
    tpu.vector_store %arg8[%swap3A_47, %swap3A_48], %mul3A_46 {strides = array<i32>} : memref<1000x128xf32, #tpu.memory_space<vmem>>, vector<1000x128xf32>,
    return
  }
  func.func @transform_0(%arg0: i32) -> (i32, i32, i32) {
    %c0_i32 = arith.constant 0 : i32
    %c0_i32_0 = arith.constant 0 : i32
    %c0_i32_1 = arith.constant 0 : i32
    return %c0_i32, %arg0, %c0_i32_0 : i32, i32, i32
  }
  func.func @transform_1(%arg0: i32) -> (i32, i32) {
    %c0_i32 = arith.constant 0 : i32
    %c0_i32_0 = arith.constant 0 : i32
    return %arg0, %c0_i32 : i32, i32
  }
  func.func @transform_2(%arg0: i32) -> (i32, i32) {
    %c0_i32 = arith.constant 0 : i32
    %c0_i32_0 = arith.constant 0 : i32
    %c0_i32_1 = arith.constant 0 : i32
    return %c0_i32, %c0_i32_0 : i32, i32
  }
  func.func @transform_3(%arg0: i32) -> (i32, i32) {
    %c0_i32 = arith.constant 0 : i32
    %c0_i32_0 = arith.constant 0 : i32
    %c0_i32_1 = arith.constant 0 : i32
    return %c0_i32, %c0_i32_0 : i32, i32
  }
  func.func @transform_4(%arg0: i32) -> (i32, i32) {
    %c0_i32 = arith.constant 0 : i32
    %c0_i32_0 = arith.constant 0 : i32
    %c0_i32_1 = arith.constant 0 : i32
    return %c0_i32, %c0_i32_0 : i32, i32
  }
  func.func @transform_5(%arg0: i32) -> (i32, i32) {
    %c0_i32 = arith.constant 0 : i32
    %c0_i32_0 = arith.constant 0 : i32
    %c0_i32_1 = arith.constant 0 : i32
    return %c0_i32, %c0_i32_0 : i32, i32
  }
  func.func @transform_6(%arg0: i32) -> (i32, i32) {
    %c0_i32 = arith.constant 0 : i32
    %c0_i32_0 = arith.constant 0 : i32
    return %arg0, %c0_i32 : i32, i32
  }
  func.func @transform_7(%arg0: i32) -> (i32, i32) {
    %c0_i32 = arith.constant 0 : i32
    %c0_i32_0 = arith.constant 0 : i32
    return %arg0, %c0_i32 : i32, i32
  }
}

module attributes {stable_mosaic.version = 14 : i64} {
  func.func @_layer2_body(%arg0: i32, %arg1: memref<2x2000x16xf32, #tpu.memory_space<vmem>>, %arg2: memref<1000x128xf32, #tpu.memory_space<vmem>>, %arg3: memref<1000x128xf32, #tpu.memory_space<vmem>>, %arg4: memref<1000x128xf32, #tpu.memory_space<vmem>>, %arg5: memref<1000x128xf32, #tpu.memory_space<vmem>>, %arg6: memref<1x128xf32, #tpu.memory_space<vmem>>, %arg7: memref<1x128xf32, #tpu.memory_space<vmem>>, %arg8: memref<128x128xf32, #tpu.memory_space<vmem>>, %arg9: memref<128x128xf32, #tpu.memory_space<vmem>>, %arg10: memref<128x128xf32, #tpu.memory_space<vmem>>, %arg11: memref<128x128xf32, #tpu.memory_space<vmem>>, %arg12: memref<1000x128xf32, #tpu.memory_space<vmem>>, %arg13: memref<1000x128xf32, #tpu.memory_space<vmem>>) attributes {dimension_semantics = [#tpu.dimension_semantics<arbitrary>], iteration_bounds = array<i64: 5>, scalar_prefetch = 0 : i64, scratch_operands = 0 : i64, tpu.core_type = #tpu.core_type<tc>, window_params = [{transform_indices = @transform_0, window_bounds = array<i64: 2, 2000, 16>}, {transform_indices = @transform_1, window_bounds = array<i64: 1000, 128>}, {transform_indices = @transform_2, window_bounds = array<i64: 1000, 128>}, {transform_indices = @transform_3, window_bounds = array<i64: 1000, 128>}, {transform_indices = @transform_4, window_bounds = array<i64: 1000, 128>}, {pipeline_mode = #tpu.pipeline_mode<synchronous>, transform_indices = @transform_5, window_bounds = array<i64: 1, 128>}, {pipeline_mode = #tpu.pipeline_mode<synchronous>, transform_indices = @transform_6, window_bounds = array<i64: 1, 128>}, {pipeline_mode = #tpu.pipeline_mode<synchronous>, transform_indices = @transform_7, window_bounds = array<i64: 128, 128>}, {pipeline_mode = #tpu.pipeline_mode<synchronous>, transform_indices = @transform_8, window_bounds = array<i64: 128, 128>}, {pipeline_mode = #tpu.pipeline_mode<synchronous>, transform_indices = @transform_9, window_bounds = array<i64: 128, 128>}, {pipeline_mode = #tpu.pipeline_mode<synchronous>, transform_indices = @transform_10, window_bounds = array<i64: 128, 128>}, {transform_indices = @transform_11, window_bounds = array<i64: 1000, 128>}, {transform_indices = @transform_12, window_bounds = array<i64: 1000, 128>}]} {
    %get3A = arith.constant 0 : index
    %get3A_0 = arith.constant 0 : index
    %get3A_1 = arith.constant 0 : index
    %get3A_2 = vector.load %arg1[%get3A, %get3A_0, %get3A_1] : memref<2x2000x16xf32, #tpu.memory_space<vmem>>, vector<2x2000x16xf32>
    %slice3A = vector.extract_strided_slice %get3A_2 {offsets = [0, 0, 0], sizes = [1, 2000, 1], strides = [1, 1, 1]} : vector<2x2000x16xf32> to vector<1x2000x1xf32>
    %squeeze3A = vector.shape_cast %slice3A : vector<1x2000x1xf32> to vector<2000x1xf32>
    %slice3A_3 = vector.extract_strided_slice %get3A_2 {offsets = [1, 0, 0], sizes = [1, 2000, 1], strides = [1, 1, 1]} : vector<2x2000x16xf32> to vector<1x2000x1xf32>
    %squeeze3A_4 = vector.shape_cast %slice3A_3 : vector<1x2000x1xf32> to vector<2000x1xf32>
    %add3A = arith.addf %squeeze3A, %squeeze3A_4 : vector<2000x1xf32>
    %add3A_5 = arith.constant 1.000000e+00 : f32
    %add3A_6 = vector.broadcast %add3A_5 : f32 to vector<2000x1xf32>
    %add3A_7 = arith.addf %add3A, %add3A_6 : vector<2000x1xf32>
    %rsqrt3A = math.rsqrt %add3A_7 : vector<2000x1xf32>
    %reshape3A = vector.shape_cast %rsqrt3A : vector<2000x1xf32> to vector<1000x2x1xf32>
    %slice3A_8 = vector.extract_strided_slice %reshape3A {offsets = [0, 0, 0], sizes = [1000, 1, 1], strides = [1, 1, 1]} : vector<1000x2x1xf32> to vector<1000x1x1xf32>
    %squeeze3A_9 = vector.shape_cast %slice3A_8 : vector<1000x1x1xf32> to vector<1000x1xf32>
    %broadcast_in_dim3A = vector.shape_cast %squeeze3A_9 : vector<1000x1xf32> to vector<1000x1xf32>
    %broadcast_in_dim3A_10 = vector.broadcast %broadcast_in_dim3A : vector<1000x1xf32> to vector<1000x64xf32>
    %slice3A_11 = vector.extract_strided_slice %reshape3A {offsets = [0, 1, 0], sizes = [1000, 1, 1], strides = [1, 1, 1]} : vector<1000x2x1xf32> to vector<1000x1x1xf32>
    %squeeze3A_12 = vector.shape_cast %slice3A_11 : vector<1000x1x1xf32> to vector<1000x1xf32>
    %broadcast_in_dim3A_13 = vector.shape_cast %squeeze3A_12 : vector<1000x1xf32> to vector<1000x1xf32>
    %broadcast_in_dim3A_14 = vector.broadcast %broadcast_in_dim3A_13 : vector<1000x1xf32> to vector<1000x64xf32>
    %concatenate3A = tpu.concatenate %broadcast_in_dim3A_10, %broadcast_in_dim3A_14 in 1 : vector<1000x64xf32>, vector<1000x64xf32> -> vector<1000x128xf32>
    %get3A_15 = arith.constant 0 : index
    %get3A_16 = arith.constant 0 : index
    %get3A_17 = vector.load %arg2[%get3A_15, %get3A_16] : memref<1000x128xf32, #tpu.memory_space<vmem>>, vector<1000x128xf32>
    %get3A_18 = arith.constant 0 : index
    %get3A_19 = arith.constant 0 : index
    %get3A_20 = vector.load %arg4[%get3A_18, %get3A_19] : memref<1000x128xf32, #tpu.memory_space<vmem>>, vector<1000x128xf32>
    %add3A_21 = arith.addf %get3A_17, %get3A_20 : vector<1000x128xf32>
    %mul3A = arith.mulf %add3A_21, %concatenate3A : vector<1000x128xf32>
    %get3A_22 = arith.constant 0 : index
    %get3A_23 = arith.constant 0 : index
    %get3A_24 = vector.load %arg6[%get3A_22, %get3A_23] : memref<1x128xf32, #tpu.memory_space<vmem>>, vector<1x128xf32>
    %add3A_25 = vector.broadcast %get3A_24 : vector<1x128xf32> to vector<1000x128xf32>
    %add3A_26 = arith.addf %mul3A, %add3A_25 : vector<1000x128xf32>
    %max3A = arith.constant 0.000000e+00 : f32
    %max3A_27 = vector.broadcast %max3A : f32 to vector<1000x128xf32>
    %max3A_28 = arith.maximumf %add3A_26, %max3A_27 : vector<1000x128xf32>
    %get3A_29 = arith.constant 0 : index
    %get3A_30 = arith.constant 0 : index
    %get3A_31 = vector.load %arg3[%get3A_29, %get3A_30] : memref<1000x128xf32, #tpu.memory_space<vmem>>, vector<1000x128xf32>
    %get3A_32 = arith.constant 0 : index
    %get3A_33 = arith.constant 0 : index
    %get3A_34 = vector.load %arg5[%get3A_32, %get3A_33] : memref<1000x128xf32, #tpu.memory_space<vmem>>, vector<1000x128xf32>
    %add3A_35 = arith.addf %get3A_31, %get3A_34 : vector<1000x128xf32>
    %mul3A_36 = arith.mulf %add3A_35, %concatenate3A : vector<1000x128xf32>
    %get3A_37 = arith.constant 0 : index
    %get3A_38 = arith.constant 0 : index
    %get3A_39 = vector.load %arg7[%get3A_37, %get3A_38] : memref<1x128xf32, #tpu.memory_space<vmem>>, vector<1x128xf32>
    %add3A_40 = vector.broadcast %get3A_39 : vector<1x128xf32> to vector<1000x128xf32>
    %add3A_41 = arith.addf %mul3A_36, %add3A_40 : vector<1000x128xf32>
    %max3A_42 = arith.constant 0.000000e+00 : f32
    %max3A_43 = vector.broadcast %max3A_42 : f32 to vector<1000x128xf32>
    %max3A_44 = arith.maximumf %add3A_41, %max3A_43 : vector<1000x128xf32>
    %get3A_45 = arith.constant 0 : index
    %get3A_46 = arith.constant 0 : index
    %get3A_47 = vector.load %arg8[%get3A_45, %get3A_46] : memref<128x128xf32, #tpu.memory_space<vmem>>, vector<128x128xf32>
    %dot_general3A = arith.constant dense<0.000000e+00> : vector<1000x128xf32>
    %dot_general3A_48 = tpu.matmul %max3A_28, %get3A_47, %dot_general3A {dimension_numbers = #tpu.dot_dimension_numbers<[1], [0], [0], [1], [0, 0, 1, 1], [], []>, transpose_lhs_hint = false} : vector<1000x128xf32>, vector<128x128xf32>, vector<1000x128xf32> -> vector<1000x128xf32>
    %get3A_49 = arith.constant 0 : index
    %get3A_50 = arith.constant 0 : index
    %get3A_51 = vector.load %arg9[%get3A_49, %get3A_50] : memref<128x128xf32, #tpu.memory_space<vmem>>, vector<128x128xf32>
    %dot_general3A_52 = arith.constant dense<0.000000e+00> : vector<1000x128xf32>
    %dot_general3A_53 = tpu.matmul %max3A_44, %get3A_51, %dot_general3A_52 {dimension_numbers = #tpu.dot_dimension_numbers<[1], [0], [0], [1], [0, 0, 1, 1], [], []>, transpose_lhs_hint = false} : vector<1000x128xf32>, vector<128x128xf32>, vector<1000x128xf32> -> vector<1000x128xf32>
    %add3A_54 = arith.addf %dot_general3A_48, %dot_general3A_53 : vector<1000x128xf32>
    %mul3A_55 = arith.mulf %add3A_54, %concatenate3A : vector<1000x128xf32>
    %swap3A = arith.constant 0 : index
    %swap3A_56 = arith.constant 0 : index
    %swap3A_57 = vector.load %arg12[%swap3A, %swap3A_56] : memref<1000x128xf32, #tpu.memory_space<vmem>>, vector<1000x128xf32>
    tpu.vector_store %arg12[%swap3A, %swap3A_56], %mul3A_55 {strides = array<i32>} : memref<1000x128xf32, #tpu.memory_space<vmem>>, vector<1000x128xf32>,
    %get3A_58 = arith.constant 0 : index
    %get3A_59 = arith.constant 0 : index
    %get3A_60 = vector.load %arg10[%get3A_58, %get3A_59] : memref<128x128xf32, #tpu.memory_space<vmem>>, vector<128x128xf32>
    %dot_general3A_61 = arith.constant dense<0.000000e+00> : vector<1000x128xf32>
    %dot_general3A_62 = tpu.matmul %max3A_28, %get3A_60, %dot_general3A_61 {dimension_numbers = #tpu.dot_dimension_numbers<[1], [0], [0], [1], [0, 0, 1, 1], [], []>, transpose_lhs_hint = false} : vector<1000x128xf32>, vector<128x128xf32>, vector<1000x128xf32> -> vector<1000x128xf32>
    %get3A_63 = arith.constant 0 : index
    %get3A_64 = arith.constant 0 : index
    %get3A_65 = vector.load %arg11[%get3A_63, %get3A_64] : memref<128x128xf32, #tpu.memory_space<vmem>>, vector<128x128xf32>
    %dot_general3A_66 = arith.constant dense<0.000000e+00> : vector<1000x128xf32>
    %dot_general3A_67 = tpu.matmul %max3A_44, %get3A_65, %dot_general3A_66 {dimension_numbers = #tpu.dot_dimension_numbers<[1], [0], [0], [1], [0, 0, 1, 1], [], []>, transpose_lhs_hint = false} : vector<1000x128xf32>, vector<128x128xf32>, vector<1000x128xf32> -> vector<1000x128xf32>
    %add3A_68 = arith.addf %dot_general3A_62, %dot_general3A_67 : vector<1000x128xf32>
    %mul3A_69 = arith.mulf %add3A_68, %concatenate3A : vector<1000x128xf32>
    %swap3A_70 = arith.constant 0 : index
    %swap3A_71 = arith.constant 0 : index
    %swap3A_72 = vector.load %arg13[%swap3A_70, %swap3A_71] : memref<1000x128xf32, #tpu.memory_space<vmem>>, vector<1000x128xf32>
    tpu.vector_store %arg13[%swap3A_70, %swap3A_71], %mul3A_69 {strides = array<i32>} : memref<1000x128xf32, #tpu.memory_space<vmem>>, vector<1000x128xf32>,
    return
  }
  func.func @transform_0(%arg0: i32) -> (i32, i32, i32) {
    %c0_i32 = arith.constant 0 : i32
    %c0_i32_0 = arith.constant 0 : i32
    %c0_i32_1 = arith.constant 0 : i32
    return %c0_i32, %arg0, %c0_i32_0 : i32, i32, i32
  }
  func.func @transform_1(%arg0: i32) -> (i32, i32) {
    %c0_i32 = arith.constant 0 : i32
    %c0_i32_0 = arith.constant 0 : i32
    return %arg0, %c0_i32 : i32, i32
  }
  func.func @transform_2(%arg0: i32) -> (i32, i32) {
    %c0_i32 = arith.constant 0 : i32
    %c0_i32_0 = arith.constant 0 : i32
    return %arg0, %c0_i32 : i32, i32
  }
  func.func @transform_3(%arg0: i32) -> (i32, i32) {
    %c0_i32 = arith.constant 0 : i32
    %c0_i32_0 = arith.constant 0 : i32
    return %arg0, %c0_i32 : i32, i32
  }
  func.func @transform_4(%arg0: i32) -> (i32, i32) {
    %c0_i32 = arith.constant 0 : i32
    %c0_i32_0 = arith.constant 0 : i32
    return %arg0, %c0_i32 : i32, i32
  }
  func.func @transform_5(%arg0: i32) -> (i32, i32) {
    %c0_i32 = arith.constant 0 : i32
    %c0_i32_0 = arith.constant 0 : i32
    %c0_i32_1 = arith.constant 0 : i32
    return %c0_i32, %c0_i32_0 : i32, i32
  }
  func.func @transform_6(%arg0: i32) -> (i32, i32) {
    %c0_i32 = arith.constant 0 : i32
    %c0_i32_0 = arith.constant 0 : i32
    %c0_i32_1 = arith.constant 0 : i32
    return %c0_i32, %c0_i32_0 : i32, i32
  }
  func.func @transform_7(%arg0: i32) -> (i32, i32) {
    %c0_i32 = arith.constant 0 : i32
    %c0_i32_0 = arith.constant 0 : i32
    %c0_i32_1 = arith.constant 0 : i32
    return %c0_i32, %c0_i32_0 : i32, i32
  }
  func.func @transform_8(%arg0: i32) -> (i32, i32) {
    %c0_i32 = arith.constant 0 : i32
    %c0_i32_0 = arith.constant 0 : i32
    %c0_i32_1 = arith.constant 0 : i32
    return %c0_i32, %c0_i32_0 : i32, i32
  }
  func.func @transform_9(%arg0: i32) -> (i32, i32) {
    %c0_i32 = arith.constant 0 : i32
    %c0_i32_0 = arith.constant 0 : i32
    %c0_i32_1 = arith.constant 0 : i32
    return %c0_i32, %c0_i32_0 : i32, i32
  }
  func.func @transform_10(%arg0: i32) -> (i32, i32) {
    %c0_i32 = arith.constant 0 : i32
    %c0_i32_0 = arith.constant 0 : i32
    %c0_i32_1 = arith.constant 0 : i32
    return %c0_i32, %c0_i32_0 : i32, i32
  }
  func.func @transform_11(%arg0: i32) -> (i32, i32) {
    %c0_i32 = arith.constant 0 : i32
    %c0_i32_0 = arith.constant 0 : i32
    return %arg0, %c0_i32 : i32, i32
  }
  func.func @transform_12(%arg0: i32) -> (i32, i32) {
    %c0_i32 = arith.constant 0 : i32
    %c0_i32_0 = arith.constant 0 : i32
    return %arg0, %c0_i32 : i32, i32
  }
}

module attributes {stable_mosaic.version = 14 : i64} {
  func.func @_final_body(%arg0: i32, %arg1: memref<2x2000x16xf32, #tpu.memory_space<vmem>>, %arg2: memref<1000x128xf32, #tpu.memory_space<vmem>>, %arg3: memref<1000x128xf32, #tpu.memory_space<vmem>>, %arg4: memref<1000x128xf32, #tpu.memory_space<vmem>>, %arg5: memref<1000x128xf32, #tpu.memory_space<vmem>>, %arg6: memref<1x128xf32, #tpu.memory_space<vmem>>, %arg7: memref<1x128xf32, #tpu.memory_space<vmem>>, %arg8: memref<2000x128xf32, #tpu.memory_space<vmem>>) attributes {dimension_semantics = [#tpu.dimension_semantics<arbitrary>], iteration_bounds = array<i64: 5>, scalar_prefetch = 0 : i64, scratch_operands = 0 : i64, tpu.core_type = #tpu.core_type<tc>, window_params = [{transform_indices = @transform_0, window_bounds = array<i64: 2, 2000, 16>}, {transform_indices = @transform_1, window_bounds = array<i64: 1000, 128>}, {transform_indices = @transform_2, window_bounds = array<i64: 1000, 128>}, {transform_indices = @transform_3, window_bounds = array<i64: 1000, 128>}, {transform_indices = @transform_4, window_bounds = array<i64: 1000, 128>}, {pipeline_mode = #tpu.pipeline_mode<synchronous>, transform_indices = @transform_5, window_bounds = array<i64: 1, 128>}, {pipeline_mode = #tpu.pipeline_mode<synchronous>, transform_indices = @transform_6, window_bounds = array<i64: 1, 128>}, {transform_indices = @transform_7, window_bounds = array<i64: 2000, 128>}]} {
    %get3A = arith.constant 0 : index
    %get3A_0 = arith.constant 0 : index
    %get3A_1 = arith.constant 0 : index
    %get3A_2 = vector.load %arg1[%get3A, %get3A_0, %get3A_1] : memref<2x2000x16xf32, #tpu.memory_space<vmem>>, vector<2x2000x16xf32>
    %slice3A = vector.extract_strided_slice %get3A_2 {offsets = [0, 0, 0], sizes = [1, 2000, 1], strides = [1, 1, 1]} : vector<2x2000x16xf32> to vector<1x2000x1xf32>
    %squeeze3A = vector.shape_cast %slice3A : vector<1x2000x1xf32> to vector<2000x1xf32>
    %slice3A_3 = vector.extract_strided_slice %get3A_2 {offsets = [1, 0, 0], sizes = [1, 2000, 1], strides = [1, 1, 1]} : vector<2x2000x16xf32> to vector<1x2000x1xf32>
    %squeeze3A_4 = vector.shape_cast %slice3A_3 : vector<1x2000x1xf32> to vector<2000x1xf32>
    %add3A = arith.addf %squeeze3A, %squeeze3A_4 : vector<2000x1xf32>
    %add3A_5 = arith.constant 1.000000e+00 : f32
    %add3A_6 = vector.broadcast %add3A_5 : f32 to vector<2000x1xf32>
    %add3A_7 = arith.addf %add3A, %add3A_6 : vector<2000x1xf32>
    %rsqrt3A = math.rsqrt %add3A_7 : vector<2000x1xf32>
    %reshape3A = vector.shape_cast %rsqrt3A : vector<2000x1xf32> to vector<1000x2x1xf32>
    %slice3A_8 = vector.extract_strided_slice %reshape3A {offsets = [0, 0, 0], sizes = [1000, 1, 1], strides = [1, 1, 1]} : vector<1000x2x1xf32> to vector<1000x1x1xf32>
    %squeeze3A_9 = vector.shape_cast %slice3A_8 : vector<1000x1x1xf32> to vector<1000x1xf32>
    %broadcast_in_dim3A = vector.shape_cast %squeeze3A_9 : vector<1000x1xf32> to vector<1000x1xf32>
    %broadcast_in_dim3A_10 = vector.broadcast %broadcast_in_dim3A : vector<1000x1xf32> to vector<1000x64xf32>
    %slice3A_11 = vector.extract_strided_slice %reshape3A {offsets = [0, 1, 0], sizes = [1000, 1, 1], strides = [1, 1, 1]} : vector<1000x2x1xf32> to vector<1000x1x1xf32>
    %squeeze3A_12 = vector.shape_cast %slice3A_11 : vector<1000x1x1xf32> to vector<1000x1xf32>
    %broadcast_in_dim3A_13 = vector.shape_cast %squeeze3A_12 : vector<1000x1xf32> to vector<1000x1xf32>
    %broadcast_in_dim3A_14 = vector.broadcast %broadcast_in_dim3A_13 : vector<1000x1xf32> to vector<1000x64xf32>
    %concatenate3A = tpu.concatenate %broadcast_in_dim3A_10, %broadcast_in_dim3A_14 in 1 : vector<1000x64xf32>, vector<1000x64xf32> -> vector<1000x128xf32>
    %get3A_15 = arith.constant 0 : index
    %get3A_16 = arith.constant 0 : index
    %get3A_17 = vector.load %arg2[%get3A_15, %get3A_16] : memref<1000x128xf32, #tpu.memory_space<vmem>>, vector<1000x128xf32>
    %get3A_18 = arith.constant 0 : index
    %get3A_19 = arith.constant 0 : index
    %get3A_20 = vector.load %arg4[%get3A_18, %get3A_19] : memref<1000x128xf32, #tpu.memory_space<vmem>>, vector<1000x128xf32>
    %add3A_21 = arith.addf %get3A_17, %get3A_20 : vector<1000x128xf32>
    %mul3A = arith.mulf %add3A_21, %concatenate3A : vector<1000x128xf32>
    %get3A_22 = arith.constant 0 : index
    %get3A_23 = arith.constant 0 : index
    %get3A_24 = vector.load %arg6[%get3A_22, %get3A_23] : memref<1x128xf32, #tpu.memory_space<vmem>>, vector<1x128xf32>
    %add3A_25 = vector.broadcast %get3A_24 : vector<1x128xf32> to vector<1000x128xf32>
    %add3A_26 = arith.addf %mul3A, %add3A_25 : vector<1000x128xf32>
    %get3A_27 = arith.constant 0 : index
    %get3A_28 = arith.constant 0 : index
    %get3A_29 = vector.load %arg3[%get3A_27, %get3A_28] : memref<1000x128xf32, #tpu.memory_space<vmem>>, vector<1000x128xf32>
    %get3A_30 = arith.constant 0 : index
    %get3A_31 = arith.constant 0 : index
    %get3A_32 = vector.load %arg5[%get3A_30, %get3A_31] : memref<1000x128xf32, #tpu.memory_space<vmem>>, vector<1000x128xf32>
    %add3A_33 = arith.addf %get3A_29, %get3A_32 : vector<1000x128xf32>
    %mul3A_34 = arith.mulf %add3A_33, %concatenate3A : vector<1000x128xf32>
    %get3A_35 = arith.constant 0 : index
    %get3A_36 = arith.constant 0 : index
    %get3A_37 = vector.load %arg7[%get3A_35, %get3A_36] : memref<1x128xf32, #tpu.memory_space<vmem>>, vector<1x128xf32>
    %add3A_38 = vector.broadcast %get3A_37 : vector<1x128xf32> to vector<1000x128xf32>
    %add3A_39 = arith.addf %mul3A_34, %add3A_38 : vector<1000x128xf32>
    %slice3A_40 = vector.extract_strided_slice %add3A_26 {offsets = [0, 0], sizes = [1000, 64], strides = [1, 1]} : vector<1000x128xf32> to vector<1000x64xf32>
    %slice3A_41 = vector.extract_strided_slice %add3A_39 {offsets = [0, 0], sizes = [1000, 64], strides = [1, 1]} : vector<1000x128xf32> to vector<1000x64xf32>
    %concatenate3A_42 = tpu.concatenate %slice3A_40, %slice3A_41 in 1 : vector<1000x64xf32>, vector<1000x64xf32> -> vector<1000x128xf32>
    %slice3A_43 = vector.extract_strided_slice %add3A_26 {offsets = [0, 64], sizes = [1000, 64], strides = [1, 1]} : vector<1000x128xf32> to vector<1000x64xf32>
    %slice3A_44 = vector.extract_strided_slice %add3A_39 {offsets = [0, 64], sizes = [1000, 64], strides = [1, 1]} : vector<1000x128xf32> to vector<1000x64xf32>
    %concatenate3A_45 = tpu.concatenate %slice3A_43, %slice3A_44 in 1 : vector<1000x64xf32>, vector<1000x64xf32> -> vector<1000x128xf32>
    %broadcast_in_dim3A_46 = vector.shape_cast %concatenate3A_42 : vector<1000x128xf32> to vector<1000x1x128xf32>
    %broadcast_in_dim3A_47 = vector.shape_cast %concatenate3A_45 : vector<1000x128xf32> to vector<1000x1x128xf32>
    %concatenate3A_48 = tpu.concatenate %broadcast_in_dim3A_46, %broadcast_in_dim3A_47 in 1 : vector<1000x1x128xf32>, vector<1000x1x128xf32> -> vector<1000x2x128xf32>
    %reshape3A_49 = vector.shape_cast %concatenate3A_48 : vector<1000x2x128xf32> to vector<2000x128xf32>
    %reduce_max3A = arith.constant dense<0xFF800000> : vector<2000xf32>
    %reduce_max3A_50 = vector.multi_reduction <maximumf>, %reshape3A_49, %reduce_max3A [1] : vector<2000x128xf32> to vector<2000xf32>
    %broadcast_in_dim3A_51 = vector.shape_cast %reduce_max3A_50 : vector<2000xf32> to vector<2000x1xf32>
    %sub3A = vector.broadcast %broadcast_in_dim3A_51 : vector<2000x1xf32> to vector<2000x128xf32>
    %sub3A_52 = arith.subf %reshape3A_49, %sub3A : vector<2000x128xf32>
    %exp3A = math.exp %sub3A_52 : vector<2000x128xf32>
    %reduce_sum3A = arith.constant dense<0.000000e+00> : vector<2000xf32>
    %reduce_sum3A_53 = vector.multi_reduction <add>, %exp3A, %reduce_sum3A [1] : vector<2000x128xf32> to vector<2000xf32>
    %broadcast_in_dim3A_54 = vector.shape_cast %reduce_sum3A_53 : vector<2000xf32> to vector<2000x1xf32>
    %log3A = math.log %broadcast_in_dim3A_54 : vector<2000x1xf32>
    %sub3A_55 = vector.broadcast %broadcast_in_dim3A_51 : vector<2000x1xf32> to vector<2000x128xf32>
    %sub3A_56 = arith.subf %reshape3A_49, %sub3A_55 : vector<2000x128xf32>
    %sub3A_57 = vector.broadcast %log3A : vector<2000x1xf32> to vector<2000x128xf32>
    %sub3A_58 = arith.subf %sub3A_56, %sub3A_57 : vector<2000x128xf32>
    %swap3A = arith.constant 0 : index
    %swap3A_59 = arith.constant 0 : index
    %swap3A_60 = vector.load %arg8[%swap3A, %swap3A_59] : memref<2000x128xf32, #tpu.memory_space<vmem>>, vector<2000x128xf32>
    tpu.vector_store %arg8[%swap3A, %swap3A_59], %sub3A_58 {strides = array<i32>} : memref<2000x128xf32, #tpu.memory_space<vmem>>, vector<2000x128xf32>,
    return
  }
  func.func @transform_0(%arg0: i32) -> (i32, i32, i32) {
    %c0_i32 = arith.constant 0 : i32
    %c0_i32_0 = arith.constant 0 : i32
    %c0_i32_1 = arith.constant 0 : i32
    return %c0_i32, %arg0, %c0_i32_0 : i32, i32, i32
  }
  func.func @transform_1(%arg0: i32) -> (i32, i32) {
    %c0_i32 = arith.constant 0 : i32
    %c0_i32_0 = arith.constant 0 : i32
    return %arg0, %c0_i32 : i32, i32
  }
  func.func @transform_2(%arg0: i32) -> (i32, i32) {
    %c0_i32 = arith.constant 0 : i32
    %c0_i32_0 = arith.constant 0 : i32
    return %arg0, %c0_i32 : i32, i32
  }
  func.func @transform_3(%arg0: i32) -> (i32, i32) {
    %c0_i32 = arith.constant 0 : i32
    %c0_i32_0 = arith.constant 0 : i32
    return %arg0, %c0_i32 : i32, i32
  }
  func.func @transform_4(%arg0: i32) -> (i32, i32) {
    %c0_i32 = arith.constant 0 : i32
    %c0_i32_0 = arith.constant 0 : i32
    return %arg0, %c0_i32 : i32, i32
  }
  func.func @transform_5(%arg0: i32) -> (i32, i32) {
    %c0_i32 = arith.constant 0 : i32
    %c0_i32_0 = arith.constant 0 : i32
    %c0_i32_1 = arith.constant 0 : i32
    return %c0_i32, %c0_i32_0 : i32, i32
  }
  func.func @transform_6(%arg0: i32) -> (i32, i32) {
    %c0_i32 = arith.constant 0 : i32
    %c0_i32_0 = arith.constant 0 : i32
    %c0_i32_1 = arith.constant 0 : i32
    return %c0_i32, %c0_i32_0 : i32, i32
  }
  func.func @transform_7(%arg0: i32) -> (i32, i32) {
    %c0_i32 = arith.constant 0 : i32
    %c0_i32_0 = arith.constant 0 : i32
    return %arg0, %c0_i32 : i32, i32
  }
}

</mosaic_0001>

<sc_bundles>
// kernel: kernel.11.cloned.1.call-start
scs
__scs_entry_jumppad:
0x0: {  	(pc) =	sbr.rel $0x88, $3  }
0x1: {  	(tag) =	ssettag $0x0;
	lr =	simm.s32 $0x1  }
0x2: {  	[smem:$0x3F9B] =	sst lr;
	_ =	strace $0xD0000000  }
0x3: {  	_ = 	snop  }
0x4: {  	_ = 	snop  }
0x5: {  	_ = 	snop  }
0x6: {  	_ = 	snop  }
0x7: {  	_ = 	snop  }
__scs_overlays_trampoline_lowered:
0x8: {  	[smem:$0x3FAA] =	sst s0  }
0x9: {  	[smem:$0x3FAB] =	sst s1  }
0xa: {  	[smem:$0x3FAC] =	sst s2  }
0xb: {  	[smem:$0x3FAD] =	sst s3  }
0xc: {  	[smem:$0x3FAE] =	sst s4  }
0xd: {  	[smem:$0x3FAF] =	sst s5  }
0xe: {  	[smem:$0x3FB0] =	sst s6  }
0xf: {  	[smem:$0x3FB1] =	sst s7  }
0x10: {  	[smem:$0x3FB2] =	sst s8  }
0x11: {  	[smem:$0x3FB3] =	sst s9;
	s0 =	simm.s32 @!p0 $0x0  }
0x12: {  	s1 =	sld [smem:$0x3F99];
	s0 =	simm.s32 @p0 $0x1  }
0x13: {  	[smem:$0x3FB4] =	sst s0;
	s0 =	simm.s32 @!p1 $0x0  }
0x14: {  	s2 =	sld [smem:$0x3F98];
	s0 =	simm.s32 @p1 $0x1  }
0x15: {  	[smem:$0x3FB5] =	sst s0;
	s0 =	simm.s32 @!p2 $0x0  }
0x16: {  	s3 =	sld [smem:$0x3FDB];
	s0 =	simm.s32 @p2 $0x1  }
0x17: {  	s4 =	simm.s32 $0x1BF5;
	[smem:$0x3FB7] =	sst s0  }
0x18: {  	s0 =	sld [smem:$0x3F9A];
	_ =	swait.ge [sflag:s4], $0x0  }
0x19: {  	s7 =	sld [smem:$0x3F9B]  }
0x1a: {  	s8 =	sadd.s32 $0xFFFFE003, lr  }
0x1b: {  	s9 =	sadd.s32 $0xFFFFFEF7, lr;
	s5 =	simm.s32 $0xFFFFFFFF;
	p2 =	slt.u32 s8, $0xFFFFF086  }
0x1c: {  	p1 =	slt.u32 s9, $0xF7A;
	s5 =	simm.s32 @!p2 $0x0  }
0x1d: {  	s5 =	simm.s32 @p1 $0x1;
	p0 =	seq.s32 s7, s2  }
0x1e: {  	s7 =	smul.u32 @!p0 $0xF7A, s2;
	p2 =	seq.s32 @!p0 s5, $0x0  }
0x1f: {  	s9 =	smul.u32 $0xF7A, s1;
	s8 =	simm.s32 @!p0 $0x1BF5;
	p2 =	por !p2, p0  }
0x20: {  	[sflag:s8] =	ssyncset.s32 @!p0 $0xFFFFF086;
	s6 =	sadd.s32 @!p0 s3, s7;
	s7 =	simm.s32 @!p0 $0x108  }
0x21: {  	s3 =	sadd.s32 s3, s9;
	s6 =	sadd.s32 @!p0 $0x88, s6;
	s7 =	simm.s32 @p2 $0x1082  }
0x22: {  	[simem:s7], [sflag:s8] =	dma.local @!p0 [hbm:s6], $0xF7A  }
0x23: {  	s9 =	sor.u32 $0xD0000000, s2;
	s6 =	simm.s32 $0x108;
	_ =	swait.ge @!p0 [sflag:s8], $0x0  }
0x24: {  	s3 =	sadd.s32 $0x88, s3;
	s6 =	simm.s32 @!p1 $0x1082;
	[sflag:s4] =	ssyncset.s32 $0xFFFFF086  }
0x25: {  	[simem:s6], [sflag:s4] =	dma.local [hbm:s3], $0xF7A  }
0x26: {  	[smem:$0x3F9B] =	sst s1;
	(tag) =	ssettag s2;
	_ =	strace s9  }
0x27: {  	s1 =	sld [smem:$0x3FAB]  }
0x28: {  	s2 =	sld [smem:$0x3FAC]  }
0x29: {  	s4 =	sld [smem:$0x3FAE]  }
0x2a: {  	p0 =	seq.s32 s5, $0x0;
	s5 =	sld [smem:$0x3FAF]  }
0x2b: {  	s6 =	sld [smem:$0x3FB0]  }
0x2c: {  	s7 =	sld [smem:$0x3FB1]  }
0x2d: {  	s3 =	simm.s32 $0x108;
	s8 =	sld [smem:$0x3FB2]  }
0x2e: {  	s3 =	simm.s32 @!p0 $0x1082;
	s9 =	sld [smem:$0x3FB3]  }
0x2f: {  	lr =	sadd.s32 s0, s3;
	s0 =	sld [smem:$0x3FAA]  }
0x30: {  	s3 =	sld [smem:$0x3FAD]  }
0x31: {  	[smem:$0x3FB6] =	sst s10  }
0x32: {  	s10 =	sld [smem:$0x3FB4];
	_ =	sdelay $0x3  }
0x33: {  	p0 =	seq.s32 s10, $0x1;
	s10 =	sld [smem:$0x3FB6];
	_ =	sdelay $0x3  }
0x34: {  	[smem:$0x3FB6] =	sst s10  }
0x35: {  	s10 =	sld [smem:$0x3FB5];
	_ =	sdelay $0x3  }
0x36: {  	p1 =	seq.s32 s10, $0x1;
	s10 =	sld [smem:$0x3FB6];
	_ =	sdelay $0x3  }
0x37: {  	[smem:$0x3FB6] =	sst s10  }
0x38: {  	s10 =	sld [smem:$0x3FB7]  }
0x39: {  	_ = 	snop;
	(pc) =	sbr.ind lr, $3  }
0x3a: {  	_ = 	snop  }
0x3b: {  	_ = 	snop  }
0x3c: {  	p2 =	seq.s32 s10, $0x1;
	s10 =	sld [smem:$0x3FB6]  }
0x3d: {  	_ =	shalt  }
0x3e: {  	_ =	shalt  }
0x3f: {  	_ =	shalt  }
0x40: {  	_ =	shalt  }
0x41: {  	_ =	shalt  }
0x42: {  	_ =	shalt  }
0x43: {  	_ =	shalt  }
0x44: {  	_ =	shalt  }
0x45: {  	_ =	shalt  }
0x46: {  	_ =	shalt  }
0x47: {  	_ =	shalt  }
0x48: {  	_ =	shalt  }
0x49: {  	_ =	shalt  }
0x4a: {  	_ =	shalt  }
0x4b: {  	_ =	shalt  }
0x4c: {  	_ =	shalt  }
0x4d: {  	_ =	shalt  }
0x4e: {  	_ =	shalt  }
0x4f: {  	_ =	shalt  }
0x50: {  	_ =	shalt  }
0x51: {  	_ =	shalt  }
0x52: {  	_ =	shalt  }
0x53: {  	_ =	shalt  }
0x54: {  	_ =	shalt  }
0x55: {  	_ =	shalt  }
0x56: {  	_ =	shalt  }
0x57: {  	_ =	shalt  }
0x58: {  	_ =	shalt  }
0x59: {  	_ =	shalt  }
0x5a: {  	_ =	shalt  }
0x5b: {  	_ =	shalt  }
0x5c: {  	_ =	shalt  }
0x5d: {  	_ =	shalt  }
0x5e: {  	_ =	shalt  }
0x5f: {  	_ =	shalt  }
0x60: {  	_ =	shalt  }
0x61: {  	_ =	shalt  }
0x62: {  	_ =	shalt  }
0x63: {  	_ =	shalt  }
0x64: {  	_ =	shalt  }
0x65: {  	_ =	shalt  }
0x66: {  	_ =	shalt  }
0x67: {  	_ =	shalt  }
0x68: {  	_ =	shalt  }
0x69: {  	_ =	shalt  }
0x6a: {  	_ =	shalt  }
0x6b: {  	_ =	shalt  }
0x6c: {  	_ =	shalt  }
0x6d: {  	_ =	shalt  }
0x6e: {  	_ =	shalt  }
0x6f: {  	_ =	shalt  }
0x70: {  	_ =	shalt  }
0x71: {  	_ =	shalt  }
0x72: {  	_ =	shalt  }
0x73: {  	_ =	shalt  }
0x74: {  	_ =	shalt  }
0x75: {  	_ =	shalt  }
0x76: {  	_ =	shalt  }
0x77: {  	_ =	shalt  }
0x78: {  	_ =	shalt  }
0x79: {  	_ =	shalt  }
0x7a: {  	_ =	shalt  }
0x7b: {  	_ =	shalt  }
0x7c: {  	_ =	shalt  }
0x7d: {  	_ =	shalt  }
0x7e: {  	_ =	shalt  }
0x7f: {  	_ =	shalt  }
0x80: {  	_ =	shalt  }
0x81: {  	_ =	shalt  }
0x82: {  	_ =	shalt  }
0x83: {  	_ =	shalt  }
0x84: {  	_ =	shalt  }
0x85: {  	_ =	shalt  }
0x86: {  	_ =	shalt  }
0x87: {  	_ =	shalt  }
.Lfunc_end0:
.L_simem_size_0:
called_computation.1_lowered:
.L_overlay_start_0:
0x88: {  	s2 =	sld [smem:$0x3FD9]  }
0x89: {  	s3 =	sld [smem:$0x3FFE];
	_ =	sdelay $0x1  }
0x8a: {  	s1 =	srdreg.scid  }
0x8b: {  	s0 =	sand.u32 $0x1, s1  }
0x8c: {  	s17 =	sshll.u32 s0, $0xA;
	s2 =	sadd.s32 s3, s2  }
0x8d: {  	s2 =	sadd.s32 s2, s17  }
0x8e: {  	[smem:$0x3FC2] =	sst s2  }
0x8f: {  	_ = 	snop  }
0x90: {  	s2 =	sld [smem:$0x3FD0];
	(tm) =	ssettm $0x1  }
0x91: {  	s18 =	sld [smem:$0x3FFB];
	_ =	sdelay $0x3  }
0x92: {  	_ =	strace s18  }
0x93: {  	s3 =	sld [smem:$0x3FFC];
	_ =	sdelay $0x3  }
0x94: {  	_ =	strace s3  }
0x95: {  	s3 =	sld [smem:$0x3FFD];
	_ =	sdelay $0x3  }
0x96: {  	_ =	strace s3  }
0x97: {  	_ =	strace $0x8FFFFFFF  }
0x98: {  	s19 =	sld [smem:$0x3FDB];
	_ =	sdelay $0x1  }
0x99: {  	s4 =	simm.s32 $_scs_section_size  }
0x9a: {  	s5 =	simm.s32 $_size__tile_overlayer_lowered;
	s6 =	simm.s32 $_tile_overlayer_lowered  }
0x9b: {  	s22 =	simm.s32 $0x1BFF;
	s21 =	sshll.u32 s6, $0x1;
	s3 =	sadd.s32 s4, s19  }
0x9c: {  	s7 =	simm.s32 $0x0;
	s20 =	sshll.u32 s5, $0x1;
	s5 =	sadd.s32 s21, s3  }
0x9d: {  	[timem:s7], [sflag:s22] =	dma.local [hbm:s5], s20  }
0x9e: {  	_ =	swait.ge [sflag:s22], s20  }
0x9f: {  	s4 =	ssub.s32 $0x0, s20;
	[sflag:s22] =	ssyncset.done $0x0  }
0xa0: {  	[sflag:s22] =	ssyncadd.s32 s4;
	_ =	sdelay $0x1  }
0xa1: {  	s23 =	simm.s32 $0x1B8B  }
0xa2: {  	_ =	swait.ge [sflag:s23], $0x1  }
0xa3: {  	[sflag:s23] =	ssyncset.done $0x0  }
0xa4: {  	s25 =	simm.s32 $0x1B8E;
	s24 =	sld [smem:$0x3FFE];
	[sflag:s23] =	ssyncadd.s32 $0xFFFFFFFF  }
0xa5: {  	s26 =	simm.s32 $execute0_lowered;
	[smem:$0x3FD2] =	sst s25  }
0xa6: {  	s5 =	sshll.u32 s26, $0x1;
	_ =	strace $0x80000049;
	[dreg:$0x1] =	wrdreg $0xFFFFFFFF  }
0xa7: {  	s28 =	simm.s32 $_size_execute0_lowered;
	s3 =	sadd.s32 s3, s5;
	[dreg:$0x0] =	wrdreg $0x0  }
0xa8: {  	s5 =	sshll.u32 s28, $0x1;
	[dreg:$0x2] =	wrdreg s3  }
0xa9: {  	[dreg:$0x3] =	wrdreg s5  }
0xaa: {  	[dreg:$0x4] =	wrdreg $0xC0  }
0xab: {  	_ =	task [dreg:s7], $0x5FFFF  }
0xac: {  	[dreg:$0x1] =	wrdreg $0xFFFFFFFF  }
0xad: {  	[dreg:$0x0] =	wrdreg $0x60  }
0xae: {  	[dreg:$0x2] =	wrdreg s2  }
0xaf: {  	[dreg:$0x3] =	wrdreg s24  }
0xb0: {  	[dreg:$0x4] =	wrdreg $0x147800  }
0xb1: {  	[dreg:$0x5] =	wrdreg $0x9  }
0xb2: {  	_ =	task.clear_ibuf [dreg:s7], $0x6FFFF;
	_ =	strace $0x90000049  }
0xb3: {  	s29 =	simm.s32 $0x9;
	_ =	strace $0x8000004B  }
0xb4: {  	_ =	swait.ge [sflag:s29], $0x1  }
0xb5: {  	[sflag:s29] =	ssyncadd.s32 $0xFFFFFFFF  }
0xb6: {  	_ =	strace $0x9000004B  }
0xb7: {  	_ =	sfence  }
0xb8: {  	s30 =	sld [smem:$0x0];
	_ =	sdelay $0x2  }
0xb9: {  	s31 =	sshll.u32 s1, $0xD;
	s1 =	sshrl.u32 s1, $0x2  }
0xba: {  	s3 =	sand.u32 $0x4000, s31;
	s1 =	sadd.s32 s1, s30  }
0xbb: {  	s0 =	sor.u32 s3, s0;
	s1 =	sshll.u32 s1, $0x11  }
0xbc: {  	s0 =	sor.u32 s1, s0  }
0xbd: {  	s0 =	sadd.s32 $0x8F2B, s0  }
0xbe: {  	[sflag:s0] =	ssyncadd.remote.s32 $0x1  }
0xbf: {  	_ =	sfence.sel $0xFFFF  }
0xc0: {  	[dreg:$0x0] =	wrdreg $0xFFFFFFFF;
	(pc) =	sbr.abs _section_cstart, $3  }
0xc1: {  	[dreg:$0x1] =	wrdreg $0xFFFFFFFF  }
0xc2: {  	_ =	task.clear_ibuf [dreg:s7], $0x2FFFF;
	_ =	strace $0x9FFFFFFF  }
0xc3: {  	(tm) =	ssettm $0x7FFFFFFF  }
tec
execute0_lowered:
.L_overlay_start_1:
0x0: {  	(tag) =	ssettag $0x1  }
0x1: {  	s1 =	rddreg [dreg:$0x0]  }
0x2: {  	s0 =	rddreg [dreg:$0x1]  }
0x3: {  	s3 =	rddreg [dreg:$0x2];
	s2 =	simm.s32 $0x0;
	s8 =	stileid.u32  }
0x4: {  	s4 =	srdreg.scid;
	s29 =	simm.s32 $0xEC40;
	s31 =	simm.s32 $0x10040  }
0x5: {  	s30 =	simm.s32 $0x8;
	s28 =	simm.s32 $0x4;
	s9 =	simm.s32 $0xC  }
0x6: {  	s11 =	simm.s32 $0x7;
	s12 =	simm.s32 $0xD;
	s13 =	simm.s32 $0xE  }
0x7: {  	s14 =	simm.s32 $0x0;
	[smem:$0x7FF] =	sst s2;
	s17 =	smul.u32 $0x9C4, s8  }
0x8: {  	s5 =	sadd.s32 $0x67800, s0;
	s4 =	sand.u32 $0x1, s4;
	s7 =	smul.u32 $0x27100, s8  }
0x9: {  	s6 =	sadd.s32 $0x7B200, s0;
	s8 =	smul.u32 $0x9C40, s8;
	_ =	strace $0x8000004A  }
0xa: {  	[dreg:$0x4] =	wrdreg s6;
	s18 =	ssub.s32 $0x2, s4;
	p0 =	sne.s32 s4, $0x0  }
0xb: {  	s4 =	simm.s32 $0x5;
	s2 =	sadd.s32 s17, s0;
	s0 =	sadd.s32 $0x8EC00, s0  }
0xc: {  	s19 =	sshrl.u32 s18, $0x1;
	s21 =	sshrl.u32 s7, $0x2;
	s22 =	sadd.s32 s8, s3  }
0xd: {  	s26 =	sshrl.u32 s8, $0x3;
	s17 =	simm.s32 $0xF;
	s7 =	simm.s32 $0x9  }
0xe: {  	s8 =	simm.s32 $0xB;
	[dreg:$0x5] =	wrdreg s0;
	s0 =	ssub.s32 s18, s19  }
0xf: {  	s20 =	sadd.s32 $0x5A00, s2;
	s2 =	sadd.s32 $0xF800, s2;
	[dreg:$0x8] =	wrdreg s22  }
0x10: {  	s23 =	sadd.s32 s21, s3;
	[dreg:$0xd] =	wrdreg s26;
	s19 =	simm.s32 $0x12840  }
0x11: {  	s21 =	simm.s32 $0x9C40;
	s22 =	simm.s32 $0xB040;
	[dreg:$0x6] =	wrdreg s20  }
0x12: {  	s26 =	simm.s32 $0xD840;
	[dreg:$0x7] =	wrdreg s2;
	s6 =	sadd.s32 $0x1F40, s23  }
0x13: {  	s18 =	simm.s32 $0x6;
	s24 =	sadd.s32 $0x3E80, s23;
	[dreg:$0x9] =	wrdreg s6  }
.Ltmp0:
0x14: {  	s25 =	sadd.s32 $0x5DC0, s23;
	[dreg:$0xa] =	wrdreg s24;
	(pc) =	sbr.rel .LBB2_1-.Ltmp0, $4  }
0x15: {  	s2 =	sadd.s32 $0x7D00, s23;
	s0 =	smax.u32 s0, $0x1;
	[dreg:$0xb] =	wrdreg s25  }
0x16: {  	s20 =	simm.s32 $0x50;
	s23 =	simm.s32 $0x3;
	[dreg:$0xc] =	wrdreg s2  }
0x17: {  	[dreg:$0xe] =	wrdreg s0;
	s24 =	simm.s32 $0xC440;
	s0 =	simm.s32 $0x1  }
0x18: {  	v0 =	vimm.f32 $0.0e+00;
	s25 =	simm.s32 $0x11440;
	s6 =	simm.s32 $0x2;
	s2 =	simm.s32 $0xA  }
.LBB2_9:
0x19: {  	[spmem:s3] =	stream.indirect.scatter.add.f32 [tilespmem:s25], [sflag:$0xE], $0x40, s16, s20, $0xb8;
	[tilespmem:$0x1E3C0] =	vst v63  }
0x1a: {  	s15 =	rddreg [dreg:$0x5]  }
.LBB2_10:
0x1b: {  	_ =	swait.ge [sflag:s0], $0x1400  }
0x1c: {  	[sflag:s0] =	ssyncset.done $0x0  }
0x1d: {  	s10 =	simm.s32 $0x9AB0;
	[sflag:s0] =	ssyncadd.s32 $0xFFFFEC00  }
0x1e: {  	[spmem:s3] =	stream.indirect.scatter.add.f32 [tilespmem:s21], [sflag:$0x8], $0x40, s10, s20, $0xb8;
	[tilespmem:$0x1E3C0] =	vst v63  }
0x1f: {  	_ =	swait.ge [sflag:s6], $0x1400  }
0x20: {  	[sflag:s6] =	ssyncset.done $0x0  }
0x21: {  	s16 =	simm.s32 $0x9B00;
	[sflag:s6] =	ssyncadd.s32 $0xFFFFEC00  }
0x22: {  	[spmem:s3] =	stream.indirect.scatter.add.f32 [tilespmem:s22], [sflag:$0x9], $0x40, s16, s20, $0xb8;
	[tilespmem:$0x1E3C0] =	vst v63  }
0x23: {  	_ =	swait.ge [sflag:s23], $0x1400  }
0x24: {  	[sflag:s23] =	ssyncset.done $0x0  }
0x25: {  	s16 =	simm.s32 $0x9B50;
	[sflag:s23] =	ssyncadd.s32 $0xFFFFEC00  }
0x26: {  	[spmem:s3] =	stream.indirect.scatter.add.f32 [tilespmem:s24], [sflag:$0xA], $0x40, s16, s20, $0xb8;
	[tilespmem:$0x1E3C0] =	vst v63  }
0x27: {  	_ =	swait.ge [sflag:s28], $0x1400  }
0x28: {  	[sflag:s28] =	ssyncset.done $0x0  }
0x29: {  	s16 =	simm.s32 $0x9BA0;
	[sflag:s28] =	ssyncadd.s32 $0xFFFFEC00  }
0x2a: {  	[spmem:s3] =	stream.indirect.scatter.add.f32 [tilespmem:s26], [sflag:$0xB], $0x40, s16, s20, $0xb8;
	[tilespmem:$0x1E3C0] =	vst v63  }
0x2b: {  	_ =	swait.ge [sflag:s4], $0x1400  }
0x2c: {  	[sflag:s4] =	ssyncset.done $0x0  }
0x2d: {  	s16 =	simm.s32 $0x9BF0;
	[sflag:s4] =	ssyncadd.s32 $0xFFFFEC00  }
0x2e: {  	[spmem:s3] =	stream.indirect.scatter.add.f32 [tilespmem:s29], [sflag:$0xC], $0x40, s16, s20, $0xb8;
	[tilespmem:$0x1E3C0] =	vst v63  }
0x2f: {  	_ =	swait.ge [sflag:s30], $0x1400  }
0x30: {  	[sflag:s30] =	ssyncset.done $0x0  }
0x31: {  	[sflag:s30] =	ssyncadd.s32 $0xFFFFEC00  }
0x32: {  	_ =	swait.ge [sflag:s7], $0x1400  }
0x33: {  	[sflag:s7] =	ssyncset.done $0x0  }
0x34: {  	[sflag:s7] =	ssyncadd.s32 $0xFFFFEC00  }
0x35: {  	_ =	swait.ge [sflag:s2], $0x1400  }
0x36: {  	[sflag:s2] =	ssyncset.done $0x0  }
0x37: {  	[sflag:s2] =	ssyncadd.s32 $0xFFFFEC00  }
0x38: {  	_ =	swait.ge [sflag:s8], $0x1400  }
0x39: {  	[sflag:s8] =	ssyncset.done $0x0  }
0x3a: {  	[sflag:s8] =	ssyncadd.s32 $0xFFFFEC00  }
0x3b: {  	_ =	swait.ge [sflag:s9], $0x1400  }
0x3c: {  	[sflag:s9] =	ssyncset.done $0x0  }
0x3d: {  	[sflag:s9] =	ssyncadd.s32 $0xFFFFEC00  }
0x3e: {  	_ =	swait.ge [sflag:s12], $0x1400  }
0x3f: {  	[sflag:s12] =	ssyncset.done $0x0  }
0x40: {  	[sflag:s12] =	ssyncadd.s32 $0xFFFFEC00  }
0x41: {  	_ =	swait.ge [sflag:s13], $0x1400  }
0x42: {  	[sflag:s13] =	ssyncset.done $0x0  }
0x43: {  	s16 =	rddreg [dreg:$0xd];
	[sflag:s13] =	ssyncadd.s32 $0xFFFFEC00  }
0x44: {  	s10 =	sadd.s32 s15, s16;
	s16 =	stileid.u32;
	[bflag:$0x0] =	sbarrier.arrive $0xFFFF  }
0x45: {  	s15 =	sshll.u32 s16, $0x6;
	s16 =	rddreg [dreg:$0x8]  }
0x46: {  	s15 =	sor.u32 $0x1C0F, s15;
	s16 =	sshrl.u32 s16, $0x3  }
0x47: {  	[hbm:s10], [sflag:s15] =	dma.local [spmem:s16], $0x1388  }
0x48: {  	_ =	swait.ge [sflag:s17], $0x1388  }
0x49: {  	s14 =	sadd.s32 $0x1, s14;
	s16 =	rddreg [dreg:$0xe]  }
0x4a: {  	p1 =	sne.s32 s14, s16  }
.Ltmp1:
0x4b: {  	_ = 	snop;
	(pc) =	sbr.rel @!p1 .LBB2_11-.Ltmp1, $3  }
0x4c: {  	_ =	sdelay $0x1  }
0x4d: {  	[sflag:s17] =	ssyncset.done $0x0  }
0x4e: {  	[sflag:s17] =	ssyncadd.s32 $0xFFFFEC78  }
.LBB2_1:
0x4f: {  	s10 =	simm.s32 $0x0;
	s15 =	rddreg [dreg:$0x6]  }
0x50: {  	[tilespmem:s10], [sflag:$0xF] =	stream.linear.gather [hbm4b:s15+s10], $0x4E20, $0x38;
	[tilespmem:$0x1E3C0] =	vst v63  }
0x51: {  	_ =	swait.ge [sflag:s17], $0x4E20  }
0x52: {  	[sflag:s17] =	ssyncset.done $0x0  }
0x53: {  	s16 =	simm.s32 $0x4E20;
	s15 =	rddreg [dreg:$0x7];
	[sflag:s17] =	ssyncadd.s32 $0xFFFFB1E0  }
0x54: {  	[tilespmem:s16], [sflag:$0xF] =	stream.linear.gather [hbm4b:s15+s10], $0x4E20, $0x38;
	[tilespmem:$0x1E3C0] =	vst v63  }
0x55: {  	_ =	swait.ge [sflag:s17], $0x4E20  }
0x56: {  	[sflag:s17] =	ssyncset.done $0x0  }
0x57: {  	s16 =	simm.s32 $0x100;
	s15 =	simm.s32 $0x0;
	[sflag:s17] =	ssyncadd.s32 $0xFFFFB1E0  }
.LBB2_2:
0x58: {  	p1 =	sne.s32 s16, $0x7C00;
	[tilespmem:s15+$0x12870] =	vst v0;
	s10 =	smov.u32 s16;
	s16 =	sadd.s32 $0x100, s16  }
.Ltmp2:
0x59: {  	[tilespmem:s15+$0x12860] =	vst v0;
	(pc) =	sbr.rel @p1 .LBB2_2-.Ltmp2, $3  }
0x5a: {  	[tilespmem:s15+$0x12840] =	vst v0  }
0x5b: {  	[tilespmem:s15+$0x12850] =	vst v0;
	_ =	sdelay $0x1  }
0x5c: {  	s15 =	sshra.s32 s10, $0x2  }
0x5d: {  	[tilespmem:s15+$0x12870] =	vst v0  }
0x5e: {  	[tilespmem:s15+$0x12860] =	vst v0  }
0x5f: {  	[tilespmem:s15+$0x12840] =	vst v0  }
0x60: {  	[tilespmem:s15+$0x12850] =	vst v0;
	s10 =	rddreg [dreg:$0x8]  }
0x61: {  	[spmem:s10] =	stream.linear.scatter [tilespmem:s19], [sflag:$0xF], $0x1F40, $0x38;
	[tilespmem:$0x1E3C0] =	vst v63  }
0x62: {  	_ =	swait.ge [sflag:s17], $0x1F40  }
0x63: {  	[sflag:s17] =	ssyncset.done $0x0  }
0x64: {  	s15 =	rddreg [dreg:$0x9];
	[sflag:s17] =	ssyncadd.s32 $0xFFFFE0C0  }
0x65: {  	[spmem:s15] =	stream.linear.scatter [tilespmem:s19], [sflag:$0xF], $0x1F40, $0x38;
	[tilespmem:$0x1E3C0] =	vst v63  }
0x66: {  	_ =	swait.ge [sflag:s17], $0x1F40  }
0x67: {  	[sflag:s17] =	ssyncset.done $0x0  }
0x68: {  	s16 =	rddreg [dreg:$0xa];
	[sflag:s17] =	ssyncadd.s32 $0xFFFFE0C0  }
0x69: {  	[spmem:s16] =	stream.linear.scatter [tilespmem:s19], [sflag:$0xF], $0x1F40, $0x38;
	[tilespmem:$0x1E3C0] =	vst v63  }
0x6a: {  	_ =	swait.ge [sflag:s17], $0x1F40  }
0x6b: {  	[sflag:s17] =	ssyncset.done $0x0  }
0x6c: {  	s15 =	rddreg [dreg:$0xb];
	[sflag:s17] =	ssyncadd.s32 $0xFFFFE0C0  }
0x6d: {  	[spmem:s15] =	stream.linear.scatter [tilespmem:s19], [sflag:$0xF], $0x1F40, $0x38;
	[tilespmem:$0x1E3C0] =	vst v63  }
0x6e: {  	_ =	swait.ge [sflag:s17], $0x1F40  }
0x6f: {  	[sflag:s17] =	ssyncset.done $0x0  }
0x70: {  	s16 =	rddreg [dreg:$0xc];
	[sflag:s17] =	ssyncadd.s32 $0xFFFFE0C0  }
0x71: {  	[spmem:s16] =	stream.linear.scatter [tilespmem:s19], [sflag:$0xF], $0x1F40, $0x38;
	[tilespmem:$0x1E3C0] =	vst v63  }
.Ltmp3:
0x72: {  	_ =	swait.ge [sflag:s17], $0x1F40;
	(pc) =	sbr.rel @p0 .LBB2_7-.Ltmp3, $4  }
0x73: {  	[sflag:s17] =	ssyncset.done $0x0  }
0x74: {  	[sflag:s17] =	ssyncadd.s32 $0xFFFFE0C0  }
0x75: {  	[bflag:$0x0] =	sbarrier.arrive $0xFFFF  }
0x76: {  	s10 =	simm.s32 $0x0  }
0x77: {  	[tilespmem:s21], [sflag:$0x1] =	stream.indirect.gather [hbm4b:s1+s20], $0x40, s10, s20, $0xb8;
	[tilespmem:$0x1E3C0] =	vst v63  }
0x78: {  	_ = 	snop  }
0x79: {  	[tilespmem:s22], [sflag:$0x2] =	stream.indirect.gather [hbm4b:s1+s20], $0x40, s20, s20, $0xb8;
	[tilespmem:$0x1E3C0] =	vst v63  }
0x7a: {  	s15 =	simm.s32 $0xA0  }
0x7b: {  	[tilespmem:s24], [sflag:$0x3] =	stream.indirect.gather [hbm4b:s1+s20], $0x40, s15, s20, $0xb8;
	[tilespmem:$0x1E3C0] =	vst v63  }
0x7c: {  	s16 =	simm.s32 $0xF0  }
0x7d: {  	[tilespmem:s26], [sflag:$0x4] =	stream.indirect.gather [hbm4b:s1+s20], $0x40, s16, s20, $0xb8;
	[tilespmem:$0x1E3C0] =	vst v63  }
0x7e: {  	s15 =	simm.s32 $0x140  }
0x7f: {  	[tilespmem:s29], [sflag:$0x5] =	stream.indirect.gather [hbm4b:s1+s20], $0x40, s15, s20, $0xb8;
	[tilespmem:$0x1E3C0] =	vst v63  }
0x80: {  	s16 =	simm.s32 $0x190  }
0x81: {  	[tilespmem:s31], [sflag:$0x6] =	stream.indirect.gather [hbm4b:s1+s20], $0x40, s16, s20, $0xb8;
	[tilespmem:$0x1E3C0] =	vst v63  }
0x82: {  	_ =	swait.ge [sflag:s0], $0x1400  }
0x83: {  	[sflag:s0] =	ssyncset.done $0x0  }
0x84: {  	s15 =	simm.s32 $0x4E20;
	[sflag:s0] =	ssyncadd.s32 $0xFFFFEC00  }
0x85: {  	[spmem:s3] =	stream.indirect.scatter.add.f32 [tilespmem:s21], [sflag:$0x8], $0x40, s15, s20, $0xb8;
	[tilespmem:$0x1E3C0] =	vst v63  }
0x86: {  	s16 =	simm.s32 $0x1E0  }
0x87: {  	[tilespmem:s25], [sflag:$0x7] =	stream.indirect.gather [hbm4b:s1+s20], $0x40, s16, s20, $0xb8;
	[tilespmem:$0x1E3C0] =	vst v63  }
0x88: {  	_ =	swait.ge [sflag:s6], $0x1400  }
0x89: {  	[sflag:s6] =	ssyncset.done $0x0  }
0x8a: {  	s15 =	simm.s32 $0x4E70;
	[sflag:s6] =	ssyncadd.s32 $0xFFFFEC00  }
0x8b: {  	[spmem:s3] =	stream.indirect.scatter.add.f32 [tilespmem:s22], [sflag:$0x9], $0x40, s15, s20, $0xb8;
	[tilespmem:$0x1E3C0] =	vst v63  }
0x8c: {  	_ =	swait.ge [sflag:s30], $0x1400  }
0x8d: {  	[sflag:s30] =	ssyncset.done $0x0  }
0x8e: {  	s16 =	simm.s32 $0x230;
	[sflag:s30] =	ssyncadd.s32 $0xFFFFEC00  }
0x8f: {  	[tilespmem:s21], [sflag:$0x1] =	stream.indirect.gather [hbm4b:s1+s20], $0x40, s16, s20, $0xb8;
	[tilespmem:$0x1E3C0] =	vst v63  }
0x90: {  	_ =	swait.ge [sflag:s23], $0x1400  }
0x91: {  	[sflag:s23] =	ssyncset.done $0x0  }
0x92: {  	s15 =	simm.s32 $0x4EC0;
	[sflag:s23] =	ssyncadd.s32 $0xFFFFEC00  }
0x93: {  	[spmem:s3] =	stream.indirect.scatter.add.f32 [tilespmem:s24], [sflag:$0xA], $0x40, s15, s20, $0xb8;
	[tilespmem:$0x1E3C0] =	vst v63  }
0x94: {  	_ =	swait.ge [sflag:s7], $0x1400  }
0x95: {  	[sflag:s7] =	ssyncset.done $0x0  }
0x96: {  	s16 =	simm.s32 $0x280;
	[sflag:s7] =	ssyncadd.s32 $0xFFFFEC00  }
0x97: {  	[tilespmem:s22], [sflag:$0x2] =	stream.indirect.gather [hbm4b:s1+s20], $0x40, s16, s20, $0xb8;
	[tilespmem:$0x1E3C0] =	vst v63  }
0x98: {  	_ =	swait.ge [sflag:s28], $0x1400  }
0x99: {  	[sflag:s28] =	ssyncset.done $0x0  }
0x9a: {  	s15 =	simm.s32 $0x4F10;
	[sflag:s28] =	ssyncadd.s32 $0xFFFFEC00  }
0x9b: {  	[spmem:s3] =	stream.indirect.scatter.add.f32 [tilespmem:s26], [sflag:$0xB], $0x40, s15, s20, $0xb8;
	[tilespmem:$0x1E3C0] =	vst v63  }
0x9c: {  	_ =	swait.ge [sflag:s2], $0x1400  }
0x9d: {  	[sflag:s2] =	ssyncset.done $0x0  }
0x9e: {  	s16 =	simm.s32 $0x2D0;
	[sflag:s2] =	ssyncadd.s32 $0xFFFFEC00  }
0x9f: {  	[tilespmem:s24], [sflag:$0x3] =	stream.indirect.gather [hbm4b:s1+s20], $0x40, s16, s20, $0xb8;
	[tilespmem:$0x1E3C0] =	vst v63  }
0xa0: {  	_ =	swait.ge [sflag:s4], $0x1400  }
0xa1: {  	[sflag:s4] =	ssyncset.done $0x0  }
0xa2: {  	s15 =	simm.s32 $0x4F60;
	[sflag:s4] =	ssyncadd.s32 $0xFFFFEC00  }
0xa3: {  	[spmem:s3] =	stream.indirect.scatter.add.f32 [tilespmem:s29], [sflag:$0xC], $0x40, s15, s20, $0xb8;
	[tilespmem:$0x1E3C0] =	vst v63  }
0xa4: {  	_ =	swait.ge [sflag:s8], $0x1400  }
0xa5: {  	[sflag:s8] =	ssyncset.done $0x0  }
0xa6: {  	s16 =	simm.s32 $0x320;
	[sflag:s8] =	ssyncadd.s32 $0xFFFFEC00  }
0xa7: {  	[tilespmem:s26], [sflag:$0x4] =	stream.indirect.gather [hbm4b:s1+s20], $0x40, s16, s20, $0xb8;
	[tilespmem:$0x1E3C0] =	vst v63  }
0xa8: {  	_ =	swait.ge [sflag:s18], $0x1400  }
0xa9: {  	[sflag:s18] =	ssyncset.done $0x0  }
0xaa: {  	s15 =	simm.s32 $0x4FB0;
	[sflag:s18] =	ssyncadd.s32 $0xFFFFEC00  }
0xab: {  	[spmem:s3] =	stream.indirect.scatter.add.f32 [tilespmem:s31], [sflag:$0xD], $0x40, s15, s20, $0xb8;
	[tilespmem:$0x1E3C0] =	vst v63  }
0xac: {  	_ =	swait.ge [sflag:s9], $0x1400  }
0xad: {  	[sflag:s9] =	ssyncset.done $0x0  }
0xae: {  	s16 =	simm.s32 $0x370;
	[sflag:s9] =	ssyncadd.s32 $0xFFFFEC00  }
0xaf: {  	[tilespmem:s29], [sflag:$0x5] =	stream.indirect.gather [hbm4b:s1+s20], $0x40, s16, s20, $0xb8;
	[tilespmem:$0x1E3C0] =	vst v63  }
0xb0: {  	_ =	swait.ge [sflag:s11], $0x1400  }
0xb1: {  	[sflag:s11] =	ssyncset.done $0x0  }
0xb2: {  	s15 =	simm.s32 $0x5000;
	[sflag:s11] =	ssyncadd.s32 $0xFFFFEC00  }
0xb3: {  	[spmem:s3] =	stream.indirect.scatter.add.f32 [tilespmem:s25], [sflag:$0xE], $0x40, s15, s20, $0xb8;
	[tilespmem:$0x1E3C0] =	vst v63  }
0xb4: {  	_ =	swait.ge [sflag:s12], $0x1400  }
0xb5: {  	[sflag:s12] =	ssyncset.done $0x0  }
0xb6: {  	s16 =	simm.s32 $0x3C0;
	[sflag:s12] =	ssyncadd.s32 $0xFFFFEC00  }
0xb7: {  	[tilespmem:s31], [sflag:$0x6] =	stream.indirect.gather [hbm4b:s1+s20], $0x40, s16, s20, $0xb8;
	[tilespmem:$0x1E3C0] =	vst v63  }
0xb8: {  	_ =	swait.ge [sflag:s0], $0x1400  }
0xb9: {  	[sflag:s0] =	ssyncset.done $0x0  }
0xba: {  	s15 =	simm.s32 $0x5050;
	[sflag:s0] =	ssyncadd.s32 $0xFFFFEC00  }
0xbb: {  	[spmem:s3] =	stream.indirect.scatter.add.f32 [tilespmem:s21], [sflag:$0x8], $0x40, s15, s20, $0xb8;
	[tilespmem:$0x1E3C0] =	vst v63  }
0xbc: {  	_ =	swait.ge [sflag:s13], $0x1400  }
0xbd: {  	[sflag:s13] =	ssyncset.done $0x0  }
0xbe: {  	s16 =	simm.s32 $0x410;
	[sflag:s13] =	ssyncadd.s32 $0xFFFFEC00  }
0xbf: {  	[tilespmem:s25], [sflag:$0x7] =	stream.indirect.gather [hbm4b:s1+s20], $0x40, s16, s20, $0xb8;
	[tilespmem:$0x1E3C0] =	vst v63  }
0xc0: {  	_ =	swait.ge [sflag:s6], $0x1400  }
0xc1: {  	[sflag:s6] =	ssyncset.done $0x0  }
0xc2: {  	s15 =	simm.s32 $0x50A0;
	[sflag:s6] =	ssyncadd.s32 $0xFFFFEC00  }
0xc3: {  	[spmem:s3] =	stream.indirect.scatter.add.f32 [tilespmem:s22], [sflag:$0x9], $0x40, s15, s20, $0xb8;
	[tilespmem:$0x1E3C0] =	vst v63  }
0xc4: {  	_ =	swait.ge [sflag:s30], $0x1400  }
0xc5: {  	[sflag:s30] =	ssyncset.done $0x0  }
0xc6: {  	s16 =	simm.s32 $0x460;
	[sflag:s30] =	ssyncadd.s32 $0xFFFFEC00  }
0xc7: {  	[tilespmem:s21], [sflag:$0x1] =	stream.indirect.gather [hbm4b:s1+s20], $0x40, s16, s20, $0xb8;
	[tilespmem:$0x1E3C0] =	vst v63  }
0xc8: {  	_ =	swait.ge [sflag:s23], $0x1400  }
0xc9: {  	[sflag:s23] =	ssyncset.done $0x0  }
0xca: {  	s15 =	simm.s32 $0x50F0;
	[sflag:s23] =	ssyncadd.s32 $0xFFFFEC00  }
0xcb: {  	[spmem:s3] =	stream.indirect.scatter.add.f32 [tilespmem:s24], [sflag:$0xA], $0x40, s15, s20, $0xb8;
	[tilespmem:$0x1E3C0] =	vst v63  }
0xcc: {  	_ =	swait.ge [sflag:s7], $0x1400  }
0xcd: {  	[sflag:s7] =	ssyncset.done $0x0  }
0xce: {  	s16 =	simm.s32 $0x4B0;
	[sflag:s7] =	ssyncadd.s32 $0xFFFFEC00  }
0xcf: {  	[tilespmem:s22], [sflag:$0x2] =	stream.indirect.gather [hbm4b:s1+s20], $0x40, s16, s20, $0xb8;
	[tilespmem:$0x1E3C0] =	vst v63  }
0xd0: {  	_ =	swait.ge [sflag:s28], $0x1400  }
0xd1: {  	[sflag:s28] =	ssyncset.done $0x0  }
0xd2: {  	s15 =	simm.s32 $0x5140;
	[sflag:s28] =	ssyncadd.s32 $0xFFFFEC00  }
0xd3: {  	[spmem:s3] =	stream.indirect.scatter.add.f32 [tilespmem:s26], [sflag:$0xB], $0x40, s15, s20, $0xb8;
	[tilespmem:$0x1E3C0] =	vst v63  }
0xd4: {  	_ =	swait.ge [sflag:s2], $0x1400  }
0xd5: {  	[sflag:s2] =	ssyncset.done $0x0  }
0xd6: {  	s16 =	simm.s32 $0x500;
	[sflag:s2] =	ssyncadd.s32 $0xFFFFEC00  }
0xd7: {  	[tilespmem:s24], [sflag:$0x3] =	stream.indirect.gather [hbm4b:s1+s20], $0x40, s16, s20, $0xb8;
	[tilespmem:$0x1E3C0] =	vst v63  }
0xd8: {  	_ =	swait.ge [sflag:s4], $0x1400  }
0xd9: {  	[sflag:s4] =	ssyncset.done $0x0  }
0xda: {  	s15 =	simm.s32 $0x5190;
	[sflag:s4] =	ssyncadd.s32 $0xFFFFEC00  }
0xdb: {  	[spmem:s3] =	stream.indirect.scatter.add.f32 [tilespmem:s29], [sflag:$0xC], $0x40, s15, s20, $0xb8;
	[tilespmem:$0x1E3C0] =	vst v63  }
0xdc: {  	_ =	swait.ge [sflag:s8], $0x1400  }
0xdd: {  	[sflag:s8] =	ssyncset.done $0x0  }
0xde: {  	s16 =	simm.s32 $0x550;
	[sflag:s8] =	ssyncadd.s32 $0xFFFFEC00  }
0xdf: {  	[tilespmem:s26], [sflag:$0x4] =	stream.indirect.gather [hbm4b:s1+s20], $0x40, s16, s20, $0xb8;
	[tilespmem:$0x1E3C0] =	vst v63  }
0xe0: {  	_ =	swait.ge [sflag:s18], $0x1400  }
0xe1: {  	[sflag:s18] =	ssyncset.done $0x0  }
0xe2: {  	s15 =	simm.s32 $0x51E0;
	[sflag:s18] =	ssyncadd.s32 $0xFFFFEC00  }
0xe3: {  	[spmem:s3] =	stream.indirect.scatter.add.f32 [tilespmem:s31], [sflag:$0xD], $0x40, s15, s20, $0xb8;
	[tilespmem:$0x1E3C0] =	vst v63  }
0xe4: {  	_ =	swait.ge [sflag:s9], $0x1400  }
0xe5: {  	[sflag:s9] =	ssyncset.done $0x0  }
0xe6: {  	s16 =	simm.s32 $0x5A0;
	[sflag:s9] =	ssyncadd.s32 $0xFFFFEC00  }
0xe7: {  	[tilespmem:s29], [sflag:$0x5] =	stream.indirect.gather [hbm4b:s1+s20], $0x40, s16, s20, $0xb8;
	[tilespmem:$0x1E3C0] =	vst v63  }
0xe8: {  	_ =	swait.ge [sflag:s11], $0x1400  }
0xe9: {  	[sflag:s11] =	ssyncset.done $0x0  }
0xea: {  	s15 =	simm.s32 $0x8C0;
	s16 =	simm.s32 $0x5230;
	[sflag:s11] =	ssyncadd.s32 $0xFFFFEC00  }
.LBB2_5:
0xeb: {  	[spmem:s3] =	stream.indirect.scatter.add.f32 [tilespmem:s25], [sflag:$0xE], $0x40, s16, s20, $0xb8;
	[tilespmem:$0x1E3C0] =	vst v63  }
0xec: {  	s10 =	smov.u32 s15  }
0xed: {  	p1 =	seq.s32 s15, $0x120C0;
	s15 =	sadd.s32 $0x8C0, s15;
	_ =	swait.ge [sflag:s12], $0x1400  }
0xee: {  	s16 =	sshra.s32 s10, $0x2;
	[sflag:s12] =	ssyncset.done $0x0  }
0xef: {  	s10 =	sadd.s32 $0x3C0, s16;
	[sflag:s12] =	ssyncadd.s32 $0xFFFFEC00  }
0xf0: {  	[tilespmem:s31], [sflag:$0x6] =	stream.indirect.gather [hbm4b:s1+s20], $0x40, s10, s20, $0xb8;
	[tilespmem:$0x1E3C0] =	vst v63  }
0xf1: {  	_ =	swait.ge [sflag:s0], $0x1400  }
0xf2: {  	[sflag:s0] =	ssyncset.done $0x0  }
0xf3: {  	s10 =	sadd.s32 $0x5050, s16;
	[sflag:s0] =	ssyncadd.s32 $0xFFFFEC00  }
0xf4: {  	[spmem:s3] =	stream.indirect.scatter.add.f32 [tilespmem:s21], [sflag:$0x8], $0x40, s10, s20, $0xb8;
	[tilespmem:$0x1E3C0] =	vst v63  }
0xf5: {  	_ =	swait.ge [sflag:s13], $0x1400  }
0xf6: {  	[sflag:s13] =	ssyncset.done $0x0  }
0xf7: {  	s10 =	sadd.s32 $0x410, s16;
	[sflag:s13] =	ssyncadd.s32 $0xFFFFEC00  }
0xf8: {  	[tilespmem:s25], [sflag:$0x7] =	stream.indirect.gather [hbm4b:s1+s20], $0x40, s10, s20, $0xb8;
	[tilespmem:$0x1E3C0] =	vst v63  }
0xf9: {  	_ =	swait.ge [sflag:s6], $0x1400  }
0xfa: {  	[sflag:s6] =	ssyncset.done $0x0  }
0xfb: {  	s10 =	sadd.s32 $0x50A0, s16;
	[sflag:s6] =	ssyncadd.s32 $0xFFFFEC00  }
0xfc: {  	[spmem:s3] =	stream.indirect.scatter.add.f32 [tilespmem:s22], [sflag:$0x9], $0x40, s10, s20, $0xb8;
	[tilespmem:$0x1E3C0] =	vst v63  }
0xfd: {  	_ =	swait.ge [sflag:s30], $0x1400  }
0xfe: {  	[sflag:s30] =	ssyncset.done $0x0  }
0xff: {  	s10 =	sadd.s32 $0x460, s16;
	[sflag:s30] =	ssyncadd.s32 $0xFFFFEC00  }
0x100: {  	[tilespmem:s21], [sflag:$0x1] =	stream.indirect.gather [hbm4b:s1+s20], $0x40, s10, s20, $0xb8;
	[tilespmem:$0x1E3C0] =	vst v63  }
0x101: {  	_ =	swait.ge [sflag:s23], $0x1400  }
0x102: {  	[sflag:s23] =	ssyncset.done $0x0  }
0x103: {  	s10 =	sadd.s32 $0x50F0, s16;
	[sflag:s23] =	ssyncadd.s32 $0xFFFFEC00  }
0x104: {  	[spmem:s3] =	stream.indirect.scatter.add.f32 [tilespmem:s24], [sflag:$0xA], $0x40, s10, s20, $0xb8;
	[tilespmem:$0x1E3C0] =	vst v63  }
0x105: {  	_ =	swait.ge [sflag:s7], $0x1400  }
0x106: {  	[sflag:s7] =	ssyncset.done $0x0  }
0x107: {  	s10 =	sadd.s32 $0x4B0, s16;
	[sflag:s7] =	ssyncadd.s32 $0xFFFFEC00  }
0x108: {  	[tilespmem:s22], [sflag:$0x2] =	stream.indirect.gather [hbm4b:s1+s20], $0x40, s10, s20, $0xb8;
	[tilespmem:$0x1E3C0] =	vst v63  }
0x109: {  	_ =	swait.ge [sflag:s28], $0x1400  }
0x10a: {  	[sflag:s28] =	ssyncset.done $0x0  }
0x10b: {  	s10 =	sadd.s32 $0x5140, s16;
	[sflag:s28] =	ssyncadd.s32 $0xFFFFEC00  }
0x10c: {  	[spmem:s3] =	stream.indirect.scatter.add.f32 [tilespmem:s26], [sflag:$0xB], $0x40, s10, s20, $0xb8;
	[tilespmem:$0x1E3C0] =	vst v63  }
0x10d: {  	_ =	swait.ge [sflag:s2], $0x1400  }
0x10e: {  	[sflag:s2] =	ssyncset.done $0x0  }
0x10f: {  	s10 =	sadd.s32 $0x500, s16;
	[sflag:s2] =	ssyncadd.s32 $0xFFFFEC00  }
0x110: {  	[tilespmem:s24], [sflag:$0x3] =	stream.indirect.gather [hbm4b:s1+s20], $0x40, s10, s20, $0xb8;
	[tilespmem:$0x1E3C0] =	vst v63  }
0x111: {  	_ =	swait.ge [sflag:s4], $0x1400  }
0x112: {  	[sflag:s4] =	ssyncset.done $0x0  }
0x113: {  	s10 =	sadd.s32 $0x5190, s16;
	[sflag:s4] =	ssyncadd.s32 $0xFFFFEC00  }
0x114: {  	[spmem:s3] =	stream.indirect.scatter.add.f32 [tilespmem:s29], [sflag:$0xC], $0x40, s10, s20, $0xb8;
	[tilespmem:$0x1E3C0] =	vst v63  }
0x115: {  	_ =	swait.ge [sflag:s8], $0x1400  }
0x116: {  	[sflag:s8] =	ssyncset.done $0x0  }
0x117: {  	s10 =	sadd.s32 $0x550, s16;
	[sflag:s8] =	ssyncadd.s32 $0xFFFFEC00  }
0x118: {  	[tilespmem:s26], [sflag:$0x4] =	stream.indirect.gather [hbm4b:s1+s20], $0x40, s10, s20, $0xb8;
	[tilespmem:$0x1E3C0] =	vst v63  }
0x119: {  	_ =	swait.ge [sflag:s18], $0x1400  }
0x11a: {  	[sflag:s18] =	ssyncset.done $0x0  }
0x11b: {  	s10 =	sadd.s32 $0x51E0, s16;
	[sflag:s18] =	ssyncadd.s32 $0xFFFFEC00  }
0x11c: {  	[spmem:s3] =	stream.indirect.scatter.add.f32 [tilespmem:s31], [sflag:$0xD], $0x40, s10, s20, $0xb8;
	[tilespmem:$0x1E3C0] =	vst v63  }
0x11d: {  	_ =	swait.ge [sflag:s9], $0x1400  }
0x11e: {  	[sflag:s9] =	ssyncset.done $0x0  }
.Ltmp4:
0x11f: {  	s10 =	sadd.s32 $0x5A0, s16;
	[sflag:s9] =	ssyncadd.s32 $0xFFFFEC00;
	(pc) =	sbr.rel @!p1 .LBB2_5-.Ltmp4, $4  }
0x120: {  	[tilespmem:s29], [sflag:$0x5] =	stream.indirect.gather [hbm4b:s1+s20], $0x40, s10, s20, $0xb8;
	[tilespmem:$0x1E3C0] =	vst v63  }
0x121: {  	_ =	swait.ge [sflag:s11], $0x1400  }
0x122: {  	[sflag:s11] =	ssyncset.done $0x0  }
0x123: {  	s16 =	sadd.s32 $0x5230, s16;
	[sflag:s11] =	ssyncadd.s32 $0xFFFFEC00  }
.Ltmp5:
0x124: {  	(pc) =	sbr.rel .LBB2_10-.Ltmp5, $3  }
0x125: {  	_ =	sdelay $0x1  }
0x126: {  	[spmem:s3] =	stream.indirect.scatter.add.f32 [tilespmem:s25], [sflag:$0xE], $0x40, s16, s20, $0xb8;
	[tilespmem:$0x1E3C0] =	vst v63  }
0x127: {  	s15 =	rddreg [dreg:$0x4]  }
.LBB2_7:
0x128: {  	[tilespmem:s21], [sflag:$0x1] =	stream.indirect.gather [hbm4b:s5+s20], $0x40, s10, s20, $0xb8;
	[tilespmem:$0x1E3C0] =	vst v63  }
0x129: {  	_ = 	snop  }
0x12a: {  	[tilespmem:s22], [sflag:$0x2] =	stream.indirect.gather [hbm4b:s5+s20], $0x40, s20, s20, $0xb8;
	[tilespmem:$0x1E3C0] =	vst v63  }
0x12b: {  	s15 =	simm.s32 $0xA0  }
0x12c: {  	[tilespmem:s24], [sflag:$0x3] =	stream.indirect.gather [hbm4b:s5+s20], $0x40, s15, s20, $0xb8;
	[tilespmem:$0x1E3C0] =	vst v63  }
0x12d: {  	s16 =	simm.s32 $0xF0  }
0x12e: {  	[tilespmem:s26], [sflag:$0x4] =	stream.indirect.gather [hbm4b:s5+s20], $0x40, s16, s20, $0xb8;
	[tilespmem:$0x1E3C0] =	vst v63  }
0x12f: {  	s15 =	simm.s32 $0x140  }
0x130: {  	[tilespmem:s29], [sflag:$0x5] =	stream.indirect.gather [hbm4b:s5+s20], $0x40, s15, s20, $0xb8;
	[tilespmem:$0x1E3C0] =	vst v63  }
0x131: {  	s16 =	simm.s32 $0x190  }
0x132: {  	[tilespmem:s31], [sflag:$0x6] =	stream.indirect.gather [hbm4b:s5+s20], $0x40, s16, s20, $0xb8;
	[tilespmem:$0x1E3C0] =	vst v63  }
0x133: {  	_ =	swait.ge [sflag:s0], $0x1400  }
0x134: {  	[sflag:s0] =	ssyncset.done $0x0  }
0x135: {  	s15 =	simm.s32 $0x4E20;
	[sflag:s0] =	ssyncadd.s32 $0xFFFFEC00  }
0x136: {  	[spmem:s3] =	stream.indirect.scatter.add.f32 [tilespmem:s21], [sflag:$0x8], $0x40, s15, s20, $0xb8;
	[tilespmem:$0x1E3C0] =	vst v63  }
0x137: {  	s16 =	simm.s32 $0x1E0  }
0x138: {  	[tilespmem:s25], [sflag:$0x7] =	stream.indirect.gather [hbm4b:s5+s20], $0x40, s16, s20, $0xb8;
	[tilespmem:$0x1E3C0] =	vst v63  }
0x139: {  	_ =	swait.ge [sflag:s6], $0x1400  }
0x13a: {  	[sflag:s6] =	ssyncset.done $0x0  }
0x13b: {  	s15 =	simm.s32 $0x4E70;
	[sflag:s6] =	ssyncadd.s32 $0xFFFFEC00  }
0x13c: {  	[spmem:s3] =	stream.indirect.scatter.add.f32 [tilespmem:s22], [sflag:$0x9], $0x40, s15, s20, $0xb8;
	[tilespmem:$0x1E3C0] =	vst v63  }
0x13d: {  	_ =	swait.ge [sflag:s30], $0x1400  }
0x13e: {  	[sflag:s30] =	ssyncset.done $0x0  }
0x13f: {  	s16 =	simm.s32 $0x230;
	[sflag:s30] =	ssyncadd.s32 $0xFFFFEC00  }
0x140: {  	[tilespmem:s21], [sflag:$0x1] =	stream.indirect.gather [hbm4b:s5+s20], $0x40, s16, s20, $0xb8;
	[tilespmem:$0x1E3C0] =	vst v63  }
0x141: {  	_ =	swait.ge [sflag:s23], $0x1400  }
0x142: {  	[sflag:s23] =	ssyncset.done $0x0  }
0x143: {  	s15 =	simm.s32 $0x4EC0;
	[sflag:s23] =	ssyncadd.s32 $0xFFFFEC00  }
0x144: {  	[spmem:s3] =	stream.indirect.scatter.add.f32 [tilespmem:s24], [sflag:$0xA], $0x40, s15, s20, $0xb8;
	[tilespmem:$0x1E3C0] =	vst v63  }
0x145: {  	_ =	swait.ge [sflag:s7], $0x1400  }
0x146: {  	[sflag:s7] =	ssyncset.done $0x0  }
0x147: {  	s16 =	simm.s32 $0x280;
	[sflag:s7] =	ssyncadd.s32 $0xFFFFEC00  }
0x148: {  	[tilespmem:s22], [sflag:$0x2] =	stream.indirect.gather [hbm4b:s5+s20], $0x40, s16, s20, $0xb8;
	[tilespmem:$0x1E3C0] =	vst v63  }
0x149: {  	_ =	swait.ge [sflag:s28], $0x1400  }
0x14a: {  	[sflag:s28] =	ssyncset.done $0x0  }
0x14b: {  	s15 =	simm.s32 $0x4F10;
	[sflag:s28] =	ssyncadd.s32 $0xFFFFEC00  }
0x14c: {  	[spmem:s3] =	stream.indirect.scatter.add.f32 [tilespmem:s26], [sflag:$0xB], $0x40, s15, s20, $0xb8;
	[tilespmem:$0x1E3C0] =	vst v63  }
0x14d: {  	_ =	swait.ge [sflag:s2], $0x1400  }
0x14e: {  	[sflag:s2] =	ssyncset.done $0x0  }
0x14f: {  	s16 =	simm.s32 $0x2D0;
	[sflag:s2] =	ssyncadd.s32 $0xFFFFEC00  }
0x150: {  	[tilespmem:s24], [sflag:$0x3] =	stream.indirect.gather [hbm4b:s5+s20], $0x40, s16, s20, $0xb8;
	[tilespmem:$0x1E3C0] =	vst v63  }
0x151: {  	_ =	swait.ge [sflag:s4], $0x1400  }
0x152: {  	[sflag:s4] =	ssyncset.done $0x0  }
0x153: {  	s15 =	simm.s32 $0x4F60;
	[sflag:s4] =	ssyncadd.s32 $0xFFFFEC00  }
0x154: {  	[spmem:s3] =	stream.indirect.scatter.add.f32 [tilespmem:s29], [sflag:$0xC], $0x40, s15, s20, $0xb8;
	[tilespmem:$0x1E3C0] =	vst v63  }
0x155: {  	_ =	swait.ge [sflag:s8], $0x1400  }
0x156: {  	[sflag:s8] =	ssyncset.done $0x0  }
0x157: {  	s16 =	simm.s32 $0x320;
	[sflag:s8] =	ssyncadd.s32 $0xFFFFEC00  }
0x158: {  	[tilespmem:s26], [sflag:$0x4] =	stream.indirect.gather [hbm4b:s5+s20], $0x40, s16, s20, $0xb8;
	[tilespmem:$0x1E3C0] =	vst v63  }
0x159: {  	_ =	swait.ge [sflag:s18], $0x1400  }
0x15a: {  	[sflag:s18] =	ssyncset.done $0x0  }
0x15b: {  	s15 =	simm.s32 $0x4FB0;
	[sflag:s18] =	ssyncadd.s32 $0xFFFFEC00  }
0x15c: {  	[spmem:s3] =	stream.indirect.scatter.add.f32 [tilespmem:s31], [sflag:$0xD], $0x40, s15, s20, $0xb8;
	[tilespmem:$0x1E3C0] =	vst v63  }
0x15d: {  	_ =	swait.ge [sflag:s9], $0x1400  }
0x15e: {  	[sflag:s9] =	ssyncset.done $0x0  }
0x15f: {  	s16 =	simm.s32 $0x370;
	[sflag:s9] =	ssyncadd.s32 $0xFFFFEC00  }
0x160: {  	[tilespmem:s29], [sflag:$0x5] =	stream.indirect.gather [hbm4b:s5+s20], $0x40, s16, s20, $0xb8;
	[tilespmem:$0x1E3C0] =	vst v63  }
0x161: {  	_ =	swait.ge [sflag:s11], $0x1400  }
0x162: {  	[sflag:s11] =	ssyncset.done $0x0  }
0x163: {  	s15 =	simm.s32 $0x5000;
	[sflag:s11] =	ssyncadd.s32 $0xFFFFEC00  }
0x164: {  	[spmem:s3] =	stream.indirect.scatter.add.f32 [tilespmem:s25], [sflag:$0xE], $0x40, s15, s20, $0xb8;
	[tilespmem:$0x1E3C0] =	vst v63  }
0x165: {  	_ =	swait.ge [sflag:s12], $0x1400  }
0x166: {  	[sflag:s12] =	ssyncset.done $0x0  }
0x167: {  	s16 =	simm.s32 $0x3C0;
	[sflag:s12] =	ssyncadd.s32 $0xFFFFEC00  }
0x168: {  	[tilespmem:s31], [sflag:$0x6] =	stream.indirect.gather [hbm4b:s5+s20], $0x40, s16, s20, $0xb8;
	[tilespmem:$0x1E3C0] =	vst v63  }
0x169: {  	_ =	swait.ge [sflag:s0], $0x1400  }
0x16a: {  	[sflag:s0] =	ssyncset.done $0x0  }
0x16b: {  	s15 =	simm.s32 $0x5050;
	[sflag:s0] =	ssyncadd.s32 $0xFFFFEC00  }
0x16c: {  	[spmem:s3] =	stream.indirect.scatter.add.f32 [tilespmem:s21], [sflag:$0x8], $0x40, s15, s20, $0xb8;
	[tilespmem:$0x1E3C0] =	vst v63  }
0x16d: {  	_ =	swait.ge [sflag:s13], $0x1400  }
0x16e: {  	[sflag:s13] =	ssyncset.done $0x0  }
0x16f: {  	s16 =	simm.s32 $0x410;
	[sflag:s13] =	ssyncadd.s32 $0xFFFFEC00  }
0x170: {  	[tilespmem:s25], [sflag:$0x7] =	stream.indirect.gather [hbm4b:s5+s20], $0x40, s16, s20, $0xb8;
	[tilespmem:$0x1E3C0] =	vst v63  }
0x171: {  	_ =	swait.ge [sflag:s6], $0x1400  }
0x172: {  	[sflag:s6] =	ssyncset.done $0x0  }
0x173: {  	s15 =	simm.s32 $0x50A0;
	[sflag:s6] =	ssyncadd.s32 $0xFFFFEC00  }
0x174: {  	[spmem:s3] =	stream.indirect.scatter.add.f32 [tilespmem:s22], [sflag:$0x9], $0x40, s15, s20, $0xb8;
	[tilespmem:$0x1E3C0] =	vst v63  }
0x175: {  	_ =	swait.ge [sflag:s30], $0x1400  }
0x176: {  	[sflag:s30] =	ssyncset.done $0x0  }
0x177: {  	s16 =	simm.s32 $0x460;
	[sflag:s30] =	ssyncadd.s32 $0xFFFFEC00  }
0x178: {  	[tilespmem:s21], [sflag:$0x1] =	stream.indirect.gather [hbm4b:s5+s20], $0x40, s16, s20, $0xb8;
	[tilespmem:$0x1E3C0] =	vst v63  }
0x179: {  	_ =	swait.ge [sflag:s23], $0x1400  }
0x17a: {  	[sflag:s23] =	ssyncset.done $0x0  }
0x17b: {  	s15 =	simm.s32 $0x50F0;
	[sflag:s23] =	ssyncadd.s32 $0xFFFFEC00  }
0x17c: {  	[spmem:s3] =	stream.indirect.scatter.add.f32 [tilespmem:s24], [sflag:$0xA], $0x40, s15, s20, $0xb8;
	[tilespmem:$0x1E3C0] =	vst v63  }
0x17d: {  	_ =	swait.ge [sflag:s7], $0x1400  }
0x17e: {  	[sflag:s7] =	ssyncset.done $0x0  }
0x17f: {  	s16 =	simm.s32 $0x4B0;
	[sflag:s7] =	ssyncadd.s32 $0xFFFFEC00  }
0x180: {  	[tilespmem:s22], [sflag:$0x2] =	stream.indirect.gather [hbm4b:s5+s20], $0x40, s16, s20, $0xb8;
	[tilespmem:$0x1E3C0] =	vst v63  }
0x181: {  	_ =	swait.ge [sflag:s28], $0x1400  }
0x182: {  	[sflag:s28] =	ssyncset.done $0x0  }
0x183: {  	s15 =	simm.s32 $0x5140;
	[sflag:s28] =	ssyncadd.s32 $0xFFFFEC00  }
0x184: {  	[spmem:s3] =	stream.indirect.scatter.add.f32 [tilespmem:s26], [sflag:$0xB], $0x40, s15, s20, $0xb8;
	[tilespmem:$0x1E3C0] =	vst v63  }
0x185: {  	_ =	swait.ge [sflag:s2], $0x1400  }
0x186: {  	[sflag:s2] =	ssyncset.done $0x0  }
0x187: {  	s16 =	simm.s32 $0x500;
	[sflag:s2] =	ssyncadd.s32 $0xFFFFEC00  }
0x188: {  	[tilespmem:s24], [sflag:$0x3] =	stream.indirect.gather [hbm4b:s5+s20], $0x40, s16, s20, $0xb8;
	[tilespmem:$0x1E3C0] =	vst v63  }
0x189: {  	_ =	swait.ge [sflag:s4], $0x1400  }
0x18a: {  	[sflag:s4] =	ssyncset.done $0x0  }
0x18b: {  	s15 =	simm.s32 $0x5190;
	[sflag:s4] =	ssyncadd.s32 $0xFFFFEC00  }
0x18c: {  	[spmem:s3] =	stream.indirect.scatter.add.f32 [tilespmem:s29], [sflag:$0xC], $0x40, s15, s20, $0xb8;
	[tilespmem:$0x1E3C0] =	vst v63  }
0x18d: {  	_ =	swait.ge [sflag:s8], $0x1400  }
0x18e: {  	[sflag:s8] =	ssyncset.done $0x0  }
0x18f: {  	s16 =	simm.s32 $0x550;
	[sflag:s8] =	ssyncadd.s32 $0xFFFFEC00  }
0x190: {  	[tilespmem:s26], [sflag:$0x4] =	stream.indirect.gather [hbm4b:s5+s20], $0x40, s16, s20, $0xb8;
	[tilespmem:$0x1E3C0] =	vst v63  }
0x191: {  	_ =	swait.ge [sflag:s18], $0x1400  }
0x192: {  	[sflag:s18] =	ssyncset.done $0x0  }
0x193: {  	s15 =	simm.s32 $0x51E0;
	[sflag:s18] =	ssyncadd.s32 $0xFFFFEC00  }
0x194: {  	[spmem:s3] =	stream.indirect.scatter.add.f32 [tilespmem:s31], [sflag:$0xD], $0x40, s15, s20, $0xb8;
	[tilespmem:$0x1E3C0] =	vst v63  }
0x195: {  	_ =	swait.ge [sflag:s9], $0x1400  }
0x196: {  	[sflag:s9] =	ssyncset.done $0x0  }
0x197: {  	s16 =	simm.s32 $0x5A0;
	[sflag:s9] =	ssyncadd.s32 $0xFFFFEC00  }
0x198: {  	[tilespmem:s29], [sflag:$0x5] =	stream.indirect.gather [hbm4b:s5+s20], $0x40, s16, s20, $0xb8;
	[tilespmem:$0x1E3C0] =	vst v63  }
0x199: {  	_ =	swait.ge [sflag:s11], $0x1400  }
0x19a: {  	[sflag:s11] =	ssyncset.done $0x0  }
0x19b: {  	s15 =	simm.s32 $0x8C0;
	s16 =	simm.s32 $0x5230;
	[sflag:s11] =	ssyncadd.s32 $0xFFFFEC00  }
.LBB2_8:
0x19c: {  	[spmem:s3] =	stream.indirect.scatter.add.f32 [tilespmem:s25], [sflag:$0xE], $0x40, s16, s20, $0xb8;
	[tilespmem:$0x1E3C0] =	vst v63  }
0x19d: {  	s10 =	smov.u32 s15  }
0x19e: {  	p1 =	sne.s32 s15, $0x120C0;
	s15 =	sadd.s32 $0x8C0, s15;
	_ =	swait.ge [sflag:s12], $0x1400  }
0x19f: {  	s16 =	sshra.s32 s10, $0x2;
	[sflag:s12] =	ssyncset.done $0x0  }
0x1a0: {  	s10 =	sadd.s32 $0x3C0, s16;
	[sflag:s12] =	ssyncadd.s32 $0xFFFFEC00  }
0x1a1: {  	[tilespmem:s31], [sflag:$0x6] =	stream.indirect.gather [hbm4b:s5+s20], $0x40, s10, s20, $0xb8;
	[tilespmem:$0x1E3C0] =	vst v63  }
0x1a2: {  	_ =	swait.ge [sflag:s0], $0x1400  }
0x1a3: {  	[sflag:s0] =	ssyncset.done $0x0  }
0x1a4: {  	s10 =	sadd.s32 $0x5050, s16;
	[sflag:s0] =	ssyncadd.s32 $0xFFFFEC00  }
0x1a5: {  	[spmem:s3] =	stream.indirect.scatter.add.f32 [tilespmem:s21], [sflag:$0x8], $0x40, s10, s20, $0xb8;
	[tilespmem:$0x1E3C0] =	vst v63  }
0x1a6: {  	_ =	swait.ge [sflag:s13], $0x1400  }
0x1a7: {  	[sflag:s13] =	ssyncset.done $0x0  }
0x1a8: {  	s10 =	sadd.s32 $0x410, s16;
	[sflag:s13] =	ssyncadd.s32 $0xFFFFEC00  }
0x1a9: {  	[tilespmem:s25], [sflag:$0x7] =	stream.indirect.gather [hbm4b:s5+s20], $0x40, s10, s20, $0xb8;
	[tilespmem:$0x1E3C0] =	vst v63  }
0x1aa: {  	_ =	swait.ge [sflag:s6], $0x1400  }
0x1ab: {  	[sflag:s6] =	ssyncset.done $0x0  }
0x1ac: {  	s10 =	sadd.s32 $0x50A0, s16;
	[sflag:s6] =	ssyncadd.s32 $0xFFFFEC00  }
0x1ad: {  	[spmem:s3] =	stream.indirect.scatter.add.f32 [tilespmem:s22], [sflag:$0x9], $0x40, s10, s20, $0xb8;
	[tilespmem:$0x1E3C0] =	vst v63  }
0x1ae: {  	_ =	swait.ge [sflag:s30], $0x1400  }
0x1af: {  	[sflag:s30] =	ssyncset.done $0x0  }
0x1b0: {  	s10 =	sadd.s32 $0x460, s16;
	[sflag:s30] =	ssyncadd.s32 $0xFFFFEC00  }
0x1b1: {  	[tilespmem:s21], [sflag:$0x1] =	stream.indirect.gather [hbm4b:s5+s20], $0x40, s10, s20, $0xb8;
	[tilespmem:$0x1E3C0] =	vst v63  }
0x1b2: {  	_ =	swait.ge [sflag:s23], $0x1400  }
0x1b3: {  	[sflag:s23] =	ssyncset.done $0x0  }
0x1b4: {  	s10 =	sadd.s32 $0x50F0, s16;
	[sflag:s23] =	ssyncadd.s32 $0xFFFFEC00  }
0x1b5: {  	[spmem:s3] =	stream.indirect.scatter.add.f32 [tilespmem:s24], [sflag:$0xA], $0x40, s10, s20, $0xb8;
	[tilespmem:$0x1E3C0] =	vst v63  }
0x1b6: {  	_ =	swait.ge [sflag:s7], $0x1400  }
0x1b7: {  	[sflag:s7] =	ssyncset.done $0x0  }
0x1b8: {  	s10 =	sadd.s32 $0x4B0, s16;
	[sflag:s7] =	ssyncadd.s32 $0xFFFFEC00  }
0x1b9: {  	[tilespmem:s22], [sflag:$0x2] =	stream.indirect.gather [hbm4b:s5+s20], $0x40, s10, s20, $0xb8;
	[tilespmem:$0x1E3C0] =	vst v63  }
0x1ba: {  	_ =	swait.ge [sflag:s28], $0x1400  }
0x1bb: {  	[sflag:s28] =	ssyncset.done $0x0  }
0x1bc: {  	s10 =	sadd.s32 $0x5140, s16;
	[sflag:s28] =	ssyncadd.s32 $0xFFFFEC00  }
0x1bd: {  	[spmem:s3] =	stream.indirect.scatter.add.f32 [tilespmem:s26], [sflag:$0xB], $0x40, s10, s20, $0xb8;
	[tilespmem:$0x1E3C0] =	vst v63  }
0x1be: {  	_ =	swait.ge [sflag:s2], $0x1400  }
0x1bf: {  	[sflag:s2] =	ssyncset.done $0x0  }
0x1c0: {  	s10 =	sadd.s32 $0x500, s16;
	[sflag:s2] =	ssyncadd.s32 $0xFFFFEC00  }
0x1c1: {  	[tilespmem:s24], [sflag:$0x3] =	stream.indirect.gather [hbm4b:s5+s20], $0x40, s10, s20, $0xb8;
	[tilespmem:$0x1E3C0] =	vst v63  }
0x1c2: {  	_ =	swait.ge [sflag:s4], $0x1400  }
0x1c3: {  	[sflag:s4] =	ssyncset.done $0x0  }
0x1c4: {  	s10 =	sadd.s32 $0x5190, s16;
	[sflag:s4] =	ssyncadd.s32 $0xFFFFEC00  }
0x1c5: {  	[spmem:s3] =	stream.indirect.scatter.add.f32 [tilespmem:s29], [sflag:$0xC], $0x40, s10, s20, $0xb8;
	[tilespmem:$0x1E3C0] =	vst v63  }
0x1c6: {  	_ =	swait.ge [sflag:s8], $0x1400  }
0x1c7: {  	[sflag:s8] =	ssyncset.done $0x0  }
0x1c8: {  	s10 =	sadd.s32 $0x550, s16;
	[sflag:s8] =	ssyncadd.s32 $0xFFFFEC00  }
0x1c9: {  	[tilespmem:s26], [sflag:$0x4] =	stream.indirect.gather [hbm4b:s5+s20], $0x40, s10, s20, $0xb8;
	[tilespmem:$0x1E3C0] =	vst v63  }
0x1ca: {  	_ =	swait.ge [sflag:s18], $0x1400  }
0x1cb: {  	[sflag:s18] =	ssyncset.done $0x0  }
0x1cc: {  	s10 =	sadd.s32 $0x51E0, s16;
	[sflag:s18] =	ssyncadd.s32 $0xFFFFEC00  }
0x1cd: {  	[spmem:s3] =	stream.indirect.scatter.add.f32 [tilespmem:s31], [sflag:$0xD], $0x40, s10, s20, $0xb8;
	[tilespmem:$0x1E3C0] =	vst v63  }
0x1ce: {  	_ =	swait.ge [sflag:s9], $0x1400  }
0x1cf: {  	[sflag:s9] =	ssyncset.done $0x0  }
.Ltmp6:
0x1d0: {  	s10 =	sadd.s32 $0x5A0, s16;
	[sflag:s9] =	ssyncadd.s32 $0xFFFFEC00;
	(pc) =	sbr.rel @p1 .LBB2_8-.Ltmp6, $4  }
0x1d1: {  	[tilespmem:s29], [sflag:$0x5] =	stream.indirect.gather [hbm4b:s5+s20], $0x40, s10, s20, $0xb8;
	[tilespmem:$0x1E3C0] =	vst v63  }
0x1d2: {  	_ =	swait.ge [sflag:s11], $0x1400  }
0x1d3: {  	[sflag:s11] =	ssyncset.done $0x0  }
0x1d4: {  	s16 =	sadd.s32 $0x5230, s16;
	[sflag:s11] =	ssyncadd.s32 $0xFFFFEC00  }
.Ltmp7:
0x1d5: {  	_ = 	snop;
	(pc) =	sbr.rel .LBB2_9-.Ltmp7, $1  }
0x1d6: {  	_ =	sdelay $0x3  }
.LBB2_11:
0x1d7: {  	_ =	sfence.sel $0x180000  }
0x1d8: {  	[bflag:$0x0] =	sbarrier.arrive $0xFFFF  }
0x1d9: {  	_ =	strace $0x9000004A  }
0x1da: {  	s0 =	stileid.u32;
	[bflag:$0x2] =	sbarrier.arrive $0xFFFF  }
0x1db: {  	p0 =	sne.s32 s0, $0x0;
	s0 =	rddreg [dreg:$0x3]  }
0x1dc: {  	s0 =	sadd.s32 @!p0 $0x100000, s0  }
0x1dd: {  	[sflag:s0] =	ssyncadd.tile.s32 @!p0 $0x1;
	_ =	shalt  }
.Lfunc_end2:
_tile_overlayer_lowered:
.L_overlay_start_2:
0x1de: {  	(tag) =	ssettag $0x2  }
0x1df: {  	s0 =	rddreg [dreg:$0x0];
	s2 =	stileid.u32  }
0x1e0: {  	s1 =	rddreg [dreg:$0x1];
	p0 =	sne.s32 s2, $0x0  }
0x1e1: {  	s3 =	rddreg [dreg:$0x2];
	[bflag:$0x3] =	sbarrier.arrive $0xFFFF;
	s2 =	simm.s32 @!p0 $0x1C0F  }
0x1e2: {  	[timem:s3], [sflag:s2] =	dma.local @!p0 [hbm:s0], s1  }
0x1e3: {  	s0 =	simm.s32 @!p0 $0xF  }
0x1e4: {  	_ =	swait.ge @!p0 [sflag:s0], s1  }
0x1e5: {  	s1 =	ssub.s32 @!p0 $0x0, s1;
	[sflag:s0] =	ssyncset.done @!p0 $0x0  }
0x1e6: {  	[sflag:s0] =	ssyncadd.s32 @!p0 s1  }
0x1e7: {  	[bflag:$0x3] =	sbarrier.arrive $0xFFFF  }
0x1e8: {  	_ =	shalt  }

// kernel: kernel.14.cloned.1.call-start
scs
__scs_entry_jumppad:
0x0: {  	(pc) =	sbr.rel $0x88, $3  }
0x1: {  	(tag) =	ssettag $0x0;
	lr =	simm.s32 $0x1  }
0x2: {  	[smem:$0x3F9B] =	sst lr;
	_ =	strace $0xD0000000  }
0x3: {  	_ = 	snop  }
0x4: {  	_ = 	snop  }
0x5: {  	_ = 	snop  }
0x6: {  	_ = 	snop  }
0x7: {  	_ = 	snop  }
__scs_overlays_trampoline_lowered:
0x8: {  	[smem:$0x3FAA] =	sst s0  }
0x9: {  	[smem:$0x3FAB] =	sst s1  }
0xa: {  	[smem:$0x3FAC] =	sst s2  }
0xb: {  	[smem:$0x3FAD] =	sst s3  }
0xc: {  	[smem:$0x3FAE] =	sst s4  }
0xd: {  	[smem:$0x3FAF] =	sst s5  }
0xe: {  	[smem:$0x3FB0] =	sst s6  }
0xf: {  	[smem:$0x3FB1] =	sst s7  }
0x10: {  	[smem:$0x3FB2] =	sst s8  }
0x11: {  	[smem:$0x3FB3] =	sst s9;
	s0 =	simm.s32 @!p0 $0x0  }
0x12: {  	s1 =	sld [smem:$0x3F99];
	s0 =	simm.s32 @p0 $0x1  }
0x13: {  	[smem:$0x3FB4] =	sst s0;
	s0 =	simm.s32 @!p1 $0x0  }
0x14: {  	s2 =	sld [smem:$0x3F98];
	s0 =	simm.s32 @p1 $0x1  }
0x15: {  	[smem:$0x3FB5] =	sst s0;
	s0 =	simm.s32 @!p2 $0x0  }
0x16: {  	s3 =	sld [smem:$0x3FDB];
	s0 =	simm.s32 @p2 $0x1  }
0x17: {  	s4 =	simm.s32 $0x1BF5;
	[smem:$0x3FB7] =	sst s0  }
0x18: {  	s0 =	sld [smem:$0x3F9A];
	_ =	swait.ge [sflag:s4], $0x0  }
0x19: {  	s7 =	sld [smem:$0x3F9B]  }
0x1a: {  	s8 =	sadd.s32 $0xFFFFE003, lr  }
0x1b: {  	s9 =	sadd.s32 $0xFFFFFEF7, lr;
	s5 =	simm.s32 $0xFFFFFFFF;
	p2 =	slt.u32 s8, $0xFFFFF086  }
0x1c: {  	p1 =	slt.u32 s9, $0xF7A;
	s5 =	simm.s32 @!p2 $0x0  }
0x1d: {  	s5 =	simm.s32 @p1 $0x1;
	p0 =	seq.s32 s7, s2  }
0x1e: {  	s7 =	smul.u32 @!p0 $0xF7A, s2;
	p2 =	seq.s32 @!p0 s5, $0x0  }
0x1f: {  	s9 =	smul.u32 $0xF7A, s1;
	s8 =	simm.s32 @!p0 $0x1BF5;
	p2 =	por !p2, p0  }
0x20: {  	[sflag:s8] =	ssyncset.s32 @!p0 $0xFFFFF086;
	s6 =	sadd.s32 @!p0 s3, s7;
	s7 =	simm.s32 @!p0 $0x108  }
0x21: {  	s3 =	sadd.s32 s3, s9;
	s6 =	sadd.s32 @!p0 $0x88, s6;
	s7 =	simm.s32 @p2 $0x1082  }
0x22: {  	[simem:s7], [sflag:s8] =	dma.local @!p0 [hbm:s6], $0xF7A  }
0x23: {  	s9 =	sor.u32 $0xD0000000, s2;
	s6 =	simm.s32 $0x108;
	_ =	swait.ge @!p0 [sflag:s8], $0x0  }
0x24: {  	s3 =	sadd.s32 $0x88, s3;
	s6 =	simm.s32 @!p1 $0x1082;
	[sflag:s4] =	ssyncset.s32 $0xFFFFF086  }
0x25: {  	[simem:s6], [sflag:s4] =	dma.local [hbm:s3], $0xF7A  }
0x26: {  	[smem:$0x3F9B] =	sst s1;
	(tag) =	ssettag s2;
	_ =	strace s9  }
0x27: {  	s1 =	sld [smem:$0x3FAB]  }
0x28: {  	s2 =	sld [smem:$0x3FAC]  }
0x29: {  	s4 =	sld [smem:$0x3FAE]  }
0x2a: {  	p0 =	seq.s32 s5, $0x0;
	s5 =	sld [smem:$0x3FAF]  }
0x2b: {  	s6 =	sld [smem:$0x3FB0]  }
0x2c: {  	s7 =	sld [smem:$0x3FB1]  }
0x2d: {  	s3 =	simm.s32 $0x108;
	s8 =	sld [smem:$0x3FB2]  }
0x2e: {  	s3 =	simm.s32 @!p0 $0x1082;
	s9 =	sld [smem:$0x3FB3]  }
0x2f: {  	lr =	sadd.s32 s0, s3;
	s0 =	sld [smem:$0x3FAA]  }
0x30: {  	s3 =	sld [smem:$0x3FAD]  }
0x31: {  	[smem:$0x3FB6] =	sst s10  }
0x32: {  	s10 =	sld [smem:$0x3FB4];
	_ =	sdelay $0x3  }
0x33: {  	p0 =	seq.s32 s10, $0x1;
	s10 =	sld [smem:$0x3FB6];
	_ =	sdelay $0x3  }
0x34: {  	[smem:$0x3FB6] =	sst s10  }
0x35: {  	s10 =	sld [smem:$0x3FB5];
	_ =	sdelay $0x3  }
0x36: {  	p1 =	seq.s32 s10, $0x1;
	s10 =	sld [smem:$0x3FB6];
	_ =	sdelay $0x3  }
0x37: {  	[smem:$0x3FB6] =	sst s10  }
0x38: {  	s10 =	sld [smem:$0x3FB7]  }
0x39: {  	_ = 	snop;
	(pc) =	sbr.ind lr, $3  }
0x3a: {  	_ = 	snop  }
0x3b: {  	_ = 	snop  }
0x3c: {  	p2 =	seq.s32 s10, $0x1;
	s10 =	sld [smem:$0x3FB6]  }
0x3d: {  	_ =	shalt  }
0x3e: {  	_ =	shalt  }
0x3f: {  	_ =	shalt  }
0x40: {  	_ =	shalt  }
0x41: {  	_ =	shalt  }
0x42: {  	_ =	shalt  }
0x43: {  	_ =	shalt  }
0x44: {  	_ =	shalt  }
0x45: {  	_ =	shalt  }
0x46: {  	_ =	shalt  }
0x47: {  	_ =	shalt  }
0x48: {  	_ =	shalt  }
0x49: {  	_ =	shalt  }
0x4a: {  	_ =	shalt  }
0x4b: {  	_ =	shalt  }
0x4c: {  	_ =	shalt  }
0x4d: {  	_ =	shalt  }
0x4e: {  	_ =	shalt  }
0x4f: {  	_ =	shalt  }
0x50: {  	_ =	shalt  }
0x51: {  	_ =	shalt  }
0x52: {  	_ =	shalt  }
0x53: {  	_ =	shalt  }
0x54: {  	_ =	shalt  }
0x55: {  	_ =	shalt  }
0x56: {  	_ =	shalt  }
0x57: {  	_ =	shalt  }
0x58: {  	_ =	shalt  }
0x59: {  	_ =	shalt  }
0x5a: {  	_ =	shalt  }
0x5b: {  	_ =	shalt  }
0x5c: {  	_ =	shalt  }
0x5d: {  	_ =	shalt  }
0x5e: {  	_ =	shalt  }
0x5f: {  	_ =	shalt  }
0x60: {  	_ =	shalt  }
0x61: {  	_ =	shalt  }
0x62: {  	_ =	shalt  }
0x63: {  	_ =	shalt  }
0x64: {  	_ =	shalt  }
0x65: {  	_ =	shalt  }
0x66: {  	_ =	shalt  }
0x67: {  	_ =	shalt  }
0x68: {  	_ =	shalt  }
0x69: {  	_ =	shalt  }
0x6a: {  	_ =	shalt  }
0x6b: {  	_ =	shalt  }
0x6c: {  	_ =	shalt  }
0x6d: {  	_ =	shalt  }
0x6e: {  	_ =	shalt  }
0x6f: {  	_ =	shalt  }
0x70: {  	_ =	shalt  }
0x71: {  	_ =	shalt  }
0x72: {  	_ =	shalt  }
0x73: {  	_ =	shalt  }
0x74: {  	_ =	shalt  }
0x75: {  	_ =	shalt  }
0x76: {  	_ =	shalt  }
0x77: {  	_ =	shalt  }
0x78: {  	_ =	shalt  }
0x79: {  	_ =	shalt  }
0x7a: {  	_ =	shalt  }
0x7b: {  	_ =	shalt  }
0x7c: {  	_ =	shalt  }
0x7d: {  	_ =	shalt  }
0x7e: {  	_ =	shalt  }
0x7f: {  	_ =	shalt  }
0x80: {  	_ =	shalt  }
0x81: {  	_ =	shalt  }
0x82: {  	_ =	shalt  }
0x83: {  	_ =	shalt  }
0x84: {  	_ =	shalt  }
0x85: {  	_ =	shalt  }
0x86: {  	_ =	shalt  }
0x87: {  	_ =	shalt  }
.Lfunc_end0:
.L_simem_size_0:
called_computation.2_lowered:
.L_overlay_start_0:
0x88: {  	s2 =	sld [smem:$0x3FD9]  }
0x89: {  	s3 =	sld [smem:$0x3FFE];
	_ =	sdelay $0x1  }
0x8a: {  	s1 =	srdreg.scid  }
0x8b: {  	s0 =	sand.u32 $0x1, s1  }
0x8c: {  	s17 =	sshll.u32 s0, $0xA;
	s2 =	sadd.s32 s3, s2  }
0x8d: {  	s2 =	sadd.s32 s2, s17  }
0x8e: {  	[smem:$0x3FC2] =	sst s2  }
0x8f: {  	_ = 	snop  }
0x90: {  	s2 =	sld [smem:$0x3FD0];
	(tm) =	ssettm $0x1  }
0x91: {  	s18 =	sld [smem:$0x3FFB];
	_ =	sdelay $0x3  }
0x92: {  	_ =	strace s18  }
0x93: {  	s3 =	sld [smem:$0x3FFC];
	_ =	sdelay $0x3  }
0x94: {  	_ =	strace s3  }
0x95: {  	s3 =	sld [smem:$0x3FFD];
	_ =	sdelay $0x3  }
0x96: {  	_ =	strace s3  }
0x97: {  	_ =	strace $0x8FFFFFFF  }
0x98: {  	s19 =	sld [smem:$0x3FDB];
	_ =	sdelay $0x1  }
0x99: {  	s4 =	simm.s32 $_scs_section_size  }
0x9a: {  	s5 =	simm.s32 $_size__tile_overlayer_lowered;
	s6 =	simm.s32 $_tile_overlayer_lowered  }
0x9b: {  	s22 =	simm.s32 $0x1BFF;
	s21 =	sshll.u32 s6, $0x1;
	s3 =	sadd.s32 s4, s19  }
0x9c: {  	s7 =	simm.s32 $0x0;
	s20 =	sshll.u32 s5, $0x1;
	s5 =	sadd.s32 s21, s3  }
0x9d: {  	[timem:s7], [sflag:s22] =	dma.local [hbm:s5], s20  }
0x9e: {  	_ =	swait.ge [sflag:s22], s20  }
0x9f: {  	s4 =	ssub.s32 $0x0, s20;
	[sflag:s22] =	ssyncset.done $0x0  }
0xa0: {  	[sflag:s22] =	ssyncadd.s32 s4;
	_ =	sdelay $0x1  }
0xa1: {  	s23 =	simm.s32 $0x1B8B  }
0xa2: {  	_ =	swait.ge [sflag:s23], $0x1  }
0xa3: {  	[sflag:s23] =	ssyncset.done $0x0  }
0xa4: {  	s25 =	simm.s32 $0x1B8E;
	s24 =	sld [smem:$0x3FFE];
	[sflag:s23] =	ssyncadd.s32 $0xFFFFFFFF  }
0xa5: {  	s26 =	simm.s32 $execute0_lowered;
	[smem:$0x3FD2] =	sst s25  }
0xa6: {  	s5 =	sshll.u32 s26, $0x1;
	_ =	strace $0x8000004C;
	[dreg:$0x1] =	wrdreg $0xFFFFFFFF  }
0xa7: {  	s28 =	simm.s32 $_size_execute0_lowered;
	s3 =	sadd.s32 s3, s5;
	[dreg:$0x0] =	wrdreg $0x0  }
0xa8: {  	s5 =	sshll.u32 s28, $0x1;
	[dreg:$0x2] =	wrdreg s3  }
0xa9: {  	[dreg:$0x3] =	wrdreg s5  }
0xaa: {  	[dreg:$0x4] =	wrdreg $0xC0  }
0xab: {  	_ =	task [dreg:s7], $0x5FFFF  }
0xac: {  	[dreg:$0x1] =	wrdreg $0xFFFFFFFF  }
0xad: {  	[dreg:$0x0] =	wrdreg $0x60  }
0xae: {  	[dreg:$0x2] =	wrdreg s2  }
0xaf: {  	[dreg:$0x3] =	wrdreg s24  }
0xb0: {  	[dreg:$0x4] =	wrdreg $0x147800  }
0xb1: {  	[dreg:$0x5] =	wrdreg $0x9  }
0xb2: {  	_ =	task.clear_ibuf [dreg:s7], $0x6FFFF;
	_ =	strace $0x9000004C  }
0xb3: {  	s29 =	simm.s32 $0x9;
	_ =	strace $0x8000004E  }
0xb4: {  	_ =	swait.ge [sflag:s29], $0x1  }
0xb5: {  	[sflag:s29] =	ssyncadd.s32 $0xFFFFFFFF  }
0xb6: {  	_ =	strace $0x9000004E  }
0xb7: {  	_ =	sfence  }
0xb8: {  	s30 =	sld [smem:$0x0];
	_ =	sdelay $0x2  }
0xb9: {  	s31 =	sshll.u32 s1, $0xD;
	s1 =	sshrl.u32 s1, $0x2  }
0xba: {  	s3 =	sand.u32 $0x4000, s31;
	s1 =	sadd.s32 s1, s30  }
0xbb: {  	s0 =	sor.u32 s3, s0;
	s1 =	sshll.u32 s1, $0x11  }
0xbc: {  	s0 =	sor.u32 s1, s0  }
0xbd: {  	s0 =	sadd.s32 $0x8F2B, s0  }
0xbe: {  	[sflag:s0] =	ssyncadd.remote.s32 $0x1  }
0xbf: {  	_ =	sfence.sel $0xFFFF  }
0xc0: {  	[dreg:$0x0] =	wrdreg $0xFFFFFFFF;
	(pc) =	sbr.abs _section_cstart, $3  }
0xc1: {  	[dreg:$0x1] =	wrdreg $0xFFFFFFFF  }
0xc2: {  	_ =	task.clear_ibuf [dreg:s7], $0x2FFFF;
	_ =	strace $0x9FFFFFFF  }
0xc3: {  	(tm) =	ssettm $0x7FFFFFFF  }
tec
execute0_lowered:
.L_overlay_start_1:
0x0: {  	(tag) =	ssettag $0x1  }
0x1: {  	s1 =	rddreg [dreg:$0x0]  }
0x2: {  	s0 =	rddreg [dreg:$0x1]  }
0x3: {  	s3 =	rddreg [dreg:$0x2];
	s2 =	simm.s32 $0x0;
	s8 =	stileid.u32  }
0x4: {  	s4 =	srdreg.scid;
	s29 =	simm.s32 $0xEC40;
	s31 =	simm.s32 $0x10040  }
0x5: {  	s30 =	simm.s32 $0x8;
	s28 =	simm.s32 $0x4;
	s9 =	simm.s32 $0xC  }
0x6: {  	s11 =	simm.s32 $0x7;
	s12 =	simm.s32 $0xD;
	s13 =	simm.s32 $0xE  }
0x7: {  	s14 =	simm.s32 $0x0;
	[smem:$0x7FF] =	sst s2;
	s17 =	smul.u32 $0x9C4, s8  }
0x8: {  	s5 =	sadd.s32 $0x67800, s0;
	s4 =	sand.u32 $0x1, s4;
	s7 =	smul.u32 $0x27100, s8  }
0x9: {  	s6 =	sadd.s32 $0x7B200, s0;
	s8 =	smul.u32 $0x9C40, s8;
	_ =	strace $0x8000004D  }
0xa: {  	[dreg:$0x4] =	wrdreg s6;
	s18 =	ssub.s32 $0x2, s4;
	p0 =	sne.s32 s4, $0x0  }
0xb: {  	s4 =	simm.s32 $0x5;
	s2 =	sadd.s32 s17, s0;
	s0 =	sadd.s32 $0x8EC00, s0  }
0xc: {  	s19 =	sshrl.u32 s18, $0x1;
	s21 =	sshrl.u32 s7, $0x2;
	s22 =	sadd.s32 s8, s3  }
0xd: {  	s26 =	sshrl.u32 s8, $0x3;
	s17 =	simm.s32 $0xF;
	s7 =	simm.s32 $0x9  }
0xe: {  	s8 =	simm.s32 $0xB;
	[dreg:$0x5] =	wrdreg s0;
	s0 =	ssub.s32 s18, s19  }
0xf: {  	s20 =	sadd.s32 $0x5A00, s2;
	s2 =	sadd.s32 $0xF800, s2;
	[dreg:$0x8] =	wrdreg s22  }
0x10: {  	s23 =	sadd.s32 s21, s3;
	[dreg:$0xd] =	wrdreg s26;
	s19 =	simm.s32 $0x12840  }
0x11: {  	s21 =	simm.s32 $0x9C40;
	s22 =	simm.s32 $0xB040;
	[dreg:$0x6] =	wrdreg s20  }
0x12: {  	s26 =	simm.s32 $0xD840;
	[dreg:$0x7] =	wrdreg s2;
	s6 =	sadd.s32 $0x1F40, s23  }
0x13: {  	s18 =	simm.s32 $0x6;
	s24 =	sadd.s32 $0x3E80, s23;
	[dreg:$0x9] =	wrdreg s6  }
.Ltmp0:
0x14: {  	s25 =	sadd.s32 $0x5DC0, s23;
	[dreg:$0xa] =	wrdreg s24;
	(pc) =	sbr.rel .LBB2_1-.Ltmp0, $4  }
0x15: {  	s2 =	sadd.s32 $0x7D00, s23;
	s0 =	smax.u32 s0, $0x1;
	[dreg:$0xb] =	wrdreg s25  }
0x16: {  	s20 =	simm.s32 $0x50;
	s23 =	simm.s32 $0x3;
	[dreg:$0xc] =	wrdreg s2  }
0x17: {  	[dreg:$0xe] =	wrdreg s0;
	s24 =	simm.s32 $0xC440;
	s0 =	simm.s32 $0x1  }
0x18: {  	v0 =	vimm.f32 $0.0e+00;
	s25 =	simm.s32 $0x11440;
	s6 =	simm.s32 $0x2;
	s2 =	simm.s32 $0xA  }
.LBB2_9:
0x19: {  	[spmem:s3] =	stream.indirect.scatter.add.f32 [tilespmem:s25], [sflag:$0xE], $0x40, s16, s20, $0xb8;
	[tilespmem:$0x1E3C0] =	vst v63  }
0x1a: {  	s15 =	rddreg [dreg:$0x5]  }
.LBB2_10:
0x1b: {  	_ =	swait.ge [sflag:s0], $0x1400  }
0x1c: {  	[sflag:s0] =	ssyncset.done $0x0  }
0x1d: {  	s10 =	simm.s32 $0x9AB0;
	[sflag:s0] =	ssyncadd.s32 $0xFFFFEC00  }
0x1e: {  	[spmem:s3] =	stream.indirect.scatter.add.f32 [tilespmem:s21], [sflag:$0x8], $0x40, s10, s20, $0xb8;
	[tilespmem:$0x1E3C0] =	vst v63  }
0x1f: {  	_ =	swait.ge [sflag:s6], $0x1400  }
0x20: {  	[sflag:s6] =	ssyncset.done $0x0  }
0x21: {  	s16 =	simm.s32 $0x9B00;
	[sflag:s6] =	ssyncadd.s32 $0xFFFFEC00  }
0x22: {  	[spmem:s3] =	stream.indirect.scatter.add.f32 [tilespmem:s22], [sflag:$0x9], $0x40, s16, s20, $0xb8;
	[tilespmem:$0x1E3C0] =	vst v63  }
0x23: {  	_ =	swait.ge [sflag:s23], $0x1400  }
0x24: {  	[sflag:s23] =	ssyncset.done $0x0  }
0x25: {  	s16 =	simm.s32 $0x9B50;
	[sflag:s23] =	ssyncadd.s32 $0xFFFFEC00  }
0x26: {  	[spmem:s3] =	stream.indirect.scatter.add.f32 [tilespmem:s24], [sflag:$0xA], $0x40, s16, s20, $0xb8;
	[tilespmem:$0x1E3C0] =	vst v63  }
0x27: {  	_ =	swait.ge [sflag:s28], $0x1400  }
0x28: {  	[sflag:s28] =	ssyncset.done $0x0  }
0x29: {  	s16 =	simm.s32 $0x9BA0;
	[sflag:s28] =	ssyncadd.s32 $0xFFFFEC00  }
0x2a: {  	[spmem:s3] =	stream.indirect.scatter.add.f32 [tilespmem:s26], [sflag:$0xB], $0x40, s16, s20, $0xb8;
	[tilespmem:$0x1E3C0] =	vst v63  }
0x2b: {  	_ =	swait.ge [sflag:s4], $0x1400  }
0x2c: {  	[sflag:s4] =	ssyncset.done $0x0  }
0x2d: {  	s16 =	simm.s32 $0x9BF0;
	[sflag:s4] =	ssyncadd.s32 $0xFFFFEC00  }
0x2e: {  	[spmem:s3] =	stream.indirect.scatter.add.f32 [tilespmem:s29], [sflag:$0xC], $0x40, s16, s20, $0xb8;
	[tilespmem:$0x1E3C0] =	vst v63  }
0x2f: {  	_ =	swait.ge [sflag:s30], $0x1400  }
0x30: {  	[sflag:s30] =	ssyncset.done $0x0  }
0x31: {  	[sflag:s30] =	ssyncadd.s32 $0xFFFFEC00  }
0x32: {  	_ =	swait.ge [sflag:s7], $0x1400  }
0x33: {  	[sflag:s7] =	ssyncset.done $0x0  }
0x34: {  	[sflag:s7] =	ssyncadd.s32 $0xFFFFEC00  }
0x35: {  	_ =	swait.ge [sflag:s2], $0x1400  }
0x36: {  	[sflag:s2] =	ssyncset.done $0x0  }
0x37: {  	[sflag:s2] =	ssyncadd.s32 $0xFFFFEC00  }
0x38: {  	_ =	swait.ge [sflag:s8], $0x1400  }
0x39: {  	[sflag:s8] =	ssyncset.done $0x0  }
0x3a: {  	[sflag:s8] =	ssyncadd.s32 $0xFFFFEC00  }
0x3b: {  	_ =	swait.ge [sflag:s9], $0x1400  }
0x3c: {  	[sflag:s9] =	ssyncset.done $0x0  }
0x3d: {  	[sflag:s9] =	ssyncadd.s32 $0xFFFFEC00  }
0x3e: {  	_ =	swait.ge [sflag:s12], $0x1400  }
0x3f: {  	[sflag:s12] =	ssyncset.done $0x0  }
0x40: {  	[sflag:s12] =	ssyncadd.s32 $0xFFFFEC00  }
0x41: {  	_ =	swait.ge [sflag:s13], $0x1400  }
0x42: {  	[sflag:s13] =	ssyncset.done $0x0  }
0x43: {  	s16 =	rddreg [dreg:$0xd];
	[sflag:s13] =	ssyncadd.s32 $0xFFFFEC00  }
0x44: {  	s10 =	sadd.s32 s15, s16;
	s16 =	stileid.u32;
	[bflag:$0x0] =	sbarrier.arrive $0xFFFF  }
0x45: {  	s15 =	sshll.u32 s16, $0x6;
	s16 =	rddreg [dreg:$0x8]  }
0x46: {  	s15 =	sor.u32 $0x1C0F, s15;
	s16 =	sshrl.u32 s16, $0x3  }
0x47: {  	[hbm:s10], [sflag:s15] =	dma.local [spmem:s16], $0x1388  }
0x48: {  	_ =	swait.ge [sflag:s17], $0x1388  }
0x49: {  	s14 =	sadd.s32 $0x1, s14;
	s16 =	rddreg [dreg:$0xe]  }
0x4a: {  	p1 =	sne.s32 s14, s16  }
.Ltmp1:
0x4b: {  	_ = 	snop;
	(pc) =	sbr.rel @!p1 .LBB2_11-.Ltmp1, $3  }
0x4c: {  	_ =	sdelay $0x1  }
0x4d: {  	[sflag:s17] =	ssyncset.done $0x0  }
0x4e: {  	[sflag:s17] =	ssyncadd.s32 $0xFFFFEC78  }
.LBB2_1:
0x4f: {  	s10 =	simm.s32 $0x0;
	s15 =	rddreg [dreg:$0x6]  }
0x50: {  	[tilespmem:s10], [sflag:$0xF] =	stream.linear.gather [hbm4b:s15+s10], $0x4E20, $0x38;
	[tilespmem:$0x1E3C0] =	vst v63  }
0x51: {  	_ =	swait.ge [sflag:s17], $0x4E20  }
0x52: {  	[sflag:s17] =	ssyncset.done $0x0  }
0x53: {  	s16 =	simm.s32 $0x4E20;
	s15 =	rddreg [dreg:$0x7];
	[sflag:s17] =	ssyncadd.s32 $0xFFFFB1E0  }
0x54: {  	[tilespmem:s16], [sflag:$0xF] =	stream.linear.gather [hbm4b:s15+s10], $0x4E20, $0x38;
	[tilespmem:$0x1E3C0] =	vst v63  }
0x55: {  	_ =	swait.ge [sflag:s17], $0x4E20  }
0x56: {  	[sflag:s17] =	ssyncset.done $0x0  }
0x57: {  	s16 =	simm.s32 $0x100;
	s15 =	simm.s32 $0x0;
	[sflag:s17] =	ssyncadd.s32 $0xFFFFB1E0  }
.LBB2_2:
0x58: {  	p1 =	sne.s32 s16, $0x7C00;
	[tilespmem:s15+$0x12870] =	vst v0;
	s10 =	smov.u32 s16;
	s16 =	sadd.s32 $0x100, s16  }
.Ltmp2:
0x59: {  	[tilespmem:s15+$0x12860] =	vst v0;
	(pc) =	sbr.rel @p1 .LBB2_2-.Ltmp2, $3  }
0x5a: {  	[tilespmem:s15+$0x12840] =	vst v0  }
0x5b: {  	[tilespmem:s15+$0x12850] =	vst v0;
	_ =	sdelay $0x1  }
0x5c: {  	s15 =	sshra.s32 s10, $0x2  }
0x5d: {  	[tilespmem:s15+$0x12870] =	vst v0  }
0x5e: {  	[tilespmem:s15+$0x12860] =	vst v0  }
0x5f: {  	[tilespmem:s15+$0x12840] =	vst v0  }
0x60: {  	[tilespmem:s15+$0x12850] =	vst v0;
	s10 =	rddreg [dreg:$0x8]  }
0x61: {  	[spmem:s10] =	stream.linear.scatter [tilespmem:s19], [sflag:$0xF], $0x1F40, $0x38;
	[tilespmem:$0x1E3C0] =	vst v63  }
0x62: {  	_ =	swait.ge [sflag:s17], $0x1F40  }
0x63: {  	[sflag:s17] =	ssyncset.done $0x0  }
0x64: {  	s15 =	rddreg [dreg:$0x9];
	[sflag:s17] =	ssyncadd.s32 $0xFFFFE0C0  }
0x65: {  	[spmem:s15] =	stream.linear.scatter [tilespmem:s19], [sflag:$0xF], $0x1F40, $0x38;
	[tilespmem:$0x1E3C0] =	vst v63  }
0x66: {  	_ =	swait.ge [sflag:s17], $0x1F40  }
0x67: {  	[sflag:s17] =	ssyncset.done $0x0  }
0x68: {  	s16 =	rddreg [dreg:$0xa];
	[sflag:s17] =	ssyncadd.s32 $0xFFFFE0C0  }
0x69: {  	[spmem:s16] =	stream.linear.scatter [tilespmem:s19], [sflag:$0xF], $0x1F40, $0x38;
	[tilespmem:$0x1E3C0] =	vst v63  }
0x6a: {  	_ =	swait.ge [sflag:s17], $0x1F40  }
0x6b: {  	[sflag:s17] =	ssyncset.done $0x0  }
0x6c: {  	s15 =	rddreg [dreg:$0xb];
	[sflag:s17] =	ssyncadd.s32 $0xFFFFE0C0  }
0x6d: {  	[spmem:s15] =	stream.linear.scatter [tilespmem:s19], [sflag:$0xF], $0x1F40, $0x38;
	[tilespmem:$0x1E3C0] =	vst v63  }
0x6e: {  	_ =	swait.ge [sflag:s17], $0x1F40  }
0x6f: {  	[sflag:s17] =	ssyncset.done $0x0  }
0x70: {  	s16 =	rddreg [dreg:$0xc];
	[sflag:s17] =	ssyncadd.s32 $0xFFFFE0C0  }
0x71: {  	[spmem:s16] =	stream.linear.scatter [tilespmem:s19], [sflag:$0xF], $0x1F40, $0x38;
	[tilespmem:$0x1E3C0] =	vst v63  }
.Ltmp3:
0x72: {  	_ =	swait.ge [sflag:s17], $0x1F40;
	(pc) =	sbr.rel @p0 .LBB2_7-.Ltmp3, $4  }
0x73: {  	[sflag:s17] =	ssyncset.done $0x0  }
0x74: {  	[sflag:s17] =	ssyncadd.s32 $0xFFFFE0C0  }
0x75: {  	[bflag:$0x0] =	sbarrier.arrive $0xFFFF  }
0x76: {  	s10 =	simm.s32 $0x0  }
0x77: {  	[tilespmem:s21], [sflag:$0x1] =	stream.indirect.gather [hbm4b:s1+s20], $0x40, s10, s20, $0xb8;
	[tilespmem:$0x1E3C0] =	vst v63  }
0x78: {  	_ = 	snop  }
0x79: {  	[tilespmem:s22], [sflag:$0x2] =	stream.indirect.gather [hbm4b:s1+s20], $0x40, s20, s20, $0xb8;
	[tilespmem:$0x1E3C0] =	vst v63  }
0x7a: {  	s15 =	simm.s32 $0xA0  }
0x7b: {  	[tilespmem:s24], [sflag:$0x3] =	stream.indirect.gather [hbm4b:s1+s20], $0x40, s15, s20, $0xb8;
	[tilespmem:$0x1E3C0] =	vst v63  }
0x7c: {  	s16 =	simm.s32 $0xF0  }
0x7d: {  	[tilespmem:s26], [sflag:$0x4] =	stream.indirect.gather [hbm4b:s1+s20], $0x40, s16, s20, $0xb8;
	[tilespmem:$0x1E3C0] =	vst v63  }
0x7e: {  	s15 =	simm.s32 $0x140  }
0x7f: {  	[tilespmem:s29], [sflag:$0x5] =	stream.indirect.gather [hbm4b:s1+s20], $0x40, s15, s20, $0xb8;
	[tilespmem:$0x1E3C0] =	vst v63  }
0x80: {  	s16 =	simm.s32 $0x190  }
0x81: {  	[tilespmem:s31], [sflag:$0x6] =	stream.indirect.gather [hbm4b:s1+s20], $0x40, s16, s20, $0xb8;
	[tilespmem:$0x1E3C0] =	vst v63  }
0x82: {  	_ =	swait.ge [sflag:s0], $0x1400  }
0x83: {  	[sflag:s0] =	ssyncset.done $0x0  }
0x84: {  	s15 =	simm.s32 $0x4E20;
	[sflag:s0] =	ssyncadd.s32 $0xFFFFEC00  }
0x85: {  	[spmem:s3] =	stream.indirect.scatter.add.f32 [tilespmem:s21], [sflag:$0x8], $0x40, s15, s20, $0xb8;
	[tilespmem:$0x1E3C0] =	vst v63  }
0x86: {  	s16 =	simm.s32 $0x1E0  }
0x87: {  	[tilespmem:s25], [sflag:$0x7] =	stream.indirect.gather [hbm4b:s1+s20], $0x40, s16, s20, $0xb8;
	[tilespmem:$0x1E3C0] =	vst v63  }
0x88: {  	_ =	swait.ge [sflag:s6], $0x1400  }
0x89: {  	[sflag:s6] =	ssyncset.done $0x0  }
0x8a: {  	s15 =	simm.s32 $0x4E70;
	[sflag:s6] =	ssyncadd.s32 $0xFFFFEC00  }
0x8b: {  	[spmem:s3] =	stream.indirect.scatter.add.f32 [tilespmem:s22], [sflag:$0x9], $0x40, s15, s20, $0xb8;
	[tilespmem:$0x1E3C0] =	vst v63  }
0x8c: {  	_ =	swait.ge [sflag:s30], $0x1400  }
0x8d: {  	[sflag:s30] =	ssyncset.done $0x0  }
0x8e: {  	s16 =	simm.s32 $0x230;
	[sflag:s30] =	ssyncadd.s32 $0xFFFFEC00  }
0x8f: {  	[tilespmem:s21], [sflag:$0x1] =	stream.indirect.gather [hbm4b:s1+s20], $0x40, s16, s20, $0xb8;
	[tilespmem:$0x1E3C0] =	vst v63  }
0x90: {  	_ =	swait.ge [sflag:s23], $0x1400  }
0x91: {  	[sflag:s23] =	ssyncset.done $0x0  }
0x92: {  	s15 =	simm.s32 $0x4EC0;
	[sflag:s23] =	ssyncadd.s32 $0xFFFFEC00  }
0x93: {  	[spmem:s3] =	stream.indirect.scatter.add.f32 [tilespmem:s24], [sflag:$0xA], $0x40, s15, s20, $0xb8;
	[tilespmem:$0x1E3C0] =	vst v63  }
0x94: {  	_ =	swait.ge [sflag:s7], $0x1400  }
0x95: {  	[sflag:s7] =	ssyncset.done $0x0  }
0x96: {  	s16 =	simm.s32 $0x280;
	[sflag:s7] =	ssyncadd.s32 $0xFFFFEC00  }
0x97: {  	[tilespmem:s22], [sflag:$0x2] =	stream.indirect.gather [hbm4b:s1+s20], $0x40, s16, s20, $0xb8;
	[tilespmem:$0x1E3C0] =	vst v63  }
0x98: {  	_ =	swait.ge [sflag:s28], $0x1400  }
0x99: {  	[sflag:s28] =	ssyncset.done $0x0  }
0x9a: {  	s15 =	simm.s32 $0x4F10;
	[sflag:s28] =	ssyncadd.s32 $0xFFFFEC00  }
0x9b: {  	[spmem:s3] =	stream.indirect.scatter.add.f32 [tilespmem:s26], [sflag:$0xB], $0x40, s15, s20, $0xb8;
	[tilespmem:$0x1E3C0] =	vst v63  }
0x9c: {  	_ =	swait.ge [sflag:s2], $0x1400  }
0x9d: {  	[sflag:s2] =	ssyncset.done $0x0  }
0x9e: {  	s16 =	simm.s32 $0x2D0;
	[sflag:s2] =	ssyncadd.s32 $0xFFFFEC00  }
0x9f: {  	[tilespmem:s24], [sflag:$0x3] =	stream.indirect.gather [hbm4b:s1+s20], $0x40, s16, s20, $0xb8;
	[tilespmem:$0x1E3C0] =	vst v63  }
0xa0: {  	_ =	swait.ge [sflag:s4], $0x1400  }
0xa1: {  	[sflag:s4] =	ssyncset.done $0x0  }
0xa2: {  	s15 =	simm.s32 $0x4F60;
	[sflag:s4] =	ssyncadd.s32 $0xFFFFEC00  }
0xa3: {  	[spmem:s3] =	stream.indirect.scatter.add.f32 [tilespmem:s29], [sflag:$0xC], $0x40, s15, s20, $0xb8;
	[tilespmem:$0x1E3C0] =	vst v63  }
0xa4: {  	_ =	swait.ge [sflag:s8], $0x1400  }
0xa5: {  	[sflag:s8] =	ssyncset.done $0x0  }
0xa6: {  	s16 =	simm.s32 $0x320;
	[sflag:s8] =	ssyncadd.s32 $0xFFFFEC00  }
0xa7: {  	[tilespmem:s26], [sflag:$0x4] =	stream.indirect.gather [hbm4b:s1+s20], $0x40, s16, s20, $0xb8;
	[tilespmem:$0x1E3C0] =	vst v63  }
0xa8: {  	_ =	swait.ge [sflag:s18], $0x1400  }
0xa9: {  	[sflag:s18] =	ssyncset.done $0x0  }
0xaa: {  	s15 =	simm.s32 $0x4FB0;
	[sflag:s18] =	ssyncadd.s32 $0xFFFFEC00  }
0xab: {  	[spmem:s3] =	stream.indirect.scatter.add.f32 [tilespmem:s31], [sflag:$0xD], $0x40, s15, s20, $0xb8;
	[tilespmem:$0x1E3C0] =	vst v63  }
0xac: {  	_ =	swait.ge [sflag:s9], $0x1400  }
0xad: {  	[sflag:s9] =	ssyncset.done $0x0  }
0xae: {  	s16 =	simm.s32 $0x370;
	[sflag:s9] =	ssyncadd.s32 $0xFFFFEC00  }
0xaf: {  	[tilespmem:s29], [sflag:$0x5] =	stream.indirect.gather [hbm4b:s1+s20], $0x40, s16, s20, $0xb8;
	[tilespmem:$0x1E3C0] =	vst v63  }
0xb0: {  	_ =	swait.ge [sflag:s11], $0x1400  }
0xb1: {  	[sflag:s11] =	ssyncset.done $0x0  }
0xb2: {  	s15 =	simm.s32 $0x5000;
	[sflag:s11] =	ssyncadd.s32 $0xFFFFEC00  }
0xb3: {  	[spmem:s3] =	stream.indirect.scatter.add.f32 [tilespmem:s25], [sflag:$0xE], $0x40, s15, s20, $0xb8;
	[tilespmem:$0x1E3C0] =	vst v63  }
0xb4: {  	_ =	swait.ge [sflag:s12], $0x1400  }
0xb5: {  	[sflag:s12] =	ssyncset.done $0x0  }
0xb6: {  	s16 =	simm.s32 $0x3C0;
	[sflag:s12] =	ssyncadd.s32 $0xFFFFEC00  }
0xb7: {  	[tilespmem:s31], [sflag:$0x6] =	stream.indirect.gather [hbm4b:s1+s20], $0x40, s16, s20, $0xb8;
	[tilespmem:$0x1E3C0] =	vst v63  }
0xb8: {  	_ =	swait.ge [sflag:s0], $0x1400  }
0xb9: {  	[sflag:s0] =	ssyncset.done $0x0  }
0xba: {  	s15 =	simm.s32 $0x5050;
	[sflag:s0] =	ssyncadd.s32 $0xFFFFEC00  }
0xbb: {  	[spmem:s3] =	stream.indirect.scatter.add.f32 [tilespmem:s21], [sflag:$0x8], $0x40, s15, s20, $0xb8;
	[tilespmem:$0x1E3C0] =	vst v63  }
0xbc: {  	_ =	swait.ge [sflag:s13], $0x1400  }
0xbd: {  	[sflag:s13] =	ssyncset.done $0x0  }
0xbe: {  	s16 =	simm.s32 $0x410;
	[sflag:s13] =	ssyncadd.s32 $0xFFFFEC00  }
0xbf: {  	[tilespmem:s25], [sflag:$0x7] =	stream.indirect.gather [hbm4b:s1+s20], $0x40, s16, s20, $0xb8;
	[tilespmem:$0x1E3C0] =	vst v63  }
0xc0: {  	_ =	swait.ge [sflag:s6], $0x1400  }
0xc1: {  	[sflag:s6] =	ssyncset.done $0x0  }
0xc2: {  	s15 =	simm.s32 $0x50A0;
	[sflag:s6] =	ssyncadd.s32 $0xFFFFEC00  }
0xc3: {  	[spmem:s3] =	stream.indirect.scatter.add.f32 [tilespmem:s22], [sflag:$0x9], $0x40, s15, s20, $0xb8;
	[tilespmem:$0x1E3C0] =	vst v63  }
0xc4: {  	_ =	swait.ge [sflag:s30], $0x1400  }
0xc5: {  	[sflag:s30] =	ssyncset.done $0x0  }
0xc6: {  	s16 =	simm.s32 $0x460;
	[sflag:s30] =	ssyncadd.s32 $0xFFFFEC00  }
0xc7: {  	[tilespmem:s21], [sflag:$0x1] =	stream.indirect.gather [hbm4b:s1+s20], $0x40, s16, s20, $0xb8;
	[tilespmem:$0x1E3C0] =	vst v63  }
0xc8: {  	_ =	swait.ge [sflag:s23], $0x1400  }
0xc9: {  	[sflag:s23] =	ssyncset.done $0x0  }
0xca: {  	s15 =	simm.s32 $0x50F0;
	[sflag:s23] =	ssyncadd.s32 $0xFFFFEC00  }
0xcb: {  	[spmem:s3] =	stream.indirect.scatter.add.f32 [tilespmem:s24], [sflag:$0xA], $0x40, s15, s20, $0xb8;
	[tilespmem:$0x1E3C0] =	vst v63  }
0xcc: {  	_ =	swait.ge [sflag:s7], $0x1400  }
0xcd: {  	[sflag:s7] =	ssyncset.done $0x0  }
0xce: {  	s16 =	simm.s32 $0x4B0;
	[sflag:s7] =	ssyncadd.s32 $0xFFFFEC00  }
0xcf: {  	[tilespmem:s22], [sflag:$0x2] =	stream.indirect.gather [hbm4b:s1+s20], $0x40, s16, s20, $0xb8;
	[tilespmem:$0x1E3C0] =	vst v63  }
0xd0: {  	_ =	swait.ge [sflag:s28], $0x1400  }
0xd1: {  	[sflag:s28] =	ssyncset.done $0x0  }
0xd2: {  	s15 =	simm.s32 $0x5140;
	[sflag:s28] =	ssyncadd.s32 $0xFFFFEC00  }
0xd3: {  	[spmem:s3] =	stream.indirect.scatter.add.f32 [tilespmem:s26], [sflag:$0xB], $0x40, s15, s20, $0xb8;
	[tilespmem:$0x1E3C0] =	vst v63  }
0xd4: {  	_ =	swait.ge [sflag:s2], $0x1400  }
0xd5: {  	[sflag:s2] =	ssyncset.done $0x0  }
0xd6: {  	s16 =	simm.s32 $0x500;
	[sflag:s2] =	ssyncadd.s32 $0xFFFFEC00  }
0xd7: {  	[tilespmem:s24], [sflag:$0x3] =	stream.indirect.gather [hbm4b:s1+s20], $0x40, s16, s20, $0xb8;
	[tilespmem:$0x1E3C0] =	vst v63  }
0xd8: {  	_ =	swait.ge [sflag:s4], $0x1400  }
0xd9: {  	[sflag:s4] =	ssyncset.done $0x0  }
0xda: {  	s15 =	simm.s32 $0x5190;
	[sflag:s4] =	ssyncadd.s32 $0xFFFFEC00  }
0xdb: {  	[spmem:s3] =	stream.indirect.scatter.add.f32 [tilespmem:s29], [sflag:$0xC], $0x40, s15, s20, $0xb8;
	[tilespmem:$0x1E3C0] =	vst v63  }
0xdc: {  	_ =	swait.ge [sflag:s8], $0x1400  }
0xdd: {  	[sflag:s8] =	ssyncset.done $0x0  }
0xde: {  	s16 =	simm.s32 $0x550;
	[sflag:s8] =	ssyncadd.s32 $0xFFFFEC00  }
0xdf: {  	[tilespmem:s26], [sflag:$0x4] =	stream.indirect.gather [hbm4b:s1+s20], $0x40, s16, s20, $0xb8;
	[tilespmem:$0x1E3C0] =	vst v63  }
0xe0: {  	_ =	swait.ge [sflag:s18], $0x1400  }
0xe1: {  	[sflag:s18] =	ssyncset.done $0x0  }
0xe2: {  	s15 =	simm.s32 $0x51E0;
	[sflag:s18] =	ssyncadd.s32 $0xFFFFEC00  }
0xe3: {  	[spmem:s3] =	stream.indirect.scatter.add.f32 [tilespmem:s31], [sflag:$0xD], $0x40, s15, s20, $0xb8;
	[tilespmem:$0x1E3C0] =	vst v63  }
0xe4: {  	_ =	swait.ge [sflag:s9], $0x1400  }
0xe5: {  	[sflag:s9] =	ssyncset.done $0x0  }
0xe6: {  	s16 =	simm.s32 $0x5A0;
	[sflag:s9] =	ssyncadd.s32 $0xFFFFEC00  }
0xe7: {  	[tilespmem:s29], [sflag:$0x5] =	stream.indirect.gather [hbm4b:s1+s20], $0x40, s16, s20, $0xb8;
	[tilespmem:$0x1E3C0] =	vst v63  }
0xe8: {  	_ =	swait.ge [sflag:s11], $0x1400  }
0xe9: {  	[sflag:s11] =	ssyncset.done $0x0  }
0xea: {  	s15 =	simm.s32 $0x8C0;
	s16 =	simm.s32 $0x5230;
	[sflag:s11] =	ssyncadd.s32 $0xFFFFEC00  }
.LBB2_5:
0xeb: {  	[spmem:s3] =	stream.indirect.scatter.add.f32 [tilespmem:s25], [sflag:$0xE], $0x40, s16, s20, $0xb8;
	[tilespmem:$0x1E3C0] =	vst v63  }
0xec: {  	s10 =	smov.u32 s15  }
0xed: {  	p1 =	seq.s32 s15, $0x120C0;
	s15 =	sadd.s32 $0x8C0, s15;
	_ =	swait.ge [sflag:s12], $0x1400  }
0xee: {  	s16 =	sshra.s32 s10, $0x2;
	[sflag:s12] =	ssyncset.done $0x0  }
0xef: {  	s10 =	sadd.s32 $0x3C0, s16;
	[sflag:s12] =	ssyncadd.s32 $0xFFFFEC00  }
0xf0: {  	[tilespmem:s31], [sflag:$0x6] =	stream.indirect.gather [hbm4b:s1+s20], $0x40, s10, s20, $0xb8;
	[tilespmem:$0x1E3C0] =	vst v63  }
0xf1: {  	_ =	swait.ge [sflag:s0], $0x1400  }
0xf2: {  	[sflag:s0] =	ssyncset.done $0x0  }
0xf3: {  	s10 =	sadd.s32 $0x5050, s16;
	[sflag:s0] =	ssyncadd.s32 $0xFFFFEC00  }
0xf4: {  	[spmem:s3] =	stream.indirect.scatter.add.f32 [tilespmem:s21], [sflag:$0x8], $0x40, s10, s20, $0xb8;
	[tilespmem:$0x1E3C0] =	vst v63  }
0xf5: {  	_ =	swait.ge [sflag:s13], $0x1400  }
0xf6: {  	[sflag:s13] =	ssyncset.done $0x0  }
0xf7: {  	s10 =	sadd.s32 $0x410, s16;
	[sflag:s13] =	ssyncadd.s32 $0xFFFFEC00  }
0xf8: {  	[tilespmem:s25], [sflag:$0x7] =	stream.indirect.gather [hbm4b:s1+s20], $0x40, s10, s20, $0xb8;
	[tilespmem:$0x1E3C0] =	vst v63  }
0xf9: {  	_ =	swait.ge [sflag:s6], $0x1400  }
0xfa: {  	[sflag:s6] =	ssyncset.done $0x0  }
0xfb: {  	s10 =	sadd.s32 $0x50A0, s16;
	[sflag:s6] =	ssyncadd.s32 $0xFFFFEC00  }
0xfc: {  	[spmem:s3] =	stream.indirect.scatter.add.f32 [tilespmem:s22], [sflag:$0x9], $0x40, s10, s20, $0xb8;
	[tilespmem:$0x1E3C0] =	vst v63  }
0xfd: {  	_ =	swait.ge [sflag:s30], $0x1400  }
0xfe: {  	[sflag:s30] =	ssyncset.done $0x0  }
0xff: {  	s10 =	sadd.s32 $0x460, s16;
	[sflag:s30] =	ssyncadd.s32 $0xFFFFEC00  }
0x100: {  	[tilespmem:s21], [sflag:$0x1] =	stream.indirect.gather [hbm4b:s1+s20], $0x40, s10, s20, $0xb8;
	[tilespmem:$0x1E3C0] =	vst v63  }
0x101: {  	_ =	swait.ge [sflag:s23], $0x1400  }
0x102: {  	[sflag:s23] =	ssyncset.done $0x0  }
0x103: {  	s10 =	sadd.s32 $0x50F0, s16;
	[sflag:s23] =	ssyncadd.s32 $0xFFFFEC00  }
0x104: {  	[spmem:s3] =	stream.indirect.scatter.add.f32 [tilespmem:s24], [sflag:$0xA], $0x40, s10, s20, $0xb8;
	[tilespmem:$0x1E3C0] =	vst v63  }
0x105: {  	_ =	swait.ge [sflag:s7], $0x1400  }
0x106: {  	[sflag:s7] =	ssyncset.done $0x0  }
0x107: {  	s10 =	sadd.s32 $0x4B0, s16;
	[sflag:s7] =	ssyncadd.s32 $0xFFFFEC00  }
0x108: {  	[tilespmem:s22], [sflag:$0x2] =	stream.indirect.gather [hbm4b:s1+s20], $0x40, s10, s20, $0xb8;
	[tilespmem:$0x1E3C0] =	vst v63  }
0x109: {  	_ =	swait.ge [sflag:s28], $0x1400  }
0x10a: {  	[sflag:s28] =	ssyncset.done $0x0  }
0x10b: {  	s10 =	sadd.s32 $0x5140, s16;
	[sflag:s28] =	ssyncadd.s32 $0xFFFFEC00  }
0x10c: {  	[spmem:s3] =	stream.indirect.scatter.add.f32 [tilespmem:s26], [sflag:$0xB], $0x40, s10, s20, $0xb8;
	[tilespmem:$0x1E3C0] =	vst v63  }
0x10d: {  	_ =	swait.ge [sflag:s2], $0x1400  }
0x10e: {  	[sflag:s2] =	ssyncset.done $0x0  }
0x10f: {  	s10 =	sadd.s32 $0x500, s16;
	[sflag:s2] =	ssyncadd.s32 $0xFFFFEC00  }
0x110: {  	[tilespmem:s24], [sflag:$0x3] =	stream.indirect.gather [hbm4b:s1+s20], $0x40, s10, s20, $0xb8;
	[tilespmem:$0x1E3C0] =	vst v63  }
0x111: {  	_ =	swait.ge [sflag:s4], $0x1400  }
0x112: {  	[sflag:s4] =	ssyncset.done $0x0  }
0x113: {  	s10 =	sadd.s32 $0x5190, s16;
	[sflag:s4] =	ssyncadd.s32 $0xFFFFEC00  }
0x114: {  	[spmem:s3] =	stream.indirect.scatter.add.f32 [tilespmem:s29], [sflag:$0xC], $0x40, s10, s20, $0xb8;
	[tilespmem:$0x1E3C0] =	vst v63  }
0x115: {  	_ =	swait.ge [sflag:s8], $0x1400  }
0x116: {  	[sflag:s8] =	ssyncset.done $0x0  }
0x117: {  	s10 =	sadd.s32 $0x550, s16;
	[sflag:s8] =	ssyncadd.s32 $0xFFFFEC00  }
0x118: {  	[tilespmem:s26], [sflag:$0x4] =	stream.indirect.gather [hbm4b:s1+s20], $0x40, s10, s20, $0xb8;
	[tilespmem:$0x1E3C0] =	vst v63  }
0x119: {  	_ =	swait.ge [sflag:s18], $0x1400  }
0x11a: {  	[sflag:s18] =	ssyncset.done $0x0  }
0x11b: {  	s10 =	sadd.s32 $0x51E0, s16;
	[sflag:s18] =	ssyncadd.s32 $0xFFFFEC00  }
0x11c: {  	[spmem:s3] =	stream.indirect.scatter.add.f32 [tilespmem:s31], [sflag:$0xD], $0x40, s10, s20, $0xb8;
	[tilespmem:$0x1E3C0] =	vst v63  }
0x11d: {  	_ =	swait.ge [sflag:s9], $0x1400  }
0x11e: {  	[sflag:s9] =	ssyncset.done $0x0  }
.Ltmp4:
0x11f: {  	s10 =	sadd.s32 $0x5A0, s16;
	[sflag:s9] =	ssyncadd.s32 $0xFFFFEC00;
	(pc) =	sbr.rel @!p1 .LBB2_5-.Ltmp4, $4  }
0x120: {  	[tilespmem:s29], [sflag:$0x5] =	stream.indirect.gather [hbm4b:s1+s20], $0x40, s10, s20, $0xb8;
	[tilespmem:$0x1E3C0] =	vst v63  }
0x121: {  	_ =	swait.ge [sflag:s11], $0x1400  }
0x122: {  	[sflag:s11] =	ssyncset.done $0x0  }
0x123: {  	s16 =	sadd.s32 $0x5230, s16;
	[sflag:s11] =	ssyncadd.s32 $0xFFFFEC00  }
.Ltmp5:
0x124: {  	(pc) =	sbr.rel .LBB2_10-.Ltmp5, $3  }
0x125: {  	_ =	sdelay $0x1  }
0x126: {  	[spmem:s3] =	stream.indirect.scatter.add.f32 [tilespmem:s25], [sflag:$0xE], $0x40, s16, s20, $0xb8;
	[tilespmem:$0x1E3C0] =	vst v63  }
0x127: {  	s15 =	rddreg [dreg:$0x4]  }
.LBB2_7:
0x128: {  	[tilespmem:s21], [sflag:$0x1] =	stream.indirect.gather [hbm4b:s5+s20], $0x40, s10, s20, $0xb8;
	[tilespmem:$0x1E3C0] =	vst v63  }
0x129: {  	_ = 	snop  }
0x12a: {  	[tilespmem:s22], [sflag:$0x2] =	stream.indirect.gather [hbm4b:s5+s20], $0x40, s20, s20, $0xb8;
	[tilespmem:$0x1E3C0] =	vst v63  }
0x12b: {  	s15 =	simm.s32 $0xA0  }
0x12c: {  	[tilespmem:s24], [sflag:$0x3] =	stream.indirect.gather [hbm4b:s5+s20], $0x40, s15, s20, $0xb8;
	[tilespmem:$0x1E3C0] =	vst v63  }
0x12d: {  	s16 =	simm.s32 $0xF0  }
0x12e: {  	[tilespmem:s26], [sflag:$0x4] =	stream.indirect.gather [hbm4b:s5+s20], $0x40, s16, s20, $0xb8;
	[tilespmem:$0x1E3C0] =	vst v63  }
0x12f: {  	s15 =	simm.s32 $0x140  }
0x130: {  	[tilespmem:s29], [sflag:$0x5] =	stream.indirect.gather [hbm4b:s5+s20], $0x40, s15, s20, $0xb8;
	[tilespmem:$0x1E3C0] =	vst v63  }
0x131: {  	s16 =	simm.s32 $0x190  }
0x132: {  	[tilespmem:s31], [sflag:$0x6] =	stream.indirect.gather [hbm4b:s5+s20], $0x40, s16, s20, $0xb8;
	[tilespmem:$0x1E3C0] =	vst v63  }
0x133: {  	_ =	swait.ge [sflag:s0], $0x1400  }
0x134: {  	[sflag:s0] =	ssyncset.done $0x0  }
0x135: {  	s15 =	simm.s32 $0x4E20;
	[sflag:s0] =	ssyncadd.s32 $0xFFFFEC00  }
0x136: {  	[spmem:s3] =	stream.indirect.scatter.add.f32 [tilespmem:s21], [sflag:$0x8], $0x40, s15, s20, $0xb8;
	[tilespmem:$0x1E3C0] =	vst v63  }
0x137: {  	s16 =	simm.s32 $0x1E0  }
0x138: {  	[tilespmem:s25], [sflag:$0x7] =	stream.indirect.gather [hbm4b:s5+s20], $0x40, s16, s20, $0xb8;
	[tilespmem:$0x1E3C0] =	vst v63  }
0x139: {  	_ =	swait.ge [sflag:s6], $0x1400  }
0x13a: {  	[sflag:s6] =	ssyncset.done $0x0  }
0x13b: {  	s15 =	simm.s32 $0x4E70;
	[sflag:s6] =	ssyncadd.s32 $0xFFFFEC00  }
0x13c: {  	[spmem:s3] =	stream.indirect.scatter.add.f32 [tilespmem:s22], [sflag:$0x9], $0x40, s15, s20, $0xb8;
	[tilespmem:$0x1E3C0] =	vst v63  }
0x13d: {  	_ =	swait.ge [sflag:s30], $0x1400  }
0x13e: {  	[sflag:s30] =	ssyncset.done $0x0  }
0x13f: {  	s16 =	simm.s32 $0x230;
	[sflag:s30] =	ssyncadd.s32 $0xFFFFEC00  }
0x140: {  	[tilespmem:s21], [sflag:$0x1] =	stream.indirect.gather [hbm4b:s5+s20], $0x40, s16, s20, $0xb8;
	[tilespmem:$0x1E3C0] =	vst v63  }
0x141: {  	_ =	swait.ge [sflag:s23], $0x1400  }
0x142: {  	[sflag:s23] =	ssyncset.done $0x0  }
0x143: {  	s15 =	simm.s32 $0x4EC0;
	[sflag:s23] =	ssyncadd.s32 $0xFFFFEC00  }
0x144: {  	[spmem:s3] =	stream.indirect.scatter.add.f32 [tilespmem:s24], [sflag:$0xA], $0x40, s15, s20, $0xb8;
	[tilespmem:$0x1E3C0] =	vst v63  }
0x145: {  	_ =	swait.ge [sflag:s7], $0x1400  }
0x146: {  	[sflag:s7] =	ssyncset.done $0x0  }
0x147: {  	s16 =	simm.s32 $0x280;
	[sflag:s7] =	ssyncadd.s32 $0xFFFFEC00  }
0x148: {  	[tilespmem:s22], [sflag:$0x2] =	stream.indirect.gather [hbm4b:s5+s20], $0x40, s16, s20, $0xb8;
	[tilespmem:$0x1E3C0] =	vst v63  }
0x149: {  	_ =	swait.ge [sflag:s28], $0x1400  }
0x14a: {  	[sflag:s28] =	ssyncset.done $0x0  }
0x14b: {  	s15 =	simm.s32 $0x4F10;
	[sflag:s28] =	ssyncadd.s32 $0xFFFFEC00  }
0x14c: {  	[spmem:s3] =	stream.indirect.scatter.add.f32 [tilespmem:s26], [sflag:$0xB], $0x40, s15, s20, $0xb8;
	[tilespmem:$0x1E3C0] =	vst v63  }
0x14d: {  	_ =	swait.ge [sflag:s2], $0x1400  }
0x14e: {  	[sflag:s2] =	ssyncset.done $0x0  }
0x14f: {  	s16 =	simm.s32 $0x2D0;
	[sflag:s2] =	ssyncadd.s32 $0xFFFFEC00  }
0x150: {  	[tilespmem:s24], [sflag:$0x3] =	stream.indirect.gather [hbm4b:s5+s20], $0x40, s16, s20, $0xb8;
	[tilespmem:$0x1E3C0] =	vst v63  }
0x151: {  	_ =	swait.ge [sflag:s4], $0x1400  }
0x152: {  	[sflag:s4] =	ssyncset.done $0x0  }
0x153: {  	s15 =	simm.s32 $0x4F60;
	[sflag:s4] =	ssyncadd.s32 $0xFFFFEC00  }
0x154: {  	[spmem:s3] =	stream.indirect.scatter.add.f32 [tilespmem:s29], [sflag:$0xC], $0x40, s15, s20, $0xb8;
	[tilespmem:$0x1E3C0] =	vst v63  }
0x155: {  	_ =	swait.ge [sflag:s8], $0x1400  }
0x156: {  	[sflag:s8] =	ssyncset.done $0x0  }
0x157: {  	s16 =	simm.s32 $0x320;
	[sflag:s8] =	ssyncadd.s32 $0xFFFFEC00  }
0x158: {  	[tilespmem:s26], [sflag:$0x4] =	stream.indirect.gather [hbm4b:s5+s20], $0x40, s16, s20, $0xb8;
	[tilespmem:$0x1E3C0] =	vst v63  }
0x159: {  	_ =	swait.ge [sflag:s18], $0x1400  }
0x15a: {  	[sflag:s18] =	ssyncset.done $0x0  }
0x15b: {  	s15 =	simm.s32 $0x4FB0;
	[sflag:s18] =	ssyncadd.s32 $0xFFFFEC00  }
0x15c: {  	[spmem:s3] =	stream.indirect.scatter.add.f32 [tilespmem:s31], [sflag:$0xD], $0x40, s15, s20, $0xb8;
	[tilespmem:$0x1E3C0] =	vst v63  }
0x15d: {  	_ =	swait.ge [sflag:s9], $0x1400  }
0x15e: {  	[sflag:s9] =	ssyncset.done $0x0  }
0x15f: {  	s16 =	simm.s32 $0x370;
	[sflag:s9] =	ssyncadd.s32 $0xFFFFEC00  }
0x160: {  	[tilespmem:s29], [sflag:$0x5] =	stream.indirect.gather [hbm4b:s5+s20], $0x40, s16, s20, $0xb8;
	[tilespmem:$0x1E3C0] =	vst v63  }
0x161: {  	_ =	swait.ge [sflag:s11], $0x1400  }
0x162: {  	[sflag:s11] =	ssyncset.done $0x0  }
0x163: {  	s15 =	simm.s32 $0x5000;
	[sflag:s11] =	ssyncadd.s32 $0xFFFFEC00  }
0x164: {  	[spmem:s3] =	stream.indirect.scatter.add.f32 [tilespmem:s25], [sflag:$0xE], $0x40, s15, s20, $0xb8;
	[tilespmem:$0x1E3C0] =	vst v63  }
0x165: {  	_ =	swait.ge [sflag:s12], $0x1400  }
0x166: {  	[sflag:s12] =	ssyncset.done $0x0  }
0x167: {  	s16 =	simm.s32 $0x3C0;
	[sflag:s12] =	ssyncadd.s32 $0xFFFFEC00  }
0x168: {  	[tilespmem:s31], [sflag:$0x6] =	stream.indirect.gather [hbm4b:s5+s20], $0x40, s16, s20, $0xb8;
	[tilespmem:$0x1E3C0] =	vst v63  }
0x169: {  	_ =	swait.ge [sflag:s0], $0x1400  }
0x16a: {  	[sflag:s0] =	ssyncset.done $0x0  }
0x16b: {  	s15 =	simm.s32 $0x5050;
	[sflag:s0] =	ssyncadd.s32 $0xFFFFEC00  }
0x16c: {  	[spmem:s3] =	stream.indirect.scatter.add.f32 [tilespmem:s21], [sflag:$0x8], $0x40, s15, s20, $0xb8;
	[tilespmem:$0x1E3C0] =	vst v63  }
0x16d: {  	_ =	swait.ge [sflag:s13], $0x1400  }
0x16e: {  	[sflag:s13] =	ssyncset.done $0x0  }
0x16f: {  	s16 =	simm.s32 $0x410;
	[sflag:s13] =	ssyncadd.s32 $0xFFFFEC00  }
0x170: {  	[tilespmem:s25], [sflag:$0x7] =	stream.indirect.gather [hbm4b:s5+s20], $0x40, s16, s20, $0xb8;
	[tilespmem:$0x1E3C0] =	vst v63  }
0x171: {  	_ =	swait.ge [sflag:s6], $0x1400  }
0x172: {  	[sflag:s6] =	ssyncset.done $0x0  }
0x173: {  	s15 =	simm.s32 $0x50A0;
	[sflag:s6] =	ssyncadd.s32 $0xFFFFEC00  }
0x174: {  	[spmem:s3] =	stream.indirect.scatter.add.f32 [tilespmem:s22], [sflag:$0x9], $0x40, s15, s20, $0xb8;
	[tilespmem:$0x1E3C0] =	vst v63  }
0x175: {  	_ =	swait.ge [sflag:s30], $0x1400  }
0x176: {  	[sflag:s30] =	ssyncset.done $0x0  }
0x177: {  	s16 =	simm.s32 $0x460;
	[sflag:s30] =	ssyncadd.s32 $0xFFFFEC00  }
0x178: {  	[tilespmem:s21], [sflag:$0x1] =	stream.indirect.gather [hbm4b:s5+s20], $0x40, s16, s20, $0xb8;
	[tilespmem:$0x1E3C0] =	vst v63  }
0x179: {  	_ =	swait.ge [sflag:s23], $0x1400  }
0x17a: {  	[sflag:s23] =	ssyncset.done $0x0  }
0x17b: {  	s15 =	simm.s32 $0x50F0;
	[sflag:s23] =	ssyncadd.s32 $0xFFFFEC00  }
0x17c: {  	[spmem:s3] =	stream.indirect.scatter.add.f32 [tilespmem:s24], [sflag:$0xA], $0x40, s15, s20, $0xb8;
	[tilespmem:$0x1E3C0] =	vst v63  }
0x17d: {  	_ =	swait.ge [sflag:s7], $0x1400  }
0x17e: {  	[sflag:s7] =	ssyncset.done $0x0  }
0x17f: {  	s16 =	simm.s32 $0x4B0;
	[sflag:s7] =	ssyncadd.s32 $0xFFFFEC00  }
0x180: {  	[tilespmem:s22], [sflag:$0x2] =	stream.indirect.gather [hbm4b:s5+s20], $0x40, s16, s20, $0xb8;
	[tilespmem:$0x1E3C0] =	vst v63  }
0x181: {  	_ =	swait.ge [sflag:s28], $0x1400  }
0x182: {  	[sflag:s28] =	ssyncset.done $0x0  }
0x183: {  	s15 =	simm.s32 $0x5140;
	[sflag:s28] =	ssyncadd.s32 $0xFFFFEC00  }
0x184: {  	[spmem:s3] =	stream.indirect.scatter.add.f32 [tilespmem:s26], [sflag:$0xB], $0x40, s15, s20, $0xb8;
	[tilespmem:$0x1E3C0] =	vst v63  }
0x185: {  	_ =	swait.ge [sflag:s2], $0x1400  }
0x186: {  	[sflag:s2] =	ssyncset.done $0x0  }
0x187: {  	s16 =	simm.s32 $0x500;
	[sflag:s2] =	ssyncadd.s32 $0xFFFFEC00  }
0x188: {  	[tilespmem:s24], [sflag:$0x3] =	stream.indirect.gather [hbm4b:s5+s20], $0x40, s16, s20, $0xb8;
	[tilespmem:$0x1E3C0] =	vst v63  }
0x189: {  	_ =	swait.ge [sflag:s4], $0x1400  }
0x18a: {  	[sflag:s4] =	ssyncset.done $0x0  }
0x18b: {  	s15 =	simm.s32 $0x5190;
	[sflag:s4] =	ssyncadd.s32 $0xFFFFEC00  }
0x18c: {  	[spmem:s3] =	stream.indirect.scatter.add.f32 [tilespmem:s29], [sflag:$0xC], $0x40, s15, s20, $0xb8;
	[tilespmem:$0x1E3C0] =	vst v63  }
0x18d: {  	_ =	swait.ge [sflag:s8], $0x1400  }
0x18e: {  	[sflag:s8] =	ssyncset.done $0x0  }
0x18f: {  	s16 =	simm.s32 $0x550;
	[sflag:s8] =	ssyncadd.s32 $0xFFFFEC00  }
0x190: {  	[tilespmem:s26], [sflag:$0x4] =	stream.indirect.gather [hbm4b:s5+s20], $0x40, s16, s20, $0xb8;
	[tilespmem:$0x1E3C0] =	vst v63  }
0x191: {  	_ =	swait.ge [sflag:s18], $0x1400  }
0x192: {  	[sflag:s18] =	ssyncset.done $0x0  }
0x193: {  	s15 =	simm.s32 $0x51E0;
	[sflag:s18] =	ssyncadd.s32 $0xFFFFEC00  }
0x194: {  	[spmem:s3] =	stream.indirect.scatter.add.f32 [tilespmem:s31], [sflag:$0xD], $0x40, s15, s20, $0xb8;
	[tilespmem:$0x1E3C0] =	vst v63  }
0x195: {  	_ =	swait.ge [sflag:s9], $0x1400  }
0x196: {  	[sflag:s9] =	ssyncset.done $0x0  }
0x197: {  	s16 =	simm.s32 $0x5A0;
	[sflag:s9] =	ssyncadd.s32 $0xFFFFEC00  }
0x198: {  	[tilespmem:s29], [sflag:$0x5] =	stream.indirect.gather [hbm4b:s5+s20], $0x40, s16, s20, $0xb8;
	[tilespmem:$0x1E3C0] =	vst v63  }
0x199: {  	_ =	swait.ge [sflag:s11], $0x1400  }
0x19a: {  	[sflag:s11] =	ssyncset.done $0x0  }
0x19b: {  	s15 =	simm.s32 $0x8C0;
	s16 =	simm.s32 $0x5230;
	[sflag:s11] =	ssyncadd.s32 $0xFFFFEC00  }
.LBB2_8:
0x19c: {  	[spmem:s3] =	stream.indirect.scatter.add.f32 [tilespmem:s25], [sflag:$0xE], $0x40, s16, s20, $0xb8;
	[tilespmem:$0x1E3C0] =	vst v63  }
0x19d: {  	s10 =	smov.u32 s15  }
0x19e: {  	p1 =	sne.s32 s15, $0x120C0;
	s15 =	sadd.s32 $0x8C0, s15;
	_ =	swait.ge [sflag:s12], $0x1400  }
0x19f: {  	s16 =	sshra.s32 s10, $0x2;
	[sflag:s12] =	ssyncset.done $0x0  }
0x1a0: {  	s10 =	sadd.s32 $0x3C0, s16;
	[sflag:s12] =	ssyncadd.s32 $0xFFFFEC00  }
0x1a1: {  	[tilespmem:s31], [sflag:$0x6] =	stream.indirect.gather [hbm4b:s5+s20], $0x40, s10, s20, $0xb8;
	[tilespmem:$0x1E3C0] =	vst v63  }
0x1a2: {  	_ =	swait.ge [sflag:s0], $0x1400  }
0x1a3: {  	[sflag:s0] =	ssyncset.done $0x0  }
0x1a4: {  	s10 =	sadd.s32 $0x5050, s16;
	[sflag:s0] =	ssyncadd.s32 $0xFFFFEC00  }
0x1a5: {  	[spmem:s3] =	stream.indirect.scatter.add.f32 [tilespmem:s21], [sflag:$0x8], $0x40, s10, s20, $0xb8;
	[tilespmem:$0x1E3C0] =	vst v63  }
0x1a6: {  	_ =	swait.ge [sflag:s13], $0x1400  }
0x1a7: {  	[sflag:s13] =	ssyncset.done $0x0  }
0x1a8: {  	s10 =	sadd.s32 $0x410, s16;
	[sflag:s13] =	ssyncadd.s32 $0xFFFFEC00  }
0x1a9: {  	[tilespmem:s25], [sflag:$0x7] =	stream.indirect.gather [hbm4b:s5+s20], $0x40, s10, s20, $0xb8;
	[tilespmem:$0x1E3C0] =	vst v63  }
0x1aa: {  	_ =	swait.ge [sflag:s6], $0x1400  }
0x1ab: {  	[sflag:s6] =	ssyncset.done $0x0  }
0x1ac: {  	s10 =	sadd.s32 $0x50A0, s16;
	[sflag:s6] =	ssyncadd.s32 $0xFFFFEC00  }
0x1ad: {  	[spmem:s3] =	stream.indirect.scatter.add.f32 [tilespmem:s22], [sflag:$0x9], $0x40, s10, s20, $0xb8;
	[tilespmem:$0x1E3C0] =	vst v63  }
0x1ae: {  	_ =	swait.ge [sflag:s30], $0x1400  }
0x1af: {  	[sflag:s30] =	ssyncset.done $0x0  }
0x1b0: {  	s10 =	sadd.s32 $0x460, s16;
	[sflag:s30] =	ssyncadd.s32 $0xFFFFEC00  }
0x1b1: {  	[tilespmem:s21], [sflag:$0x1] =	stream.indirect.gather [hbm4b:s5+s20], $0x40, s10, s20, $0xb8;
	[tilespmem:$0x1E3C0] =	vst v63  }
0x1b2: {  	_ =	swait.ge [sflag:s23], $0x1400  }
0x1b3: {  	[sflag:s23] =	ssyncset.done $0x0  }
0x1b4: {  	s10 =	sadd.s32 $0x50F0, s16;
	[sflag:s23] =	ssyncadd.s32 $0xFFFFEC00  }
0x1b5: {  	[spmem:s3] =	stream.indirect.scatter.add.f32 [tilespmem:s24], [sflag:$0xA], $0x40, s10, s20, $0xb8;
	[tilespmem:$0x1E3C0] =	vst v63  }
0x1b6: {  	_ =	swait.ge [sflag:s7], $0x1400  }
0x1b7: {  	[sflag:s7] =	ssyncset.done $0x0  }
0x1b8: {  	s10 =	sadd.s32 $0x4B0, s16;
	[sflag:s7] =	ssyncadd.s32 $0xFFFFEC00  }
0x1b9: {  	[tilespmem:s22], [sflag:$0x2] =	stream.indirect.gather [hbm4b:s5+s20], $0x40, s10, s20, $0xb8;
	[tilespmem:$0x1E3C0] =	vst v63  }
0x1ba: {  	_ =	swait.ge [sflag:s28], $0x1400  }
0x1bb: {  	[sflag:s28] =	ssyncset.done $0x0  }
0x1bc: {  	s10 =	sadd.s32 $0x5140, s16;
	[sflag:s28] =	ssyncadd.s32 $0xFFFFEC00  }
0x1bd: {  	[spmem:s3] =	stream.indirect.scatter.add.f32 [tilespmem:s26], [sflag:$0xB], $0x40, s10, s20, $0xb8;
	[tilespmem:$0x1E3C0] =	vst v63  }
0x1be: {  	_ =	swait.ge [sflag:s2], $0x1400  }
0x1bf: {  	[sflag:s2] =	ssyncset.done $0x0  }
0x1c0: {  	s10 =	sadd.s32 $0x500, s16;
	[sflag:s2] =	ssyncadd.s32 $0xFFFFEC00  }
0x1c1: {  	[tilespmem:s24], [sflag:$0x3] =	stream.indirect.gather [hbm4b:s5+s20], $0x40, s10, s20, $0xb8;
	[tilespmem:$0x1E3C0] =	vst v63  }
0x1c2: {  	_ =	swait.ge [sflag:s4], $0x1400  }
0x1c3: {  	[sflag:s4] =	ssyncset.done $0x0  }
0x1c4: {  	s10 =	sadd.s32 $0x5190, s16;
	[sflag:s4] =	ssyncadd.s32 $0xFFFFEC00  }
0x1c5: {  	[spmem:s3] =	stream.indirect.scatter.add.f32 [tilespmem:s29], [sflag:$0xC], $0x40, s10, s20, $0xb8;
	[tilespmem:$0x1E3C0] =	vst v63  }
0x1c6: {  	_ =	swait.ge [sflag:s8], $0x1400  }
0x1c7: {  	[sflag:s8] =	ssyncset.done $0x0  }
0x1c8: {  	s10 =	sadd.s32 $0x550, s16;
	[sflag:s8] =	ssyncadd.s32 $0xFFFFEC00  }
0x1c9: {  	[tilespmem:s26], [sflag:$0x4] =	stream.indirect.gather [hbm4b:s5+s20], $0x40, s10, s20, $0xb8;
	[tilespmem:$0x1E3C0] =	vst v63  }
0x1ca: {  	_ =	swait.ge [sflag:s18], $0x1400  }
0x1cb: {  	[sflag:s18] =	ssyncset.done $0x0  }
0x1cc: {  	s10 =	sadd.s32 $0x51E0, s16;
	[sflag:s18] =	ssyncadd.s32 $0xFFFFEC00  }
0x1cd: {  	[spmem:s3] =	stream.indirect.scatter.add.f32 [tilespmem:s31], [sflag:$0xD], $0x40, s10, s20, $0xb8;
	[tilespmem:$0x1E3C0] =	vst v63  }
0x1ce: {  	_ =	swait.ge [sflag:s9], $0x1400  }
0x1cf: {  	[sflag:s9] =	ssyncset.done $0x0  }
.Ltmp6:
0x1d0: {  	s10 =	sadd.s32 $0x5A0, s16;
	[sflag:s9] =	ssyncadd.s32 $0xFFFFEC00;
	(pc) =	sbr.rel @p1 .LBB2_8-.Ltmp6, $4  }
0x1d1: {  	[tilespmem:s29], [sflag:$0x5] =	stream.indirect.gather [hbm4b:s5+s20], $0x40, s10, s20, $0xb8;
	[tilespmem:$0x1E3C0] =	vst v63  }
0x1d2: {  	_ =	swait.ge [sflag:s11], $0x1400  }
0x1d3: {  	[sflag:s11] =	ssyncset.done $0x0  }
0x1d4: {  	s16 =	sadd.s32 $0x5230, s16;
	[sflag:s11] =	ssyncadd.s32 $0xFFFFEC00  }
.Ltmp7:
0x1d5: {  	_ = 	snop;
	(pc) =	sbr.rel .LBB2_9-.Ltmp7, $1  }
0x1d6: {  	_ =	sdelay $0x3  }
.LBB2_11:
0x1d7: {  	_ =	sfence.sel $0x180000  }
0x1d8: {  	[bflag:$0x0] =	sbarrier.arrive $0xFFFF  }
0x1d9: {  	_ =	strace $0x9000004D  }
0x1da: {  	s0 =	stileid.u32;
	[bflag:$0x2] =	sbarrier.arrive $0xFFFF  }
0x1db: {  	p0 =	sne.s32 s0, $0x0;
	s0 =	rddreg [dreg:$0x3]  }
0x1dc: {  	s0 =	sadd.s32 @!p0 $0x100000, s0  }
0x1dd: {  	[sflag:s0] =	ssyncadd.tile.s32 @!p0 $0x1;
	_ =	shalt  }
.Lfunc_end2:
_tile_overlayer_lowered:
.L_overlay_start_2:
0x1de: {  	(tag) =	ssettag $0x2  }
0x1df: {  	s0 =	rddreg [dreg:$0x0];
	s2 =	stileid.u32  }
0x1e0: {  	s1 =	rddreg [dreg:$0x1];
	p0 =	sne.s32 s2, $0x0  }
0x1e1: {  	s3 =	rddreg [dreg:$0x2];
	[bflag:$0x3] =	sbarrier.arrive $0xFFFF;
	s2 =	simm.s32 @!p0 $0x1C0F  }
0x1e2: {  	[timem:s3], [sflag:s2] =	dma.local @!p0 [hbm:s0], s1  }
0x1e3: {  	s0 =	simm.s32 @!p0 $0xF  }
0x1e4: {  	_ =	swait.ge @!p0 [sflag:s0], s1  }
0x1e5: {  	s1 =	ssub.s32 @!p0 $0x0, s1;
	[sflag:s0] =	ssyncset.done @!p0 $0x0  }
0x1e6: {  	[sflag:s0] =	ssyncadd.s32 @!p0 s1  }
0x1e7: {  	[bflag:$0x3] =	sbarrier.arrive $0xFFFF  }
0x1e8: {  	_ =	shalt  }

// kernel: kernel.8.cloned.1.call-start
scs
__scs_entry_jumppad:
0x0: {  	(pc) =	sbr.rel $0x88, $3  }
0x1: {  	(tag) =	ssettag $0x0;
	lr =	simm.s32 $0x1  }
0x2: {  	[smem:$0x3F9B] =	sst lr;
	_ =	strace $0xD0000000  }
0x3: {  	_ = 	snop  }
0x4: {  	_ = 	snop  }
0x5: {  	_ = 	snop  }
0x6: {  	_ = 	snop  }
0x7: {  	_ = 	snop  }
__scs_overlays_trampoline_lowered:
0x8: {  	[smem:$0x3FAA] =	sst s0  }
0x9: {  	[smem:$0x3FAB] =	sst s1  }
0xa: {  	[smem:$0x3FAC] =	sst s2  }
0xb: {  	[smem:$0x3FAD] =	sst s3  }
0xc: {  	[smem:$0x3FAE] =	sst s4  }
0xd: {  	[smem:$0x3FAF] =	sst s5  }
0xe: {  	[smem:$0x3FB0] =	sst s6  }
0xf: {  	[smem:$0x3FB1] =	sst s7  }
0x10: {  	[smem:$0x3FB2] =	sst s8  }
0x11: {  	[smem:$0x3FB3] =	sst s9;
	s0 =	simm.s32 @!p0 $0x0  }
0x12: {  	s1 =	sld [smem:$0x3F99];
	s0 =	simm.s32 @p0 $0x1  }
0x13: {  	[smem:$0x3FB4] =	sst s0;
	s0 =	simm.s32 @!p1 $0x0  }
0x14: {  	s2 =	sld [smem:$0x3F98];
	s0 =	simm.s32 @p1 $0x1  }
0x15: {  	[smem:$0x3FB5] =	sst s0;
	s0 =	simm.s32 @!p2 $0x0  }
0x16: {  	s3 =	sld [smem:$0x3FDB];
	s0 =	simm.s32 @p2 $0x1  }
0x17: {  	s4 =	simm.s32 $0x1BF5;
	[smem:$0x3FB7] =	sst s0  }
0x18: {  	s0 =	sld [smem:$0x3F9A];
	_ =	swait.ge [sflag:s4], $0x0  }
0x19: {  	s7 =	sld [smem:$0x3F9B]  }
0x1a: {  	s8 =	sadd.s32 $0xFFFFE003, lr  }
0x1b: {  	s9 =	sadd.s32 $0xFFFFFEF7, lr;
	s5 =	simm.s32 $0xFFFFFFFF;
	p2 =	slt.u32 s8, $0xFFFFF086  }
0x1c: {  	p1 =	slt.u32 s9, $0xF7A;
	s5 =	simm.s32 @!p2 $0x0  }
0x1d: {  	s5 =	simm.s32 @p1 $0x1;
	p0 =	seq.s32 s7, s2  }
0x1e: {  	s7 =	smul.u32 @!p0 $0xF7A, s2;
	p2 =	seq.s32 @!p0 s5, $0x0  }
0x1f: {  	s9 =	smul.u32 $0xF7A, s1;
	s8 =	simm.s32 @!p0 $0x1BF5;
	p2 =	por !p2, p0  }
0x20: {  	[sflag:s8] =	ssyncset.s32 @!p0 $0xFFFFF086;
	s6 =	sadd.s32 @!p0 s3, s7;
	s7 =	simm.s32 @!p0 $0x108  }
0x21: {  	s3 =	sadd.s32 s3, s9;
	s6 =	sadd.s32 @!p0 $0x88, s6;
	s7 =	simm.s32 @p2 $0x1082  }
0x22: {  	[simem:s7], [sflag:s8] =	dma.local @!p0 [hbm:s6], $0xF7A  }
0x23: {  	s9 =	sor.u32 $0xD0000000, s2;
	s6 =	simm.s32 $0x108;
	_ =	swait.ge @!p0 [sflag:s8], $0x0  }
0x24: {  	s3 =	sadd.s32 $0x88, s3;
	s6 =	simm.s32 @!p1 $0x1082;
	[sflag:s4] =	ssyncset.s32 $0xFFFFF086  }
0x25: {  	[simem:s6], [sflag:s4] =	dma.local [hbm:s3], $0xF7A  }
0x26: {  	[smem:$0x3F9B] =	sst s1;
	(tag) =	ssettag s2;
	_ =	strace s9  }
0x27: {  	s1 =	sld [smem:$0x3FAB]  }
0x28: {  	s2 =	sld [smem:$0x3FAC]  }
0x29: {  	s4 =	sld [smem:$0x3FAE]  }
0x2a: {  	p0 =	seq.s32 s5, $0x0;
	s5 =	sld [smem:$0x3FAF]  }
0x2b: {  	s6 =	sld [smem:$0x3FB0]  }
0x2c: {  	s7 =	sld [smem:$0x3FB1]  }
0x2d: {  	s3 =	simm.s32 $0x108;
	s8 =	sld [smem:$0x3FB2]  }
0x2e: {  	s3 =	simm.s32 @!p0 $0x1082;
	s9 =	sld [smem:$0x3FB3]  }
0x2f: {  	lr =	sadd.s32 s0, s3;
	s0 =	sld [smem:$0x3FAA]  }
0x30: {  	s3 =	sld [smem:$0x3FAD]  }
0x31: {  	[smem:$0x3FB6] =	sst s10  }
0x32: {  	s10 =	sld [smem:$0x3FB4];
	_ =	sdelay $0x3  }
0x33: {  	p0 =	seq.s32 s10, $0x1;
	s10 =	sld [smem:$0x3FB6];
	_ =	sdelay $0x3  }
0x34: {  	[smem:$0x3FB6] =	sst s10  }
0x35: {  	s10 =	sld [smem:$0x3FB5];
	_ =	sdelay $0x3  }
0x36: {  	p1 =	seq.s32 s10, $0x1;
	s10 =	sld [smem:$0x3FB6];
	_ =	sdelay $0x3  }
0x37: {  	[smem:$0x3FB6] =	sst s10  }
0x38: {  	s10 =	sld [smem:$0x3FB7]  }
0x39: {  	_ = 	snop;
	(pc) =	sbr.ind lr, $3  }
0x3a: {  	_ = 	snop  }
0x3b: {  	_ = 	snop  }
0x3c: {  	p2 =	seq.s32 s10, $0x1;
	s10 =	sld [smem:$0x3FB6]  }
0x3d: {  	_ =	shalt  }
0x3e: {  	_ =	shalt  }
0x3f: {  	_ =	shalt  }
0x40: {  	_ =	shalt  }
0x41: {  	_ =	shalt  }
0x42: {  	_ =	shalt  }
0x43: {  	_ =	shalt  }
0x44: {  	_ =	shalt  }
0x45: {  	_ =	shalt  }
0x46: {  	_ =	shalt  }
0x47: {  	_ =	shalt  }
0x48: {  	_ =	shalt  }
0x49: {  	_ =	shalt  }
0x4a: {  	_ =	shalt  }
0x4b: {  	_ =	shalt  }
0x4c: {  	_ =	shalt  }
0x4d: {  	_ =	shalt  }
0x4e: {  	_ =	shalt  }
0x4f: {  	_ =	shalt  }
0x50: {  	_ =	shalt  }
0x51: {  	_ =	shalt  }
0x52: {  	_ =	shalt  }
0x53: {  	_ =	shalt  }
0x54: {  	_ =	shalt  }
0x55: {  	_ =	shalt  }
0x56: {  	_ =	shalt  }
0x57: {  	_ =	shalt  }
0x58: {  	_ =	shalt  }
0x59: {  	_ =	shalt  }
0x5a: {  	_ =	shalt  }
0x5b: {  	_ =	shalt  }
0x5c: {  	_ =	shalt  }
0x5d: {  	_ =	shalt  }
0x5e: {  	_ =	shalt  }
0x5f: {  	_ =	shalt  }
0x60: {  	_ =	shalt  }
0x61: {  	_ =	shalt  }
0x62: {  	_ =	shalt  }
0x63: {  	_ =	shalt  }
0x64: {  	_ =	shalt  }
0x65: {  	_ =	shalt  }
0x66: {  	_ =	shalt  }
0x67: {  	_ =	shalt  }
0x68: {  	_ =	shalt  }
0x69: {  	_ =	shalt  }
0x6a: {  	_ =	shalt  }
0x6b: {  	_ =	shalt  }
0x6c: {  	_ =	shalt  }
0x6d: {  	_ =	shalt  }
0x6e: {  	_ =	shalt  }
0x6f: {  	_ =	shalt  }
0x70: {  	_ =	shalt  }
0x71: {  	_ =	shalt  }
0x72: {  	_ =	shalt  }
0x73: {  	_ =	shalt  }
0x74: {  	_ =	shalt  }
0x75: {  	_ =	shalt  }
0x76: {  	_ =	shalt  }
0x77: {  	_ =	shalt  }
0x78: {  	_ =	shalt  }
0x79: {  	_ =	shalt  }
0x7a: {  	_ =	shalt  }
0x7b: {  	_ =	shalt  }
0x7c: {  	_ =	shalt  }
0x7d: {  	_ =	shalt  }
0x7e: {  	_ =	shalt  }
0x7f: {  	_ =	shalt  }
0x80: {  	_ =	shalt  }
0x81: {  	_ =	shalt  }
0x82: {  	_ =	shalt  }
0x83: {  	_ =	shalt  }
0x84: {  	_ =	shalt  }
0x85: {  	_ =	shalt  }
0x86: {  	_ =	shalt  }
0x87: {  	_ =	shalt  }
.Lfunc_end0:
.L_simem_size_0:
called_computation_lowered:
.L_overlay_start_0:
0x88: {  	s2 =	sld [smem:$0x3FD9]  }
0x89: {  	s3 =	sld [smem:$0x3FFE];
	_ =	sdelay $0x1  }
0x8a: {  	s1 =	srdreg.scid  }
0x8b: {  	s0 =	sand.u32 $0x1, s1  }
0x8c: {  	s17 =	sshll.u32 s0, $0xA;
	s2 =	sadd.s32 s3, s2  }
0x8d: {  	s2 =	sadd.s32 s2, s17  }
0x8e: {  	[smem:$0x3FC2] =	sst s2  }
0x8f: {  	_ = 	snop  }
0x90: {  	s2 =	sld [smem:$0x3FD0];
	(tm) =	ssettm $0x1  }
0x91: {  	s18 =	sld [smem:$0x3FFB];
	_ =	sdelay $0x3  }
0x92: {  	_ =	strace s18  }
0x93: {  	s3 =	sld [smem:$0x3FFC];
	_ =	sdelay $0x3  }
0x94: {  	_ =	strace s3  }
0x95: {  	s3 =	sld [smem:$0x3FFD];
	_ =	sdelay $0x3  }
0x96: {  	_ =	strace s3  }
0x97: {  	_ =	strace $0x8FFFFFFF  }
0x98: {  	s19 =	sld [smem:$0x3FDB];
	_ =	sdelay $0x1  }
0x99: {  	s4 =	simm.s32 $_scs_section_size  }
0x9a: {  	s5 =	simm.s32 $_size__tile_overlayer_lowered;
	s6 =	simm.s32 $_tile_overlayer_lowered  }
0x9b: {  	s22 =	simm.s32 $0x1BFF;
	s21 =	sshll.u32 s6, $0x1;
	s3 =	sadd.s32 s4, s19  }
0x9c: {  	s7 =	simm.s32 $0x0;
	s20 =	sshll.u32 s5, $0x1;
	s5 =	sadd.s32 s21, s3  }
0x9d: {  	[timem:s7], [sflag:s22] =	dma.local [hbm:s5], s20  }
0x9e: {  	_ =	swait.ge [sflag:s22], s20  }
0x9f: {  	s4 =	ssub.s32 $0x0, s20;
	[sflag:s22] =	ssyncset.done $0x0  }
0xa0: {  	[sflag:s22] =	ssyncadd.s32 s4;
	_ =	sdelay $0x1  }
0xa1: {  	s23 =	simm.s32 $0x1B8B  }
0xa2: {  	_ =	swait.ge [sflag:s23], $0x1  }
0xa3: {  	[sflag:s23] =	ssyncset.done $0x0  }
0xa4: {  	s25 =	simm.s32 $0x1B8E;
	s24 =	sld [smem:$0x3FFE];
	[sflag:s23] =	ssyncadd.s32 $0xFFFFFFFF  }
0xa5: {  	s26 =	simm.s32 $execute0_lowered;
	[smem:$0x3FD2] =	sst s25  }
0xa6: {  	s5 =	sshll.u32 s26, $0x1;
	_ =	strace $0x80000046;
	[dreg:$0x1] =	wrdreg $0xFFFFFFFF  }
0xa7: {  	s28 =	simm.s32 $_size_execute0_lowered;
	s3 =	sadd.s32 s3, s5;
	[dreg:$0x0] =	wrdreg $0x0  }
0xa8: {  	s5 =	sshll.u32 s28, $0x1;
	[dreg:$0x2] =	wrdreg s3  }
0xa9: {  	[dreg:$0x3] =	wrdreg s5  }
0xaa: {  	[dreg:$0x4] =	wrdreg $0xC0  }
0xab: {  	_ =	task [dreg:s7], $0x5FFFF  }
0xac: {  	[dreg:$0x1] =	wrdreg $0xFFFFFFFF  }
0xad: {  	[dreg:$0x0] =	wrdreg $0x60  }
0xae: {  	[dreg:$0x2] =	wrdreg s24  }
0xaf: {  	[dreg:$0x3] =	wrdreg s2  }
0xb0: {  	[dreg:$0x4] =	wrdreg $0x53200  }
0xb1: {  	[dreg:$0x5] =	wrdreg $0x9  }
0xb2: {  	_ =	task.clear_ibuf [dreg:s7], $0x6FFFF;
	_ =	strace $0x90000046  }
0xb3: {  	s29 =	simm.s32 $0x9;
	_ =	strace $0x80000048  }
0xb4: {  	_ =	swait.ge [sflag:s29], $0x1  }
0xb5: {  	[sflag:s29] =	ssyncadd.s32 $0xFFFFFFFF  }
0xb6: {  	_ =	strace $0x90000048  }
0xb7: {  	_ =	sfence  }
0xb8: {  	s30 =	sld [smem:$0x0];
	_ =	sdelay $0x2  }
0xb9: {  	s31 =	sshll.u32 s1, $0xD;
	s1 =	sshrl.u32 s1, $0x2  }
0xba: {  	s3 =	sand.u32 $0x4000, s31;
	s1 =	sadd.s32 s1, s30  }
0xbb: {  	s0 =	sor.u32 s3, s0;
	s1 =	sshll.u32 s1, $0x11  }
0xbc: {  	s0 =	sor.u32 s1, s0  }
0xbd: {  	s0 =	sadd.s32 $0x8F2B, s0  }
0xbe: {  	[sflag:s0] =	ssyncadd.remote.s32 $0x1  }
0xbf: {  	_ =	sfence.sel $0xFFFF  }
0xc0: {  	[dreg:$0x0] =	wrdreg $0xFFFFFFFF;
	(pc) =	sbr.abs _section_cstart, $3  }
0xc1: {  	[dreg:$0x1] =	wrdreg $0xFFFFFFFF  }
0xc2: {  	_ =	task.clear_ibuf [dreg:s7], $0x2FFFF;
	_ =	strace $0x9FFFFFFF  }
0xc3: {  	(tm) =	ssettm $0x7FFFFFFF  }
tec
execute0_lowered:
.L_overlay_start_1:
0x0: {  	(tag) =	ssettag $0x1  }
0x1: {  	s5 =	rddreg [dreg:$0x0]  }
0x2: {  	s6 =	rddreg [dreg:$0x1]  }
0x3: {  	s0 =	srdreg.scid;
	s2 =	rddreg [dreg:$0x2]  }
0x4: {  	s3 =	simm.s32 $0x0;
	s10 =	simm.s32 $0x50;
	s11 =	simm.s32 $0x2710  }
0x5: {  	s12 =	simm.s32 $0x1;
	s4 =	sand.u32 $0x1, s0;
	s0 =	stileid.u32  }
0x6: {  	s15 =	simm.s32 $0x0;
	[smem:$0x7FF] =	sst s3;
	s8 =	smul.u32 $0x2710, s0  }
0x7: {  	s1 =	sshll.u32 s4, $0x4;
	s9 =	smul.u32 $0x27100, s4;
	s4 =	ssub.s32 $0x2, s4  }
0x8: {  	s13 =	sshll.u32 s0, $0x6;
	s1 =	sor.u32 s0, s1;
	s31 =	sshrl.u32 s4, $0x1  }
0x9: {  	s13 =	sor.u32 $0x1C02, s13;
	s7 =	smul.u32 $0x4E2, s1;
	s9 =	sadd.s32 s8, s9  }
0xa: {  	s1 =	rddreg [dreg:$0x3];
	_ =	strace $0x80000047;
	s9 =	sshrl.u32 s9, $0x3  }
0xb: {  	s5 =	sadd.s32 s7, s5;
	s7 =	ssub.s32 s4, s31;
	s6 =	sadd.s32 s6, s9  }
0xc: {  	s9 =	simm.s32 $0x2C10;
	s4 =	sadd.s32 $0xF800, s5;
	s5 =	sadd.s32 s8, s2  }
0xd: {  	v0 =	vimm.f32 $1.000000000e+00;
	v1 =	vimm.f32 $0.0e+00;
	s7 =	smax.u32 s7, $0x1;
	s8 =	simm.s32 $0x2;
	s14 =	sshrl.u32 s5, $0x3  }
.LBB2_1:
0xe: {  	[tilespmem:s3], [sflag:$0x2] =	stream.linear.gather [hbm4b:s4+s3], $0x2710, $0x38;
	[tilespmem:$0x7A30] =	vst v63  }
0xf: {  	_ =	swait.ge [sflag:s8], $0x2710  }
0x10: {  	[sflag:s8] =	ssyncset.done $0x0  }
0x11: {  	s16 =	simm.s32 $0x0;
	[sflag:s8] =	ssyncadd.s32 $0xFFFFD8F0  }
.LBB2_2:
0x12: {  	p0 =	sne.s32 s16, $0x13C0  }
.Ltmp0:
0x13: {  	_ = 	snop;
	(pc) =	sbr.rel @p0 .LBB2_2-.Ltmp0, $3  }
0x14: {  	_ =	sdelay $0x1  }
0x15: {  	s17 =	sshra.s32 s16, $0x2  }
0x16: {  	s16 =	sadd.s32 $0x40, s16;
	[tilespmem:s17+$0x2710] =	vst v0  }
0x17: {  	s16 =	simm.s32 $0x40;
	s17 =	simm.s32 $0x0  }
.LBB2_4:
0x18: {  	p0 =	sne.s32 s16, $0x9C00;
	[tilespmem:s17+$0x2C10] =	vst v1;
	s17 =	smov.u32 s16;
	s16 =	sadd.s32 $0x40, s16  }
.Ltmp1:
0x19: {  	(pc) =	sbr.rel @p0 .LBB2_4-.Ltmp1, $2  }
0x1a: {  	_ =	sdelay $0x2  }
0x1b: {  	s17 =	sshra.s32 s17, $0x2  }
0x1c: {  	[tilespmem:s17+$0x2C10] =	vst v1  }
0x1d: {  	[spmem:s5] =	stream.linear.scatter [tilespmem:s9], [sflag:$0x2], $0x2710, $0x38;
	[tilespmem:$0x7A30] =	vst v63  }
0x1e: {  	_ =	swait.ge [sflag:s8], $0x2710  }
0x1f: {  	[sflag:s8] =	ssyncset.done $0x0  }
0x20: {  	[sflag:s8] =	ssyncadd.s32 $0xFFFFD8F0  }
0x21: {  	s16 =	simm.s32 $0x0;
	[bflag:$0x0] =	sbarrier.arrive $0xFFFF  }
.LBB2_6:
0x22: {  	p0 =	sne.s32 s16, $0x9B00  }
.Ltmp2:
0x23: {  	_ = 	snop;
	(pc) =	sbr.rel @p0 .LBB2_6-.Ltmp2, $3  }
0x24: {  	_ =	sdelay $0x1  }
0x25: {  	s17 =	sshra.s32 s16, $0x2;
	s16 =	sadd.s32 $0x140, s16  }
0x26: {  	[spmem:s2] =	stream.indirect.scatter.add.f32 [tilespmem:s11], [sflag:$0x1], $0x10, s17, s10, $0xb8;
	[tilespmem:$0x7A30] =	vst v63  }
0x27: {  	_ =	swait.ge [sflag:s12], $0x500  }
0x28: {  	s16 =	simm.s32 $0x7C;
	[sflag:s12] =	ssyncset.done $0x0  }
.LBB2_8:
0x29: {  	p0 =	sne.s32 s16, $0x1;
	s16 =	sadd.s32 $0xFFFFFFFF, s16;
	[sflag:s12] =	ssyncadd.s32 $0xFFFFFB00  }
.Ltmp3:
0x2a: {  	(pc) =	sbr.rel @p0 .LBB2_8-.Ltmp3, $3  }
0x2b: {  	_ =	sdelay $0x1  }
0x2c: {  	_ =	swait.ge [sflag:s12], $0x500  }
0x2d: {  	[sflag:s12] =	ssyncset.done $0x0  }
0x2e: {  	s15 =	sadd.s32 $0x1, s15  }
0x2f: {  	[sflag:s12] =	ssyncadd.s32 $0xFFFFFB00;
	p0 =	sne.s32 s15, s7  }
.Ltmp4:
0x30: {  	[bflag:$0x0] =	sbarrier.arrive $0xFFFF;
	(pc) =	sbr.rel @p0 .LBB2_1-.Ltmp4, $4  }
0x31: {  	[hbm:s6], [sflag:s13] =	dma.local [spmem:s14], $0x4E2  }
0x32: {  	_ =	swait.ge [sflag:s8], $0x4E2  }
0x33: {  	[sflag:s8] =	ssyncset.done $0x0  }
0x34: {  	[sflag:s8] =	ssyncadd.s32 $0xFFFFFB1E  }
0x35: {  	_ =	sfence.sel $0x180000  }
0x36: {  	[bflag:$0x0] =	sbarrier.arrive $0xFFFF  }
0x37: {  	p0 =	sne.s32 s0, $0x0;
	_ =	strace $0x90000047  }
0x38: {  	s0 =	sadd.s32 @!p0 $0x100000, s1;
	[bflag:$0x2] =	sbarrier.arrive $0xFFFF  }
0x39: {  	[sflag:s0] =	ssyncadd.tile.s32 @!p0 $0x1;
	_ =	shalt  }
.Lfunc_end2:
_tile_overlayer_lowered:
.L_overlay_start_2:
0x3a: {  	(tag) =	ssettag $0x2  }
0x3b: {  	s0 =	rddreg [dreg:$0x0];
	s2 =	stileid.u32  }
0x3c: {  	s1 =	rddreg [dreg:$0x1];
	p0 =	sne.s32 s2, $0x0  }
0x3d: {  	s3 =	rddreg [dreg:$0x2];
	[bflag:$0x3] =	sbarrier.arrive $0xFFFF;
	s2 =	simm.s32 @!p0 $0x1C02  }
0x3e: {  	[timem:s3], [sflag:s2] =	dma.local @!p0 [hbm:s0], s1  }
0x3f: {  	s0 =	simm.s32 @!p0 $0x2  }
0x40: {  	_ =	swait.ge @!p0 [sflag:s0], s1  }
0x41: {  	s1 =	ssub.s32 @!p0 $0x0, s1;
	[sflag:s0] =	ssyncset.done @!p0 $0x0  }
0x42: {  	[sflag:s0] =	ssyncadd.s32 @!p0 s1  }
0x43: {  	[bflag:$0x3] =	sbarrier.arrive $0xFFFF  }
0x44: {  	_ =	shalt  }

</sc_bundles>
